<compile_context>
chip_gen: v7x
topology: tpu7x:2x2x1
jax: 0.10.2.dev20260603
libtpu: 0.0.44.dev20260713+nightly
codegen_flags: <defaults>
</compile_context>

<pallas_src>
import functools

import jax
import jax.numpy as jnp
from jax import lax
from jax.experimental import pallas as pl
from jax.experimental.pallas import tpu as pltpu
from jax.experimental.pallas import tpu_sc as plsc

B, NPG, D, L, R, NB, RDIM = 64, 64, 256, 3, 16, 4, 32
N = B * NPG
EPG = 1024
E = B * EPG

_SC_NUM_CORES = 2
_SC_NUM_SUBCORES = 16
NW = _SC_NUM_CORES * _SC_NUM_SUBCORES
GPW = B // NW
NPW = N // NW
EPW = E // NW
APW = GPW * NB * NPG * NPG

_PALLAS_CALL = pl.pallas_call


@functools.cache
def _make_sc_edge_kernel(l):
    return pl.kernel(
        functools.partial(_sc_edge_body, l),
        mesh=plsc.VectorSubcoreMesh(core_axis_name="c", subcore_axis_name="s"),
        compiler_params=pltpu.CompilerParams(needs_layout_passes=False),
        out_type=[
            jax.ShapeDtypeStruct((B * NB * NPG * NPG,), jnp.float32),
            jax.ShapeDtypeStruct((E,), jnp.float32),
            jax.ShapeDtypeStruct((N,), jnp.float32),
        ],
        scratch_types=[
            pltpu.VMEM((NPW,), jnp.float32),
            pltpu.VMEM((NPW,), jnp.float32),
            pltpu.VMEM((EPW,), jnp.int32),
            pltpu.VMEM((EPW,), jnp.int32),
            pltpu.VMEM((EPW,), jnp.int32),
            pltpu.VMEM((R * NB,), jnp.float32),
            pltpu.VMEM((APW,), jnp.float32),
            pltpu.VMEM((EPW,), jnp.float32),
            pltpu.VMEM((NPW,), jnp.float32),
            pltpu.SemaphoreType.DMA,
        ],
    )


def _sc_edge_body(l, s_hbm, d_hbm, src_hbm, dst_hbm, et_hbm, cf_hbm,
                  a_hbm, gates_hbm, deg_hbm,
                  s_v, d_v, src_v, dst_v, et_v, cf_v, a_v, g_v, deg_v, sem):
    wid = lax.axis_index("s") * _SC_NUM_CORES + lax.axis_index("c")
    ebase = wid * EPW
    nbase = wid * NPW
    copies = [
        pltpu.async_copy(s_hbm.at[pl.ds(nbase, NPW)], s_v, sem),
        pltpu.async_copy(d_hbm.at[pl.ds(nbase, NPW)], d_v, sem),
        pltpu.async_copy(src_hbm.at[pl.ds(ebase, EPW)], src_v, sem),
        pltpu.async_copy(dst_hbm.at[pl.ds(ebase, EPW)], dst_v, sem),
        pltpu.async_copy(et_hbm.at[pl.ds(ebase, EPW)], et_v, sem),
        pltpu.async_copy(cf_hbm.at[pl.ds(l * R * NB, R * NB)], cf_v, sem),
    ]

    zf = jnp.zeros((16,), jnp.float32)

    def zero_a(i, carry):
        a_v[pl.ds(i * 16, 16)] = zf
        return carry

    lax.fori_loop(0, APW // 16, zero_a, 0, unroll=32)

    if l == 0:
        def zero_deg(i, carry):
            deg_v[pl.ds(i * 16, 16)] = zf
            return carry

        lax.fori_loop(0, NPW // 16, zero_deg, 0, unroll=8)

    for c in copies:
        c.wait()

    of = jnp.ones((16,), jnp.float32)

    def edge_body(i, carry):
        s16 = src_v[pl.ds(i * 16, 16)]
        d16 = dst_v[pl.ds(i * 16, 16)]
        t16 = et_v[pl.ds(i * 16, 16)]
        sloc = jnp.bitwise_and(s16, NPW - 1)
        sval = plsc.load_gather(s_v, [sloc])
        dloc = jnp.bitwise_and(d16, NPW - 1)
        dval = plsc.load_gather(d_v, [dloc])
        gate = 1.0 / (1.0 + jnp.exp(-(sval + dval)))
        g_v[pl.ds(i * 16, 16)] = gate
        if l == 0:
            plsc.addupdate_scatter(deg_v, [dloc], of)
        base_idx = dloc * (NB * NPG) + jnp.bitwise_and(s16, NPG - 1)
        tb = t16 * NB
        for b in range(NB):
            cb = plsc.load_gather(cf_v, [tb + b])
            plsc.addupdate_scatter(a_v, [base_idx + b * NPG], gate * cb)
        return carry

    lax.fori_loop(0, EPW // 16, edge_body, 0, unroll=8)

    pltpu.sync_copy(a_v, a_hbm.at[pl.ds(wid * APW, APW)])
    pltpu.sync_copy(g_v, gates_hbm.at[pl.ds(ebase, EPW)])
    if l == 0:
        pltpu.sync_copy(deg_v, deg_hbm.at[pl.ds(nbase, NPW)])


_PREC = lax.Precision.DEFAULT


def _pre_body(x_ref, ws_ref, wd_ref, s_ref, d_ref):
    x = x_ref[...]
    cdims = (((1,), (1,)), ((), ()))
    s_ref[...] = lax.dot_general(x, ws_ref[0:1, :], cdims, precision=_PREC,
                                 preferred_element_type=jnp.float32)
    d_ref[...] = lax.dot_general(x, wd_ref[0:1, :], cdims, precision=_PREC,
                                 preferred_element_type=jnp.float32)


def _pre_gates(x, gws, gwd):
    return _PALLAS_CALL(
        _pre_body,
        out_shape=[jax.ShapeDtypeStruct((N, 1), jnp.float32),
                   jax.ShapeDtypeStruct((N, 1), jnp.float32)],
    )(x, gws, gwd)


GQ = 4
NQ = B // GQ
QN = GQ * NPG
QE = GQ * EPG


def _tc_layer_body(h_ref, a_ref, bases_ref, wself_ref, deg_ref, gates_ref,
                   ws_ref, wd_ref, hout_ref, s_ref, d_ref, kl_ref):
    h_q = h_ref[...]
    a_q = a_ref[0]
    hbs = [jnp.dot(h_q, bases_ref[0, b * D:(b + 1) * D, :], precision=_PREC,
                   preferred_element_type=jnp.float32) for b in range(NB)]
    accs = []
    for gi in range(GQ):
        hcat = jnp.concatenate(
            [hb[gi * NPG:(gi + 1) * NPG, :] for hb in hbs], axis=0)
        accs.append(jnp.dot(a_q[gi * NPG:(gi + 1) * NPG, :], hcat,
                            precision=_PREC,
                            preferred_element_type=jnp.float32))
    acc = jnp.concatenate(accs, axis=0)
    degc = jnp.maximum(deg_ref[0], 1.0)
    hn = acc / degc + jnp.dot(h_q, wself_ref[0], precision=_PREC,
                              preferred_element_type=jnp.float32)
    hn = jnp.maximum(hn, 0.0)
    hout_ref[...] = hn
    cdims = (((1,), (1,)), ((), ()))
    s_ref[...] = lax.dot_general(hn, ws_ref[0], cdims, precision=_PREC,
                                 preferred_element_type=jnp.float32)[None]
    d_ref[...] = lax.dot_general(hn, wd_ref[0], cdims, precision=_PREC,
                                 preferred_element_type=jnp.float32)[None]
    gg = gates_ref[0]
    kl = jnp.sum(gg * jnp.log(2.0 * gg + 1e-10)
                 + (1.0 - gg) * jnp.log(2.0 * (1.0 - gg) + 1e-10))
    kl_ref[...] = jnp.reshape(kl, (1, 1, 1))


def _tc_layer(l, h, a4, bases, wself, deg3, gates3, gws, gwd):
    nl = (l + 1) % L
    return _PALLAS_CALL(
        _tc_layer_body,
        grid=(NQ,),
        in_specs=[
            pl.BlockSpec((QN, D), lambda q: (q, 0)),
            pl.BlockSpec((1, QN, NB * NPG), lambda q: (q, 0, 0)),
            pl.BlockSpec((1, NB * D, D), lambda q, l=l: (l, 0, 0)),
            pl.BlockSpec((1, D, D), lambda q, l=l: (l, 0, 0)),
            pl.BlockSpec((1, QN, 1), lambda q: (q, 0, 0)),
            pl.BlockSpec((1, QE // 128, 128), lambda q: (q, 0, 0)),
            pl.BlockSpec((1, 1, D), lambda q, nl=nl: (nl, 0, 0)),
            pl.BlockSpec((1, 1, D), lambda q, nl=nl: (nl, 0, 0)),
        ],
        out_specs=[
            pl.BlockSpec((QN, D), lambda q: (q, 0)),
            pl.BlockSpec((1, QN, 1), lambda q: (q, 0, 0)),
            pl.BlockSpec((1, QN, 1), lambda q: (q, 0, 0)),
            pl.BlockSpec((1, 1, 1), lambda q: (q, 0, 0)),
        ],
        out_shape=[
            jax.ShapeDtypeStruct((N, D), jnp.float32),
            jax.ShapeDtypeStruct((NQ, QN, 1), jnp.float32),
            jax.ShapeDtypeStruct((NQ, QN, 1), jnp.float32),
            jax.ShapeDtypeStruct((NQ, 1, 1), jnp.float32),
        ],
    )(h, a4, bases, wself, deg3, gates3, gws, gwd)


def _epi_body(lab_ref, h_ref, a_ref, bases_ref, wself_ref, deg_ref, gates_ref,
              h1_ref, nid_ref, rel_ref, gsl_ref,
              gcn_ref, fcw_ref, fcb_ref,
              kl1_ref, kl2_ref, out_ref, kl_out_ref):
    q = pl.program_id(0)
    h_q = h_ref[...]
    a_q = a_ref[0]
    hbs = [jnp.dot(h_q, bases_ref[0, b * D:(b + 1) * D, :], precision=_PREC,
                   preferred_element_type=jnp.float32) for b in range(NB)]
    accs = []
    for gi in range(GQ):
        hcat = jnp.concatenate(
            [hb[gi * NPG:(gi + 1) * NPG, :] for hb in hbs], axis=0)
        accs.append(jnp.dot(a_q[gi * NPG:(gi + 1) * NPG, :], hcat,
                            precision=_PREC,
                            preferred_element_type=jnp.float32))
    acc = jnp.concatenate(accs, axis=0)
    degc = jnp.maximum(deg_ref[0], 1.0)
    h3q = acc / degc + jnp.dot(h_q, wself_ref[0], precision=_PREC,
                               preferred_element_type=jnp.float32)
    h3q = jnp.maximum(h3q, 0.0)
    gg = gates_ref[0]
    klp = jnp.sum(gg * jnp.log(2.0 * gg + 1e-10)
                  + (1.0 - gg) * jnp.log(2.0 * (1.0 - gg) + 1e-10))

    @pl.when(q == 0)
    def _():
        kl_out_ref[...] = jnp.reshape(
            jnp.sum(kl1_ref[...]) + jnp.sum(kl2_ref[...]), (1, 1, 1))

    kl_out_ref[...] = kl_out_ref[...] + jnp.reshape(klp, (1, 1, 1))

    @pl.when(q == NQ - 1)
    def _():
        kl_out_ref[...] = kl_out_ref[...] / (3.0 * E)

    fcw = fcw_ref[...]
    f1 = fcw[:, 0:L * D]
    f2 = fcw[:, L * D:2 * L * D]
    f3 = fcw[:, 2 * L * D:3 * L * D]
    f4 = fcw[:, 3 * L * D:3 * L * D + RDIM]
    f5 = fcw[:, 3 * L * D + RDIM:3 * L * D + RDIM + D]
    rc = jnp.concatenate([h1_ref[...], h_q, h3q], axis=1)
    gidx = lax.broadcasted_iota(jnp.int32, (GQ, QN), 0)
    colg = lax.shift_right_logical(
        lax.broadcasted_iota(jnp.int32, (GQ, QN), 1), 6)
    ingraph = colg == gidx
    nidq = nid_ref[0]
    pool = jnp.where(ingraph, 1.0 / NPG, 0.0)
    hsel = jnp.where(ingraph & (nidq == 1), 1.0, 0.0)
    tsel = jnp.where(ingraph & (nidq == 2), 1.0, 0.0)
    selcat = jnp.concatenate([pool, hsel, tsel], axis=0)
    sels = jnp.dot(selcat, rc, precision=_PREC,
                   preferred_element_type=jnp.float32)
    gout = sels[0:GQ]
    head = sels[GQ:2 * GQ]
    tail = sels[2 * GQ:3 * GQ]
    z = jnp.maximum(jnp.dot(h3q, gsl_ref[...], precision=_PREC,
                            preferred_element_type=jnp.float32), 0.0)
    nrm = jnp.sqrt(jnp.sum(z * z, axis=1, keepdims=True)) + 1e-8
    zn = z / nrm
    cos = lax.dot_general(zn, zn, (((1,), (1,)), ((), ())), precision=_PREC,
                          preferred_element_type=jnp.float32)
    ii = lax.broadcasted_iota(jnp.int32, (QN, QN), 0)
    jj = lax.broadcasted_iota(jnp.int32, (QN, QN), 1)
    samegraph = lax.shift_right_logical(ii, 6) == lax.shift_right_logical(jj, 6)
    adj = (jnp.where(samegraph, jnp.maximum(cos, 0.0), 0.0)
           + (ii == jj).astype(jnp.float32))
    adjn = adj / jnp.sum(adj, axis=1, keepdims=True)
    gc = jnp.maximum(
        jnp.dot(adjn, jnp.dot(z, gcn_ref[...], precision=_PREC,
                              preferred_element_type=jnp.float32),
                precision=_PREC, preferred_element_type=jnp.float32), 0.0)
    grep = jnp.dot(pool, gc, precision=_PREC,
                   preferred_element_type=jnp.float32)
    selr = jnp.concatenate(
        [(lax.broadcasted_iota(jnp.int32, (1, R), 1)
          == lab_ref[q * GQ + gi]).astype(jnp.float32) for gi in range(GQ)],
        axis=0)
    rel = jnp.dot(selr, rel_ref[...], precision=_PREC,
                  preferred_element_type=jnp.float32)
    out4 = (jnp.sum(gout * f1, axis=1, keepdims=True)
            + jnp.sum(head * f2, axis=1, keepdims=True)
            + jnp.sum(tail * f3, axis=1, keepdims=True)
            + jnp.sum(rel * f4, axis=1, keepdims=True)
            + jnp.sum(grep * f5, axis=1, keepdims=True)
            + fcb_ref[0, 0])
    out_ref[...] = out4[None]


def _epilogue(rel_labels, h2, a4, bases, wself, deg3, gates3, h1, nidq,
              rel_emb, gsl_W, gcn_W, fcw, fcb, kl1, kl2):
    grid_spec = pltpu.PrefetchScalarGridSpec(
        num_scalar_prefetch=1,
        grid=(NQ,),
        in_specs=[
            pl.BlockSpec((QN, D), lambda q, lab: (q, 0)),
            pl.BlockSpec((1, QN, NB * NPG), lambda q, lab: (q, 0, 0)),
            pl.BlockSpec((1, NB * D, D), lambda q, lab: (L - 1, 0, 0)),
            pl.BlockSpec((1, D, D), lambda q, lab: (L - 1, 0, 0)),
            pl.BlockSpec((1, QN, 1), lambda q, lab: (q, 0, 0)),
            pl.BlockSpec((1, QE // 128, 128), lambda q, lab: (q, 0, 0)),
            pl.BlockSpec((QN, D), lambda q, lab: (q, 0)),
            pl.BlockSpec((1, 1, QN), lambda q, lab: (q, 0, 0)),
            pl.BlockSpec((R, RDIM), lambda q, lab: (0, 0)),
            pl.BlockSpec((D, D), lambda q, lab: (0, 0)),
            pl.BlockSpec((D, D), lambda q, lab: (0, 0)),
            pl.BlockSpec((1, 3 * L * D + RDIM + D), lambda q, lab: (0, 0)),
            pl.BlockSpec((1, 1), lambda q, lab: (0, 0)),
            pl.BlockSpec((NQ, 1, 1), lambda q, lab: (0, 0, 0)),
            pl.BlockSpec((NQ, 1, 1), lambda q, lab: (0, 0, 0)),
        ],
        out_specs=[
            pl.BlockSpec((1, GQ, 1), lambda q, lab: (q, 0, 0)),
            pl.BlockSpec((1, 1, 1), lambda q, lab: (0, 0, 0)),
        ],
    )
    return _PALLAS_CALL(
        _epi_body,
        grid_spec=grid_spec,
        out_shape=[jax.ShapeDtypeStruct((NQ, GQ, 1), jnp.float32),
                   jax.ShapeDtypeStruct((1, 1, 1), jnp.float32)],
    )(rel_labels, h2, a4, bases, wself, deg3, gates3, h1, nidq,
      rel_emb, gsl_W, gcn_W, fcw, fcb, kl1, kl2)


def _sc_layer(l, s, d, src, dst, et, cf):
    return _make_sc_edge_kernel(l)(s, d, src, dst, et, cf)


def kernel(x, edge_index, edge_type, node_id, node_graph_ids, rel_labels,
           rel_emb, rgcn_bases, rgcn_coeffs, rgcn_wself, gate_ws, gate_wd,
           gsl_W, gcn_W, fc_W, fc_b):
    src = edge_index[0].astype(jnp.int32)
    dst = edge_index[1].astype(jnp.int32)
    et = edge_type.astype(jnp.int32)
    cf = rgcn_coeffs.reshape(L * R * NB)
    bases = rgcn_bases.reshape(L, NB * D, D)
    s0, d0 = _pre_gates(x, gate_ws, gate_wd)
    s, d = s0.reshape(N), d0.reshape(N)
    h = x
    hs = []
    kls = []
    deg3 = None
    for l in range(L - 1):
        a_flat, gates, deg = _sc_layer(l, s, d, src, dst, et, cf)
        if l == 0:
            deg3 = deg.reshape(NQ, QN, 1)
        a4 = a_flat.reshape(NQ, QN, NB * NPG)
        h, s3, d3, kl3 = _tc_layer(l, h, a4, bases, rgcn_wself, deg3,
                                   gates.reshape(NQ, QE // 128, 128),
                                   gate_ws.reshape(L, 1, D),
                                   gate_wd.reshape(L, 1, D))
        s, d = s3.reshape(N), d3.reshape(N)
        hs.append(h)
        kls.append(kl3)
    a_flat, gates, _ = _sc_layer(L - 1, s, d, src, dst, et, cf)
    out3, klo = _epilogue(rel_labels.astype(jnp.int32), h,
                          a_flat.reshape(NQ, QN, NB * NPG), bases,
                          rgcn_wself, deg3,
                          gates.reshape(NQ, QE // 128, 128), hs[0],
                          node_id.reshape(NQ, 1, QN).astype(jnp.int32),
                          rel_emb, gsl_W, gcn_W,
                          fc_W.reshape(1, 3 * L * D + RDIM + D),
                          fc_b.reshape(1, 1), kls[0], kls[1])
    output = out3.reshape(B, 1)
    kl_loss = klo.reshape(())
    return (output, kl_loss)

# --- scband reference (transcript-rebuilt; emitter-appended) ---
"""Pipeline reference for scband-graph-classifier-5978594476293 (READ-ONLY COPY).

The authoritative reference and input builder live on the scoring server;
editing this copy changes nothing except your own understanding.
"""

import jax, jax.numpy as jnp
import numpy as np

B, NPG, D, L, R, NB, RDIM = 64, 64, 256, 3, 16, 4, 32
N = B * NPG
EPG = 1024
E = B * EPG


def setup_inputs(seed: int = 0) -> dict:
    key = jax.random.key(seed)
    ks = jax.random.split(key, 20)
    x = jax.random.normal(ks[0], (N, D), dtype=jnp.float32)
    eg = jnp.arange(E) // EPG
    src = eg * NPG + jax.random.randint(ks[1], (E,), 0, NPG)
    dst = eg * NPG + jax.random.randint(ks[2], (E,), 0, NPG)
    edge_index = jnp.stack([src, dst], axis=0)
    edge_type = jax.random.randint(ks[3], (E,), 0, R)
    offsets = jnp.arange(B) * NPG
    node_id = jnp.zeros((N,), dtype=jnp.int32).at[offsets].set(1).at[offsets + 1].set(2)
    node_graph_ids = jnp.arange(N) // NPG
    rel_labels = jax.random.randint(ks[4], (B,), 0, R)
    rel_emb = jax.random.normal(ks[5], (R, RDIM), dtype=jnp.float32) * 0.05
    rgcn_bases = jax.random.normal(ks[6], (L, NB, D, D), dtype=jnp.float32) * 0.05
    rgcn_coeffs = jax.random.normal(ks[7], (L, R, NB), dtype=jnp.float32) * 0.5
    rgcn_wself = jax.random.normal(ks[8], (L, D, D), dtype=jnp.float32) * 0.05
    gate_ws = jax.random.normal(ks[9], (L, D), dtype=jnp.float32) * 0.05
    gate_wd = jax.random.normal(ks[10], (L, D), dtype=jnp.float32) * 0.05
    gsl_W = jax.random.normal(ks[11], (D, D), dtype=jnp.float32) * 0.05
    gcn_W = jax.random.normal(ks[12], (D, D), dtype=jnp.float32) * 0.05
    fc_W = jax.random.normal(ks[13], (3 * L * D + RDIM + D, 1), dtype=jnp.float32) * 0.02
    fc_b = jnp.zeros((1,), dtype=jnp.float32)
    return {"x": x, "edge_index": edge_index, "edge_type": edge_type, "node_id": node_id,
            "node_graph_ids": node_graph_ids, "rel_labels": rel_labels, "rel_emb": rel_emb,
            "rgcn_bases": rgcn_bases, "rgcn_coeffs": rgcn_coeffs, "rgcn_wself": rgcn_wself,
            "gate_ws": gate_ws, "gate_wd": gate_wd, "gsl_W": gsl_W, "gcn_W": gcn_W,
            "fc_W": fc_W, "fc_b": fc_b}


def reference(x, edge_index, edge_type, node_id, node_graph_ids, rel_labels, rel_emb,
              rgcn_bases, rgcn_coeffs, rgcn_wself, gate_ws, gate_wd, gsl_W, gcn_W, fc_W, fc_b):
    src, dst = edge_index[0], edge_index[1]
    deg = jnp.clip(jax.ops.segment_sum(jnp.ones((E,), x.dtype), dst, num_segments=N), 1.0)
    h = x
    reprs = []
    kls = []
    for l in range(L):
        # basis-decomposed RGCN layer with variational edge gates (kl regularized)
        Hb = jnp.einsum('nd,bde->bne', h, rgcn_bases[l])  # [NB, N, D]
        coeff_e = rgcn_coeffs[l][edge_type]  # [E, NB]
        msg = coeff_e[:, 0:1] * Hb[0][src]
        for b in range(1, NB):
            msg = msg + coeff_e[:, b:b + 1] * Hb[b][src]
        gate = jax.nn.sigmoid(h[src] @ gate_ws[l] + h[dst] @ gate_wd[l])
        kls.append(jnp.mean(gate * jnp.log(2.0 * gate + 1e-10) + (1.0 - gate) * jnp.log(2.0 * (1.0 - gate) + 1e-10)))
        msg = msg * gate[:, None]
        agg = jax.ops.segment_sum(msg, dst, num_segments=N) / deg[:, None]
        h = jax.nn.relu(agg + h @ rgcn_wself[l])
        reprs.append(h)
    repr_cat = jnp.concatenate(reprs, axis=1)  # [N, L*D]  (g.ndata['repr'])
    cnt = jax.ops.segment_sum(jnp.ones((N,), x.dtype), node_graph_ids, num_segments=B)
    g_out = jax.ops.segment_sum(repr_cat, node_graph_ids, num_segments=B) / cnt[:, None]  # mean_nodes
    # GraphLearner (gsl): learned adjacency per graph, detached as in batch_graph_learner
    z = jax.nn.relu(h @ gsl_W)
    zb = z.reshape(B, NPG, D)
    zn = zb / (jnp.linalg.norm(zb, axis=-1, keepdims=True) + 1e-8)
    adj = jax.nn.relu(jnp.einsum('bnd,bmd->bnm', zn, zn))
    adj = jax.lax.stop_gradient(adj) + jnp.eye(NPG, dtype=x.dtype)[None]  # add_self_loop, detach
    feat = jax.lax.stop_gradient(zb)  # node_features.detach()
    adj_norm = adj / jnp.sum(adj, axis=-1, keepdims=True)
    gcn_out = jax.nn.relu(jnp.einsum('bnm,bmd->bnd', adj_norm, feat @ gcn_W))
    g_repre = jnp.mean(gcn_out, axis=1)  # [B, D]
    head_ids = jnp.nonzero(node_id == 1, size=B)[0]
    tail_ids = jnp.nonzero(node_id == 2, size=B)[0]
    head_embs = repr_cat[head_ids]
    tail_embs = repr_cat[tail_ids]
    g_rep = jnp.concatenate([g_out, head_embs, tail_embs, rel_emb[rel_labels], g_repre], axis=1)
    output = g_rep @ fc_W + fc_b
    kl_loss = jnp.mean(jnp.stack(kls))
    return (output, kl_loss)

if __name__ == "__main__":
    import jax
    _d = setup_inputs()
    print(jax.jit(kernel)(*tuple(_d.values())))

</pallas_src>

<mosaic_0001>
#map = affine_map<(d0, d1) -> (0)>
module attributes {stable_mosaic.version = 14 : i64} {
  func.func @_sc_edge_body(%arg0: i32, %arg1: i32, %arg2: memref<4096xf32, #tpu.memory_space<hbm>>, %arg3: memref<4096xf32, #tpu.memory_space<hbm>>, %arg4: memref<65536xi32, #tpu.memory_space<hbm>>, %arg5: memref<65536xi32, #tpu.memory_space<hbm>>, %arg6: memref<65536xi32, #tpu.memory_space<hbm>>, %arg7: memref<192xf32, #tpu.memory_space<hbm>>, %arg8: memref<1048576xf32, #tpu.memory_space<hbm>>, %arg9: memref<65536xf32, #tpu.memory_space<hbm>>, %arg10: memref<4096xf32, #tpu.memory_space<hbm>>, %arg11: memref<128xf32, #tpu.memory_space<vmem>>, %arg12: memref<128xf32, #tpu.memory_space<vmem>>, %arg13: memref<2048xi32, #tpu.memory_space<vmem>>, %arg14: memref<2048xi32, #tpu.memory_space<vmem>>, %arg15: memref<2048xi32, #tpu.memory_space<vmem>>, %arg16: memref<64xf32, #tpu.memory_space<vmem>>, %arg17: memref<32768xf32, #tpu.memory_space<vmem>>, %arg18: memref<2048xf32, #tpu.memory_space<vmem>>, %arg19: memref<128xf32, #tpu.memory_space<vmem>>, %arg20: memref<!tpu.dma_semaphore, #tpu.memory_space<semaphore_mem>>) attributes {dimension_semantics = [#tpu.dimension_semantics<core_parallel>, #tpu.dimension_semantics<subcore_parallel>], iteration_bounds = array<i64: 2, 16>, scalar_prefetch = 0 : i64, scratch_operands = 10 : i64, tpu.core_type = #tpu.core_type<sc_vector_subcore>, window_params = [{transform_indices = #map}, {transform_indices = #map}, {transform_indices = #map}, {transform_indices = #map}, {transform_indices = #map}, {transform_indices = #map}, {transform_indices = #map}, {transform_indices = #map}, {transform_indices = #map}]} {
    %mul3A = arith.constant 2 : i32
    %mul3A_0 = arith.muli %arg1, %mul3A : i32
    %add3A = arith.addi %mul3A_0, %arg0 : i32
    %mul3A_1 = arith.constant 2048 : i32
    %mul3A_2 = arith.muli %add3A, %mul3A_1 : i32
    %mul3A_3 = arith.constant 128 : i32
    %mul3A_4 = arith.muli %add3A, %mul3A_3 : i32
    %dma_start3A = tpu.memref_slice %arg2[%mul3A_4] : memref<4096xf32, #tpu.memory_space<hbm>> -> memref<128xf32, #tpu.memory_space<hbm>>
    %dma_start3A_5 = tpu.memref_slice %arg2[%mul3A_4] : memref<4096xf32, #tpu.memory_space<hbm>> -> memref<128xf32, #tpu.memory_space<hbm>>
    tpu.enqueue_dma source(%dma_start3A_5 : memref<128xf32, #tpu.memory_space<hbm>>) target(%arg11 : memref<128xf32, #tpu.memory_space<vmem>>) target_semaphore(%arg20 : memref<!tpu.dma_semaphore, #tpu.memory_space<semaphore_mem>>)
    %dma_start3A_6 = tpu.memref_slice %arg3[%mul3A_4] : memref<4096xf32, #tpu.memory_space<hbm>> -> memref<128xf32, #tpu.memory_space<hbm>>
    %dma_start3A_7 = tpu.memref_slice %arg3[%mul3A_4] : memref<4096xf32, #tpu.memory_space<hbm>> -> memref<128xf32, #tpu.memory_space<hbm>>
    tpu.enqueue_dma source(%dma_start3A_7 : memref<128xf32, #tpu.memory_space<hbm>>) target(%arg12 : memref<128xf32, #tpu.memory_space<vmem>>) target_semaphore(%arg20 : memref<!tpu.dma_semaphore, #tpu.memory_space<semaphore_mem>>)
    %dma_start3A_8 = tpu.memref_slice %arg4[%mul3A_2] : memref<65536xi32, #tpu.memory_space<hbm>> -> memref<2048xi32, #tpu.memory_space<hbm>>
    %dma_start3A_9 = tpu.memref_slice %arg4[%mul3A_2] : memref<65536xi32, #tpu.memory_space<hbm>> -> memref<2048xi32, #tpu.memory_space<hbm>>
    tpu.enqueue_dma source(%dma_start3A_9 : memref<2048xi32, #tpu.memory_space<hbm>>) target(%arg13 : memref<2048xi32, #tpu.memory_space<vmem>>) target_semaphore(%arg20 : memref<!tpu.dma_semaphore, #tpu.memory_space<semaphore_mem>>)
    %dma_start3A_10 = tpu.memref_slice %arg5[%mul3A_2] : memref<65536xi32, #tpu.memory_space<hbm>> -> memref<2048xi32, #tpu.memory_space<hbm>>
    %dma_start3A_11 = tpu.memref_slice %arg5[%mul3A_2] : memref<65536xi32, #tpu.memory_space<hbm>> -> memref<2048xi32, #tpu.memory_space<hbm>>
    tpu.enqueue_dma source(%dma_start3A_11 : memref<2048xi32, #tpu.memory_space<hbm>>) target(%arg14 : memref<2048xi32, #tpu.memory_space<vmem>>) target_semaphore(%arg20 : memref<!tpu.dma_semaphore, #tpu.memory_space<semaphore_mem>>)
    %dma_start3A_12 = tpu.memref_slice %arg6[%mul3A_2] : memref<65536xi32, #tpu.memory_space<hbm>> -> memref<2048xi32, #tpu.memory_space<hbm>>
    %dma_start3A_13 = tpu.memref_slice %arg6[%mul3A_2] : memref<65536xi32, #tpu.memory_space<hbm>> -> memref<2048xi32, #tpu.memory_space<hbm>>
    tpu.enqueue_dma source(%dma_start3A_13 : memref<2048xi32, #tpu.memory_space<hbm>>) target(%arg15 : memref<2048xi32, #tpu.memory_space<vmem>>) target_semaphore(%arg20 : memref<!tpu.dma_semaphore, #tpu.memory_space<semaphore_mem>>)
    %dma_start3A_14 = arith.constant 0 : i32
    %dma_start3A_15 = tpu.memref_slice %arg7[%dma_start3A_14] : memref<192xf32, #tpu.memory_space<hbm>> -> memref<64xf32, #tpu.memory_space<hbm>>
    %dma_start3A_16 = arith.constant 0 : i32
    %dma_start3A_17 = tpu.memref_slice %arg7[%dma_start3A_16] : memref<192xf32, #tpu.memory_space<hbm>> -> memref<64xf32, #tpu.memory_space<hbm>>
    tpu.enqueue_dma source(%dma_start3A_17 : memref<64xf32, #tpu.memory_space<hbm>>) target(%arg16 : memref<64xf32, #tpu.memory_space<vmem>>) target_semaphore(%arg20 : memref<!tpu.dma_semaphore, #tpu.memory_space<semaphore_mem>>)
    %broadcast_in_dim3A = arith.constant 0.000000e+00 : f32
    %broadcast_in_dim3A_18 = vector.broadcast %broadcast_in_dim3A : f32 to vector<16xf32>
    %scan3A = arith.constant 0 : i32
    %scan3A_19 = arith.constant 0 : i32
    %scan3A_20 = arith.constant 2048 : i32
    %scan3A_21 = arith.addi %scan3A_19, %scan3A_20 : i32
    %scan3A_22 = arith.constant 32 : i32
    scf.for %scan3A_88 = %scan3A_19 to %scan3A_21 step %scan3A_22  : i32 {
      %mul3A_89 = arith.constant 16 : i32
      %mul3A_90 = arith.muli %scan3A_88, %mul3A_89 : i32
      %swap3A_91 = arith.index_cast %mul3A_90 : i32 to index
      %swap3A_92 = tpu.vector_load %arg17[%swap3A_91] {strides = array<i32>} : memref<32768xf32, #tpu.memory_space<vmem>>, vector<16xf32>,
      tpu.vector_store %arg17[%swap3A_91], %broadcast_in_dim3A_18 {strides = array<i32>} : memref<32768xf32, #tpu.memory_space<vmem>>, vector<16xf32>,
      %scan3A_93 = arith.constant 1 : i32
      %scan3A_94 = arith.addi %scan3A_88, %scan3A_93 : i32
      %mul3A_95 = arith.constant 16 : i32
      %mul3A_96 = arith.muli %scan3A_94, %mul3A_95 : i32
      %swap3A_97 = arith.index_cast %mul3A_96 : i32 to index
      %swap3A_98 = tpu.vector_load %arg17[%swap3A_97] {strides = array<i32>} : memref<32768xf32, #tpu.memory_space<vmem>>, vector<16xf32>,
      tpu.vector_store %arg17[%swap3A_97], %broadcast_in_dim3A_18 {strides = array<i32>} : memref<32768xf32, #tpu.memory_space<vmem>>, vector<16xf32>,
      %scan3A_99 = arith.constant 2 : i32
      %scan3A_100 = arith.addi %scan3A_88, %scan3A_99 : i32
      %mul3A_101 = arith.constant 16 : i32
      %mul3A_102 = arith.muli %scan3A_100, %mul3A_101 : i32
      %swap3A_103 = arith.index_cast %mul3A_102 : i32 to index
      %swap3A_104 = tpu.vector_load %arg17[%swap3A_103] {strides = array<i32>} : memref<32768xf32, #tpu.memory_space<vmem>>, vector<16xf32>,
      tpu.vector_store %arg17[%swap3A_103], %broadcast_in_dim3A_18 {strides = array<i32>} : memref<32768xf32, #tpu.memory_space<vmem>>, vector<16xf32>,
      %scan3A_105 = arith.constant 3 : i32
      %scan3A_106 = arith.addi %scan3A_88, %scan3A_105 : i32
      %mul3A_107 = arith.constant 16 : i32
      %mul3A_108 = arith.muli %scan3A_106, %mul3A_107 : i32
      %swap3A_109 = arith.index_cast %mul3A_108 : i32 to index
      %swap3A_110 = tpu.vector_load %arg17[%swap3A_109] {strides = array<i32>} : memref<32768xf32, #tpu.memory_space<vmem>>, vector<16xf32>,
      tpu.vector_store %arg17[%swap3A_109], %broadcast_in_dim3A_18 {strides = array<i32>} : memref<32768xf32, #tpu.memory_space<vmem>>, vector<16xf32>,
      %scan3A_111 = arith.constant 4 : i32
      %scan3A_112 = arith.addi %scan3A_88, %scan3A_111 : i32
      %mul3A_113 = arith.constant 16 : i32
      %mul3A_114 = arith.muli %scan3A_112, %mul3A_113 : i32
      %swap3A_115 = arith.index_cast %mul3A_114 : i32 to index
      %swap3A_116 = tpu.vector_load %arg17[%swap3A_115] {strides = array<i32>} : memref<32768xf32, #tpu.memory_space<vmem>>, vector<16xf32>,
      tpu.vector_store %arg17[%swap3A_115], %broadcast_in_dim3A_18 {strides = array<i32>} : memref<32768xf32, #tpu.memory_space<vmem>>, vector<16xf32>,
      %scan3A_117 = arith.constant 5 : i32
      %scan3A_118 = arith.addi %scan3A_88, %scan3A_117 : i32
      %mul3A_119 = arith.constant 16 : i32
      %mul3A_120 = arith.muli %scan3A_118, %mul3A_119 : i32
      %swap3A_121 = arith.index_cast %mul3A_120 : i32 to index
      %swap3A_122 = tpu.vector_load %arg17[%swap3A_121] {strides = array<i32>} : memref<32768xf32, #tpu.memory_space<vmem>>, vector<16xf32>,
      tpu.vector_store %arg17[%swap3A_121], %broadcast_in_dim3A_18 {strides = array<i32>} : memref<32768xf32, #tpu.memory_space<vmem>>, vector<16xf32>,
      %scan3A_123 = arith.constant 6 : i32
      %scan3A_124 = arith.addi %scan3A_88, %scan3A_123 : i32
      %mul3A_125 = arith.constant 16 : i32
      %mul3A_126 = arith.muli %scan3A_124, %mul3A_125 : i32
      %swap3A_127 = arith.index_cast %mul3A_126 : i32 to index
      %swap3A_128 = tpu.vector_load %arg17[%swap3A_127] {strides = array<i32>} : memref<32768xf32, #tpu.memory_space<vmem>>, vector<16xf32>,
      tpu.vector_store %arg17[%swap3A_127], %broadcast_in_dim3A_18 {strides = array<i32>} : memref<32768xf32, #tpu.memory_space<vmem>>, vector<16xf32>,
      %scan3A_129 = arith.constant 7 : i32
      %scan3A_130 = arith.addi %scan3A_88, %scan3A_129 : i32
      %mul3A_131 = arith.constant 16 : i32
      %mul3A_132 = arith.muli %scan3A_130, %mul3A_131 : i32
      %swap3A_133 = arith.index_cast %mul3A_132 : i32 to index
      %swap3A_134 = tpu.vector_load %arg17[%swap3A_133] {strides = array<i32>} : memref<32768xf32, #tpu.memory_space<vmem>>, vector<16xf32>,
      tpu.vector_store %arg17[%swap3A_133], %broadcast_in_dim3A_18 {strides = array<i32>} : memref<32768xf32, #tpu.memory_space<vmem>>, vector<16xf32>,
      %scan3A_135 = arith.constant 8 : i32
      %scan3A_136 = arith.addi %scan3A_88, %scan3A_135 : i32
      %mul3A_137 = arith.constant 16 : i32
      %mul3A_138 = arith.muli %scan3A_136, %mul3A_137 : i32
      %swap3A_139 = arith.index_cast %mul3A_138 : i32 to index
      %swap3A_140 = tpu.vector_load %arg17[%swap3A_139] {strides = array<i32>} : memref<32768xf32, #tpu.memory_space<vmem>>, vector<16xf32>,
      tpu.vector_store %arg17[%swap3A_139], %broadcast_in_dim3A_18 {strides = array<i32>} : memref<32768xf32, #tpu.memory_space<vmem>>, vector<16xf32>,
      %scan3A_141 = arith.constant 9 : i32
      %scan3A_142 = arith.addi %scan3A_88, %scan3A_141 : i32
      %mul3A_143 = arith.constant 16 : i32
      %mul3A_144 = arith.muli %scan3A_142, %mul3A_143 : i32
      %swap3A_145 = arith.index_cast %mul3A_144 : i32 to index
      %swap3A_146 = tpu.vector_load %arg17[%swap3A_145] {strides = array<i32>} : memref<32768xf32, #tpu.memory_space<vmem>>, vector<16xf32>,
      tpu.vector_store %arg17[%swap3A_145], %broadcast_in_dim3A_18 {strides = array<i32>} : memref<32768xf32, #tpu.memory_space<vmem>>, vector<16xf32>,
      %scan3A_147 = arith.constant 10 : i32
      %scan3A_148 = arith.addi %scan3A_88, %scan3A_147 : i32
      %mul3A_149 = arith.constant 16 : i32
      %mul3A_150 = arith.muli %scan3A_148, %mul3A_149 : i32
      %swap3A_151 = arith.index_cast %mul3A_150 : i32 to index
      %swap3A_152 = tpu.vector_load %arg17[%swap3A_151] {strides = array<i32>} : memref<32768xf32, #tpu.memory_space<vmem>>, vector<16xf32>,
      tpu.vector_store %arg17[%swap3A_151], %broadcast_in_dim3A_18 {strides = array<i32>} : memref<32768xf32, #tpu.memory_space<vmem>>, vector<16xf32>,
      %scan3A_153 = arith.constant 11 : i32
      %scan3A_154 = arith.addi %scan3A_88, %scan3A_153 : i32
      %mul3A_155 = arith.constant 16 : i32
      %mul3A_156 = arith.muli %scan3A_154, %mul3A_155 : i32
      %swap3A_157 = arith.index_cast %mul3A_156 : i32 to index
      %swap3A_158 = tpu.vector_load %arg17[%swap3A_157] {strides = array<i32>} : memref<32768xf32, #tpu.memory_space<vmem>>, vector<16xf32>,
      tpu.vector_store %arg17[%swap3A_157], %broadcast_in_dim3A_18 {strides = array<i32>} : memref<32768xf32, #tpu.memory_space<vmem>>, vector<16xf32>,
      %scan3A_159 = arith.constant 12 : i32
      %scan3A_160 = arith.addi %scan3A_88, %scan3A_159 : i32
      %mul3A_161 = arith.constant 16 : i32
      %mul3A_162 = arith.muli %scan3A_160, %mul3A_161 : i32
      %swap3A_163 = arith.index_cast %mul3A_162 : i32 to index
      %swap3A_164 = tpu.vector_load %arg17[%swap3A_163] {strides = array<i32>} : memref<32768xf32, #tpu.memory_space<vmem>>, vector<16xf32>,
      tpu.vector_store %arg17[%swap3A_163], %broadcast_in_dim3A_18 {strides = array<i32>} : memref<32768xf32, #tpu.memory_space<vmem>>, vector<16xf32>,
      %scan3A_165 = arith.constant 13 : i32
      %scan3A_166 = arith.addi %scan3A_88, %scan3A_165 : i32
      %mul3A_167 = arith.constant 16 : i32
      %mul3A_168 = arith.muli %scan3A_166, %mul3A_167 : i32
      %swap3A_169 = arith.index_cast %mul3A_168 : i32 to index
      %swap3A_170 = tpu.vector_load %arg17[%swap3A_169] {strides = array<i32>} : memref<32768xf32, #tpu.memory_space<vmem>>, vector<16xf32>,
      tpu.vector_store %arg17[%swap3A_169], %broadcast_in_dim3A_18 {strides = array<i32>} : memref<32768xf32, #tpu.memory_space<vmem>>, vector<16xf32>,
      %scan3A_171 = arith.constant 14 : i32
      %scan3A_172 = arith.addi %scan3A_88, %scan3A_171 : i32
      %mul3A_173 = arith.constant 16 : i32
      %mul3A_174 = arith.muli %scan3A_172, %mul3A_173 : i32
      %swap3A_175 = arith.index_cast %mul3A_174 : i32 to index
      %swap3A_176 = tpu.vector_load %arg17[%swap3A_175] {strides = array<i32>} : memref<32768xf32, #tpu.memory_space<vmem>>, vector<16xf32>,
      tpu.vector_store %arg17[%swap3A_175], %broadcast_in_dim3A_18 {strides = array<i32>} : memref<32768xf32, #tpu.memory_space<vmem>>, vector<16xf32>,
      %scan3A_177 = arith.constant 15 : i32
      %scan3A_178 = arith.addi %scan3A_88, %scan3A_177 : i32
      %mul3A_179 = arith.constant 16 : i32
      %mul3A_180 = arith.muli %scan3A_178, %mul3A_179 : i32
      %swap3A_181 = arith.index_cast %mul3A_180 : i32 to index
      %swap3A_182 = tpu.vector_load %arg17[%swap3A_181] {strides = array<i32>} : memref<32768xf32, #tpu.memory_space<vmem>>, vector<16xf32>,
      tpu.vector_store %arg17[%swap3A_181], %broadcast_in_dim3A_18 {strides = array<i32>} : memref<32768xf32, #tpu.memory_space<vmem>>, vector<16xf32>,
      %scan3A_183 = arith.constant 16 : i32
      %scan3A_184 = arith.addi %scan3A_88, %scan3A_183 : i32
      %mul3A_185 = arith.constant 16 : i32
      %mul3A_186 = arith.muli %scan3A_184, %mul3A_185 : i32
      %swap3A_187 = arith.index_cast %mul3A_186 : i32 to index
      %swap3A_188 = tpu.vector_load %arg17[%swap3A_187] {strides = array<i32>} : memref<32768xf32, #tpu.memory_space<vmem>>, vector<16xf32>,
      tpu.vector_store %arg17[%swap3A_187], %broadcast_in_dim3A_18 {strides = array<i32>} : memref<32768xf32, #tpu.memory_space<vmem>>, vector<16xf32>,
      %scan3A_189 = arith.constant 17 : i32
      %scan3A_190 = arith.addi %scan3A_88, %scan3A_189 : i32
      %mul3A_191 = arith.constant 16 : i32
      %mul3A_192 = arith.muli %scan3A_190, %mul3A_191 : i32
      %swap3A_193 = arith.index_cast %mul3A_192 : i32 to index
      %swap3A_194 = tpu.vector_load %arg17[%swap3A_193] {strides = array<i32>} : memref<32768xf32, #tpu.memory_space<vmem>>, vector<16xf32>,
      tpu.vector_store %arg17[%swap3A_193], %broadcast_in_dim3A_18 {strides = array<i32>} : memref<32768xf32, #tpu.memory_space<vmem>>, vector<16xf32>,
      %scan3A_195 = arith.constant 18 : i32
      %scan3A_196 = arith.addi %scan3A_88, %scan3A_195 : i32
      %mul3A_197 = arith.constant 16 : i32
      %mul3A_198 = arith.muli %scan3A_196, %mul3A_197 : i32
      %swap3A_199 = arith.index_cast %mul3A_198 : i32 to index
      %swap3A_200 = tpu.vector_load %arg17[%swap3A_199] {strides = array<i32>} : memref<32768xf32, #tpu.memory_space<vmem>>, vector<16xf32>,
      tpu.vector_store %arg17[%swap3A_199], %broadcast_in_dim3A_18 {strides = array<i32>} : memref<32768xf32, #tpu.memory_space<vmem>>, vector<16xf32>,
      %scan3A_201 = arith.constant 19 : i32
      %scan3A_202 = arith.addi %scan3A_88, %scan3A_201 : i32
      %mul3A_203 = arith.constant 16 : i32
      %mul3A_204 = arith.muli %scan3A_202, %mul3A_203 : i32
      %swap3A_205 = arith.index_cast %mul3A_204 : i32 to index
      %swap3A_206 = tpu.vector_load %arg17[%swap3A_205] {strides = array<i32>} : memref<32768xf32, #tpu.memory_space<vmem>>, vector<16xf32>,
      tpu.vector_store %arg17[%swap3A_205], %broadcast_in_dim3A_18 {strides = array<i32>} : memref<32768xf32, #tpu.memory_space<vmem>>, vector<16xf32>,
      %scan3A_207 = arith.constant 20 : i32
      %scan3A_208 = arith.addi %scan3A_88, %scan3A_207 : i32
      %mul3A_209 = arith.constant 16 : i32
      %mul3A_210 = arith.muli %scan3A_208, %mul3A_209 : i32
      %swap3A_211 = arith.index_cast %mul3A_210 : i32 to index
      %swap3A_212 = tpu.vector_load %arg17[%swap3A_211] {strides = array<i32>} : memref<32768xf32, #tpu.memory_space<vmem>>, vector<16xf32>,
      tpu.vector_store %arg17[%swap3A_211], %broadcast_in_dim3A_18 {strides = array<i32>} : memref<32768xf32, #tpu.memory_space<vmem>>, vector<16xf32>,
      %scan3A_213 = arith.constant 21 : i32
      %scan3A_214 = arith.addi %scan3A_88, %scan3A_213 : i32
      %mul3A_215 = arith.constant 16 : i32
      %mul3A_216 = arith.muli %scan3A_214, %mul3A_215 : i32
      %swap3A_217 = arith.index_cast %mul3A_216 : i32 to index
      %swap3A_218 = tpu.vector_load %arg17[%swap3A_217] {strides = array<i32>} : memref<32768xf32, #tpu.memory_space<vmem>>, vector<16xf32>,
      tpu.vector_store %arg17[%swap3A_217], %broadcast_in_dim3A_18 {strides = array<i32>} : memref<32768xf32, #tpu.memory_space<vmem>>, vector<16xf32>,
      %scan3A_219 = arith.constant 22 : i32
      %scan3A_220 = arith.addi %scan3A_88, %scan3A_219 : i32
      %mul3A_221 = arith.constant 16 : i32
      %mul3A_222 = arith.muli %scan3A_220, %mul3A_221 : i32
      %swap3A_223 = arith.index_cast %mul3A_222 : i32 to index
      %swap3A_224 = tpu.vector_load %arg17[%swap3A_223] {strides = array<i32>} : memref<32768xf32, #tpu.memory_space<vmem>>, vector<16xf32>,
      tpu.vector_store %arg17[%swap3A_223], %broadcast_in_dim3A_18 {strides = array<i32>} : memref<32768xf32, #tpu.memory_space<vmem>>, vector<16xf32>,
      %scan3A_225 = arith.constant 23 : i32
      %scan3A_226 = arith.addi %scan3A_88, %scan3A_225 : i32
      %mul3A_227 = arith.constant 16 : i32
      %mul3A_228 = arith.muli %scan3A_226, %mul3A_227 : i32
      %swap3A_229 = arith.index_cast %mul3A_228 : i32 to index
      %swap3A_230 = tpu.vector_load %arg17[%swap3A_229] {strides = array<i32>} : memref<32768xf32, #tpu.memory_space<vmem>>, vector<16xf32>,
      tpu.vector_store %arg17[%swap3A_229], %broadcast_in_dim3A_18 {strides = array<i32>} : memref<32768xf32, #tpu.memory_space<vmem>>, vector<16xf32>,
      %scan3A_231 = arith.constant 24 : i32
      %scan3A_232 = arith.addi %scan3A_88, %scan3A_231 : i32
      %mul3A_233 = arith.constant 16 : i32
      %mul3A_234 = arith.muli %scan3A_232, %mul3A_233 : i32
      %swap3A_235 = arith.index_cast %mul3A_234 : i32 to index
      %swap3A_236 = tpu.vector_load %arg17[%swap3A_235] {strides = array<i32>} : memref<32768xf32, #tpu.memory_space<vmem>>, vector<16xf32>,
      tpu.vector_store %arg17[%swap3A_235], %broadcast_in_dim3A_18 {strides = array<i32>} : memref<32768xf32, #tpu.memory_space<vmem>>, vector<16xf32>,
      %scan3A_237 = arith.constant 25 : i32
      %scan3A_238 = arith.addi %scan3A_88, %scan3A_237 : i32
      %mul3A_239 = arith.constant 16 : i32
      %mul3A_240 = arith.muli %scan3A_238, %mul3A_239 : i32
      %swap3A_241 = arith.index_cast %mul3A_240 : i32 to index
      %swap3A_242 = tpu.vector_load %arg17[%swap3A_241] {strides = array<i32>} : memref<32768xf32, #tpu.memory_space<vmem>>, vector<16xf32>,
      tpu.vector_store %arg17[%swap3A_241], %broadcast_in_dim3A_18 {strides = array<i32>} : memref<32768xf32, #tpu.memory_space<vmem>>, vector<16xf32>,
      %scan3A_243 = arith.constant 26 : i32
      %scan3A_244 = arith.addi %scan3A_88, %scan3A_243 : i32
      %mul3A_245 = arith.constant 16 : i32
      %mul3A_246 = arith.muli %scan3A_244, %mul3A_245 : i32
      %swap3A_247 = arith.index_cast %mul3A_246 : i32 to index
      %swap3A_248 = tpu.vector_load %arg17[%swap3A_247] {strides = array<i32>} : memref<32768xf32, #tpu.memory_space<vmem>>, vector<16xf32>,
      tpu.vector_store %arg17[%swap3A_247], %broadcast_in_dim3A_18 {strides = array<i32>} : memref<32768xf32, #tpu.memory_space<vmem>>, vector<16xf32>,
      %scan3A_249 = arith.constant 27 : i32
      %scan3A_250 = arith.addi %scan3A_88, %scan3A_249 : i32
      %mul3A_251 = arith.constant 16 : i32
      %mul3A_252 = arith.muli %scan3A_250, %mul3A_251 : i32
      %swap3A_253 = arith.index_cast %mul3A_252 : i32 to index
      %swap3A_254 = tpu.vector_load %arg17[%swap3A_253] {strides = array<i32>} : memref<32768xf32, #tpu.memory_space<vmem>>, vector<16xf32>,
      tpu.vector_store %arg17[%swap3A_253], %broadcast_in_dim3A_18 {strides = array<i32>} : memref<32768xf32, #tpu.memory_space<vmem>>, vector<16xf32>,
      %scan3A_255 = arith.constant 28 : i32
      %scan3A_256 = arith.addi %scan3A_88, %scan3A_255 : i32
      %mul3A_257 = arith.constant 16 : i32
      %mul3A_258 = arith.muli %scan3A_256, %mul3A_257 : i32
      %swap3A_259 = arith.index_cast %mul3A_258 : i32 to index
      %swap3A_260 = tpu.vector_load %arg17[%swap3A_259] {strides = array<i32>} : memref<32768xf32, #tpu.memory_space<vmem>>, vector<16xf32>,
      tpu.vector_store %arg17[%swap3A_259], %broadcast_in_dim3A_18 {strides = array<i32>} : memref<32768xf32, #tpu.memory_space<vmem>>, vector<16xf32>,
      %scan3A_261 = arith.constant 29 : i32
      %scan3A_262 = arith.addi %scan3A_88, %scan3A_261 : i32
      %mul3A_263 = arith.constant 16 : i32
      %mul3A_264 = arith.muli %scan3A_262, %mul3A_263 : i32
      %swap3A_265 = arith.index_cast %mul3A_264 : i32 to index
      %swap3A_266 = tpu.vector_load %arg17[%swap3A_265] {strides = array<i32>} : memref<32768xf32, #tpu.memory_space<vmem>>, vector<16xf32>,
      tpu.vector_store %arg17[%swap3A_265], %broadcast_in_dim3A_18 {strides = array<i32>} : memref<32768xf32, #tpu.memory_space<vmem>>, vector<16xf32>,
      %scan3A_267 = arith.constant 30 : i32
      %scan3A_268 = arith.addi %scan3A_88, %scan3A_267 : i32
      %mul3A_269 = arith.constant 16 : i32
      %mul3A_270 = arith.muli %scan3A_268, %mul3A_269 : i32
      %swap3A_271 = arith.index_cast %mul3A_270 : i32 to index
      %swap3A_272 = tpu.vector_load %arg17[%swap3A_271] {strides = array<i32>} : memref<32768xf32, #tpu.memory_space<vmem>>, vector<16xf32>,
      tpu.vector_store %arg17[%swap3A_271], %broadcast_in_dim3A_18 {strides = array<i32>} : memref<32768xf32, #tpu.memory_space<vmem>>, vector<16xf32>,
      %scan3A_273 = arith.constant 31 : i32
      %scan3A_274 = arith.addi %scan3A_88, %scan3A_273 : i32
      %mul3A_275 = arith.constant 16 : i32
      %mul3A_276 = arith.muli %scan3A_274, %mul3A_275 : i32
      %swap3A_277 = arith.index_cast %mul3A_276 : i32 to index
      %swap3A_278 = tpu.vector_load %arg17[%swap3A_277] {strides = array<i32>} : memref<32768xf32, #tpu.memory_space<vmem>>, vector<16xf32>,
      tpu.vector_store %arg17[%swap3A_277], %broadcast_in_dim3A_18 {strides = array<i32>} : memref<32768xf32, #tpu.memory_space<vmem>>, vector<16xf32>,
    }
    %scan3A_23 = arith.constant 2048 : i32
    %scan3A_24 = arith.constant 0 : i32
    %scan3A_25 = arith.constant 0 : i32
    %mul3A_26 = arith.constant 16 : i32
    %mul3A_27 = arith.muli %scan3A_25, %mul3A_26 : i32
    %swap3A = arith.index_cast %mul3A_27 : i32 to index
    %swap3A_28 = tpu.vector_load %arg19[%swap3A] {strides = array<i32>} : memref<128xf32, #tpu.memory_space<vmem>>, vector<16xf32>,
    tpu.vector_store %arg19[%swap3A], %broadcast_in_dim3A_18 {strides = array<i32>} : memref<128xf32, #tpu.memory_space<vmem>>, vector<16xf32>,
    %scan3A_29 = arith.constant 1 : i32
    %mul3A_30 = arith.constant 16 : i32
    %mul3A_31 = arith.muli %scan3A_29, %mul3A_30 : i32
    %swap3A_32 = arith.index_cast %mul3A_31 : i32 to index
    %swap3A_33 = tpu.vector_load %arg19[%swap3A_32] {strides = array<i32>} : memref<128xf32, #tpu.memory_space<vmem>>, vector<16xf32>,
    tpu.vector_store %arg19[%swap3A_32], %broadcast_in_dim3A_18 {strides = array<i32>} : memref<128xf32, #tpu.memory_space<vmem>>, vector<16xf32>,
    %scan3A_34 = arith.constant 2 : i32
    %mul3A_35 = arith.constant 16 : i32
    %mul3A_36 = arith.muli %scan3A_34, %mul3A_35 : i32
    %swap3A_37 = arith.index_cast %mul3A_36 : i32 to index
    %swap3A_38 = tpu.vector_load %arg19[%swap3A_37] {strides = array<i32>} : memref<128xf32, #tpu.memory_space<vmem>>, vector<16xf32>,
    tpu.vector_store %arg19[%swap3A_37], %broadcast_in_dim3A_18 {strides = array<i32>} : memref<128xf32, #tpu.memory_space<vmem>>, vector<16xf32>,
    %scan3A_39 = arith.constant 3 : i32
    %mul3A_40 = arith.constant 16 : i32
    %mul3A_41 = arith.muli %scan3A_39, %mul3A_40 : i32
    %swap3A_42 = arith.index_cast %mul3A_41 : i32 to index
    %swap3A_43 = tpu.vector_load %arg19[%swap3A_42] {strides = array<i32>} : memref<128xf32, #tpu.memory_space<vmem>>, vector<16xf32>,
    tpu.vector_store %arg19[%swap3A_42], %broadcast_in_dim3A_18 {strides = array<i32>} : memref<128xf32, #tpu.memory_space<vmem>>, vector<16xf32>,
    %scan3A_44 = arith.constant 4 : i32
    %mul3A_45 = arith.constant 16 : i32
    %mul3A_46 = arith.muli %scan3A_44, %mul3A_45 : i32
    %swap3A_47 = arith.index_cast %mul3A_46 : i32 to index
    %swap3A_48 = tpu.vector_load %arg19[%swap3A_47] {strides = array<i32>} : memref<128xf32, #tpu.memory_space<vmem>>, vector<16xf32>,
    tpu.vector_store %arg19[%swap3A_47], %broadcast_in_dim3A_18 {strides = array<i32>} : memref<128xf32, #tpu.memory_space<vmem>>, vector<16xf32>,
    %scan3A_49 = arith.constant 5 : i32
    %mul3A_50 = arith.constant 16 : i32
    %mul3A_51 = arith.muli %scan3A_49, %mul3A_50 : i32
    %swap3A_52 = arith.index_cast %mul3A_51 : i32 to index
    %swap3A_53 = tpu.vector_load %arg19[%swap3A_52] {strides = array<i32>} : memref<128xf32, #tpu.memory_space<vmem>>, vector<16xf32>,
    tpu.vector_store %arg19[%swap3A_52], %broadcast_in_dim3A_18 {strides = array<i32>} : memref<128xf32, #tpu.memory_space<vmem>>, vector<16xf32>,
    %scan3A_54 = arith.constant 6 : i32
    %mul3A_55 = arith.constant 16 : i32
    %mul3A_56 = arith.muli %scan3A_54, %mul3A_55 : i32
    %swap3A_57 = arith.index_cast %mul3A_56 : i32 to index
    %swap3A_58 = tpu.vector_load %arg19[%swap3A_57] {strides = array<i32>} : memref<128xf32, #tpu.memory_space<vmem>>, vector<16xf32>,
    tpu.vector_store %arg19[%swap3A_57], %broadcast_in_dim3A_18 {strides = array<i32>} : memref<128xf32, #tpu.memory_space<vmem>>, vector<16xf32>,
    %scan3A_59 = arith.constant 7 : i32
    %mul3A_60 = arith.constant 16 : i32
    %mul3A_61 = arith.muli %scan3A_59, %mul3A_60 : i32
    %swap3A_62 = arith.index_cast %mul3A_61 : i32 to index
    %swap3A_63 = tpu.vector_load %arg19[%swap3A_62] {strides = array<i32>} : memref<128xf32, #tpu.memory_space<vmem>>, vector<16xf32>,
    tpu.vector_store %arg19[%swap3A_62], %broadcast_in_dim3A_18 {strides = array<i32>} : memref<128xf32, #tpu.memory_space<vmem>>, vector<16xf32>,
    %scan3A_64 = arith.constant 8 : i32
    %dma_wait3A = tpu.memref_slice %arg2[%mul3A_4] : memref<4096xf32, #tpu.memory_space<hbm>> -> memref<128xf32, #tpu.memory_space<hbm>>
    %dma_wait3A_65 = tpu.memref_slice %arg2[%mul3A_4] : memref<4096xf32, #tpu.memory_space<hbm>> -> memref<128xf32, #tpu.memory_space<hbm>>
    tpu.wait_dma2 semaphore(%arg20 : memref<!tpu.dma_semaphore, #tpu.memory_space<semaphore_mem>>) src(%dma_wait3A_65 : memref<128xf32, #tpu.memory_space<hbm>>) dst(%arg11 : memref<128xf32, #tpu.memory_space<vmem>>)
    %dma_wait3A_66 = tpu.memref_slice %arg3[%mul3A_4] : memref<4096xf32, #tpu.memory_space<hbm>> -> memref<128xf32, #tpu.memory_space<hbm>>
    %dma_wait3A_67 = tpu.memref_slice %arg3[%mul3A_4] : memref<4096xf32, #tpu.memory_space<hbm>> -> memref<128xf32, #tpu.memory_space<hbm>>
    tpu.wait_dma2 semaphore(%arg20 : memref<!tpu.dma_semaphore, #tpu.memory_space<semaphore_mem>>) src(%dma_wait3A_67 : memref<128xf32, #tpu.memory_space<hbm>>) dst(%arg12 : memref<128xf32, #tpu.memory_space<vmem>>)
    %dma_wait3A_68 = tpu.memref_slice %arg4[%mul3A_2] : memref<65536xi32, #tpu.memory_space<hbm>> -> memref<2048xi32, #tpu.memory_space<hbm>>
    %dma_wait3A_69 = tpu.memref_slice %arg4[%mul3A_2] : memref<65536xi32, #tpu.memory_space<hbm>> -> memref<2048xi32, #tpu.memory_space<hbm>>
    tpu.wait_dma2 semaphore(%arg20 : memref<!tpu.dma_semaphore, #tpu.memory_space<semaphore_mem>>) src(%dma_wait3A_69 : memref<2048xi32, #tpu.memory_space<hbm>>) dst(%arg13 : memref<2048xi32, #tpu.memory_space<vmem>>)
    %dma_wait3A_70 = tpu.memref_slice %arg5[%mul3A_2] : memref<65536xi32, #tpu.memory_space<hbm>> -> memref<2048xi32, #tpu.memory_space<hbm>>
    %dma_wait3A_71 = tpu.memref_slice %arg5[%mul3A_2] : memref<65536xi32, #tpu.memory_space<hbm>> -> memref<2048xi32, #tpu.memory_space<hbm>>
    tpu.wait_dma2 semaphore(%arg20 : memref<!tpu.dma_semaphore, #tpu.memory_space<semaphore_mem>>) src(%dma_wait3A_71 : memref<2048xi32, #tpu.memory_space<hbm>>) dst(%arg14 : memref<2048xi32, #tpu.memory_space<vmem>>)
    %dma_wait3A_72 = tpu.memref_slice %arg6[%mul3A_2] : memref<65536xi32, #tpu.memory_space<hbm>> -> memref<2048xi32, #tpu.memory_space<hbm>>
    %dma_wait3A_73 = tpu.memref_slice %arg6[%mul3A_2] : memref<65536xi32, #tpu.memory_space<hbm>> -> memref<2048xi32, #tpu.memory_space<hbm>>
    tpu.wait_dma2 semaphore(%arg20 : memref<!tpu.dma_semaphore, #tpu.memory_space<semaphore_mem>>) src(%dma_wait3A_73 : memref<2048xi32, #tpu.memory_space<hbm>>) dst(%arg15 : memref<2048xi32, #tpu.memory_space<vmem>>)
    %dma_wait3A_74 = arith.constant 0 : i32
    %dma_wait3A_75 = tpu.memref_slice %arg7[%dma_wait3A_74] : memref<192xf32, #tpu.memory_space<hbm>> -> memref<64xf32, #tpu.memory_space<hbm>>
    %dma_wait3A_76 = arith.constant 0 : i32
    %dma_wait3A_77 = tpu.memref_slice %arg7[%dma_wait3A_76] : memref<192xf32, #tpu.memory_space<hbm>> -> memref<64xf32, #tpu.memory_space<hbm>>
    tpu.wait_dma2 semaphore(%arg20 : memref<!tpu.dma_semaphore, #tpu.memory_space<semaphore_mem>>) src(%dma_wait3A_77 : memref<64xf32, #tpu.memory_space<hbm>>) dst(%arg16 : memref<64xf32, #tpu.memory_space<vmem>>)
    %broadcast_in_dim3A_78 = arith.constant 1.000000e+00 : f32
    %broadcast_in_dim3A_79 = vector.broadcast %broadcast_in_dim3A_78 : f32 to vector<16xf32>
    %scan3A_80 = arith.constant 0 : i32
    %scan3A_81 = arith.constant 0 : i32
    %scan3A_82 = arith.constant 128 : i32
    %scan3A_83 = arith.addi %scan3A_81, %scan3A_82 : i32
    %scan3A_84 = arith.constant 8 : i32
    scf.for %scan3A_88 = %scan3A_81 to %scan3A_83 step %scan3A_84  : i32 {
      %mul3A_89 = arith.constant 16 : i32
      %mul3A_90 = arith.muli %scan3A_88, %mul3A_89 : i32
      %get3A = arith.index_cast %mul3A_90 : i32 to index
      %get3A_91 = tpu.vector_load %arg13[%get3A] {strides = array<i32>} : memref<2048xi32, #tpu.memory_space<vmem>>, vector<16xi32>,
      %mul3A_92 = arith.constant 16 : i32
      %mul3A_93 = arith.muli %scan3A_88, %mul3A_92 : i32
      %get3A_94 = arith.index_cast %mul3A_93 : i32 to index
      %get3A_95 = tpu.vector_load %arg14[%get3A_94] {strides = array<i32>} : memref<2048xi32, #tpu.memory_space<vmem>>, vector<16xi32>,
      %mul3A_96 = arith.constant 16 : i32
      %mul3A_97 = arith.muli %scan3A_88, %mul3A_96 : i32
      %get3A_98 = arith.index_cast %mul3A_97 : i32 to index
      %get3A_99 = tpu.vector_load %arg15[%get3A_98] {strides = array<i32>} : memref<2048xi32, #tpu.memory_space<vmem>>, vector<16xi32>,
      %and3A = arith.constant 127 : i32
      %and3A_100 = vector.broadcast %and3A : i32 to vector<16xi32>
      %and3A_101 = arith.andi %get3A_91, %and3A_100 : vector<16xi32>
      %gather3A = tpu.vector_load_idx %arg11[%and3A_101] : memref<128xf32, #tpu.memory_space<vmem>>[vector<16xi32>], vector<16xf32>,
      %and3A_102 = arith.constant 127 : i32
      %and3A_103 = vector.broadcast %and3A_102 : i32 to vector<16xi32>
      %and3A_104 = arith.andi %get3A_95, %and3A_103 : vector<16xi32>
      %gather3A_105 = tpu.vector_load_idx %arg12[%and3A_104] : memref<128xf32, #tpu.memory_space<vmem>>[vector<16xi32>], vector<16xf32>,
      %add3A_106 = arith.addf %gather3A, %gather3A_105 : vector<16xf32>
      %neg3A = arith.constant 0.000000e+00 : f32
      %neg3A_107 = vector.broadcast %neg3A : f32 to vector<16xf32>
      %neg3A_108 = arith.subf %neg3A_107, %add3A_106 : vector<16xf32>
      %exp3A = math.exp %neg3A_108 : vector<16xf32>
      %add3A_109 = arith.constant 1.000000e+00 : f32
      %add3A_110 = vector.broadcast %add3A_109 : f32 to vector<16xf32>
      %add3A_111 = arith.addf %add3A_110, %exp3A : vector<16xf32>
      %div3A = arith.constant 1.000000e+00 : f32
      %div3A_112 = vector.broadcast %div3A : f32 to vector<16xf32>
      %div3A_113 = arith.divf %div3A_112, %add3A_111 : vector<16xf32>
      %mul3A_114 = arith.constant 16 : i32
      %mul3A_115 = arith.muli %scan3A_88, %mul3A_114 : i32
      %swap3A_116 = arith.index_cast %mul3A_115 : i32 to index
      %swap3A_117 = tpu.vector_load %arg18[%swap3A_116] {strides = array<i32>} : memref<2048xf32, #tpu.memory_space<vmem>>, vector<16xf32>,
      tpu.vector_store %arg18[%swap3A_116], %div3A_113 {strides = array<i32>} : memref<2048xf32, #tpu.memory_space<vmem>>, vector<16xf32>,
      tpu.vector_store_idx %arg19[%and3A_104], %broadcast_in_dim3A_79 {add = true} : memref<128xf32, #tpu.memory_space<vmem>>[vector<16xi32>], vector<16xf32>,
      %mul3A_118 = arith.constant 256 : i32
      %mul3A_119 = vector.broadcast %mul3A_118 : i32 to vector<16xi32>
      %mul3A_120 = arith.muli %and3A_104, %mul3A_119 : vector<16xi32>
      %and3A_121 = arith.constant 63 : i32
      %and3A_122 = vector.broadcast %and3A_121 : i32 to vector<16xi32>
      %and3A_123 = arith.andi %get3A_91, %and3A_122 : vector<16xi32>
      %add3A_124 = arith.addi %mul3A_120, %and3A_123 : vector<16xi32>
      %mul3A_125 = arith.constant 4 : i32
      %mul3A_126 = vector.broadcast %mul3A_125 : i32 to vector<16xi32>
      %mul3A_127 = arith.muli %get3A_99, %mul3A_126 : vector<16xi32>
      %add3A_128 = arith.constant 0 : i32
      %add3A_129 = vector.broadcast %add3A_128 : i32 to vector<16xi32>
      %add3A_130 = arith.addi %mul3A_127, %add3A_129 : vector<16xi32>
      %gather3A_131 = tpu.vector_load_idx %arg16[%add3A_130] : memref<64xf32, #tpu.memory_space<vmem>>[vector<16xi32>], vector<16xf32>,
      %add3A_132 = arith.constant 0 : i32
      %add3A_133 = vector.broadcast %add3A_132 : i32 to vector<16xi32>
      %add3A_134 = arith.addi %add3A_124, %add3A_133 : vector<16xi32>
      %mul3A_135 = arith.mulf %div3A_113, %gather3A_131 : vector<16xf32>
      tpu.vector_store_idx %arg17[%add3A_134], %mul3A_135 {add = true} : memref<32768xf32, #tpu.memory_space<vmem>>[vector<16xi32>], vector<16xf32>,
      %add3A_136 = arith.constant 1 : i32
      %add3A_137 = vector.broadcast %add3A_136 : i32 to vector<16xi32>
      %add3A_138 = arith.addi %mul3A_127, %add3A_137 : vector<16xi32>
      %gather3A_139 = tpu.vector_load_idx %arg16[%add3A_138] : memref<64xf32, #tpu.memory_space<vmem>>[vector<16xi32>], vector<16xf32>,
      %add3A_140 = arith.constant 64 : i32
      %add3A_141 = vector.broadcast %add3A_140 : i32 to vector<16xi32>
      %add3A_142 = arith.addi %add3A_124, %add3A_141 : vector<16xi32>
      %mul3A_143 = arith.mulf %div3A_113, %gather3A_139 : vector<16xf32>
      tpu.vector_store_idx %arg17[%add3A_142], %mul3A_143 {add = true} : memref<32768xf32, #tpu.memory_space<vmem>>[vector<16xi32>], vector<16xf32>,
      %add3A_144 = arith.constant 2 : i32
      %add3A_145 = vector.broadcast %add3A_144 : i32 to vector<16xi32>
      %add3A_146 = arith.addi %mul3A_127, %add3A_145 : vector<16xi32>
      %gather3A_147 = tpu.vector_load_idx %arg16[%add3A_146] : memref<64xf32, #tpu.memory_space<vmem>>[vector<16xi32>], vector<16xf32>,
      %add3A_148 = arith.constant 128 : i32
      %add3A_149 = vector.broadcast %add3A_148 : i32 to vector<16xi32>
      %add3A_150 = arith.addi %add3A_124, %add3A_149 : vector<16xi32>
      %mul3A_151 = arith.mulf %div3A_113, %gather3A_147 : vector<16xf32>
      tpu.vector_store_idx %arg17[%add3A_150], %mul3A_151 {add = true} : memref<32768xf32, #tpu.memory_space<vmem>>[vector<16xi32>], vector<16xf32>,
      %add3A_152 = arith.constant 3 : i32
      %add3A_153 = vector.broadcast %add3A_152 : i32 to vector<16xi32>
      %add3A_154 = arith.addi %mul3A_127, %add3A_153 : vector<16xi32>
      %gather3A_155 = tpu.vector_load_idx %arg16[%add3A_154] : memref<64xf32, #tpu.memory_space<vmem>>[vector<16xi32>], vector<16xf32>,
      %add3A_156 = arith.constant 192 : i32
      %add3A_157 = vector.broadcast %add3A_156 : i32 to vector<16xi32>
      %add3A_158 = arith.addi %add3A_124, %add3A_157 : vector<16xi32>
      %mul3A_159 = arith.mulf %div3A_113, %gather3A_155 : vector<16xf32>
      tpu.vector_store_idx %arg17[%add3A_158], %mul3A_159 {add = true} : memref<32768xf32, #tpu.memory_space<vmem>>[vector<16xi32>], vector<16xf32>,
      %scan3A_160 = arith.constant 1 : i32
      %scan3A_161 = arith.addi %scan3A_88, %scan3A_160 : i32
      %mul3A_162 = arith.constant 16 : i32
      %mul3A_163 = arith.muli %scan3A_161, %mul3A_162 : i32
      %get3A_164 = arith.index_cast %mul3A_163 : i32 to index
      %get3A_165 = tpu.vector_load %arg13[%get3A_164] {strides = array<i32>} : memref<2048xi32, #tpu.memory_space<vmem>>, vector<16xi32>,
      %mul3A_166 = arith.constant 16 : i32
      %mul3A_167 = arith.muli %scan3A_161, %mul3A_166 : i32
      %get3A_168 = arith.index_cast %mul3A_167 : i32 to index
      %get3A_169 = tpu.vector_load %arg14[%get3A_168] {strides = array<i32>} : memref<2048xi32, #tpu.memory_space<vmem>>, vector<16xi32>,
      %mul3A_170 = arith.constant 16 : i32
      %mul3A_171 = arith.muli %scan3A_161, %mul3A_170 : i32
      %get3A_172 = arith.index_cast %mul3A_171 : i32 to index
      %get3A_173 = tpu.vector_load %arg15[%get3A_172] {strides = array<i32>} : memref<2048xi32, #tpu.memory_space<vmem>>, vector<16xi32>,
      %and3A_174 = arith.constant 127 : i32
      %and3A_175 = vector.broadcast %and3A_174 : i32 to vector<16xi32>
      %and3A_176 = arith.andi %get3A_165, %and3A_175 : vector<16xi32>
      %gather3A_177 = tpu.vector_load_idx %arg11[%and3A_176] : memref<128xf32, #tpu.memory_space<vmem>>[vector<16xi32>], vector<16xf32>,
      %and3A_178 = arith.constant 127 : i32
      %and3A_179 = vector.broadcast %and3A_178 : i32 to vector<16xi32>
      %and3A_180 = arith.andi %get3A_169, %and3A_179 : vector<16xi32>
      %gather3A_181 = tpu.vector_load_idx %arg12[%and3A_180] : memref<128xf32, #tpu.memory_space<vmem>>[vector<16xi32>], vector<16xf32>,
      %add3A_182 = arith.addf %gather3A_177, %gather3A_181 : vector<16xf32>
      %neg3A_183 = arith.constant 0.000000e+00 : f32
      %neg3A_184 = vector.broadcast %neg3A_183 : f32 to vector<16xf32>
      %neg3A_185 = arith.subf %neg3A_184, %add3A_182 : vector<16xf32>
      %exp3A_186 = math.exp %neg3A_185 : vector<16xf32>
      %add3A_187 = arith.constant 1.000000e+00 : f32
      %add3A_188 = vector.broadcast %add3A_187 : f32 to vector<16xf32>
      %add3A_189 = arith.addf %add3A_188, %exp3A_186 : vector<16xf32>
      %div3A_190 = arith.constant 1.000000e+00 : f32
      %div3A_191 = vector.broadcast %div3A_190 : f32 to vector<16xf32>
      %div3A_192 = arith.divf %div3A_191, %add3A_189 : vector<16xf32>
      %mul3A_193 = arith.constant 16 : i32
      %mul3A_194 = arith.muli %scan3A_161, %mul3A_193 : i32
      %swap3A_195 = arith.index_cast %mul3A_194 : i32 to index
      %swap3A_196 = tpu.vector_load %arg18[%swap3A_195] {strides = array<i32>} : memref<2048xf32, #tpu.memory_space<vmem>>, vector<16xf32>,
      tpu.vector_store %arg18[%swap3A_195], %div3A_192 {strides = array<i32>} : memref<2048xf32, #tpu.memory_space<vmem>>, vector<16xf32>,
      tpu.vector_store_idx %arg19[%and3A_180], %broadcast_in_dim3A_79 {add = true} : memref<128xf32, #tpu.memory_space<vmem>>[vector<16xi32>], vector<16xf32>,
      %mul3A_197 = arith.constant 256 : i32
      %mul3A_198 = vector.broadcast %mul3A_197 : i32 to vector<16xi32>
      %mul3A_199 = arith.muli %and3A_180, %mul3A_198 : vector<16xi32>
      %and3A_200 = arith.constant 63 : i32
      %and3A_201 = vector.broadcast %and3A_200 : i32 to vector<16xi32>
      %and3A_202 = arith.andi %get3A_165, %and3A_201 : vector<16xi32>
      %add3A_203 = arith.addi %mul3A_199, %and3A_202 : vector<16xi32>
      %mul3A_204 = arith.constant 4 : i32
      %mul3A_205 = vector.broadcast %mul3A_204 : i32 to vector<16xi32>
      %mul3A_206 = arith.muli %get3A_173, %mul3A_205 : vector<16xi32>
      %add3A_207 = arith.constant 0 : i32
      %add3A_208 = vector.broadcast %add3A_207 : i32 to vector<16xi32>
      %add3A_209 = arith.addi %mul3A_206, %add3A_208 : vector<16xi32>
      %gather3A_210 = tpu.vector_load_idx %arg16[%add3A_209] : memref<64xf32, #tpu.memory_space<vmem>>[vector<16xi32>], vector<16xf32>,
      %add3A_211 = arith.constant 0 : i32
      %add3A_212 = vector.broadcast %add3A_211 : i32 to vector<16xi32>
      %add3A_213 = arith.addi %add3A_203, %add3A_212 : vector<16xi32>
      %mul3A_214 = arith.mulf %div3A_192, %gather3A_210 : vector<16xf32>
      tpu.vector_store_idx %arg17[%add3A_213], %mul3A_214 {add = true} : memref<32768xf32, #tpu.memory_space<vmem>>[vector<16xi32>], vector<16xf32>,
      %add3A_215 = arith.constant 1 : i32
      %add3A_216 = vector.broadcast %add3A_215 : i32 to vector<16xi32>
      %add3A_217 = arith.addi %mul3A_206, %add3A_216 : vector<16xi32>
      %gather3A_218 = tpu.vector_load_idx %arg16[%add3A_217] : memref<64xf32, #tpu.memory_space<vmem>>[vector<16xi32>], vector<16xf32>,
      %add3A_219 = arith.constant 64 : i32
      %add3A_220 = vector.broadcast %add3A_219 : i32 to vector<16xi32>
      %add3A_221 = arith.addi %add3A_203, %add3A_220 : vector<16xi32>
      %mul3A_222 = arith.mulf %div3A_192, %gather3A_218 : vector<16xf32>
      tpu.vector_store_idx %arg17[%add3A_221], %mul3A_222 {add = true} : memref<32768xf32, #tpu.memory_space<vmem>>[vector<16xi32>], vector<16xf32>,
      %add3A_223 = arith.constant 2 : i32
      %add3A_224 = vector.broadcast %add3A_223 : i32 to vector<16xi32>
      %add3A_225 = arith.addi %mul3A_206, %add3A_224 : vector<16xi32>
      %gather3A_226 = tpu.vector_load_idx %arg16[%add3A_225] : memref<64xf32, #tpu.memory_space<vmem>>[vector<16xi32>], vector<16xf32>,
      %add3A_227 = arith.constant 128 : i32
      %add3A_228 = vector.broadcast %add3A_227 : i32 to vector<16xi32>
      %add3A_229 = arith.addi %add3A_203, %add3A_228 : vector<16xi32>
      %mul3A_230 = arith.mulf %div3A_192, %gather3A_226 : vector<16xf32>
      tpu.vector_store_idx %arg17[%add3A_229], %mul3A_230 {add = true} : memref<32768xf32, #tpu.memory_space<vmem>>[vector<16xi32>], vector<16xf32>,
      %add3A_231 = arith.constant 3 : i32
      %add3A_232 = vector.broadcast %add3A_231 : i32 to vector<16xi32>
      %add3A_233 = arith.addi %mul3A_206, %add3A_232 : vector<16xi32>
      %gather3A_234 = tpu.vector_load_idx %arg16[%add3A_233] : memref<64xf32, #tpu.memory_space<vmem>>[vector<16xi32>], vector<16xf32>,
      %add3A_235 = arith.constant 192 : i32
      %add3A_236 = vector.broadcast %add3A_235 : i32 to vector<16xi32>
      %add3A_237 = arith.addi %add3A_203, %add3A_236 : vector<16xi32>
      %mul3A_238 = arith.mulf %div3A_192, %gather3A_234 : vector<16xf32>
      tpu.vector_store_idx %arg17[%add3A_237], %mul3A_238 {add = true} : memref<32768xf32, #tpu.memory_space<vmem>>[vector<16xi32>], vector<16xf32>,
      %scan3A_239 = arith.constant 2 : i32
      %scan3A_240 = arith.addi %scan3A_88, %scan3A_239 : i32
      %mul3A_241 = arith.constant 16 : i32
      %mul3A_242 = arith.muli %scan3A_240, %mul3A_241 : i32
      %get3A_243 = arith.index_cast %mul3A_242 : i32 to index
      %get3A_244 = tpu.vector_load %arg13[%get3A_243] {strides = array<i32>} : memref<2048xi32, #tpu.memory_space<vmem>>, vector<16xi32>,
      %mul3A_245 = arith.constant 16 : i32
      %mul3A_246 = arith.muli %scan3A_240, %mul3A_245 : i32
      %get3A_247 = arith.index_cast %mul3A_246 : i32 to index
      %get3A_248 = tpu.vector_load %arg14[%get3A_247] {strides = array<i32>} : memref<2048xi32, #tpu.memory_space<vmem>>, vector<16xi32>,
      %mul3A_249 = arith.constant 16 : i32
      %mul3A_250 = arith.muli %scan3A_240, %mul3A_249 : i32
      %get3A_251 = arith.index_cast %mul3A_250 : i32 to index
      %get3A_252 = tpu.vector_load %arg15[%get3A_251] {strides = array<i32>} : memref<2048xi32, #tpu.memory_space<vmem>>, vector<16xi32>,
      %and3A_253 = arith.constant 127 : i32
      %and3A_254 = vector.broadcast %and3A_253 : i32 to vector<16xi32>
      %and3A_255 = arith.andi %get3A_244, %and3A_254 : vector<16xi32>
      %gather3A_256 = tpu.vector_load_idx %arg11[%and3A_255] : memref<128xf32, #tpu.memory_space<vmem>>[vector<16xi32>], vector<16xf32>,
      %and3A_257 = arith.constant 127 : i32
      %and3A_258 = vector.broadcast %and3A_257 : i32 to vector<16xi32>
      %and3A_259 = arith.andi %get3A_248, %and3A_258 : vector<16xi32>
      %gather3A_260 = tpu.vector_load_idx %arg12[%and3A_259] : memref<128xf32, #tpu.memory_space<vmem>>[vector<16xi32>], vector<16xf32>,
      %add3A_261 = arith.addf %gather3A_256, %gather3A_260 : vector<16xf32>
      %neg3A_262 = arith.constant 0.000000e+00 : f32
      %neg3A_263 = vector.broadcast %neg3A_262 : f32 to vector<16xf32>
      %neg3A_264 = arith.subf %neg3A_263, %add3A_261 : vector<16xf32>
      %exp3A_265 = math.exp %neg3A_264 : vector<16xf32>
      %add3A_266 = arith.constant 1.000000e+00 : f32
      %add3A_267 = vector.broadcast %add3A_266 : f32 to vector<16xf32>
      %add3A_268 = arith.addf %add3A_267, %exp3A_265 : vector<16xf32>
      %div3A_269 = arith.constant 1.000000e+00 : f32
      %div3A_270 = vector.broadcast %div3A_269 : f32 to vector<16xf32>
      %div3A_271 = arith.divf %div3A_270, %add3A_268 : vector<16xf32>
      %mul3A_272 = arith.constant 16 : i32
      %mul3A_273 = arith.muli %scan3A_240, %mul3A_272 : i32
      %swap3A_274 = arith.index_cast %mul3A_273 : i32 to index
      %swap3A_275 = tpu.vector_load %arg18[%swap3A_274] {strides = array<i32>} : memref<2048xf32, #tpu.memory_space<vmem>>, vector<16xf32>,
      tpu.vector_store %arg18[%swap3A_274], %div3A_271 {strides = array<i32>} : memref<2048xf32, #tpu.memory_space<vmem>>, vector<16xf32>,
      tpu.vector_store_idx %arg19[%and3A_259], %broadcast_in_dim3A_79 {add = true} : memref<128xf32, #tpu.memory_space<vmem>>[vector<16xi32>], vector<16xf32>,
      %mul3A_276 = arith.constant 256 : i32
      %mul3A_277 = vector.broadcast %mul3A_276 : i32 to vector<16xi32>
      %mul3A_278 = arith.muli %and3A_259, %mul3A_277 : vector<16xi32>
      %and3A_279 = arith.constant 63 : i32
      %and3A_280 = vector.broadcast %and3A_279 : i32 to vector<16xi32>
      %and3A_281 = arith.andi %get3A_244, %and3A_280 : vector<16xi32>
      %add3A_282 = arith.addi %mul3A_278, %and3A_281 : vector<16xi32>
      %mul3A_283 = arith.constant 4 : i32
      %mul3A_284 = vector.broadcast %mul3A_283 : i32 to vector<16xi32>
      %mul3A_285 = arith.muli %get3A_252, %mul3A_284 : vector<16xi32>
      %add3A_286 = arith.constant 0 : i32
      %add3A_287 = vector.broadcast %add3A_286 : i32 to vector<16xi32>
      %add3A_288 = arith.addi %mul3A_285, %add3A_287 : vector<16xi32>
      %gather3A_289 = tpu.vector_load_idx %arg16[%add3A_288] : memref<64xf32, #tpu.memory_space<vmem>>[vector<16xi32>], vector<16xf32>,
      %add3A_290 = arith.constant 0 : i32
      %add3A_291 = vector.broadcast %add3A_290 : i32 to vector<16xi32>
      %add3A_292 = arith.addi %add3A_282, %add3A_291 : vector<16xi32>
      %mul3A_293 = arith.mulf %div3A_271, %gather3A_289 : vector<16xf32>
      tpu.vector_store_idx %arg17[%add3A_292], %mul3A_293 {add = true} : memref<32768xf32, #tpu.memory_space<vmem>>[vector<16xi32>], vector<16xf32>,
      %add3A_294 = arith.constant 1 : i32
      %add3A_295 = vector.broadcast %add3A_294 : i32 to vector<16xi32>
      %add3A_296 = arith.addi %mul3A_285, %add3A_295 : vector<16xi32>
      %gather3A_297 = tpu.vector_load_idx %arg16[%add3A_296] : memref<64xf32, #tpu.memory_space<vmem>>[vector<16xi32>], vector<16xf32>,
      %add3A_298 = arith.constant 64 : i32
      %add3A_299 = vector.broadcast %add3A_298 : i32 to vector<16xi32>
      %add3A_300 = arith.addi %add3A_282, %add3A_299 : vector<16xi32>
      %mul3A_301 = arith.mulf %div3A_271, %gather3A_297 : vector<16xf32>
      tpu.vector_store_idx %arg17[%add3A_300], %mul3A_301 {add = true} : memref<32768xf32, #tpu.memory_space<vmem>>[vector<16xi32>], vector<16xf32>,
      %add3A_302 = arith.constant 2 : i32
      %add3A_303 = vector.broadcast %add3A_302 : i32 to vector<16xi32>
      %add3A_304 = arith.addi %mul3A_285, %add3A_303 : vector<16xi32>
      %gather3A_305 = tpu.vector_load_idx %arg16[%add3A_304] : memref<64xf32, #tpu.memory_space<vmem>>[vector<16xi32>], vector<16xf32>,
      %add3A_306 = arith.constant 128 : i32
      %add3A_307 = vector.broadcast %add3A_306 : i32 to vector<16xi32>
      %add3A_308 = arith.addi %add3A_282, %add3A_307 : vector<16xi32>
      %mul3A_309 = arith.mulf %div3A_271, %gather3A_305 : vector<16xf32>
      tpu.vector_store_idx %arg17[%add3A_308], %mul3A_309 {add = true} : memref<32768xf32, #tpu.memory_space<vmem>>[vector<16xi32>], vector<16xf32>,
      %add3A_310 = arith.constant 3 : i32
      %add3A_311 = vector.broadcast %add3A_310 : i32 to vector<16xi32>
      %add3A_312 = arith.addi %mul3A_285, %add3A_311 : vector<16xi32>
      %gather3A_313 = tpu.vector_load_idx %arg16[%add3A_312] : memref<64xf32, #tpu.memory_space<vmem>>[vector<16xi32>], vector<16xf32>,
      %add3A_314 = arith.constant 192 : i32
      %add3A_315 = vector.broadcast %add3A_314 : i32 to vector<16xi32>
      %add3A_316 = arith.addi %add3A_282, %add3A_315 : vector<16xi32>
      %mul3A_317 = arith.mulf %div3A_271, %gather3A_313 : vector<16xf32>
      tpu.vector_store_idx %arg17[%add3A_316], %mul3A_317 {add = true} : memref<32768xf32, #tpu.memory_space<vmem>>[vector<16xi32>], vector<16xf32>,
      %scan3A_318 = arith.constant 3 : i32
      %scan3A_319 = arith.addi %scan3A_88, %scan3A_318 : i32
      %mul3A_320 = arith.constant 16 : i32
      %mul3A_321 = arith.muli %scan3A_319, %mul3A_320 : i32
      %get3A_322 = arith.index_cast %mul3A_321 : i32 to index
      %get3A_323 = tpu.vector_load %arg13[%get3A_322] {strides = array<i32>} : memref<2048xi32, #tpu.memory_space<vmem>>, vector<16xi32>,
      %mul3A_324 = arith.constant 16 : i32
      %mul3A_325 = arith.muli %scan3A_319, %mul3A_324 : i32
      %get3A_326 = arith.index_cast %mul3A_325 : i32 to index
      %get3A_327 = tpu.vector_load %arg14[%get3A_326] {strides = array<i32>} : memref<2048xi32, #tpu.memory_space<vmem>>, vector<16xi32>,
      %mul3A_328 = arith.constant 16 : i32
      %mul3A_329 = arith.muli %scan3A_319, %mul3A_328 : i32
      %get3A_330 = arith.index_cast %mul3A_329 : i32 to index
      %get3A_331 = tpu.vector_load %arg15[%get3A_330] {strides = array<i32>} : memref<2048xi32, #tpu.memory_space<vmem>>, vector<16xi32>,
      %and3A_332 = arith.constant 127 : i32
      %and3A_333 = vector.broadcast %and3A_332 : i32 to vector<16xi32>
      %and3A_334 = arith.andi %get3A_323, %and3A_333 : vector<16xi32>
      %gather3A_335 = tpu.vector_load_idx %arg11[%and3A_334] : memref<128xf32, #tpu.memory_space<vmem>>[vector<16xi32>], vector<16xf32>,
      %and3A_336 = arith.constant 127 : i32
      %and3A_337 = vector.broadcast %and3A_336 : i32 to vector<16xi32>
      %and3A_338 = arith.andi %get3A_327, %and3A_337 : vector<16xi32>
      %gather3A_339 = tpu.vector_load_idx %arg12[%and3A_338] : memref<128xf32, #tpu.memory_space<vmem>>[vector<16xi32>], vector<16xf32>,
      %add3A_340 = arith.addf %gather3A_335, %gather3A_339 : vector<16xf32>
      %neg3A_341 = arith.constant 0.000000e+00 : f32
      %neg3A_342 = vector.broadcast %neg3A_341 : f32 to vector<16xf32>
      %neg3A_343 = arith.subf %neg3A_342, %add3A_340 : vector<16xf32>
      %exp3A_344 = math.exp %neg3A_343 : vector<16xf32>
      %add3A_345 = arith.constant 1.000000e+00 : f32
      %add3A_346 = vector.broadcast %add3A_345 : f32 to vector<16xf32>
      %add3A_347 = arith.addf %add3A_346, %exp3A_344 : vector<16xf32>
      %div3A_348 = arith.constant 1.000000e+00 : f32
      %div3A_349 = vector.broadcast %div3A_348 : f32 to vector<16xf32>
      %div3A_350 = arith.divf %div3A_349, %add3A_347 : vector<16xf32>
      %mul3A_351 = arith.constant 16 : i32
      %mul3A_352 = arith.muli %scan3A_319, %mul3A_351 : i32
      %swap3A_353 = arith.index_cast %mul3A_352 : i32 to index
      %swap3A_354 = tpu.vector_load %arg18[%swap3A_353] {strides = array<i32>} : memref<2048xf32, #tpu.memory_space<vmem>>, vector<16xf32>,
      tpu.vector_store %arg18[%swap3A_353], %div3A_350 {strides = array<i32>} : memref<2048xf32, #tpu.memory_space<vmem>>, vector<16xf32>,
      tpu.vector_store_idx %arg19[%and3A_338], %broadcast_in_dim3A_79 {add = true} : memref<128xf32, #tpu.memory_space<vmem>>[vector<16xi32>], vector<16xf32>,
      %mul3A_355 = arith.constant 256 : i32
      %mul3A_356 = vector.broadcast %mul3A_355 : i32 to vector<16xi32>
      %mul3A_357 = arith.muli %and3A_338, %mul3A_356 : vector<16xi32>
      %and3A_358 = arith.constant 63 : i32
      %and3A_359 = vector.broadcast %and3A_358 : i32 to vector<16xi32>
      %and3A_360 = arith.andi %get3A_323, %and3A_359 : vector<16xi32>
      %add3A_361 = arith.addi %mul3A_357, %and3A_360 : vector<16xi32>
      %mul3A_362 = arith.constant 4 : i32
      %mul3A_363 = vector.broadcast %mul3A_362 : i32 to vector<16xi32>
      %mul3A_364 = arith.muli %get3A_331, %mul3A_363 : vector<16xi32>
      %add3A_365 = arith.constant 0 : i32
      %add3A_366 = vector.broadcast %add3A_365 : i32 to vector<16xi32>
      %add3A_367 = arith.addi %mul3A_364, %add3A_366 : vector<16xi32>
      %gather3A_368 = tpu.vector_load_idx %arg16[%add3A_367] : memref<64xf32, #tpu.memory_space<vmem>>[vector<16xi32>], vector<16xf32>,
      %add3A_369 = arith.constant 0 : i32
      %add3A_370 = vector.broadcast %add3A_369 : i32 to vector<16xi32>
      %add3A_371 = arith.addi %add3A_361, %add3A_370 : vector<16xi32>
      %mul3A_372 = arith.mulf %div3A_350, %gather3A_368 : vector<16xf32>
      tpu.vector_store_idx %arg17[%add3A_371], %mul3A_372 {add = true} : memref<32768xf32, #tpu.memory_space<vmem>>[vector<16xi32>], vector<16xf32>,
      %add3A_373 = arith.constant 1 : i32
      %add3A_374 = vector.broadcast %add3A_373 : i32 to vector<16xi32>
      %add3A_375 = arith.addi %mul3A_364, %add3A_374 : vector<16xi32>
      %gather3A_376 = tpu.vector_load_idx %arg16[%add3A_375] : memref<64xf32, #tpu.memory_space<vmem>>[vector<16xi32>], vector<16xf32>,
      %add3A_377 = arith.constant 64 : i32
      %add3A_378 = vector.broadcast %add3A_377 : i32 to vector<16xi32>
      %add3A_379 = arith.addi %add3A_361, %add3A_378 : vector<16xi32>
      %mul3A_380 = arith.mulf %div3A_350, %gather3A_376 : vector<16xf32>
      tpu.vector_store_idx %arg17[%add3A_379], %mul3A_380 {add = true} : memref<32768xf32, #tpu.memory_space<vmem>>[vector<16xi32>], vector<16xf32>,
      %add3A_381 = arith.constant 2 : i32
      %add3A_382 = vector.broadcast %add3A_381 : i32 to vector<16xi32>
      %add3A_383 = arith.addi %mul3A_364, %add3A_382 : vector<16xi32>
      %gather3A_384 = tpu.vector_load_idx %arg16[%add3A_383] : memref<64xf32, #tpu.memory_space<vmem>>[vector<16xi32>], vector<16xf32>,
      %add3A_385 = arith.constant 128 : i32
      %add3A_386 = vector.broadcast %add3A_385 : i32 to vector<16xi32>
      %add3A_387 = arith.addi %add3A_361, %add3A_386 : vector<16xi32>
      %mul3A_388 = arith.mulf %div3A_350, %gather3A_384 : vector<16xf32>
      tpu.vector_store_idx %arg17[%add3A_387], %mul3A_388 {add = true} : memref<32768xf32, #tpu.memory_space<vmem>>[vector<16xi32>], vector<16xf32>,
      %add3A_389 = arith.constant 3 : i32
      %add3A_390 = vector.broadcast %add3A_389 : i32 to vector<16xi32>
      %add3A_391 = arith.addi %mul3A_364, %add3A_390 : vector<16xi32>
      %gather3A_392 = tpu.vector_load_idx %arg16[%add3A_391] : memref<64xf32, #tpu.memory_space<vmem>>[vector<16xi32>], vector<16xf32>,
      %add3A_393 = arith.constant 192 : i32
      %add3A_394 = vector.broadcast %add3A_393 : i32 to vector<16xi32>
      %add3A_395 = arith.addi %add3A_361, %add3A_394 : vector<16xi32>
      %mul3A_396 = arith.mulf %div3A_350, %gather3A_392 : vector<16xf32>
      tpu.vector_store_idx %arg17[%add3A_395], %mul3A_396 {add = true} : memref<32768xf32, #tpu.memory_space<vmem>>[vector<16xi32>], vector<16xf32>,
      %scan3A_397 = arith.constant 4 : i32
      %scan3A_398 = arith.addi %scan3A_88, %scan3A_397 : i32
      %mul3A_399 = arith.constant 16 : i32
      %mul3A_400 = arith.muli %scan3A_398, %mul3A_399 : i32
      %get3A_401 = arith.index_cast %mul3A_400 : i32 to index
      %get3A_402 = tpu.vector_load %arg13[%get3A_401] {strides = array<i32>} : memref<2048xi32, #tpu.memory_space<vmem>>, vector<16xi32>,
      %mul3A_403 = arith.constant 16 : i32
      %mul3A_404 = arith.muli %scan3A_398, %mul3A_403 : i32
      %get3A_405 = arith.index_cast %mul3A_404 : i32 to index
      %get3A_406 = tpu.vector_load %arg14[%get3A_405] {strides = array<i32>} : memref<2048xi32, #tpu.memory_space<vmem>>, vector<16xi32>,
      %mul3A_407 = arith.constant 16 : i32
      %mul3A_408 = arith.muli %scan3A_398, %mul3A_407 : i32
      %get3A_409 = arith.index_cast %mul3A_408 : i32 to index
      %get3A_410 = tpu.vector_load %arg15[%get3A_409] {strides = array<i32>} : memref<2048xi32, #tpu.memory_space<vmem>>, vector<16xi32>,
      %and3A_411 = arith.constant 127 : i32
      %and3A_412 = vector.broadcast %and3A_411 : i32 to vector<16xi32>
      %and3A_413 = arith.andi %get3A_402, %and3A_412 : vector<16xi32>
      %gather3A_414 = tpu.vector_load_idx %arg11[%and3A_413] : memref<128xf32, #tpu.memory_space<vmem>>[vector<16xi32>], vector<16xf32>,
      %and3A_415 = arith.constant 127 : i32
      %and3A_416 = vector.broadcast %and3A_415 : i32 to vector<16xi32>
      %and3A_417 = arith.andi %get3A_406, %and3A_416 : vector<16xi32>
      %gather3A_418 = tpu.vector_load_idx %arg12[%and3A_417] : memref<128xf32, #tpu.memory_space<vmem>>[vector<16xi32>], vector<16xf32>,
      %add3A_419 = arith.addf %gather3A_414, %gather3A_418 : vector<16xf32>
      %neg3A_420 = arith.constant 0.000000e+00 : f32
      %neg3A_421 = vector.broadcast %neg3A_420 : f32 to vector<16xf32>
      %neg3A_422 = arith.subf %neg3A_421, %add3A_419 : vector<16xf32>
      %exp3A_423 = math.exp %neg3A_422 : vector<16xf32>
      %add3A_424 = arith.constant 1.000000e+00 : f32
      %add3A_425 = vector.broadcast %add3A_424 : f32 to vector<16xf32>
      %add3A_426 = arith.addf %add3A_425, %exp3A_423 : vector<16xf32>
      %div3A_427 = arith.constant 1.000000e+00 : f32
      %div3A_428 = vector.broadcast %div3A_427 : f32 to vector<16xf32>
      %div3A_429 = arith.divf %div3A_428, %add3A_426 : vector<16xf32>
      %mul3A_430 = arith.constant 16 : i32
      %mul3A_431 = arith.muli %scan3A_398, %mul3A_430 : i32
      %swap3A_432 = arith.index_cast %mul3A_431 : i32 to index
      %swap3A_433 = tpu.vector_load %arg18[%swap3A_432] {strides = array<i32>} : memref<2048xf32, #tpu.memory_space<vmem>>, vector<16xf32>,
      tpu.vector_store %arg18[%swap3A_432], %div3A_429 {strides = array<i32>} : memref<2048xf32, #tpu.memory_space<vmem>>, vector<16xf32>,
      tpu.vector_store_idx %arg19[%and3A_417], %broadcast_in_dim3A_79 {add = true} : memref<128xf32, #tpu.memory_space<vmem>>[vector<16xi32>], vector<16xf32>,
      %mul3A_434 = arith.constant 256 : i32
      %mul3A_435 = vector.broadcast %mul3A_434 : i32 to vector<16xi32>
      %mul3A_436 = arith.muli %and3A_417, %mul3A_435 : vector<16xi32>
      %and3A_437 = arith.constant 63 : i32
      %and3A_438 = vector.broadcast %and3A_437 : i32 to vector<16xi32>
      %and3A_439 = arith.andi %get3A_402, %and3A_438 : vector<16xi32>
      %add3A_440 = arith.addi %mul3A_436, %and3A_439 : vector<16xi32>
      %mul3A_441 = arith.constant 4 : i32
      %mul3A_442 = vector.broadcast %mul3A_441 : i32 to vector<16xi32>
      %mul3A_443 = arith.muli %get3A_410, %mul3A_442 : vector<16xi32>
      %add3A_444 = arith.constant 0 : i32
      %add3A_445 = vector.broadcast %add3A_444 : i32 to vector<16xi32>
      %add3A_446 = arith.addi %mul3A_443, %add3A_445 : vector<16xi32>
      %gather3A_447 = tpu.vector_load_idx %arg16[%add3A_446] : memref<64xf32, #tpu.memory_space<vmem>>[vector<16xi32>], vector<16xf32>,
      %add3A_448 = arith.constant 0 : i32
      %add3A_449 = vector.broadcast %add3A_448 : i32 to vector<16xi32>
      %add3A_450 = arith.addi %add3A_440, %add3A_449 : vector<16xi32>
      %mul3A_451 = arith.mulf %div3A_429, %gather3A_447 : vector<16xf32>
      tpu.vector_store_idx %arg17[%add3A_450], %mul3A_451 {add = true} : memref<32768xf32, #tpu.memory_space<vmem>>[vector<16xi32>], vector<16xf32>,
      %add3A_452 = arith.constant 1 : i32
      %add3A_453 = vector.broadcast %add3A_452 : i32 to vector<16xi32>
      %add3A_454 = arith.addi %mul3A_443, %add3A_453 : vector<16xi32>
      %gather3A_455 = tpu.vector_load_idx %arg16[%add3A_454] : memref<64xf32, #tpu.memory_space<vmem>>[vector<16xi32>], vector<16xf32>,
      %add3A_456 = arith.constant 64 : i32
      %add3A_457 = vector.broadcast %add3A_456 : i32 to vector<16xi32>
      %add3A_458 = arith.addi %add3A_440, %add3A_457 : vector<16xi32>
      %mul3A_459 = arith.mulf %div3A_429, %gather3A_455 : vector<16xf32>
      tpu.vector_store_idx %arg17[%add3A_458], %mul3A_459 {add = true} : memref<32768xf32, #tpu.memory_space<vmem>>[vector<16xi32>], vector<16xf32>,
      %add3A_460 = arith.constant 2 : i32
      %add3A_461 = vector.broadcast %add3A_460 : i32 to vector<16xi32>
      %add3A_462 = arith.addi %mul3A_443, %add3A_461 : vector<16xi32>
      %gather3A_463 = tpu.vector_load_idx %arg16[%add3A_462] : memref<64xf32, #tpu.memory_space<vmem>>[vector<16xi32>], vector<16xf32>,
      %add3A_464 = arith.constant 128 : i32
      %add3A_465 = vector.broadcast %add3A_464 : i32 to vector<16xi32>
      %add3A_466 = arith.addi %add3A_440, %add3A_465 : vector<16xi32>
      %mul3A_467 = arith.mulf %div3A_429, %gather3A_463 : vector<16xf32>
      tpu.vector_store_idx %arg17[%add3A_466], %mul3A_467 {add = true} : memref<32768xf32, #tpu.memory_space<vmem>>[vector<16xi32>], vector<16xf32>,
      %add3A_468 = arith.constant 3 : i32
      %add3A_469 = vector.broadcast %add3A_468 : i32 to vector<16xi32>
      %add3A_470 = arith.addi %mul3A_443, %add3A_469 : vector<16xi32>
      %gather3A_471 = tpu.vector_load_idx %arg16[%add3A_470] : memref<64xf32, #tpu.memory_space<vmem>>[vector<16xi32>], vector<16xf32>,
      %add3A_472 = arith.constant 192 : i32
      %add3A_473 = vector.broadcast %add3A_472 : i32 to vector<16xi32>
      %add3A_474 = arith.addi %add3A_440, %add3A_473 : vector<16xi32>
      %mul3A_475 = arith.mulf %div3A_429, %gather3A_471 : vector<16xf32>
      tpu.vector_store_idx %arg17[%add3A_474], %mul3A_475 {add = true} : memref<32768xf32, #tpu.memory_space<vmem>>[vector<16xi32>], vector<16xf32>,
      %scan3A_476 = arith.constant 5 : i32
      %scan3A_477 = arith.addi %scan3A_88, %scan3A_476 : i32
      %mul3A_478 = arith.constant 16 : i32
      %mul3A_479 = arith.muli %scan3A_477, %mul3A_478 : i32
      %get3A_480 = arith.index_cast %mul3A_479 : i32 to index
      %get3A_481 = tpu.vector_load %arg13[%get3A_480] {strides = array<i32>} : memref<2048xi32, #tpu.memory_space<vmem>>, vector<16xi32>,
      %mul3A_482 = arith.constant 16 : i32
      %mul3A_483 = arith.muli %scan3A_477, %mul3A_482 : i32
      %get3A_484 = arith.index_cast %mul3A_483 : i32 to index
      %get3A_485 = tpu.vector_load %arg14[%get3A_484] {strides = array<i32>} : memref<2048xi32, #tpu.memory_space<vmem>>, vector<16xi32>,
      %mul3A_486 = arith.constant 16 : i32
      %mul3A_487 = arith.muli %scan3A_477, %mul3A_486 : i32
      %get3A_488 = arith.index_cast %mul3A_487 : i32 to index
      %get3A_489 = tpu.vector_load %arg15[%get3A_488] {strides = array<i32>} : memref<2048xi32, #tpu.memory_space<vmem>>, vector<16xi32>,
      %and3A_490 = arith.constant 127 : i32
      %and3A_491 = vector.broadcast %and3A_490 : i32 to vector<16xi32>
      %and3A_492 = arith.andi %get3A_481, %and3A_491 : vector<16xi32>
      %gather3A_493 = tpu.vector_load_idx %arg11[%and3A_492] : memref<128xf32, #tpu.memory_space<vmem>>[vector<16xi32>], vector<16xf32>,
      %and3A_494 = arith.constant 127 : i32
      %and3A_495 = vector.broadcast %and3A_494 : i32 to vector<16xi32>
      %and3A_496 = arith.andi %get3A_485, %and3A_495 : vector<16xi32>
      %gather3A_497 = tpu.vector_load_idx %arg12[%and3A_496] : memref<128xf32, #tpu.memory_space<vmem>>[vector<16xi32>], vector<16xf32>,
      %add3A_498 = arith.addf %gather3A_493, %gather3A_497 : vector<16xf32>
      %neg3A_499 = arith.constant 0.000000e+00 : f32
      %neg3A_500 = vector.broadcast %neg3A_499 : f32 to vector<16xf32>
      %neg3A_501 = arith.subf %neg3A_500, %add3A_498 : vector<16xf32>
      %exp3A_502 = math.exp %neg3A_501 : vector<16xf32>
      %add3A_503 = arith.constant 1.000000e+00 : f32
      %add3A_504 = vector.broadcast %add3A_503 : f32 to vector<16xf32>
      %add3A_505 = arith.addf %add3A_504, %exp3A_502 : vector<16xf32>
      %div3A_506 = arith.constant 1.000000e+00 : f32
      %div3A_507 = vector.broadcast %div3A_506 : f32 to vector<16xf32>
      %div3A_508 = arith.divf %div3A_507, %add3A_505 : vector<16xf32>
      %mul3A_509 = arith.constant 16 : i32
      %mul3A_510 = arith.muli %scan3A_477, %mul3A_509 : i32
      %swap3A_511 = arith.index_cast %mul3A_510 : i32 to index
      %swap3A_512 = tpu.vector_load %arg18[%swap3A_511] {strides = array<i32>} : memref<2048xf32, #tpu.memory_space<vmem>>, vector<16xf32>,
      tpu.vector_store %arg18[%swap3A_511], %div3A_508 {strides = array<i32>} : memref<2048xf32, #tpu.memory_space<vmem>>, vector<16xf32>,
      tpu.vector_store_idx %arg19[%and3A_496], %broadcast_in_dim3A_79 {add = true} : memref<128xf32, #tpu.memory_space<vmem>>[vector<16xi32>], vector<16xf32>,
      %mul3A_513 = arith.constant 256 : i32
      %mul3A_514 = vector.broadcast %mul3A_513 : i32 to vector<16xi32>
      %mul3A_515 = arith.muli %and3A_496, %mul3A_514 : vector<16xi32>
      %and3A_516 = arith.constant 63 : i32
      %and3A_517 = vector.broadcast %and3A_516 : i32 to vector<16xi32>
      %and3A_518 = arith.andi %get3A_481, %and3A_517 : vector<16xi32>
      %add3A_519 = arith.addi %mul3A_515, %and3A_518 : vector<16xi32>
      %mul3A_520 = arith.constant 4 : i32
      %mul3A_521 = vector.broadcast %mul3A_520 : i32 to vector<16xi32>
      %mul3A_522 = arith.muli %get3A_489, %mul3A_521 : vector<16xi32>
      %add3A_523 = arith.constant 0 : i32
      %add3A_524 = vector.broadcast %add3A_523 : i32 to vector<16xi32>
      %add3A_525 = arith.addi %mul3A_522, %add3A_524 : vector<16xi32>
      %gather3A_526 = tpu.vector_load_idx %arg16[%add3A_525] : memref<64xf32, #tpu.memory_space<vmem>>[vector<16xi32>], vector<16xf32>,
      %add3A_527 = arith.constant 0 : i32
      %add3A_528 = vector.broadcast %add3A_527 : i32 to vector<16xi32>
      %add3A_529 = arith.addi %add3A_519, %add3A_528 : vector<16xi32>
      %mul3A_530 = arith.mulf %div3A_508, %gather3A_526 : vector<16xf32>
      tpu.vector_store_idx %arg17[%add3A_529], %mul3A_530 {add = true} : memref<32768xf32, #tpu.memory_space<vmem>>[vector<16xi32>], vector<16xf32>,
      %add3A_531 = arith.constant 1 : i32
      %add3A_532 = vector.broadcast %add3A_531 : i32 to vector<16xi32>
      %add3A_533 = arith.addi %mul3A_522, %add3A_532 : vector<16xi32>
      %gather3A_534 = tpu.vector_load_idx %arg16[%add3A_533] : memref<64xf32, #tpu.memory_space<vmem>>[vector<16xi32>], vector<16xf32>,
      %add3A_535 = arith.constant 64 : i32
      %add3A_536 = vector.broadcast %add3A_535 : i32 to vector<16xi32>
      %add3A_537 = arith.addi %add3A_519, %add3A_536 : vector<16xi32>
      %mul3A_538 = arith.mulf %div3A_508, %gather3A_534 : vector<16xf32>
      tpu.vector_store_idx %arg17[%add3A_537], %mul3A_538 {add = true} : memref<32768xf32, #tpu.memory_space<vmem>>[vector<16xi32>], vector<16xf32>,
      %add3A_539 = arith.constant 2 : i32
      %add3A_540 = vector.broadcast %add3A_539 : i32 to vector<16xi32>
      %add3A_541 = arith.addi %mul3A_522, %add3A_540 : vector<16xi32>
      %gather3A_542 = tpu.vector_load_idx %arg16[%add3A_541] : memref<64xf32, #tpu.memory_space<vmem>>[vector<16xi32>], vector<16xf32>,
      %add3A_543 = arith.constant 128 : i32
      %add3A_544 = vector.broadcast %add3A_543 : i32 to vector<16xi32>
      %add3A_545 = arith.addi %add3A_519, %add3A_544 : vector<16xi32>
      %mul3A_546 = arith.mulf %div3A_508, %gather3A_542 : vector<16xf32>
      tpu.vector_store_idx %arg17[%add3A_545], %mul3A_546 {add = true} : memref<32768xf32, #tpu.memory_space<vmem>>[vector<16xi32>], vector<16xf32>,
      %add3A_547 = arith.constant 3 : i32
      %add3A_548 = vector.broadcast %add3A_547 : i32 to vector<16xi32>
      %add3A_549 = arith.addi %mul3A_522, %add3A_548 : vector<16xi32>
      %gather3A_550 = tpu.vector_load_idx %arg16[%add3A_549] : memref<64xf32, #tpu.memory_space<vmem>>[vector<16xi32>], vector<16xf32>,
      %add3A_551 = arith.constant 192 : i32
      %add3A_552 = vector.broadcast %add3A_551 : i32 to vector<16xi32>
      %add3A_553 = arith.addi %add3A_519, %add3A_552 : vector<16xi32>
      %mul3A_554 = arith.mulf %div3A_508, %gather3A_550 : vector<16xf32>
      tpu.vector_store_idx %arg17[%add3A_553], %mul3A_554 {add = true} : memref<32768xf32, #tpu.memory_space<vmem>>[vector<16xi32>], vector<16xf32>,
      %scan3A_555 = arith.constant 6 : i32
      %scan3A_556 = arith.addi %scan3A_88, %scan3A_555 : i32
      %mul3A_557 = arith.constant 16 : i32
      %mul3A_558 = arith.muli %scan3A_556, %mul3A_557 : i32
      %get3A_559 = arith.index_cast %mul3A_558 : i32 to index
      %get3A_560 = tpu.vector_load %arg13[%get3A_559] {strides = array<i32>} : memref<2048xi32, #tpu.memory_space<vmem>>, vector<16xi32>,
      %mul3A_561 = arith.constant 16 : i32
      %mul3A_562 = arith.muli %scan3A_556, %mul3A_561 : i32
      %get3A_563 = arith.index_cast %mul3A_562 : i32 to index
      %get3A_564 = tpu.vector_load %arg14[%get3A_563] {strides = array<i32>} : memref<2048xi32, #tpu.memory_space<vmem>>, vector<16xi32>,
      %mul3A_565 = arith.constant 16 : i32
      %mul3A_566 = arith.muli %scan3A_556, %mul3A_565 : i32
      %get3A_567 = arith.index_cast %mul3A_566 : i32 to index
      %get3A_568 = tpu.vector_load %arg15[%get3A_567] {strides = array<i32>} : memref<2048xi32, #tpu.memory_space<vmem>>, vector<16xi32>,
      %and3A_569 = arith.constant 127 : i32
      %and3A_570 = vector.broadcast %and3A_569 : i32 to vector<16xi32>
      %and3A_571 = arith.andi %get3A_560, %and3A_570 : vector<16xi32>
      %gather3A_572 = tpu.vector_load_idx %arg11[%and3A_571] : memref<128xf32, #tpu.memory_space<vmem>>[vector<16xi32>], vector<16xf32>,
      %and3A_573 = arith.constant 127 : i32
      %and3A_574 = vector.broadcast %and3A_573 : i32 to vector<16xi32>
      %and3A_575 = arith.andi %get3A_564, %and3A_574 : vector<16xi32>
      %gather3A_576 = tpu.vector_load_idx %arg12[%and3A_575] : memref<128xf32, #tpu.memory_space<vmem>>[vector<16xi32>], vector<16xf32>,
      %add3A_577 = arith.addf %gather3A_572, %gather3A_576 : vector<16xf32>
      %neg3A_578 = arith.constant 0.000000e+00 : f32
      %neg3A_579 = vector.broadcast %neg3A_578 : f32 to vector<16xf32>
      %neg3A_580 = arith.subf %neg3A_579, %add3A_577 : vector<16xf32>
      %exp3A_581 = math.exp %neg3A_580 : vector<16xf32>
      %add3A_582 = arith.constant 1.000000e+00 : f32
      %add3A_583 = vector.broadcast %add3A_582 : f32 to vector<16xf32>
      %add3A_584 = arith.addf %add3A_583, %exp3A_581 : vector<16xf32>
      %div3A_585 = arith.constant 1.000000e+00 : f32
      %div3A_586 = vector.broadcast %div3A_585 : f32 to vector<16xf32>
      %div3A_587 = arith.divf %div3A_586, %add3A_584 : vector<16xf32>
      %mul3A_588 = arith.constant 16 : i32
      %mul3A_589 = arith.muli %scan3A_556, %mul3A_588 : i32
      %swap3A_590 = arith.index_cast %mul3A_589 : i32 to index
      %swap3A_591 = tpu.vector_load %arg18[%swap3A_590] {strides = array<i32>} : memref<2048xf32, #tpu.memory_space<vmem>>, vector<16xf32>,
      tpu.vector_store %arg18[%swap3A_590], %div3A_587 {strides = array<i32>} : memref<2048xf32, #tpu.memory_space<vmem>>, vector<16xf32>,
      tpu.vector_store_idx %arg19[%and3A_575], %broadcast_in_dim3A_79 {add = true} : memref<128xf32, #tpu.memory_space<vmem>>[vector<16xi32>], vector<16xf32>,
      %mul3A_592 = arith.constant 256 : i32
      %mul3A_593 = vector.broadcast %mul3A_592 : i32 to vector<16xi32>
      %mul3A_594 = arith.muli %and3A_575, %mul3A_593 : vector<16xi32>
      %and3A_595 = arith.constant 63 : i32
      %and3A_596 = vector.broadcast %and3A_595 : i32 to vector<16xi32>
      %and3A_597 = arith.andi %get3A_560, %and3A_596 : vector<16xi32>
      %add3A_598 = arith.addi %mul3A_594, %and3A_597 : vector<16xi32>
      %mul3A_599 = arith.constant 4 : i32
      %mul3A_600 = vector.broadcast %mul3A_599 : i32 to vector<16xi32>
      %mul3A_601 = arith.muli %get3A_568, %mul3A_600 : vector<16xi32>
      %add3A_602 = arith.constant 0 : i32
      %add3A_603 = vector.broadcast %add3A_602 : i32 to vector<16xi32>
      %add3A_604 = arith.addi %mul3A_601, %add3A_603 : vector<16xi32>
      %gather3A_605 = tpu.vector_load_idx %arg16[%add3A_604] : memref<64xf32, #tpu.memory_space<vmem>>[vector<16xi32>], vector<16xf32>,
      %add3A_606 = arith.constant 0 : i32
      %add3A_607 = vector.broadcast %add3A_606 : i32 to vector<16xi32>
      %add3A_608 = arith.addi %add3A_598, %add3A_607 : vector<16xi32>
      %mul3A_609 = arith.mulf %div3A_587, %gather3A_605 : vector<16xf32>
      tpu.vector_store_idx %arg17[%add3A_608], %mul3A_609 {add = true} : memref<32768xf32, #tpu.memory_space<vmem>>[vector<16xi32>], vector<16xf32>,
      %add3A_610 = arith.constant 1 : i32
      %add3A_611 = vector.broadcast %add3A_610 : i32 to vector<16xi32>
      %add3A_612 = arith.addi %mul3A_601, %add3A_611 : vector<16xi32>
      %gather3A_613 = tpu.vector_load_idx %arg16[%add3A_612] : memref<64xf32, #tpu.memory_space<vmem>>[vector<16xi32>], vector<16xf32>,
      %add3A_614 = arith.constant 64 : i32
      %add3A_615 = vector.broadcast %add3A_614 : i32 to vector<16xi32>
      %add3A_616 = arith.addi %add3A_598, %add3A_615 : vector<16xi32>
      %mul3A_617 = arith.mulf %div3A_587, %gather3A_613 : vector<16xf32>
      tpu.vector_store_idx %arg17[%add3A_616], %mul3A_617 {add = true} : memref<32768xf32, #tpu.memory_space<vmem>>[vector<16xi32>], vector<16xf32>,
      %add3A_618 = arith.constant 2 : i32
      %add3A_619 = vector.broadcast %add3A_618 : i32 to vector<16xi32>
      %add3A_620 = arith.addi %mul3A_601, %add3A_619 : vector<16xi32>
      %gather3A_621 = tpu.vector_load_idx %arg16[%add3A_620] : memref<64xf32, #tpu.memory_space<vmem>>[vector<16xi32>], vector<16xf32>,
      %add3A_622 = arith.constant 128 : i32
      %add3A_623 = vector.broadcast %add3A_622 : i32 to vector<16xi32>
      %add3A_624 = arith.addi %add3A_598, %add3A_623 : vector<16xi32>
      %mul3A_625 = arith.mulf %div3A_587, %gather3A_621 : vector<16xf32>
      tpu.vector_store_idx %arg17[%add3A_624], %mul3A_625 {add = true} : memref<32768xf32, #tpu.memory_space<vmem>>[vector<16xi32>], vector<16xf32>,
      %add3A_626 = arith.constant 3 : i32
      %add3A_627 = vector.broadcast %add3A_626 : i32 to vector<16xi32>
      %add3A_628 = arith.addi %mul3A_601, %add3A_627 : vector<16xi32>
      %gather3A_629 = tpu.vector_load_idx %arg16[%add3A_628] : memref<64xf32, #tpu.memory_space<vmem>>[vector<16xi32>], vector<16xf32>,
      %add3A_630 = arith.constant 192 : i32
      %add3A_631 = vector.broadcast %add3A_630 : i32 to vector<16xi32>
      %add3A_632 = arith.addi %add3A_598, %add3A_631 : vector<16xi32>
      %mul3A_633 = arith.mulf %div3A_587, %gather3A_629 : vector<16xf32>
      tpu.vector_store_idx %arg17[%add3A_632], %mul3A_633 {add = true} : memref<32768xf32, #tpu.memory_space<vmem>>[vector<16xi32>], vector<16xf32>,
      %scan3A_634 = arith.constant 7 : i32
      %scan3A_635 = arith.addi %scan3A_88, %scan3A_634 : i32
      %mul3A_636 = arith.constant 16 : i32
      %mul3A_637 = arith.muli %scan3A_635, %mul3A_636 : i32
      %get3A_638 = arith.index_cast %mul3A_637 : i32 to index
      %get3A_639 = tpu.vector_load %arg13[%get3A_638] {strides = array<i32>} : memref<2048xi32, #tpu.memory_space<vmem>>, vector<16xi32>,
      %mul3A_640 = arith.constant 16 : i32
      %mul3A_641 = arith.muli %scan3A_635, %mul3A_640 : i32
      %get3A_642 = arith.index_cast %mul3A_641 : i32 to index
      %get3A_643 = tpu.vector_load %arg14[%get3A_642] {strides = array<i32>} : memref<2048xi32, #tpu.memory_space<vmem>>, vector<16xi32>,
      %mul3A_644 = arith.constant 16 : i32
      %mul3A_645 = arith.muli %scan3A_635, %mul3A_644 : i32
      %get3A_646 = arith.index_cast %mul3A_645 : i32 to index
      %get3A_647 = tpu.vector_load %arg15[%get3A_646] {strides = array<i32>} : memref<2048xi32, #tpu.memory_space<vmem>>, vector<16xi32>,
      %and3A_648 = arith.constant 127 : i32
      %and3A_649 = vector.broadcast %and3A_648 : i32 to vector<16xi32>
      %and3A_650 = arith.andi %get3A_639, %and3A_649 : vector<16xi32>
      %gather3A_651 = tpu.vector_load_idx %arg11[%and3A_650] : memref<128xf32, #tpu.memory_space<vmem>>[vector<16xi32>], vector<16xf32>,
      %and3A_652 = arith.constant 127 : i32
      %and3A_653 = vector.broadcast %and3A_652 : i32 to vector<16xi32>
      %and3A_654 = arith.andi %get3A_643, %and3A_653 : vector<16xi32>
      %gather3A_655 = tpu.vector_load_idx %arg12[%and3A_654] : memref<128xf32, #tpu.memory_space<vmem>>[vector<16xi32>], vector<16xf32>,
      %add3A_656 = arith.addf %gather3A_651, %gather3A_655 : vector<16xf32>
      %neg3A_657 = arith.constant 0.000000e+00 : f32
      %neg3A_658 = vector.broadcast %neg3A_657 : f32 to vector<16xf32>
      %neg3A_659 = arith.subf %neg3A_658, %add3A_656 : vector<16xf32>
      %exp3A_660 = math.exp %neg3A_659 : vector<16xf32>
      %add3A_661 = arith.constant 1.000000e+00 : f32
      %add3A_662 = vector.broadcast %add3A_661 : f32 to vector<16xf32>
      %add3A_663 = arith.addf %add3A_662, %exp3A_660 : vector<16xf32>
      %div3A_664 = arith.constant 1.000000e+00 : f32
      %div3A_665 = vector.broadcast %div3A_664 : f32 to vector<16xf32>
      %div3A_666 = arith.divf %div3A_665, %add3A_663 : vector<16xf32>
      %mul3A_667 = arith.constant 16 : i32
      %mul3A_668 = arith.muli %scan3A_635, %mul3A_667 : i32
      %swap3A_669 = arith.index_cast %mul3A_668 : i32 to index
      %swap3A_670 = tpu.vector_load %arg18[%swap3A_669] {strides = array<i32>} : memref<2048xf32, #tpu.memory_space<vmem>>, vector<16xf32>,
      tpu.vector_store %arg18[%swap3A_669], %div3A_666 {strides = array<i32>} : memref<2048xf32, #tpu.memory_space<vmem>>, vector<16xf32>,
      tpu.vector_store_idx %arg19[%and3A_654], %broadcast_in_dim3A_79 {add = true} : memref<128xf32, #tpu.memory_space<vmem>>[vector<16xi32>], vector<16xf32>,
      %mul3A_671 = arith.constant 256 : i32
      %mul3A_672 = vector.broadcast %mul3A_671 : i32 to vector<16xi32>
      %mul3A_673 = arith.muli %and3A_654, %mul3A_672 : vector<16xi32>
      %and3A_674 = arith.constant 63 : i32
      %and3A_675 = vector.broadcast %and3A_674 : i32 to vector<16xi32>
      %and3A_676 = arith.andi %get3A_639, %and3A_675 : vector<16xi32>
      %add3A_677 = arith.addi %mul3A_673, %and3A_676 : vector<16xi32>
      %mul3A_678 = arith.constant 4 : i32
      %mul3A_679 = vector.broadcast %mul3A_678 : i32 to vector<16xi32>
      %mul3A_680 = arith.muli %get3A_647, %mul3A_679 : vector<16xi32>
      %add3A_681 = arith.constant 0 : i32
      %add3A_682 = vector.broadcast %add3A_681 : i32 to vector<16xi32>
      %add3A_683 = arith.addi %mul3A_680, %add3A_682 : vector<16xi32>
      %gather3A_684 = tpu.vector_load_idx %arg16[%add3A_683] : memref<64xf32, #tpu.memory_space<vmem>>[vector<16xi32>], vector<16xf32>,
      %add3A_685 = arith.constant 0 : i32
      %add3A_686 = vector.broadcast %add3A_685 : i32 to vector<16xi32>
      %add3A_687 = arith.addi %add3A_677, %add3A_686 : vector<16xi32>
      %mul3A_688 = arith.mulf %div3A_666, %gather3A_684 : vector<16xf32>
      tpu.vector_store_idx %arg17[%add3A_687], %mul3A_688 {add = true} : memref<32768xf32, #tpu.memory_space<vmem>>[vector<16xi32>], vector<16xf32>,
      %add3A_689 = arith.constant 1 : i32
      %add3A_690 = vector.broadcast %add3A_689 : i32 to vector<16xi32>
      %add3A_691 = arith.addi %mul3A_680, %add3A_690 : vector<16xi32>
      %gather3A_692 = tpu.vector_load_idx %arg16[%add3A_691] : memref<64xf32, #tpu.memory_space<vmem>>[vector<16xi32>], vector<16xf32>,
      %add3A_693 = arith.constant 64 : i32
      %add3A_694 = vector.broadcast %add3A_693 : i32 to vector<16xi32>
      %add3A_695 = arith.addi %add3A_677, %add3A_694 : vector<16xi32>
      %mul3A_696 = arith.mulf %div3A_666, %gather3A_692 : vector<16xf32>
      tpu.vector_store_idx %arg17[%add3A_695], %mul3A_696 {add = true} : memref<32768xf32, #tpu.memory_space<vmem>>[vector<16xi32>], vector<16xf32>,
      %add3A_697 = arith.constant 2 : i32
      %add3A_698 = vector.broadcast %add3A_697 : i32 to vector<16xi32>
      %add3A_699 = arith.addi %mul3A_680, %add3A_698 : vector<16xi32>
      %gather3A_700 = tpu.vector_load_idx %arg16[%add3A_699] : memref<64xf32, #tpu.memory_space<vmem>>[vector<16xi32>], vector<16xf32>,
      %add3A_701 = arith.constant 128 : i32
      %add3A_702 = vector.broadcast %add3A_701 : i32 to vector<16xi32>
      %add3A_703 = arith.addi %add3A_677, %add3A_702 : vector<16xi32>
      %mul3A_704 = arith.mulf %div3A_666, %gather3A_700 : vector<16xf32>
      tpu.vector_store_idx %arg17[%add3A_703], %mul3A_704 {add = true} : memref<32768xf32, #tpu.memory_space<vmem>>[vector<16xi32>], vector<16xf32>,
      %add3A_705 = arith.constant 3 : i32
      %add3A_706 = vector.broadcast %add3A_705 : i32 to vector<16xi32>
      %add3A_707 = arith.addi %mul3A_680, %add3A_706 : vector<16xi32>
      %gather3A_708 = tpu.vector_load_idx %arg16[%add3A_707] : memref<64xf32, #tpu.memory_space<vmem>>[vector<16xi32>], vector<16xf32>,
      %add3A_709 = arith.constant 192 : i32
      %add3A_710 = vector.broadcast %add3A_709 : i32 to vector<16xi32>
      %add3A_711 = arith.addi %add3A_677, %add3A_710 : vector<16xi32>
      %mul3A_712 = arith.mulf %div3A_666, %gather3A_708 : vector<16xf32>
      tpu.vector_store_idx %arg17[%add3A_711], %mul3A_712 {add = true} : memref<32768xf32, #tpu.memory_space<vmem>>[vector<16xi32>], vector<16xf32>,
    }
    %scan3A_85 = arith.constant 128 : i32
    %mul3A_86 = arith.constant 32768 : i32
    %mul3A_87 = arith.muli %add3A, %mul3A_86 : i32
    "tpu.region"() ({
      %run_scoped3A = tpu.sem_alloc : memref<!tpu.dma_semaphore, #tpu.memory_space<semaphore_mem>>
      %dma_start3A_88 = tpu.memref_slice %arg8[%mul3A_87] : memref<1048576xf32, #tpu.memory_space<hbm>> -> memref<32768xf32, #tpu.memory_space<hbm>>
      %dma_start3A_89 = tpu.memref_slice %arg8[%mul3A_87] : memref<1048576xf32, #tpu.memory_space<hbm>> -> memref<32768xf32, #tpu.memory_space<hbm>>
      tpu.enqueue_dma source(%arg17 : memref<32768xf32, #tpu.memory_space<vmem>>) target(%dma_start3A_89 : memref<32768xf32, #tpu.memory_space<hbm>>) target_semaphore(%run_scoped3A : memref<!tpu.dma_semaphore, #tpu.memory_space<semaphore_mem>>)
      %dma_wait3A_90 = tpu.memref_slice %arg8[%mul3A_87] : memref<1048576xf32, #tpu.memory_space<hbm>> -> memref<32768xf32, #tpu.memory_space<hbm>>
      %dma_wait3A_91 = tpu.memref_slice %arg8[%mul3A_87] : memref<1048576xf32, #tpu.memory_space<hbm>> -> memref<32768xf32, #tpu.memory_space<hbm>>
      tpu.wait_dma2 semaphore(%run_scoped3A : memref<!tpu.dma_semaphore, #tpu.memory_space<semaphore_mem>>) src(%arg17 : memref<32768xf32, #tpu.memory_space<vmem>>) dst(%dma_wait3A_91 : memref<32768xf32, #tpu.memory_space<hbm>>)
      tpu.yield
    }) : () -> ()
    "tpu.region"() ({
      %run_scoped3A = tpu.sem_alloc : memref<!tpu.dma_semaphore, #tpu.memory_space<semaphore_mem>>
      %dma_start3A_88 = tpu.memref_slice %arg9[%mul3A_2] : memref<65536xf32, #tpu.memory_space<hbm>> -> memref<2048xf32, #tpu.memory_space<hbm>>
      %dma_start3A_89 = tpu.memref_slice %arg9[%mul3A_2] : memref<65536xf32, #tpu.memory_space<hbm>> -> memref<2048xf32, #tpu.memory_space<hbm>>
      tpu.enqueue_dma source(%arg18 : memref<2048xf32, #tpu.memory_space<vmem>>) target(%dma_start3A_89 : memref<2048xf32, #tpu.memory_space<hbm>>) target_semaphore(%run_scoped3A : memref<!tpu.dma_semaphore, #tpu.memory_space<semaphore_mem>>)
      %dma_wait3A_90 = tpu.memref_slice %arg9[%mul3A_2] : memref<65536xf32, #tpu.memory_space<hbm>> -> memref<2048xf32, #tpu.memory_space<hbm>>
      %dma_wait3A_91 = tpu.memref_slice %arg9[%mul3A_2] : memref<65536xf32, #tpu.memory_space<hbm>> -> memref<2048xf32, #tpu.memory_space<hbm>>
      tpu.wait_dma2 semaphore(%run_scoped3A : memref<!tpu.dma_semaphore, #tpu.memory_space<semaphore_mem>>) src(%arg18 : memref<2048xf32, #tpu.memory_space<vmem>>) dst(%dma_wait3A_91 : memref<2048xf32, #tpu.memory_space<hbm>>)
      tpu.yield
    }) : () -> ()
    "tpu.region"() ({
      %run_scoped3A = tpu.sem_alloc : memref<!tpu.dma_semaphore, #tpu.memory_space<semaphore_mem>>
      %dma_start3A_88 = tpu.memref_slice %arg10[%mul3A_4] : memref<4096xf32, #tpu.memory_space<hbm>> -> memref<128xf32, #tpu.memory_space<hbm>>
      %dma_start3A_89 = tpu.memref_slice %arg10[%mul3A_4] : memref<4096xf32, #tpu.memory_space<hbm>> -> memref<128xf32, #tpu.memory_space<hbm>>
      tpu.enqueue_dma source(%arg19 : memref<128xf32, #tpu.memory_space<vmem>>) target(%dma_start3A_89 : memref<128xf32, #tpu.memory_space<hbm>>) target_semaphore(%run_scoped3A : memref<!tpu.dma_semaphore, #tpu.memory_space<semaphore_mem>>)
      %dma_wait3A_90 = tpu.memref_slice %arg10[%mul3A_4] : memref<4096xf32, #tpu.memory_space<hbm>> -> memref<128xf32, #tpu.memory_space<hbm>>
      %dma_wait3A_91 = tpu.memref_slice %arg10[%mul3A_4] : memref<4096xf32, #tpu.memory_space<hbm>> -> memref<128xf32, #tpu.memory_space<hbm>>
      tpu.wait_dma2 semaphore(%run_scoped3A : memref<!tpu.dma_semaphore, #tpu.memory_space<semaphore_mem>>) src(%arg19 : memref<128xf32, #tpu.memory_space<vmem>>) dst(%dma_wait3A_91 : memref<128xf32, #tpu.memory_space<hbm>>)
      tpu.yield
    }) : () -> ()
    return
  }
}

#map = affine_map<(d0, d1) -> (0)>
module attributes {stable_mosaic.version = 14 : i64} {
  func.func @_sc_edge_body(%arg0: i32, %arg1: i32, %arg2: memref<4096xf32, #tpu.memory_space<hbm>>, %arg3: memref<4096xf32, #tpu.memory_space<hbm>>, %arg4: memref<65536xi32, #tpu.memory_space<hbm>>, %arg5: memref<65536xi32, #tpu.memory_space<hbm>>, %arg6: memref<65536xi32, #tpu.memory_space<hbm>>, %arg7: memref<192xf32, #tpu.memory_space<hbm>>, %arg8: memref<1048576xf32, #tpu.memory_space<hbm>>, %arg9: memref<65536xf32, #tpu.memory_space<hbm>>, %arg10: memref<4096xf32, #tpu.memory_space<hbm>>, %arg11: memref<128xf32, #tpu.memory_space<vmem>>, %arg12: memref<128xf32, #tpu.memory_space<vmem>>, %arg13: memref<2048xi32, #tpu.memory_space<vmem>>, %arg14: memref<2048xi32, #tpu.memory_space<vmem>>, %arg15: memref<2048xi32, #tpu.memory_space<vmem>>, %arg16: memref<64xf32, #tpu.memory_space<vmem>>, %arg17: memref<32768xf32, #tpu.memory_space<vmem>>, %arg18: memref<2048xf32, #tpu.memory_space<vmem>>, %arg19: memref<128xf32, #tpu.memory_space<vmem>>, %arg20: memref<!tpu.dma_semaphore, #tpu.memory_space<semaphore_mem>>) attributes {dimension_semantics = [#tpu.dimension_semantics<core_parallel>, #tpu.dimension_semantics<subcore_parallel>], iteration_bounds = array<i64: 2, 16>, scalar_prefetch = 0 : i64, scratch_operands = 10 : i64, tpu.core_type = #tpu.core_type<sc_vector_subcore>, window_params = [{transform_indices = #map}, {transform_indices = #map}, {transform_indices = #map}, {transform_indices = #map}, {transform_indices = #map}, {transform_indices = #map}, {transform_indices = #map}, {transform_indices = #map}, {transform_indices = #map}]} {
    %mul3A = arith.constant 2 : i32
    %mul3A_0 = arith.muli %arg1, %mul3A : i32
    %add3A = arith.addi %mul3A_0, %arg0 : i32
    %mul3A_1 = arith.constant 2048 : i32
    %mul3A_2 = arith.muli %add3A, %mul3A_1 : i32
    %mul3A_3 = arith.constant 128 : i32
    %mul3A_4 = arith.muli %add3A, %mul3A_3 : i32
    %dma_start3A = tpu.memref_slice %arg2[%mul3A_4] : memref<4096xf32, #tpu.memory_space<hbm>> -> memref<128xf32, #tpu.memory_space<hbm>>
    %dma_start3A_5 = tpu.memref_slice %arg2[%mul3A_4] : memref<4096xf32, #tpu.memory_space<hbm>> -> memref<128xf32, #tpu.memory_space<hbm>>
    tpu.enqueue_dma source(%dma_start3A_5 : memref<128xf32, #tpu.memory_space<hbm>>) target(%arg11 : memref<128xf32, #tpu.memory_space<vmem>>) target_semaphore(%arg20 : memref<!tpu.dma_semaphore, #tpu.memory_space<semaphore_mem>>)
    %dma_start3A_6 = tpu.memref_slice %arg3[%mul3A_4] : memref<4096xf32, #tpu.memory_space<hbm>> -> memref<128xf32, #tpu.memory_space<hbm>>
    %dma_start3A_7 = tpu.memref_slice %arg3[%mul3A_4] : memref<4096xf32, #tpu.memory_space<hbm>> -> memref<128xf32, #tpu.memory_space<hbm>>
    tpu.enqueue_dma source(%dma_start3A_7 : memref<128xf32, #tpu.memory_space<hbm>>) target(%arg12 : memref<128xf32, #tpu.memory_space<vmem>>) target_semaphore(%arg20 : memref<!tpu.dma_semaphore, #tpu.memory_space<semaphore_mem>>)
    %dma_start3A_8 = tpu.memref_slice %arg4[%mul3A_2] : memref<65536xi32, #tpu.memory_space<hbm>> -> memref<2048xi32, #tpu.memory_space<hbm>>
    %dma_start3A_9 = tpu.memref_slice %arg4[%mul3A_2] : memref<65536xi32, #tpu.memory_space<hbm>> -> memref<2048xi32, #tpu.memory_space<hbm>>
    tpu.enqueue_dma source(%dma_start3A_9 : memref<2048xi32, #tpu.memory_space<hbm>>) target(%arg13 : memref<2048xi32, #tpu.memory_space<vmem>>) target_semaphore(%arg20 : memref<!tpu.dma_semaphore, #tpu.memory_space<semaphore_mem>>)
    %dma_start3A_10 = tpu.memref_slice %arg5[%mul3A_2] : memref<65536xi32, #tpu.memory_space<hbm>> -> memref<2048xi32, #tpu.memory_space<hbm>>
    %dma_start3A_11 = tpu.memref_slice %arg5[%mul3A_2] : memref<65536xi32, #tpu.memory_space<hbm>> -> memref<2048xi32, #tpu.memory_space<hbm>>
    tpu.enqueue_dma source(%dma_start3A_11 : memref<2048xi32, #tpu.memory_space<hbm>>) target(%arg14 : memref<2048xi32, #tpu.memory_space<vmem>>) target_semaphore(%arg20 : memref<!tpu.dma_semaphore, #tpu.memory_space<semaphore_mem>>)
    %dma_start3A_12 = tpu.memref_slice %arg6[%mul3A_2] : memref<65536xi32, #tpu.memory_space<hbm>> -> memref<2048xi32, #tpu.memory_space<hbm>>
    %dma_start3A_13 = tpu.memref_slice %arg6[%mul3A_2] : memref<65536xi32, #tpu.memory_space<hbm>> -> memref<2048xi32, #tpu.memory_space<hbm>>
    tpu.enqueue_dma source(%dma_start3A_13 : memref<2048xi32, #tpu.memory_space<hbm>>) target(%arg15 : memref<2048xi32, #tpu.memory_space<vmem>>) target_semaphore(%arg20 : memref<!tpu.dma_semaphore, #tpu.memory_space<semaphore_mem>>)
    %dma_start3A_14 = arith.constant 64 : i32
    %dma_start3A_15 = tpu.memref_slice %arg7[%dma_start3A_14] : memref<192xf32, #tpu.memory_space<hbm>> -> memref<64xf32, #tpu.memory_space<hbm>>
    %dma_start3A_16 = arith.constant 64 : i32
    %dma_start3A_17 = tpu.memref_slice %arg7[%dma_start3A_16] : memref<192xf32, #tpu.memory_space<hbm>> -> memref<64xf32, #tpu.memory_space<hbm>>
    tpu.enqueue_dma source(%dma_start3A_17 : memref<64xf32, #tpu.memory_space<hbm>>) target(%arg16 : memref<64xf32, #tpu.memory_space<vmem>>) target_semaphore(%arg20 : memref<!tpu.dma_semaphore, #tpu.memory_space<semaphore_mem>>)
    %broadcast_in_dim3A = arith.constant 0.000000e+00 : f32
    %broadcast_in_dim3A_18 = vector.broadcast %broadcast_in_dim3A : f32 to vector<16xf32>
    %scan3A = arith.constant 0 : i32
    %scan3A_19 = arith.constant 0 : i32
    %scan3A_20 = arith.constant 2048 : i32
    %scan3A_21 = arith.addi %scan3A_19, %scan3A_20 : i32
    %scan3A_22 = arith.constant 32 : i32
    scf.for %scan3A_47 = %scan3A_19 to %scan3A_21 step %scan3A_22  : i32 {
      %mul3A_48 = arith.constant 16 : i32
      %mul3A_49 = arith.muli %scan3A_47, %mul3A_48 : i32
      %swap3A = arith.index_cast %mul3A_49 : i32 to index
      %swap3A_50 = tpu.vector_load %arg17[%swap3A] {strides = array<i32>} : memref<32768xf32, #tpu.memory_space<vmem>>, vector<16xf32>,
      tpu.vector_store %arg17[%swap3A], %broadcast_in_dim3A_18 {strides = array<i32>} : memref<32768xf32, #tpu.memory_space<vmem>>, vector<16xf32>,
      %scan3A_51 = arith.constant 1 : i32
      %scan3A_52 = arith.addi %scan3A_47, %scan3A_51 : i32
      %mul3A_53 = arith.constant 16 : i32
      %mul3A_54 = arith.muli %scan3A_52, %mul3A_53 : i32
      %swap3A_55 = arith.index_cast %mul3A_54 : i32 to index
      %swap3A_56 = tpu.vector_load %arg17[%swap3A_55] {strides = array<i32>} : memref<32768xf32, #tpu.memory_space<vmem>>, vector<16xf32>,
      tpu.vector_store %arg17[%swap3A_55], %broadcast_in_dim3A_18 {strides = array<i32>} : memref<32768xf32, #tpu.memory_space<vmem>>, vector<16xf32>,
      %scan3A_57 = arith.constant 2 : i32
      %scan3A_58 = arith.addi %scan3A_47, %scan3A_57 : i32
      %mul3A_59 = arith.constant 16 : i32
      %mul3A_60 = arith.muli %scan3A_58, %mul3A_59 : i32
      %swap3A_61 = arith.index_cast %mul3A_60 : i32 to index
      %swap3A_62 = tpu.vector_load %arg17[%swap3A_61] {strides = array<i32>} : memref<32768xf32, #tpu.memory_space<vmem>>, vector<16xf32>,
      tpu.vector_store %arg17[%swap3A_61], %broadcast_in_dim3A_18 {strides = array<i32>} : memref<32768xf32, #tpu.memory_space<vmem>>, vector<16xf32>,
      %scan3A_63 = arith.constant 3 : i32
      %scan3A_64 = arith.addi %scan3A_47, %scan3A_63 : i32
      %mul3A_65 = arith.constant 16 : i32
      %mul3A_66 = arith.muli %scan3A_64, %mul3A_65 : i32
      %swap3A_67 = arith.index_cast %mul3A_66 : i32 to index
      %swap3A_68 = tpu.vector_load %arg17[%swap3A_67] {strides = array<i32>} : memref<32768xf32, #tpu.memory_space<vmem>>, vector<16xf32>,
      tpu.vector_store %arg17[%swap3A_67], %broadcast_in_dim3A_18 {strides = array<i32>} : memref<32768xf32, #tpu.memory_space<vmem>>, vector<16xf32>,
      %scan3A_69 = arith.constant 4 : i32
      %scan3A_70 = arith.addi %scan3A_47, %scan3A_69 : i32
      %mul3A_71 = arith.constant 16 : i32
      %mul3A_72 = arith.muli %scan3A_70, %mul3A_71 : i32
      %swap3A_73 = arith.index_cast %mul3A_72 : i32 to index
      %swap3A_74 = tpu.vector_load %arg17[%swap3A_73] {strides = array<i32>} : memref<32768xf32, #tpu.memory_space<vmem>>, vector<16xf32>,
      tpu.vector_store %arg17[%swap3A_73], %broadcast_in_dim3A_18 {strides = array<i32>} : memref<32768xf32, #tpu.memory_space<vmem>>, vector<16xf32>,
      %scan3A_75 = arith.constant 5 : i32
      %scan3A_76 = arith.addi %scan3A_47, %scan3A_75 : i32
      %mul3A_77 = arith.constant 16 : i32
      %mul3A_78 = arith.muli %scan3A_76, %mul3A_77 : i32
      %swap3A_79 = arith.index_cast %mul3A_78 : i32 to index
      %swap3A_80 = tpu.vector_load %arg17[%swap3A_79] {strides = array<i32>} : memref<32768xf32, #tpu.memory_space<vmem>>, vector<16xf32>,
      tpu.vector_store %arg17[%swap3A_79], %broadcast_in_dim3A_18 {strides = array<i32>} : memref<32768xf32, #tpu.memory_space<vmem>>, vector<16xf32>,
      %scan3A_81 = arith.constant 6 : i32
      %scan3A_82 = arith.addi %scan3A_47, %scan3A_81 : i32
      %mul3A_83 = arith.constant 16 : i32
      %mul3A_84 = arith.muli %scan3A_82, %mul3A_83 : i32
      %swap3A_85 = arith.index_cast %mul3A_84 : i32 to index
      %swap3A_86 = tpu.vector_load %arg17[%swap3A_85] {strides = array<i32>} : memref<32768xf32, #tpu.memory_space<vmem>>, vector<16xf32>,
      tpu.vector_store %arg17[%swap3A_85], %broadcast_in_dim3A_18 {strides = array<i32>} : memref<32768xf32, #tpu.memory_space<vmem>>, vector<16xf32>,
      %scan3A_87 = arith.constant 7 : i32
      %scan3A_88 = arith.addi %scan3A_47, %scan3A_87 : i32
      %mul3A_89 = arith.constant 16 : i32
      %mul3A_90 = arith.muli %scan3A_88, %mul3A_89 : i32
      %swap3A_91 = arith.index_cast %mul3A_90 : i32 to index
      %swap3A_92 = tpu.vector_load %arg17[%swap3A_91] {strides = array<i32>} : memref<32768xf32, #tpu.memory_space<vmem>>, vector<16xf32>,
      tpu.vector_store %arg17[%swap3A_91], %broadcast_in_dim3A_18 {strides = array<i32>} : memref<32768xf32, #tpu.memory_space<vmem>>, vector<16xf32>,
      %scan3A_93 = arith.constant 8 : i32
      %scan3A_94 = arith.addi %scan3A_47, %scan3A_93 : i32
      %mul3A_95 = arith.constant 16 : i32
      %mul3A_96 = arith.muli %scan3A_94, %mul3A_95 : i32
      %swap3A_97 = arith.index_cast %mul3A_96 : i32 to index
      %swap3A_98 = tpu.vector_load %arg17[%swap3A_97] {strides = array<i32>} : memref<32768xf32, #tpu.memory_space<vmem>>, vector<16xf32>,
      tpu.vector_store %arg17[%swap3A_97], %broadcast_in_dim3A_18 {strides = array<i32>} : memref<32768xf32, #tpu.memory_space<vmem>>, vector<16xf32>,
      %scan3A_99 = arith.constant 9 : i32
      %scan3A_100 = arith.addi %scan3A_47, %scan3A_99 : i32
      %mul3A_101 = arith.constant 16 : i32
      %mul3A_102 = arith.muli %scan3A_100, %mul3A_101 : i32
      %swap3A_103 = arith.index_cast %mul3A_102 : i32 to index
      %swap3A_104 = tpu.vector_load %arg17[%swap3A_103] {strides = array<i32>} : memref<32768xf32, #tpu.memory_space<vmem>>, vector<16xf32>,
      tpu.vector_store %arg17[%swap3A_103], %broadcast_in_dim3A_18 {strides = array<i32>} : memref<32768xf32, #tpu.memory_space<vmem>>, vector<16xf32>,
      %scan3A_105 = arith.constant 10 : i32
      %scan3A_106 = arith.addi %scan3A_47, %scan3A_105 : i32
      %mul3A_107 = arith.constant 16 : i32
      %mul3A_108 = arith.muli %scan3A_106, %mul3A_107 : i32
      %swap3A_109 = arith.index_cast %mul3A_108 : i32 to index
      %swap3A_110 = tpu.vector_load %arg17[%swap3A_109] {strides = array<i32>} : memref<32768xf32, #tpu.memory_space<vmem>>, vector<16xf32>,
      tpu.vector_store %arg17[%swap3A_109], %broadcast_in_dim3A_18 {strides = array<i32>} : memref<32768xf32, #tpu.memory_space<vmem>>, vector<16xf32>,
      %scan3A_111 = arith.constant 11 : i32
      %scan3A_112 = arith.addi %scan3A_47, %scan3A_111 : i32
      %mul3A_113 = arith.constant 16 : i32
      %mul3A_114 = arith.muli %scan3A_112, %mul3A_113 : i32
      %swap3A_115 = arith.index_cast %mul3A_114 : i32 to index
      %swap3A_116 = tpu.vector_load %arg17[%swap3A_115] {strides = array<i32>} : memref<32768xf32, #tpu.memory_space<vmem>>, vector<16xf32>,
      tpu.vector_store %arg17[%swap3A_115], %broadcast_in_dim3A_18 {strides = array<i32>} : memref<32768xf32, #tpu.memory_space<vmem>>, vector<16xf32>,
      %scan3A_117 = arith.constant 12 : i32
      %scan3A_118 = arith.addi %scan3A_47, %scan3A_117 : i32
      %mul3A_119 = arith.constant 16 : i32
      %mul3A_120 = arith.muli %scan3A_118, %mul3A_119 : i32
      %swap3A_121 = arith.index_cast %mul3A_120 : i32 to index
      %swap3A_122 = tpu.vector_load %arg17[%swap3A_121] {strides = array<i32>} : memref<32768xf32, #tpu.memory_space<vmem>>, vector<16xf32>,
      tpu.vector_store %arg17[%swap3A_121], %broadcast_in_dim3A_18 {strides = array<i32>} : memref<32768xf32, #tpu.memory_space<vmem>>, vector<16xf32>,
      %scan3A_123 = arith.constant 13 : i32
      %scan3A_124 = arith.addi %scan3A_47, %scan3A_123 : i32
      %mul3A_125 = arith.constant 16 : i32
      %mul3A_126 = arith.muli %scan3A_124, %mul3A_125 : i32
      %swap3A_127 = arith.index_cast %mul3A_126 : i32 to index
      %swap3A_128 = tpu.vector_load %arg17[%swap3A_127] {strides = array<i32>} : memref<32768xf32, #tpu.memory_space<vmem>>, vector<16xf32>,
      tpu.vector_store %arg17[%swap3A_127], %broadcast_in_dim3A_18 {strides = array<i32>} : memref<32768xf32, #tpu.memory_space<vmem>>, vector<16xf32>,
      %scan3A_129 = arith.constant 14 : i32
      %scan3A_130 = arith.addi %scan3A_47, %scan3A_129 : i32
      %mul3A_131 = arith.constant 16 : i32
      %mul3A_132 = arith.muli %scan3A_130, %mul3A_131 : i32
      %swap3A_133 = arith.index_cast %mul3A_132 : i32 to index
      %swap3A_134 = tpu.vector_load %arg17[%swap3A_133] {strides = array<i32>} : memref<32768xf32, #tpu.memory_space<vmem>>, vector<16xf32>,
      tpu.vector_store %arg17[%swap3A_133], %broadcast_in_dim3A_18 {strides = array<i32>} : memref<32768xf32, #tpu.memory_space<vmem>>, vector<16xf32>,
      %scan3A_135 = arith.constant 15 : i32
      %scan3A_136 = arith.addi %scan3A_47, %scan3A_135 : i32
      %mul3A_137 = arith.constant 16 : i32
      %mul3A_138 = arith.muli %scan3A_136, %mul3A_137 : i32
      %swap3A_139 = arith.index_cast %mul3A_138 : i32 to index
      %swap3A_140 = tpu.vector_load %arg17[%swap3A_139] {strides = array<i32>} : memref<32768xf32, #tpu.memory_space<vmem>>, vector<16xf32>,
      tpu.vector_store %arg17[%swap3A_139], %broadcast_in_dim3A_18 {strides = array<i32>} : memref<32768xf32, #tpu.memory_space<vmem>>, vector<16xf32>,
      %scan3A_141 = arith.constant 16 : i32
      %scan3A_142 = arith.addi %scan3A_47, %scan3A_141 : i32
      %mul3A_143 = arith.constant 16 : i32
      %mul3A_144 = arith.muli %scan3A_142, %mul3A_143 : i32
      %swap3A_145 = arith.index_cast %mul3A_144 : i32 to index
      %swap3A_146 = tpu.vector_load %arg17[%swap3A_145] {strides = array<i32>} : memref<32768xf32, #tpu.memory_space<vmem>>, vector<16xf32>,
      tpu.vector_store %arg17[%swap3A_145], %broadcast_in_dim3A_18 {strides = array<i32>} : memref<32768xf32, #tpu.memory_space<vmem>>, vector<16xf32>,
      %scan3A_147 = arith.constant 17 : i32
      %scan3A_148 = arith.addi %scan3A_47, %scan3A_147 : i32
      %mul3A_149 = arith.constant 16 : i32
      %mul3A_150 = arith.muli %scan3A_148, %mul3A_149 : i32
      %swap3A_151 = arith.index_cast %mul3A_150 : i32 to index
      %swap3A_152 = tpu.vector_load %arg17[%swap3A_151] {strides = array<i32>} : memref<32768xf32, #tpu.memory_space<vmem>>, vector<16xf32>,
      tpu.vector_store %arg17[%swap3A_151], %broadcast_in_dim3A_18 {strides = array<i32>} : memref<32768xf32, #tpu.memory_space<vmem>>, vector<16xf32>,
      %scan3A_153 = arith.constant 18 : i32
      %scan3A_154 = arith.addi %scan3A_47, %scan3A_153 : i32
      %mul3A_155 = arith.constant 16 : i32
      %mul3A_156 = arith.muli %scan3A_154, %mul3A_155 : i32
      %swap3A_157 = arith.index_cast %mul3A_156 : i32 to index
      %swap3A_158 = tpu.vector_load %arg17[%swap3A_157] {strides = array<i32>} : memref<32768xf32, #tpu.memory_space<vmem>>, vector<16xf32>,
      tpu.vector_store %arg17[%swap3A_157], %broadcast_in_dim3A_18 {strides = array<i32>} : memref<32768xf32, #tpu.memory_space<vmem>>, vector<16xf32>,
      %scan3A_159 = arith.constant 19 : i32
      %scan3A_160 = arith.addi %scan3A_47, %scan3A_159 : i32
      %mul3A_161 = arith.constant 16 : i32
      %mul3A_162 = arith.muli %scan3A_160, %mul3A_161 : i32
      %swap3A_163 = arith.index_cast %mul3A_162 : i32 to index
      %swap3A_164 = tpu.vector_load %arg17[%swap3A_163] {strides = array<i32>} : memref<32768xf32, #tpu.memory_space<vmem>>, vector<16xf32>,
      tpu.vector_store %arg17[%swap3A_163], %broadcast_in_dim3A_18 {strides = array<i32>} : memref<32768xf32, #tpu.memory_space<vmem>>, vector<16xf32>,
      %scan3A_165 = arith.constant 20 : i32
      %scan3A_166 = arith.addi %scan3A_47, %scan3A_165 : i32
      %mul3A_167 = arith.constant 16 : i32
      %mul3A_168 = arith.muli %scan3A_166, %mul3A_167 : i32
      %swap3A_169 = arith.index_cast %mul3A_168 : i32 to index
      %swap3A_170 = tpu.vector_load %arg17[%swap3A_169] {strides = array<i32>} : memref<32768xf32, #tpu.memory_space<vmem>>, vector<16xf32>,
      tpu.vector_store %arg17[%swap3A_169], %broadcast_in_dim3A_18 {strides = array<i32>} : memref<32768xf32, #tpu.memory_space<vmem>>, vector<16xf32>,
      %scan3A_171 = arith.constant 21 : i32
      %scan3A_172 = arith.addi %scan3A_47, %scan3A_171 : i32
      %mul3A_173 = arith.constant 16 : i32
      %mul3A_174 = arith.muli %scan3A_172, %mul3A_173 : i32
      %swap3A_175 = arith.index_cast %mul3A_174 : i32 to index
      %swap3A_176 = tpu.vector_load %arg17[%swap3A_175] {strides = array<i32>} : memref<32768xf32, #tpu.memory_space<vmem>>, vector<16xf32>,
      tpu.vector_store %arg17[%swap3A_175], %broadcast_in_dim3A_18 {strides = array<i32>} : memref<32768xf32, #tpu.memory_space<vmem>>, vector<16xf32>,
      %scan3A_177 = arith.constant 22 : i32
      %scan3A_178 = arith.addi %scan3A_47, %scan3A_177 : i32
      %mul3A_179 = arith.constant 16 : i32
      %mul3A_180 = arith.muli %scan3A_178, %mul3A_179 : i32
      %swap3A_181 = arith.index_cast %mul3A_180 : i32 to index
      %swap3A_182 = tpu.vector_load %arg17[%swap3A_181] {strides = array<i32>} : memref<32768xf32, #tpu.memory_space<vmem>>, vector<16xf32>,
      tpu.vector_store %arg17[%swap3A_181], %broadcast_in_dim3A_18 {strides = array<i32>} : memref<32768xf32, #tpu.memory_space<vmem>>, vector<16xf32>,
      %scan3A_183 = arith.constant 23 : i32
      %scan3A_184 = arith.addi %scan3A_47, %scan3A_183 : i32
      %mul3A_185 = arith.constant 16 : i32
      %mul3A_186 = arith.muli %scan3A_184, %mul3A_185 : i32
      %swap3A_187 = arith.index_cast %mul3A_186 : i32 to index
      %swap3A_188 = tpu.vector_load %arg17[%swap3A_187] {strides = array<i32>} : memref<32768xf32, #tpu.memory_space<vmem>>, vector<16xf32>,
      tpu.vector_store %arg17[%swap3A_187], %broadcast_in_dim3A_18 {strides = array<i32>} : memref<32768xf32, #tpu.memory_space<vmem>>, vector<16xf32>,
      %scan3A_189 = arith.constant 24 : i32
      %scan3A_190 = arith.addi %scan3A_47, %scan3A_189 : i32
      %mul3A_191 = arith.constant 16 : i32
      %mul3A_192 = arith.muli %scan3A_190, %mul3A_191 : i32
      %swap3A_193 = arith.index_cast %mul3A_192 : i32 to index
      %swap3A_194 = tpu.vector_load %arg17[%swap3A_193] {strides = array<i32>} : memref<32768xf32, #tpu.memory_space<vmem>>, vector<16xf32>,
      tpu.vector_store %arg17[%swap3A_193], %broadcast_in_dim3A_18 {strides = array<i32>} : memref<32768xf32, #tpu.memory_space<vmem>>, vector<16xf32>,
      %scan3A_195 = arith.constant 25 : i32
      %scan3A_196 = arith.addi %scan3A_47, %scan3A_195 : i32
      %mul3A_197 = arith.constant 16 : i32
      %mul3A_198 = arith.muli %scan3A_196, %mul3A_197 : i32
      %swap3A_199 = arith.index_cast %mul3A_198 : i32 to index
      %swap3A_200 = tpu.vector_load %arg17[%swap3A_199] {strides = array<i32>} : memref<32768xf32, #tpu.memory_space<vmem>>, vector<16xf32>,
      tpu.vector_store %arg17[%swap3A_199], %broadcast_in_dim3A_18 {strides = array<i32>} : memref<32768xf32, #tpu.memory_space<vmem>>, vector<16xf32>,
      %scan3A_201 = arith.constant 26 : i32
      %scan3A_202 = arith.addi %scan3A_47, %scan3A_201 : i32
      %mul3A_203 = arith.constant 16 : i32
      %mul3A_204 = arith.muli %scan3A_202, %mul3A_203 : i32
      %swap3A_205 = arith.index_cast %mul3A_204 : i32 to index
      %swap3A_206 = tpu.vector_load %arg17[%swap3A_205] {strides = array<i32>} : memref<32768xf32, #tpu.memory_space<vmem>>, vector<16xf32>,
      tpu.vector_store %arg17[%swap3A_205], %broadcast_in_dim3A_18 {strides = array<i32>} : memref<32768xf32, #tpu.memory_space<vmem>>, vector<16xf32>,
      %scan3A_207 = arith.constant 27 : i32
      %scan3A_208 = arith.addi %scan3A_47, %scan3A_207 : i32
      %mul3A_209 = arith.constant 16 : i32
      %mul3A_210 = arith.muli %scan3A_208, %mul3A_209 : i32
      %swap3A_211 = arith.index_cast %mul3A_210 : i32 to index
      %swap3A_212 = tpu.vector_load %arg17[%swap3A_211] {strides = array<i32>} : memref<32768xf32, #tpu.memory_space<vmem>>, vector<16xf32>,
      tpu.vector_store %arg17[%swap3A_211], %broadcast_in_dim3A_18 {strides = array<i32>} : memref<32768xf32, #tpu.memory_space<vmem>>, vector<16xf32>,
      %scan3A_213 = arith.constant 28 : i32
      %scan3A_214 = arith.addi %scan3A_47, %scan3A_213 : i32
      %mul3A_215 = arith.constant 16 : i32
      %mul3A_216 = arith.muli %scan3A_214, %mul3A_215 : i32
      %swap3A_217 = arith.index_cast %mul3A_216 : i32 to index
      %swap3A_218 = tpu.vector_load %arg17[%swap3A_217] {strides = array<i32>} : memref<32768xf32, #tpu.memory_space<vmem>>, vector<16xf32>,
      tpu.vector_store %arg17[%swap3A_217], %broadcast_in_dim3A_18 {strides = array<i32>} : memref<32768xf32, #tpu.memory_space<vmem>>, vector<16xf32>,
      %scan3A_219 = arith.constant 29 : i32
      %scan3A_220 = arith.addi %scan3A_47, %scan3A_219 : i32
      %mul3A_221 = arith.constant 16 : i32
      %mul3A_222 = arith.muli %scan3A_220, %mul3A_221 : i32
      %swap3A_223 = arith.index_cast %mul3A_222 : i32 to index
      %swap3A_224 = tpu.vector_load %arg17[%swap3A_223] {strides = array<i32>} : memref<32768xf32, #tpu.memory_space<vmem>>, vector<16xf32>,
      tpu.vector_store %arg17[%swap3A_223], %broadcast_in_dim3A_18 {strides = array<i32>} : memref<32768xf32, #tpu.memory_space<vmem>>, vector<16xf32>,
      %scan3A_225 = arith.constant 30 : i32
      %scan3A_226 = arith.addi %scan3A_47, %scan3A_225 : i32
      %mul3A_227 = arith.constant 16 : i32
      %mul3A_228 = arith.muli %scan3A_226, %mul3A_227 : i32
      %swap3A_229 = arith.index_cast %mul3A_228 : i32 to index
      %swap3A_230 = tpu.vector_load %arg17[%swap3A_229] {strides = array<i32>} : memref<32768xf32, #tpu.memory_space<vmem>>, vector<16xf32>,
      tpu.vector_store %arg17[%swap3A_229], %broadcast_in_dim3A_18 {strides = array<i32>} : memref<32768xf32, #tpu.memory_space<vmem>>, vector<16xf32>,
      %scan3A_231 = arith.constant 31 : i32
      %scan3A_232 = arith.addi %scan3A_47, %scan3A_231 : i32
      %mul3A_233 = arith.constant 16 : i32
      %mul3A_234 = arith.muli %scan3A_232, %mul3A_233 : i32
      %swap3A_235 = arith.index_cast %mul3A_234 : i32 to index
      %swap3A_236 = tpu.vector_load %arg17[%swap3A_235] {strides = array<i32>} : memref<32768xf32, #tpu.memory_space<vmem>>, vector<16xf32>,
      tpu.vector_store %arg17[%swap3A_235], %broadcast_in_dim3A_18 {strides = array<i32>} : memref<32768xf32, #tpu.memory_space<vmem>>, vector<16xf32>,
    }
    %scan3A_23 = arith.constant 2048 : i32
    %dma_wait3A = tpu.memref_slice %arg2[%mul3A_4] : memref<4096xf32, #tpu.memory_space<hbm>> -> memref<128xf32, #tpu.memory_space<hbm>>
    %dma_wait3A_24 = tpu.memref_slice %arg2[%mul3A_4] : memref<4096xf32, #tpu.memory_space<hbm>> -> memref<128xf32, #tpu.memory_space<hbm>>
    tpu.wait_dma2 semaphore(%arg20 : memref<!tpu.dma_semaphore, #tpu.memory_space<semaphore_mem>>) src(%dma_wait3A_24 : memref<128xf32, #tpu.memory_space<hbm>>) dst(%arg11 : memref<128xf32, #tpu.memory_space<vmem>>)
    %dma_wait3A_25 = tpu.memref_slice %arg3[%mul3A_4] : memref<4096xf32, #tpu.memory_space<hbm>> -> memref<128xf32, #tpu.memory_space<hbm>>
    %dma_wait3A_26 = tpu.memref_slice %arg3[%mul3A_4] : memref<4096xf32, #tpu.memory_space<hbm>> -> memref<128xf32, #tpu.memory_space<hbm>>
    tpu.wait_dma2 semaphore(%arg20 : memref<!tpu.dma_semaphore, #tpu.memory_space<semaphore_mem>>) src(%dma_wait3A_26 : memref<128xf32, #tpu.memory_space<hbm>>) dst(%arg12 : memref<128xf32, #tpu.memory_space<vmem>>)
    %dma_wait3A_27 = tpu.memref_slice %arg4[%mul3A_2] : memref<65536xi32, #tpu.memory_space<hbm>> -> memref<2048xi32, #tpu.memory_space<hbm>>
    %dma_wait3A_28 = tpu.memref_slice %arg4[%mul3A_2] : memref<65536xi32, #tpu.memory_space<hbm>> -> memref<2048xi32, #tpu.memory_space<hbm>>
    tpu.wait_dma2 semaphore(%arg20 : memref<!tpu.dma_semaphore, #tpu.memory_space<semaphore_mem>>) src(%dma_wait3A_28 : memref<2048xi32, #tpu.memory_space<hbm>>) dst(%arg13 : memref<2048xi32, #tpu.memory_space<vmem>>)
    %dma_wait3A_29 = tpu.memref_slice %arg5[%mul3A_2] : memref<65536xi32, #tpu.memory_space<hbm>> -> memref<2048xi32, #tpu.memory_space<hbm>>
    %dma_wait3A_30 = tpu.memref_slice %arg5[%mul3A_2] : memref<65536xi32, #tpu.memory_space<hbm>> -> memref<2048xi32, #tpu.memory_space<hbm>>
    tpu.wait_dma2 semaphore(%arg20 : memref<!tpu.dma_semaphore, #tpu.memory_space<semaphore_mem>>) src(%dma_wait3A_30 : memref<2048xi32, #tpu.memory_space<hbm>>) dst(%arg14 : memref<2048xi32, #tpu.memory_space<vmem>>)
    %dma_wait3A_31 = tpu.memref_slice %arg6[%mul3A_2] : memref<65536xi32, #tpu.memory_space<hbm>> -> memref<2048xi32, #tpu.memory_space<hbm>>
    %dma_wait3A_32 = tpu.memref_slice %arg6[%mul3A_2] : memref<65536xi32, #tpu.memory_space<hbm>> -> memref<2048xi32, #tpu.memory_space<hbm>>
    tpu.wait_dma2 semaphore(%arg20 : memref<!tpu.dma_semaphore, #tpu.memory_space<semaphore_mem>>) src(%dma_wait3A_32 : memref<2048xi32, #tpu.memory_space<hbm>>) dst(%arg15 : memref<2048xi32, #tpu.memory_space<vmem>>)
    %dma_wait3A_33 = arith.constant 64 : i32
    %dma_wait3A_34 = tpu.memref_slice %arg7[%dma_wait3A_33] : memref<192xf32, #tpu.memory_space<hbm>> -> memref<64xf32, #tpu.memory_space<hbm>>
    %dma_wait3A_35 = arith.constant 64 : i32
    %dma_wait3A_36 = tpu.memref_slice %arg7[%dma_wait3A_35] : memref<192xf32, #tpu.memory_space<hbm>> -> memref<64xf32, #tpu.memory_space<hbm>>
    tpu.wait_dma2 semaphore(%arg20 : memref<!tpu.dma_semaphore, #tpu.memory_space<semaphore_mem>>) src(%dma_wait3A_36 : memref<64xf32, #tpu.memory_space<hbm>>) dst(%arg16 : memref<64xf32, #tpu.memory_space<vmem>>)
    %broadcast_in_dim3A_37 = arith.constant 1.000000e+00 : f32
    %broadcast_in_dim3A_38 = vector.broadcast %broadcast_in_dim3A_37 : f32 to vector<16xf32>
    %scan3A_39 = arith.constant 0 : i32
    %scan3A_40 = arith.constant 0 : i32
    %scan3A_41 = arith.constant 128 : i32
    %scan3A_42 = arith.addi %scan3A_40, %scan3A_41 : i32
    %scan3A_43 = arith.constant 8 : i32
    scf.for %scan3A_47 = %scan3A_40 to %scan3A_42 step %scan3A_43  : i32 {
      %mul3A_48 = arith.constant 16 : i32
      %mul3A_49 = arith.muli %scan3A_47, %mul3A_48 : i32
      %get3A = arith.index_cast %mul3A_49 : i32 to index
      %get3A_50 = tpu.vector_load %arg13[%get3A] {strides = array<i32>} : memref<2048xi32, #tpu.memory_space<vmem>>, vector<16xi32>,
      %mul3A_51 = arith.constant 16 : i32
      %mul3A_52 = arith.muli %scan3A_47, %mul3A_51 : i32
      %get3A_53 = arith.index_cast %mul3A_52 : i32 to index
      %get3A_54 = tpu.vector_load %arg14[%get3A_53] {strides = array<i32>} : memref<2048xi32, #tpu.memory_space<vmem>>, vector<16xi32>,
      %mul3A_55 = arith.constant 16 : i32
      %mul3A_56 = arith.muli %scan3A_47, %mul3A_55 : i32
      %get3A_57 = arith.index_cast %mul3A_56 : i32 to index
      %get3A_58 = tpu.vector_load %arg15[%get3A_57] {strides = array<i32>} : memref<2048xi32, #tpu.memory_space<vmem>>, vector<16xi32>,
      %and3A = arith.constant 127 : i32
      %and3A_59 = vector.broadcast %and3A : i32 to vector<16xi32>
      %and3A_60 = arith.andi %get3A_50, %and3A_59 : vector<16xi32>
      %gather3A = tpu.vector_load_idx %arg11[%and3A_60] : memref<128xf32, #tpu.memory_space<vmem>>[vector<16xi32>], vector<16xf32>,
      %and3A_61 = arith.constant 127 : i32
      %and3A_62 = vector.broadcast %and3A_61 : i32 to vector<16xi32>
      %and3A_63 = arith.andi %get3A_54, %and3A_62 : vector<16xi32>
      %gather3A_64 = tpu.vector_load_idx %arg12[%and3A_63] : memref<128xf32, #tpu.memory_space<vmem>>[vector<16xi32>], vector<16xf32>,
      %add3A_65 = arith.addf %gather3A, %gather3A_64 : vector<16xf32>
      %neg3A = arith.constant 0.000000e+00 : f32
      %neg3A_66 = vector.broadcast %neg3A : f32 to vector<16xf32>
      %neg3A_67 = arith.subf %neg3A_66, %add3A_65 : vector<16xf32>
      %exp3A = math.exp %neg3A_67 : vector<16xf32>
      %add3A_68 = arith.constant 1.000000e+00 : f32
      %add3A_69 = vector.broadcast %add3A_68 : f32 to vector<16xf32>
      %add3A_70 = arith.addf %add3A_69, %exp3A : vector<16xf32>
      %div3A = arith.constant 1.000000e+00 : f32
      %div3A_71 = vector.broadcast %div3A : f32 to vector<16xf32>
      %div3A_72 = arith.divf %div3A_71, %add3A_70 : vector<16xf32>
      %mul3A_73 = arith.constant 16 : i32
      %mul3A_74 = arith.muli %scan3A_47, %mul3A_73 : i32
      %swap3A = arith.index_cast %mul3A_74 : i32 to index
      %swap3A_75 = tpu.vector_load %arg18[%swap3A] {strides = array<i32>} : memref<2048xf32, #tpu.memory_space<vmem>>, vector<16xf32>,
      tpu.vector_store %arg18[%swap3A], %div3A_72 {strides = array<i32>} : memref<2048xf32, #tpu.memory_space<vmem>>, vector<16xf32>,
      %mul3A_76 = arith.constant 256 : i32
      %mul3A_77 = vector.broadcast %mul3A_76 : i32 to vector<16xi32>
      %mul3A_78 = arith.muli %and3A_63, %mul3A_77 : vector<16xi32>
      %and3A_79 = arith.constant 63 : i32
      %and3A_80 = vector.broadcast %and3A_79 : i32 to vector<16xi32>
      %and3A_81 = arith.andi %get3A_50, %and3A_80 : vector<16xi32>
      %add3A_82 = arith.addi %mul3A_78, %and3A_81 : vector<16xi32>
      %mul3A_83 = arith.constant 4 : i32
      %mul3A_84 = vector.broadcast %mul3A_83 : i32 to vector<16xi32>
      %mul3A_85 = arith.muli %get3A_58, %mul3A_84 : vector<16xi32>
      %add3A_86 = arith.constant 0 : i32
      %add3A_87 = vector.broadcast %add3A_86 : i32 to vector<16xi32>
      %add3A_88 = arith.addi %mul3A_85, %add3A_87 : vector<16xi32>
      %gather3A_89 = tpu.vector_load_idx %arg16[%add3A_88] : memref<64xf32, #tpu.memory_space<vmem>>[vector<16xi32>], vector<16xf32>,
      %add3A_90 = arith.constant 0 : i32
      %add3A_91 = vector.broadcast %add3A_90 : i32 to vector<16xi32>
      %add3A_92 = arith.addi %add3A_82, %add3A_91 : vector<16xi32>
      %mul3A_93 = arith.mulf %div3A_72, %gather3A_89 : vector<16xf32>
      tpu.vector_store_idx %arg17[%add3A_92], %mul3A_93 {add = true} : memref<32768xf32, #tpu.memory_space<vmem>>[vector<16xi32>], vector<16xf32>,
      %add3A_94 = arith.constant 1 : i32
      %add3A_95 = vector.broadcast %add3A_94 : i32 to vector<16xi32>
      %add3A_96 = arith.addi %mul3A_85, %add3A_95 : vector<16xi32>
      %gather3A_97 = tpu.vector_load_idx %arg16[%add3A_96] : memref<64xf32, #tpu.memory_space<vmem>>[vector<16xi32>], vector<16xf32>,
      %add3A_98 = arith.constant 64 : i32
      %add3A_99 = vector.broadcast %add3A_98 : i32 to vector<16xi32>
      %add3A_100 = arith.addi %add3A_82, %add3A_99 : vector<16xi32>
      %mul3A_101 = arith.mulf %div3A_72, %gather3A_97 : vector<16xf32>
      tpu.vector_store_idx %arg17[%add3A_100], %mul3A_101 {add = true} : memref<32768xf32, #tpu.memory_space<vmem>>[vector<16xi32>], vector<16xf32>,
      %add3A_102 = arith.constant 2 : i32
      %add3A_103 = vector.broadcast %add3A_102 : i32 to vector<16xi32>
      %add3A_104 = arith.addi %mul3A_85, %add3A_103 : vector<16xi32>
      %gather3A_105 = tpu.vector_load_idx %arg16[%add3A_104] : memref<64xf32, #tpu.memory_space<vmem>>[vector<16xi32>], vector<16xf32>,
      %add3A_106 = arith.constant 128 : i32
      %add3A_107 = vector.broadcast %add3A_106 : i32 to vector<16xi32>
      %add3A_108 = arith.addi %add3A_82, %add3A_107 : vector<16xi32>
      %mul3A_109 = arith.mulf %div3A_72, %gather3A_105 : vector<16xf32>
      tpu.vector_store_idx %arg17[%add3A_108], %mul3A_109 {add = true} : memref<32768xf32, #tpu.memory_space<vmem>>[vector<16xi32>], vector<16xf32>,
      %add3A_110 = arith.constant 3 : i32
      %add3A_111 = vector.broadcast %add3A_110 : i32 to vector<16xi32>
      %add3A_112 = arith.addi %mul3A_85, %add3A_111 : vector<16xi32>
      %gather3A_113 = tpu.vector_load_idx %arg16[%add3A_112] : memref<64xf32, #tpu.memory_space<vmem>>[vector<16xi32>], vector<16xf32>,
      %add3A_114 = arith.constant 192 : i32
      %add3A_115 = vector.broadcast %add3A_114 : i32 to vector<16xi32>
      %add3A_116 = arith.addi %add3A_82, %add3A_115 : vector<16xi32>
      %mul3A_117 = arith.mulf %div3A_72, %gather3A_113 : vector<16xf32>
      tpu.vector_store_idx %arg17[%add3A_116], %mul3A_117 {add = true} : memref<32768xf32, #tpu.memory_space<vmem>>[vector<16xi32>], vector<16xf32>,
      %scan3A_118 = arith.constant 1 : i32
      %scan3A_119 = arith.addi %scan3A_47, %scan3A_118 : i32
      %mul3A_120 = arith.constant 16 : i32
      %mul3A_121 = arith.muli %scan3A_119, %mul3A_120 : i32
      %get3A_122 = arith.index_cast %mul3A_121 : i32 to index
      %get3A_123 = tpu.vector_load %arg13[%get3A_122] {strides = array<i32>} : memref<2048xi32, #tpu.memory_space<vmem>>, vector<16xi32>,
      %mul3A_124 = arith.constant 16 : i32
      %mul3A_125 = arith.muli %scan3A_119, %mul3A_124 : i32
      %get3A_126 = arith.index_cast %mul3A_125 : i32 to index
      %get3A_127 = tpu.vector_load %arg14[%get3A_126] {strides = array<i32>} : memref<2048xi32, #tpu.memory_space<vmem>>, vector<16xi32>,
      %mul3A_128 = arith.constant 16 : i32
      %mul3A_129 = arith.muli %scan3A_119, %mul3A_128 : i32
      %get3A_130 = arith.index_cast %mul3A_129 : i32 to index
      %get3A_131 = tpu.vector_load %arg15[%get3A_130] {strides = array<i32>} : memref<2048xi32, #tpu.memory_space<vmem>>, vector<16xi32>,
      %and3A_132 = arith.constant 127 : i32
      %and3A_133 = vector.broadcast %and3A_132 : i32 to vector<16xi32>
      %and3A_134 = arith.andi %get3A_123, %and3A_133 : vector<16xi32>
      %gather3A_135 = tpu.vector_load_idx %arg11[%and3A_134] : memref<128xf32, #tpu.memory_space<vmem>>[vector<16xi32>], vector<16xf32>,
      %and3A_136 = arith.constant 127 : i32
      %and3A_137 = vector.broadcast %and3A_136 : i32 to vector<16xi32>
      %and3A_138 = arith.andi %get3A_127, %and3A_137 : vector<16xi32>
      %gather3A_139 = tpu.vector_load_idx %arg12[%and3A_138] : memref<128xf32, #tpu.memory_space<vmem>>[vector<16xi32>], vector<16xf32>,
      %add3A_140 = arith.addf %gather3A_135, %gather3A_139 : vector<16xf32>
      %neg3A_141 = arith.constant 0.000000e+00 : f32
      %neg3A_142 = vector.broadcast %neg3A_141 : f32 to vector<16xf32>
      %neg3A_143 = arith.subf %neg3A_142, %add3A_140 : vector<16xf32>
      %exp3A_144 = math.exp %neg3A_143 : vector<16xf32>
      %add3A_145 = arith.constant 1.000000e+00 : f32
      %add3A_146 = vector.broadcast %add3A_145 : f32 to vector<16xf32>
      %add3A_147 = arith.addf %add3A_146, %exp3A_144 : vector<16xf32>
      %div3A_148 = arith.constant 1.000000e+00 : f32
      %div3A_149 = vector.broadcast %div3A_148 : f32 to vector<16xf32>
      %div3A_150 = arith.divf %div3A_149, %add3A_147 : vector<16xf32>
      %mul3A_151 = arith.constant 16 : i32
      %mul3A_152 = arith.muli %scan3A_119, %mul3A_151 : i32
      %swap3A_153 = arith.index_cast %mul3A_152 : i32 to index
      %swap3A_154 = tpu.vector_load %arg18[%swap3A_153] {strides = array<i32>} : memref<2048xf32, #tpu.memory_space<vmem>>, vector<16xf32>,
      tpu.vector_store %arg18[%swap3A_153], %div3A_150 {strides = array<i32>} : memref<2048xf32, #tpu.memory_space<vmem>>, vector<16xf32>,
      %mul3A_155 = arith.constant 256 : i32
      %mul3A_156 = vector.broadcast %mul3A_155 : i32 to vector<16xi32>
      %mul3A_157 = arith.muli %and3A_138, %mul3A_156 : vector<16xi32>
      %and3A_158 = arith.constant 63 : i32
      %and3A_159 = vector.broadcast %and3A_158 : i32 to vector<16xi32>
      %and3A_160 = arith.andi %get3A_123, %and3A_159 : vector<16xi32>
      %add3A_161 = arith.addi %mul3A_157, %and3A_160 : vector<16xi32>
      %mul3A_162 = arith.constant 4 : i32
      %mul3A_163 = vector.broadcast %mul3A_162 : i32 to vector<16xi32>
      %mul3A_164 = arith.muli %get3A_131, %mul3A_163 : vector<16xi32>
      %add3A_165 = arith.constant 0 : i32
      %add3A_166 = vector.broadcast %add3A_165 : i32 to vector<16xi32>
      %add3A_167 = arith.addi %mul3A_164, %add3A_166 : vector<16xi32>
      %gather3A_168 = tpu.vector_load_idx %arg16[%add3A_167] : memref<64xf32, #tpu.memory_space<vmem>>[vector<16xi32>], vector<16xf32>,
      %add3A_169 = arith.constant 0 : i32
      %add3A_170 = vector.broadcast %add3A_169 : i32 to vector<16xi32>
      %add3A_171 = arith.addi %add3A_161, %add3A_170 : vector<16xi32>
      %mul3A_172 = arith.mulf %div3A_150, %gather3A_168 : vector<16xf32>
      tpu.vector_store_idx %arg17[%add3A_171], %mul3A_172 {add = true} : memref<32768xf32, #tpu.memory_space<vmem>>[vector<16xi32>], vector<16xf32>,
      %add3A_173 = arith.constant 1 : i32
      %add3A_174 = vector.broadcast %add3A_173 : i32 to vector<16xi32>
      %add3A_175 = arith.addi %mul3A_164, %add3A_174 : vector<16xi32>
      %gather3A_176 = tpu.vector_load_idx %arg16[%add3A_175] : memref<64xf32, #tpu.memory_space<vmem>>[vector<16xi32>], vector<16xf32>,
      %add3A_177 = arith.constant 64 : i32
      %add3A_178 = vector.broadcast %add3A_177 : i32 to vector<16xi32>
      %add3A_179 = arith.addi %add3A_161, %add3A_178 : vector<16xi32>
      %mul3A_180 = arith.mulf %div3A_150, %gather3A_176 : vector<16xf32>
      tpu.vector_store_idx %arg17[%add3A_179], %mul3A_180 {add = true} : memref<32768xf32, #tpu.memory_space<vmem>>[vector<16xi32>], vector<16xf32>,
      %add3A_181 = arith.constant 2 : i32
      %add3A_182 = vector.broadcast %add3A_181 : i32 to vector<16xi32>
      %add3A_183 = arith.addi %mul3A_164, %add3A_182 : vector<16xi32>
      %gather3A_184 = tpu.vector_load_idx %arg16[%add3A_183] : memref<64xf32, #tpu.memory_space<vmem>>[vector<16xi32>], vector<16xf32>,
      %add3A_185 = arith.constant 128 : i32
      %add3A_186 = vector.broadcast %add3A_185 : i32 to vector<16xi32>
      %add3A_187 = arith.addi %add3A_161, %add3A_186 : vector<16xi32>
      %mul3A_188 = arith.mulf %div3A_150, %gather3A_184 : vector<16xf32>
      tpu.vector_store_idx %arg17[%add3A_187], %mul3A_188 {add = true} : memref<32768xf32, #tpu.memory_space<vmem>>[vector<16xi32>], vector<16xf32>,
      %add3A_189 = arith.constant 3 : i32
      %add3A_190 = vector.broadcast %add3A_189 : i32 to vector<16xi32>
      %add3A_191 = arith.addi %mul3A_164, %add3A_190 : vector<16xi32>
      %gather3A_192 = tpu.vector_load_idx %arg16[%add3A_191] : memref<64xf32, #tpu.memory_space<vmem>>[vector<16xi32>], vector<16xf32>,
      %add3A_193 = arith.constant 192 : i32
      %add3A_194 = vector.broadcast %add3A_193 : i32 to vector<16xi32>
      %add3A_195 = arith.addi %add3A_161, %add3A_194 : vector<16xi32>
      %mul3A_196 = arith.mulf %div3A_150, %gather3A_192 : vector<16xf32>
      tpu.vector_store_idx %arg17[%add3A_195], %mul3A_196 {add = true} : memref<32768xf32, #tpu.memory_space<vmem>>[vector<16xi32>], vector<16xf32>,
      %scan3A_197 = arith.constant 2 : i32
      %scan3A_198 = arith.addi %scan3A_47, %scan3A_197 : i32
      %mul3A_199 = arith.constant 16 : i32
      %mul3A_200 = arith.muli %scan3A_198, %mul3A_199 : i32
      %get3A_201 = arith.index_cast %mul3A_200 : i32 to index
      %get3A_202 = tpu.vector_load %arg13[%get3A_201] {strides = array<i32>} : memref<2048xi32, #tpu.memory_space<vmem>>, vector<16xi32>,
      %mul3A_203 = arith.constant 16 : i32
      %mul3A_204 = arith.muli %scan3A_198, %mul3A_203 : i32
      %get3A_205 = arith.index_cast %mul3A_204 : i32 to index
      %get3A_206 = tpu.vector_load %arg14[%get3A_205] {strides = array<i32>} : memref<2048xi32, #tpu.memory_space<vmem>>, vector<16xi32>,
      %mul3A_207 = arith.constant 16 : i32
      %mul3A_208 = arith.muli %scan3A_198, %mul3A_207 : i32
      %get3A_209 = arith.index_cast %mul3A_208 : i32 to index
      %get3A_210 = tpu.vector_load %arg15[%get3A_209] {strides = array<i32>} : memref<2048xi32, #tpu.memory_space<vmem>>, vector<16xi32>,
      %and3A_211 = arith.constant 127 : i32
      %and3A_212 = vector.broadcast %and3A_211 : i32 to vector<16xi32>
      %and3A_213 = arith.andi %get3A_202, %and3A_212 : vector<16xi32>
      %gather3A_214 = tpu.vector_load_idx %arg11[%and3A_213] : memref<128xf32, #tpu.memory_space<vmem>>[vector<16xi32>], vector<16xf32>,
      %and3A_215 = arith.constant 127 : i32
      %and3A_216 = vector.broadcast %and3A_215 : i32 to vector<16xi32>
      %and3A_217 = arith.andi %get3A_206, %and3A_216 : vector<16xi32>
      %gather3A_218 = tpu.vector_load_idx %arg12[%and3A_217] : memref<128xf32, #tpu.memory_space<vmem>>[vector<16xi32>], vector<16xf32>,
      %add3A_219 = arith.addf %gather3A_214, %gather3A_218 : vector<16xf32>
      %neg3A_220 = arith.constant 0.000000e+00 : f32
      %neg3A_221 = vector.broadcast %neg3A_220 : f32 to vector<16xf32>
      %neg3A_222 = arith.subf %neg3A_221, %add3A_219 : vector<16xf32>
      %exp3A_223 = math.exp %neg3A_222 : vector<16xf32>
      %add3A_224 = arith.constant 1.000000e+00 : f32
      %add3A_225 = vector.broadcast %add3A_224 : f32 to vector<16xf32>
      %add3A_226 = arith.addf %add3A_225, %exp3A_223 : vector<16xf32>
      %div3A_227 = arith.constant 1.000000e+00 : f32
      %div3A_228 = vector.broadcast %div3A_227 : f32 to vector<16xf32>
      %div3A_229 = arith.divf %div3A_228, %add3A_226 : vector<16xf32>
      %mul3A_230 = arith.constant 16 : i32
      %mul3A_231 = arith.muli %scan3A_198, %mul3A_230 : i32
      %swap3A_232 = arith.index_cast %mul3A_231 : i32 to index
      %swap3A_233 = tpu.vector_load %arg18[%swap3A_232] {strides = array<i32>} : memref<2048xf32, #tpu.memory_space<vmem>>, vector<16xf32>,
      tpu.vector_store %arg18[%swap3A_232], %div3A_229 {strides = array<i32>} : memref<2048xf32, #tpu.memory_space<vmem>>, vector<16xf32>,
      %mul3A_234 = arith.constant 256 : i32
      %mul3A_235 = vector.broadcast %mul3A_234 : i32 to vector<16xi32>
      %mul3A_236 = arith.muli %and3A_217, %mul3A_235 : vector<16xi32>
      %and3A_237 = arith.constant 63 : i32
      %and3A_238 = vector.broadcast %and3A_237 : i32 to vector<16xi32>
      %and3A_239 = arith.andi %get3A_202, %and3A_238 : vector<16xi32>
      %add3A_240 = arith.addi %mul3A_236, %and3A_239 : vector<16xi32>
      %mul3A_241 = arith.constant 4 : i32
      %mul3A_242 = vector.broadcast %mul3A_241 : i32 to vector<16xi32>
      %mul3A_243 = arith.muli %get3A_210, %mul3A_242 : vector<16xi32>
      %add3A_244 = arith.constant 0 : i32
      %add3A_245 = vector.broadcast %add3A_244 : i32 to vector<16xi32>
      %add3A_246 = arith.addi %mul3A_243, %add3A_245 : vector<16xi32>
      %gather3A_247 = tpu.vector_load_idx %arg16[%add3A_246] : memref<64xf32, #tpu.memory_space<vmem>>[vector<16xi32>], vector<16xf32>,
      %add3A_248 = arith.constant 0 : i32
      %add3A_249 = vector.broadcast %add3A_248 : i32 to vector<16xi32>
      %add3A_250 = arith.addi %add3A_240, %add3A_249 : vector<16xi32>
      %mul3A_251 = arith.mulf %div3A_229, %gather3A_247 : vector<16xf32>
      tpu.vector_store_idx %arg17[%add3A_250], %mul3A_251 {add = true} : memref<32768xf32, #tpu.memory_space<vmem>>[vector<16xi32>], vector<16xf32>,
      %add3A_252 = arith.constant 1 : i32
      %add3A_253 = vector.broadcast %add3A_252 : i32 to vector<16xi32>
      %add3A_254 = arith.addi %mul3A_243, %add3A_253 : vector<16xi32>
      %gather3A_255 = tpu.vector_load_idx %arg16[%add3A_254] : memref<64xf32, #tpu.memory_space<vmem>>[vector<16xi32>], vector<16xf32>,
      %add3A_256 = arith.constant 64 : i32
      %add3A_257 = vector.broadcast %add3A_256 : i32 to vector<16xi32>
      %add3A_258 = arith.addi %add3A_240, %add3A_257 : vector<16xi32>
      %mul3A_259 = arith.mulf %div3A_229, %gather3A_255 : vector<16xf32>
      tpu.vector_store_idx %arg17[%add3A_258], %mul3A_259 {add = true} : memref<32768xf32, #tpu.memory_space<vmem>>[vector<16xi32>], vector<16xf32>,
      %add3A_260 = arith.constant 2 : i32
      %add3A_261 = vector.broadcast %add3A_260 : i32 to vector<16xi32>
      %add3A_262 = arith.addi %mul3A_243, %add3A_261 : vector<16xi32>
      %gather3A_263 = tpu.vector_load_idx %arg16[%add3A_262] : memref<64xf32, #tpu.memory_space<vmem>>[vector<16xi32>], vector<16xf32>,
      %add3A_264 = arith.constant 128 : i32
      %add3A_265 = vector.broadcast %add3A_264 : i32 to vector<16xi32>
      %add3A_266 = arith.addi %add3A_240, %add3A_265 : vector<16xi32>
      %mul3A_267 = arith.mulf %div3A_229, %gather3A_263 : vector<16xf32>
      tpu.vector_store_idx %arg17[%add3A_266], %mul3A_267 {add = true} : memref<32768xf32, #tpu.memory_space<vmem>>[vector<16xi32>], vector<16xf32>,
      %add3A_268 = arith.constant 3 : i32
      %add3A_269 = vector.broadcast %add3A_268 : i32 to vector<16xi32>
      %add3A_270 = arith.addi %mul3A_243, %add3A_269 : vector<16xi32>
      %gather3A_271 = tpu.vector_load_idx %arg16[%add3A_270] : memref<64xf32, #tpu.memory_space<vmem>>[vector<16xi32>], vector<16xf32>,
      %add3A_272 = arith.constant 192 : i32
      %add3A_273 = vector.broadcast %add3A_272 : i32 to vector<16xi32>
      %add3A_274 = arith.addi %add3A_240, %add3A_273 : vector<16xi32>
      %mul3A_275 = arith.mulf %div3A_229, %gather3A_271 : vector<16xf32>
      tpu.vector_store_idx %arg17[%add3A_274], %mul3A_275 {add = true} : memref<32768xf32, #tpu.memory_space<vmem>>[vector<16xi32>], vector<16xf32>,
      %scan3A_276 = arith.constant 3 : i32
      %scan3A_277 = arith.addi %scan3A_47, %scan3A_276 : i32
      %mul3A_278 = arith.constant 16 : i32
      %mul3A_279 = arith.muli %scan3A_277, %mul3A_278 : i32
      %get3A_280 = arith.index_cast %mul3A_279 : i32 to index
      %get3A_281 = tpu.vector_load %arg13[%get3A_280] {strides = array<i32>} : memref<2048xi32, #tpu.memory_space<vmem>>, vector<16xi32>,
      %mul3A_282 = arith.constant 16 : i32
      %mul3A_283 = arith.muli %scan3A_277, %mul3A_282 : i32
      %get3A_284 = arith.index_cast %mul3A_283 : i32 to index
      %get3A_285 = tpu.vector_load %arg14[%get3A_284] {strides = array<i32>} : memref<2048xi32, #tpu.memory_space<vmem>>, vector<16xi32>,
      %mul3A_286 = arith.constant 16 : i32
      %mul3A_287 = arith.muli %scan3A_277, %mul3A_286 : i32
      %get3A_288 = arith.index_cast %mul3A_287 : i32 to index
      %get3A_289 = tpu.vector_load %arg15[%get3A_288] {strides = array<i32>} : memref<2048xi32, #tpu.memory_space<vmem>>, vector<16xi32>,
      %and3A_290 = arith.constant 127 : i32
      %and3A_291 = vector.broadcast %and3A_290 : i32 to vector<16xi32>
      %and3A_292 = arith.andi %get3A_281, %and3A_291 : vector<16xi32>
      %gather3A_293 = tpu.vector_load_idx %arg11[%and3A_292] : memref<128xf32, #tpu.memory_space<vmem>>[vector<16xi32>], vector<16xf32>,
      %and3A_294 = arith.constant 127 : i32
      %and3A_295 = vector.broadcast %and3A_294 : i32 to vector<16xi32>
      %and3A_296 = arith.andi %get3A_285, %and3A_295 : vector<16xi32>
      %gather3A_297 = tpu.vector_load_idx %arg12[%and3A_296] : memref<128xf32, #tpu.memory_space<vmem>>[vector<16xi32>], vector<16xf32>,
      %add3A_298 = arith.addf %gather3A_293, %gather3A_297 : vector<16xf32>
      %neg3A_299 = arith.constant 0.000000e+00 : f32
      %neg3A_300 = vector.broadcast %neg3A_299 : f32 to vector<16xf32>
      %neg3A_301 = arith.subf %neg3A_300, %add3A_298 : vector<16xf32>
      %exp3A_302 = math.exp %neg3A_301 : vector<16xf32>
      %add3A_303 = arith.constant 1.000000e+00 : f32
      %add3A_304 = vector.broadcast %add3A_303 : f32 to vector<16xf32>
      %add3A_305 = arith.addf %add3A_304, %exp3A_302 : vector<16xf32>
      %div3A_306 = arith.constant 1.000000e+00 : f32
      %div3A_307 = vector.broadcast %div3A_306 : f32 to vector<16xf32>
      %div3A_308 = arith.divf %div3A_307, %add3A_305 : vector<16xf32>
      %mul3A_309 = arith.constant 16 : i32
      %mul3A_310 = arith.muli %scan3A_277, %mul3A_309 : i32
      %swap3A_311 = arith.index_cast %mul3A_310 : i32 to index
      %swap3A_312 = tpu.vector_load %arg18[%swap3A_311] {strides = array<i32>} : memref<2048xf32, #tpu.memory_space<vmem>>, vector<16xf32>,
      tpu.vector_store %arg18[%swap3A_311], %div3A_308 {strides = array<i32>} : memref<2048xf32, #tpu.memory_space<vmem>>, vector<16xf32>,
      %mul3A_313 = arith.constant 256 : i32
      %mul3A_314 = vector.broadcast %mul3A_313 : i32 to vector<16xi32>
      %mul3A_315 = arith.muli %and3A_296, %mul3A_314 : vector<16xi32>
      %and3A_316 = arith.constant 63 : i32
      %and3A_317 = vector.broadcast %and3A_316 : i32 to vector<16xi32>
      %and3A_318 = arith.andi %get3A_281, %and3A_317 : vector<16xi32>
      %add3A_319 = arith.addi %mul3A_315, %and3A_318 : vector<16xi32>
      %mul3A_320 = arith.constant 4 : i32
      %mul3A_321 = vector.broadcast %mul3A_320 : i32 to vector<16xi32>
      %mul3A_322 = arith.muli %get3A_289, %mul3A_321 : vector<16xi32>
      %add3A_323 = arith.constant 0 : i32
      %add3A_324 = vector.broadcast %add3A_323 : i32 to vector<16xi32>
      %add3A_325 = arith.addi %mul3A_322, %add3A_324 : vector<16xi32>
      %gather3A_326 = tpu.vector_load_idx %arg16[%add3A_325] : memref<64xf32, #tpu.memory_space<vmem>>[vector<16xi32>], vector<16xf32>,
      %add3A_327 = arith.constant 0 : i32
      %add3A_328 = vector.broadcast %add3A_327 : i32 to vector<16xi32>
      %add3A_329 = arith.addi %add3A_319, %add3A_328 : vector<16xi32>
      %mul3A_330 = arith.mulf %div3A_308, %gather3A_326 : vector<16xf32>
      tpu.vector_store_idx %arg17[%add3A_329], %mul3A_330 {add = true} : memref<32768xf32, #tpu.memory_space<vmem>>[vector<16xi32>], vector<16xf32>,
      %add3A_331 = arith.constant 1 : i32
      %add3A_332 = vector.broadcast %add3A_331 : i32 to vector<16xi32>
      %add3A_333 = arith.addi %mul3A_322, %add3A_332 : vector<16xi32>
      %gather3A_334 = tpu.vector_load_idx %arg16[%add3A_333] : memref<64xf32, #tpu.memory_space<vmem>>[vector<16xi32>], vector<16xf32>,
      %add3A_335 = arith.constant 64 : i32
      %add3A_336 = vector.broadcast %add3A_335 : i32 to vector<16xi32>
      %add3A_337 = arith.addi %add3A_319, %add3A_336 : vector<16xi32>
      %mul3A_338 = arith.mulf %div3A_308, %gather3A_334 : vector<16xf32>
      tpu.vector_store_idx %arg17[%add3A_337], %mul3A_338 {add = true} : memref<32768xf32, #tpu.memory_space<vmem>>[vector<16xi32>], vector<16xf32>,
      %add3A_339 = arith.constant 2 : i32
      %add3A_340 = vector.broadcast %add3A_339 : i32 to vector<16xi32>
      %add3A_341 = arith.addi %mul3A_322, %add3A_340 : vector<16xi32>
      %gather3A_342 = tpu.vector_load_idx %arg16[%add3A_341] : memref<64xf32, #tpu.memory_space<vmem>>[vector<16xi32>], vector<16xf32>,
      %add3A_343 = arith.constant 128 : i32
      %add3A_344 = vector.broadcast %add3A_343 : i32 to vector<16xi32>
      %add3A_345 = arith.addi %add3A_319, %add3A_344 : vector<16xi32>
      %mul3A_346 = arith.mulf %div3A_308, %gather3A_342 : vector<16xf32>
      tpu.vector_store_idx %arg17[%add3A_345], %mul3A_346 {add = true} : memref<32768xf32, #tpu.memory_space<vmem>>[vector<16xi32>], vector<16xf32>,
      %add3A_347 = arith.constant 3 : i32
      %add3A_348 = vector.broadcast %add3A_347 : i32 to vector<16xi32>
      %add3A_349 = arith.addi %mul3A_322, %add3A_348 : vector<16xi32>
      %gather3A_350 = tpu.vector_load_idx %arg16[%add3A_349] : memref<64xf32, #tpu.memory_space<vmem>>[vector<16xi32>], vector<16xf32>,
      %add3A_351 = arith.constant 192 : i32
      %add3A_352 = vector.broadcast %add3A_351 : i32 to vector<16xi32>
      %add3A_353 = arith.addi %add3A_319, %add3A_352 : vector<16xi32>
      %mul3A_354 = arith.mulf %div3A_308, %gather3A_350 : vector<16xf32>
      tpu.vector_store_idx %arg17[%add3A_353], %mul3A_354 {add = true} : memref<32768xf32, #tpu.memory_space<vmem>>[vector<16xi32>], vector<16xf32>,
      %scan3A_355 = arith.constant 4 : i32
      %scan3A_356 = arith.addi %scan3A_47, %scan3A_355 : i32
      %mul3A_357 = arith.constant 16 : i32
      %mul3A_358 = arith.muli %scan3A_356, %mul3A_357 : i32
      %get3A_359 = arith.index_cast %mul3A_358 : i32 to index
      %get3A_360 = tpu.vector_load %arg13[%get3A_359] {strides = array<i32>} : memref<2048xi32, #tpu.memory_space<vmem>>, vector<16xi32>,
      %mul3A_361 = arith.constant 16 : i32
      %mul3A_362 = arith.muli %scan3A_356, %mul3A_361 : i32
      %get3A_363 = arith.index_cast %mul3A_362 : i32 to index
      %get3A_364 = tpu.vector_load %arg14[%get3A_363] {strides = array<i32>} : memref<2048xi32, #tpu.memory_space<vmem>>, vector<16xi32>,
      %mul3A_365 = arith.constant 16 : i32
      %mul3A_366 = arith.muli %scan3A_356, %mul3A_365 : i32
      %get3A_367 = arith.index_cast %mul3A_366 : i32 to index
      %get3A_368 = tpu.vector_load %arg15[%get3A_367] {strides = array<i32>} : memref<2048xi32, #tpu.memory_space<vmem>>, vector<16xi32>,
      %and3A_369 = arith.constant 127 : i32
      %and3A_370 = vector.broadcast %and3A_369 : i32 to vector<16xi32>
      %and3A_371 = arith.andi %get3A_360, %and3A_370 : vector<16xi32>
      %gather3A_372 = tpu.vector_load_idx %arg11[%and3A_371] : memref<128xf32, #tpu.memory_space<vmem>>[vector<16xi32>], vector<16xf32>,
      %and3A_373 = arith.constant 127 : i32
      %and3A_374 = vector.broadcast %and3A_373 : i32 to vector<16xi32>
      %and3A_375 = arith.andi %get3A_364, %and3A_374 : vector<16xi32>
      %gather3A_376 = tpu.vector_load_idx %arg12[%and3A_375] : memref<128xf32, #tpu.memory_space<vmem>>[vector<16xi32>], vector<16xf32>,
      %add3A_377 = arith.addf %gather3A_372, %gather3A_376 : vector<16xf32>
      %neg3A_378 = arith.constant 0.000000e+00 : f32
      %neg3A_379 = vector.broadcast %neg3A_378 : f32 to vector<16xf32>
      %neg3A_380 = arith.subf %neg3A_379, %add3A_377 : vector<16xf32>
      %exp3A_381 = math.exp %neg3A_380 : vector<16xf32>
      %add3A_382 = arith.constant 1.000000e+00 : f32
      %add3A_383 = vector.broadcast %add3A_382 : f32 to vector<16xf32>
      %add3A_384 = arith.addf %add3A_383, %exp3A_381 : vector<16xf32>
      %div3A_385 = arith.constant 1.000000e+00 : f32
      %div3A_386 = vector.broadcast %div3A_385 : f32 to vector<16xf32>
      %div3A_387 = arith.divf %div3A_386, %add3A_384 : vector<16xf32>
      %mul3A_388 = arith.constant 16 : i32
      %mul3A_389 = arith.muli %scan3A_356, %mul3A_388 : i32
      %swap3A_390 = arith.index_cast %mul3A_389 : i32 to index
      %swap3A_391 = tpu.vector_load %arg18[%swap3A_390] {strides = array<i32>} : memref<2048xf32, #tpu.memory_space<vmem>>, vector<16xf32>,
      tpu.vector_store %arg18[%swap3A_390], %div3A_387 {strides = array<i32>} : memref<2048xf32, #tpu.memory_space<vmem>>, vector<16xf32>,
      %mul3A_392 = arith.constant 256 : i32
      %mul3A_393 = vector.broadcast %mul3A_392 : i32 to vector<16xi32>
      %mul3A_394 = arith.muli %and3A_375, %mul3A_393 : vector<16xi32>
      %and3A_395 = arith.constant 63 : i32
      %and3A_396 = vector.broadcast %and3A_395 : i32 to vector<16xi32>
      %and3A_397 = arith.andi %get3A_360, %and3A_396 : vector<16xi32>
      %add3A_398 = arith.addi %mul3A_394, %and3A_397 : vector<16xi32>
      %mul3A_399 = arith.constant 4 : i32
      %mul3A_400 = vector.broadcast %mul3A_399 : i32 to vector<16xi32>
      %mul3A_401 = arith.muli %get3A_368, %mul3A_400 : vector<16xi32>
      %add3A_402 = arith.constant 0 : i32
      %add3A_403 = vector.broadcast %add3A_402 : i32 to vector<16xi32>
      %add3A_404 = arith.addi %mul3A_401, %add3A_403 : vector<16xi32>
      %gather3A_405 = tpu.vector_load_idx %arg16[%add3A_404] : memref<64xf32, #tpu.memory_space<vmem>>[vector<16xi32>], vector<16xf32>,
      %add3A_406 = arith.constant 0 : i32
      %add3A_407 = vector.broadcast %add3A_406 : i32 to vector<16xi32>
      %add3A_408 = arith.addi %add3A_398, %add3A_407 : vector<16xi32>
      %mul3A_409 = arith.mulf %div3A_387, %gather3A_405 : vector<16xf32>
      tpu.vector_store_idx %arg17[%add3A_408], %mul3A_409 {add = true} : memref<32768xf32, #tpu.memory_space<vmem>>[vector<16xi32>], vector<16xf32>,
      %add3A_410 = arith.constant 1 : i32
      %add3A_411 = vector.broadcast %add3A_410 : i32 to vector<16xi32>
      %add3A_412 = arith.addi %mul3A_401, %add3A_411 : vector<16xi32>
      %gather3A_413 = tpu.vector_load_idx %arg16[%add3A_412] : memref<64xf32, #tpu.memory_space<vmem>>[vector<16xi32>], vector<16xf32>,
      %add3A_414 = arith.constant 64 : i32
      %add3A_415 = vector.broadcast %add3A_414 : i32 to vector<16xi32>
      %add3A_416 = arith.addi %add3A_398, %add3A_415 : vector<16xi32>
      %mul3A_417 = arith.mulf %div3A_387, %gather3A_413 : vector<16xf32>
      tpu.vector_store_idx %arg17[%add3A_416], %mul3A_417 {add = true} : memref<32768xf32, #tpu.memory_space<vmem>>[vector<16xi32>], vector<16xf32>,
      %add3A_418 = arith.constant 2 : i32
      %add3A_419 = vector.broadcast %add3A_418 : i32 to vector<16xi32>
      %add3A_420 = arith.addi %mul3A_401, %add3A_419 : vector<16xi32>
      %gather3A_421 = tpu.vector_load_idx %arg16[%add3A_420] : memref<64xf32, #tpu.memory_space<vmem>>[vector<16xi32>], vector<16xf32>,
      %add3A_422 = arith.constant 128 : i32
      %add3A_423 = vector.broadcast %add3A_422 : i32 to vector<16xi32>
      %add3A_424 = arith.addi %add3A_398, %add3A_423 : vector<16xi32>
      %mul3A_425 = arith.mulf %div3A_387, %gather3A_421 : vector<16xf32>
      tpu.vector_store_idx %arg17[%add3A_424], %mul3A_425 {add = true} : memref<32768xf32, #tpu.memory_space<vmem>>[vector<16xi32>], vector<16xf32>,
      %add3A_426 = arith.constant 3 : i32
      %add3A_427 = vector.broadcast %add3A_426 : i32 to vector<16xi32>
      %add3A_428 = arith.addi %mul3A_401, %add3A_427 : vector<16xi32>
      %gather3A_429 = tpu.vector_load_idx %arg16[%add3A_428] : memref<64xf32, #tpu.memory_space<vmem>>[vector<16xi32>], vector<16xf32>,
      %add3A_430 = arith.constant 192 : i32
      %add3A_431 = vector.broadcast %add3A_430 : i32 to vector<16xi32>
      %add3A_432 = arith.addi %add3A_398, %add3A_431 : vector<16xi32>
      %mul3A_433 = arith.mulf %div3A_387, %gather3A_429 : vector<16xf32>
      tpu.vector_store_idx %arg17[%add3A_432], %mul3A_433 {add = true} : memref<32768xf32, #tpu.memory_space<vmem>>[vector<16xi32>], vector<16xf32>,
      %scan3A_434 = arith.constant 5 : i32
      %scan3A_435 = arith.addi %scan3A_47, %scan3A_434 : i32
      %mul3A_436 = arith.constant 16 : i32
      %mul3A_437 = arith.muli %scan3A_435, %mul3A_436 : i32
      %get3A_438 = arith.index_cast %mul3A_437 : i32 to index
      %get3A_439 = tpu.vector_load %arg13[%get3A_438] {strides = array<i32>} : memref<2048xi32, #tpu.memory_space<vmem>>, vector<16xi32>,
      %mul3A_440 = arith.constant 16 : i32
      %mul3A_441 = arith.muli %scan3A_435, %mul3A_440 : i32
      %get3A_442 = arith.index_cast %mul3A_441 : i32 to index
      %get3A_443 = tpu.vector_load %arg14[%get3A_442] {strides = array<i32>} : memref<2048xi32, #tpu.memory_space<vmem>>, vector<16xi32>,
      %mul3A_444 = arith.constant 16 : i32
      %mul3A_445 = arith.muli %scan3A_435, %mul3A_444 : i32
      %get3A_446 = arith.index_cast %mul3A_445 : i32 to index
      %get3A_447 = tpu.vector_load %arg15[%get3A_446] {strides = array<i32>} : memref<2048xi32, #tpu.memory_space<vmem>>, vector<16xi32>,
      %and3A_448 = arith.constant 127 : i32
      %and3A_449 = vector.broadcast %and3A_448 : i32 to vector<16xi32>
      %and3A_450 = arith.andi %get3A_439, %and3A_449 : vector<16xi32>
      %gather3A_451 = tpu.vector_load_idx %arg11[%and3A_450] : memref<128xf32, #tpu.memory_space<vmem>>[vector<16xi32>], vector<16xf32>,
      %and3A_452 = arith.constant 127 : i32
      %and3A_453 = vector.broadcast %and3A_452 : i32 to vector<16xi32>
      %and3A_454 = arith.andi %get3A_443, %and3A_453 : vector<16xi32>
      %gather3A_455 = tpu.vector_load_idx %arg12[%and3A_454] : memref<128xf32, #tpu.memory_space<vmem>>[vector<16xi32>], vector<16xf32>,
      %add3A_456 = arith.addf %gather3A_451, %gather3A_455 : vector<16xf32>
      %neg3A_457 = arith.constant 0.000000e+00 : f32
      %neg3A_458 = vector.broadcast %neg3A_457 : f32 to vector<16xf32>
      %neg3A_459 = arith.subf %neg3A_458, %add3A_456 : vector<16xf32>
      %exp3A_460 = math.exp %neg3A_459 : vector<16xf32>
      %add3A_461 = arith.constant 1.000000e+00 : f32
      %add3A_462 = vector.broadcast %add3A_461 : f32 to vector<16xf32>
      %add3A_463 = arith.addf %add3A_462, %exp3A_460 : vector<16xf32>
      %div3A_464 = arith.constant 1.000000e+00 : f32
      %div3A_465 = vector.broadcast %div3A_464 : f32 to vector<16xf32>
      %div3A_466 = arith.divf %div3A_465, %add3A_463 : vector<16xf32>
      %mul3A_467 = arith.constant 16 : i32
      %mul3A_468 = arith.muli %scan3A_435, %mul3A_467 : i32
      %swap3A_469 = arith.index_cast %mul3A_468 : i32 to index
      %swap3A_470 = tpu.vector_load %arg18[%swap3A_469] {strides = array<i32>} : memref<2048xf32, #tpu.memory_space<vmem>>, vector<16xf32>,
      tpu.vector_store %arg18[%swap3A_469], %div3A_466 {strides = array<i32>} : memref<2048xf32, #tpu.memory_space<vmem>>, vector<16xf32>,
      %mul3A_471 = arith.constant 256 : i32
      %mul3A_472 = vector.broadcast %mul3A_471 : i32 to vector<16xi32>
      %mul3A_473 = arith.muli %and3A_454, %mul3A_472 : vector<16xi32>
      %and3A_474 = arith.constant 63 : i32
      %and3A_475 = vector.broadcast %and3A_474 : i32 to vector<16xi32>
      %and3A_476 = arith.andi %get3A_439, %and3A_475 : vector<16xi32>
      %add3A_477 = arith.addi %mul3A_473, %and3A_476 : vector<16xi32>
      %mul3A_478 = arith.constant 4 : i32
      %mul3A_479 = vector.broadcast %mul3A_478 : i32 to vector<16xi32>
      %mul3A_480 = arith.muli %get3A_447, %mul3A_479 : vector<16xi32>
      %add3A_481 = arith.constant 0 : i32
      %add3A_482 = vector.broadcast %add3A_481 : i32 to vector<16xi32>
      %add3A_483 = arith.addi %mul3A_480, %add3A_482 : vector<16xi32>
      %gather3A_484 = tpu.vector_load_idx %arg16[%add3A_483] : memref<64xf32, #tpu.memory_space<vmem>>[vector<16xi32>], vector<16xf32>,
      %add3A_485 = arith.constant 0 : i32
      %add3A_486 = vector.broadcast %add3A_485 : i32 to vector<16xi32>
      %add3A_487 = arith.addi %add3A_477, %add3A_486 : vector<16xi32>
      %mul3A_488 = arith.mulf %div3A_466, %gather3A_484 : vector<16xf32>
      tpu.vector_store_idx %arg17[%add3A_487], %mul3A_488 {add = true} : memref<32768xf32, #tpu.memory_space<vmem>>[vector<16xi32>], vector<16xf32>,
      %add3A_489 = arith.constant 1 : i32
      %add3A_490 = vector.broadcast %add3A_489 : i32 to vector<16xi32>
      %add3A_491 = arith.addi %mul3A_480, %add3A_490 : vector<16xi32>
      %gather3A_492 = tpu.vector_load_idx %arg16[%add3A_491] : memref<64xf32, #tpu.memory_space<vmem>>[vector<16xi32>], vector<16xf32>,
      %add3A_493 = arith.constant 64 : i32
      %add3A_494 = vector.broadcast %add3A_493 : i32 to vector<16xi32>
      %add3A_495 = arith.addi %add3A_477, %add3A_494 : vector<16xi32>
      %mul3A_496 = arith.mulf %div3A_466, %gather3A_492 : vector<16xf32>
      tpu.vector_store_idx %arg17[%add3A_495], %mul3A_496 {add = true} : memref<32768xf32, #tpu.memory_space<vmem>>[vector<16xi32>], vector<16xf32>,
      %add3A_497 = arith.constant 2 : i32
      %add3A_498 = vector.broadcast %add3A_497 : i32 to vector<16xi32>
      %add3A_499 = arith.addi %mul3A_480, %add3A_498 : vector<16xi32>
      %gather3A_500 = tpu.vector_load_idx %arg16[%add3A_499] : memref<64xf32, #tpu.memory_space<vmem>>[vector<16xi32>], vector<16xf32>,
      %add3A_501 = arith.constant 128 : i32
      %add3A_502 = vector.broadcast %add3A_501 : i32 to vector<16xi32>
      %add3A_503 = arith.addi %add3A_477, %add3A_502 : vector<16xi32>
      %mul3A_504 = arith.mulf %div3A_466, %gather3A_500 : vector<16xf32>
      tpu.vector_store_idx %arg17[%add3A_503], %mul3A_504 {add = true} : memref<32768xf32, #tpu.memory_space<vmem>>[vector<16xi32>], vector<16xf32>,
      %add3A_505 = arith.constant 3 : i32
      %add3A_506 = vector.broadcast %add3A_505 : i32 to vector<16xi32>
      %add3A_507 = arith.addi %mul3A_480, %add3A_506 : vector<16xi32>
      %gather3A_508 = tpu.vector_load_idx %arg16[%add3A_507] : memref<64xf32, #tpu.memory_space<vmem>>[vector<16xi32>], vector<16xf32>,
      %add3A_509 = arith.constant 192 : i32
      %add3A_510 = vector.broadcast %add3A_509 : i32 to vector<16xi32>
      %add3A_511 = arith.addi %add3A_477, %add3A_510 : vector<16xi32>
      %mul3A_512 = arith.mulf %div3A_466, %gather3A_508 : vector<16xf32>
      tpu.vector_store_idx %arg17[%add3A_511], %mul3A_512 {add = true} : memref<32768xf32, #tpu.memory_space<vmem>>[vector<16xi32>], vector<16xf32>,
      %scan3A_513 = arith.constant 6 : i32
      %scan3A_514 = arith.addi %scan3A_47, %scan3A_513 : i32
      %mul3A_515 = arith.constant 16 : i32
      %mul3A_516 = arith.muli %scan3A_514, %mul3A_515 : i32
      %get3A_517 = arith.index_cast %mul3A_516 : i32 to index
      %get3A_518 = tpu.vector_load %arg13[%get3A_517] {strides = array<i32>} : memref<2048xi32, #tpu.memory_space<vmem>>, vector<16xi32>,
      %mul3A_519 = arith.constant 16 : i32
      %mul3A_520 = arith.muli %scan3A_514, %mul3A_519 : i32
      %get3A_521 = arith.index_cast %mul3A_520 : i32 to index
      %get3A_522 = tpu.vector_load %arg14[%get3A_521] {strides = array<i32>} : memref<2048xi32, #tpu.memory_space<vmem>>, vector<16xi32>,
      %mul3A_523 = arith.constant 16 : i32
      %mul3A_524 = arith.muli %scan3A_514, %mul3A_523 : i32
      %get3A_525 = arith.index_cast %mul3A_524 : i32 to index
      %get3A_526 = tpu.vector_load %arg15[%get3A_525] {strides = array<i32>} : memref<2048xi32, #tpu.memory_space<vmem>>, vector<16xi32>,
      %and3A_527 = arith.constant 127 : i32
      %and3A_528 = vector.broadcast %and3A_527 : i32 to vector<16xi32>
      %and3A_529 = arith.andi %get3A_518, %and3A_528 : vector<16xi32>
      %gather3A_530 = tpu.vector_load_idx %arg11[%and3A_529] : memref<128xf32, #tpu.memory_space<vmem>>[vector<16xi32>], vector<16xf32>,
      %and3A_531 = arith.constant 127 : i32
      %and3A_532 = vector.broadcast %and3A_531 : i32 to vector<16xi32>
      %and3A_533 = arith.andi %get3A_522, %and3A_532 : vector<16xi32>
      %gather3A_534 = tpu.vector_load_idx %arg12[%and3A_533] : memref<128xf32, #tpu.memory_space<vmem>>[vector<16xi32>], vector<16xf32>,
      %add3A_535 = arith.addf %gather3A_530, %gather3A_534 : vector<16xf32>
      %neg3A_536 = arith.constant 0.000000e+00 : f32
      %neg3A_537 = vector.broadcast %neg3A_536 : f32 to vector<16xf32>
      %neg3A_538 = arith.subf %neg3A_537, %add3A_535 : vector<16xf32>
      %exp3A_539 = math.exp %neg3A_538 : vector<16xf32>
      %add3A_540 = arith.constant 1.000000e+00 : f32
      %add3A_541 = vector.broadcast %add3A_540 : f32 to vector<16xf32>
      %add3A_542 = arith.addf %add3A_541, %exp3A_539 : vector<16xf32>
      %div3A_543 = arith.constant 1.000000e+00 : f32
      %div3A_544 = vector.broadcast %div3A_543 : f32 to vector<16xf32>
      %div3A_545 = arith.divf %div3A_544, %add3A_542 : vector<16xf32>
      %mul3A_546 = arith.constant 16 : i32
      %mul3A_547 = arith.muli %scan3A_514, %mul3A_546 : i32
      %swap3A_548 = arith.index_cast %mul3A_547 : i32 to index
      %swap3A_549 = tpu.vector_load %arg18[%swap3A_548] {strides = array<i32>} : memref<2048xf32, #tpu.memory_space<vmem>>, vector<16xf32>,
      tpu.vector_store %arg18[%swap3A_548], %div3A_545 {strides = array<i32>} : memref<2048xf32, #tpu.memory_space<vmem>>, vector<16xf32>,
      %mul3A_550 = arith.constant 256 : i32
      %mul3A_551 = vector.broadcast %mul3A_550 : i32 to vector<16xi32>
      %mul3A_552 = arith.muli %and3A_533, %mul3A_551 : vector<16xi32>
      %and3A_553 = arith.constant 63 : i32
      %and3A_554 = vector.broadcast %and3A_553 : i32 to vector<16xi32>
      %and3A_555 = arith.andi %get3A_518, %and3A_554 : vector<16xi32>
      %add3A_556 = arith.addi %mul3A_552, %and3A_555 : vector<16xi32>
      %mul3A_557 = arith.constant 4 : i32
      %mul3A_558 = vector.broadcast %mul3A_557 : i32 to vector<16xi32>
      %mul3A_559 = arith.muli %get3A_526, %mul3A_558 : vector<16xi32>
      %add3A_560 = arith.constant 0 : i32
      %add3A_561 = vector.broadcast %add3A_560 : i32 to vector<16xi32>
      %add3A_562 = arith.addi %mul3A_559, %add3A_561 : vector<16xi32>
      %gather3A_563 = tpu.vector_load_idx %arg16[%add3A_562] : memref<64xf32, #tpu.memory_space<vmem>>[vector<16xi32>], vector<16xf32>,
      %add3A_564 = arith.constant 0 : i32
      %add3A_565 = vector.broadcast %add3A_564 : i32 to vector<16xi32>
      %add3A_566 = arith.addi %add3A_556, %add3A_565 : vector<16xi32>
      %mul3A_567 = arith.mulf %div3A_545, %gather3A_563 : vector<16xf32>
      tpu.vector_store_idx %arg17[%add3A_566], %mul3A_567 {add = true} : memref<32768xf32, #tpu.memory_space<vmem>>[vector<16xi32>], vector<16xf32>,
      %add3A_568 = arith.constant 1 : i32
      %add3A_569 = vector.broadcast %add3A_568 : i32 to vector<16xi32>
      %add3A_570 = arith.addi %mul3A_559, %add3A_569 : vector<16xi32>
      %gather3A_571 = tpu.vector_load_idx %arg16[%add3A_570] : memref<64xf32, #tpu.memory_space<vmem>>[vector<16xi32>], vector<16xf32>,
      %add3A_572 = arith.constant 64 : i32
      %add3A_573 = vector.broadcast %add3A_572 : i32 to vector<16xi32>
      %add3A_574 = arith.addi %add3A_556, %add3A_573 : vector<16xi32>
      %mul3A_575 = arith.mulf %div3A_545, %gather3A_571 : vector<16xf32>
      tpu.vector_store_idx %arg17[%add3A_574], %mul3A_575 {add = true} : memref<32768xf32, #tpu.memory_space<vmem>>[vector<16xi32>], vector<16xf32>,
      %add3A_576 = arith.constant 2 : i32
      %add3A_577 = vector.broadcast %add3A_576 : i32 to vector<16xi32>
      %add3A_578 = arith.addi %mul3A_559, %add3A_577 : vector<16xi32>
      %gather3A_579 = tpu.vector_load_idx %arg16[%add3A_578] : memref<64xf32, #tpu.memory_space<vmem>>[vector<16xi32>], vector<16xf32>,
      %add3A_580 = arith.constant 128 : i32
      %add3A_581 = vector.broadcast %add3A_580 : i32 to vector<16xi32>
      %add3A_582 = arith.addi %add3A_556, %add3A_581 : vector<16xi32>
      %mul3A_583 = arith.mulf %div3A_545, %gather3A_579 : vector<16xf32>
      tpu.vector_store_idx %arg17[%add3A_582], %mul3A_583 {add = true} : memref<32768xf32, #tpu.memory_space<vmem>>[vector<16xi32>], vector<16xf32>,
      %add3A_584 = arith.constant 3 : i32
      %add3A_585 = vector.broadcast %add3A_584 : i32 to vector<16xi32>
      %add3A_586 = arith.addi %mul3A_559, %add3A_585 : vector<16xi32>
      %gather3A_587 = tpu.vector_load_idx %arg16[%add3A_586] : memref<64xf32, #tpu.memory_space<vmem>>[vector<16xi32>], vector<16xf32>,
      %add3A_588 = arith.constant 192 : i32
      %add3A_589 = vector.broadcast %add3A_588 : i32 to vector<16xi32>
      %add3A_590 = arith.addi %add3A_556, %add3A_589 : vector<16xi32>
      %mul3A_591 = arith.mulf %div3A_545, %gather3A_587 : vector<16xf32>
      tpu.vector_store_idx %arg17[%add3A_590], %mul3A_591 {add = true} : memref<32768xf32, #tpu.memory_space<vmem>>[vector<16xi32>], vector<16xf32>,
      %scan3A_592 = arith.constant 7 : i32
      %scan3A_593 = arith.addi %scan3A_47, %scan3A_592 : i32
      %mul3A_594 = arith.constant 16 : i32
      %mul3A_595 = arith.muli %scan3A_593, %mul3A_594 : i32
      %get3A_596 = arith.index_cast %mul3A_595 : i32 to index
      %get3A_597 = tpu.vector_load %arg13[%get3A_596] {strides = array<i32>} : memref<2048xi32, #tpu.memory_space<vmem>>, vector<16xi32>,
      %mul3A_598 = arith.constant 16 : i32
      %mul3A_599 = arith.muli %scan3A_593, %mul3A_598 : i32
      %get3A_600 = arith.index_cast %mul3A_599 : i32 to index
      %get3A_601 = tpu.vector_load %arg14[%get3A_600] {strides = array<i32>} : memref<2048xi32, #tpu.memory_space<vmem>>, vector<16xi32>,
      %mul3A_602 = arith.constant 16 : i32
      %mul3A_603 = arith.muli %scan3A_593, %mul3A_602 : i32
      %get3A_604 = arith.index_cast %mul3A_603 : i32 to index
      %get3A_605 = tpu.vector_load %arg15[%get3A_604] {strides = array<i32>} : memref<2048xi32, #tpu.memory_space<vmem>>, vector<16xi32>,
      %and3A_606 = arith.constant 127 : i32
      %and3A_607 = vector.broadcast %and3A_606 : i32 to vector<16xi32>
      %and3A_608 = arith.andi %get3A_597, %and3A_607 : vector<16xi32>
      %gather3A_609 = tpu.vector_load_idx %arg11[%and3A_608] : memref<128xf32, #tpu.memory_space<vmem>>[vector<16xi32>], vector<16xf32>,
      %and3A_610 = arith.constant 127 : i32
      %and3A_611 = vector.broadcast %and3A_610 : i32 to vector<16xi32>
      %and3A_612 = arith.andi %get3A_601, %and3A_611 : vector<16xi32>
      %gather3A_613 = tpu.vector_load_idx %arg12[%and3A_612] : memref<128xf32, #tpu.memory_space<vmem>>[vector<16xi32>], vector<16xf32>,
      %add3A_614 = arith.addf %gather3A_609, %gather3A_613 : vector<16xf32>
      %neg3A_615 = arith.constant 0.000000e+00 : f32
      %neg3A_616 = vector.broadcast %neg3A_615 : f32 to vector<16xf32>
      %neg3A_617 = arith.subf %neg3A_616, %add3A_614 : vector<16xf32>
      %exp3A_618 = math.exp %neg3A_617 : vector<16xf32>
      %add3A_619 = arith.constant 1.000000e+00 : f32
      %add3A_620 = vector.broadcast %add3A_619 : f32 to vector<16xf32>
      %add3A_621 = arith.addf %add3A_620, %exp3A_618 : vector<16xf32>
      %div3A_622 = arith.constant 1.000000e+00 : f32
      %div3A_623 = vector.broadcast %div3A_622 : f32 to vector<16xf32>
      %div3A_624 = arith.divf %div3A_623, %add3A_621 : vector<16xf32>
      %mul3A_625 = arith.constant 16 : i32
      %mul3A_626 = arith.muli %scan3A_593, %mul3A_625 : i32
      %swap3A_627 = arith.index_cast %mul3A_626 : i32 to index
      %swap3A_628 = tpu.vector_load %arg18[%swap3A_627] {strides = array<i32>} : memref<2048xf32, #tpu.memory_space<vmem>>, vector<16xf32>,
      tpu.vector_store %arg18[%swap3A_627], %div3A_624 {strides = array<i32>} : memref<2048xf32, #tpu.memory_space<vmem>>, vector<16xf32>,
      %mul3A_629 = arith.constant 256 : i32
      %mul3A_630 = vector.broadcast %mul3A_629 : i32 to vector<16xi32>
      %mul3A_631 = arith.muli %and3A_612, %mul3A_630 : vector<16xi32>
      %and3A_632 = arith.constant 63 : i32
      %and3A_633 = vector.broadcast %and3A_632 : i32 to vector<16xi32>
      %and3A_634 = arith.andi %get3A_597, %and3A_633 : vector<16xi32>
      %add3A_635 = arith.addi %mul3A_631, %and3A_634 : vector<16xi32>
      %mul3A_636 = arith.constant 4 : i32
      %mul3A_637 = vector.broadcast %mul3A_636 : i32 to vector<16xi32>
      %mul3A_638 = arith.muli %get3A_605, %mul3A_637 : vector<16xi32>
      %add3A_639 = arith.constant 0 : i32
      %add3A_640 = vector.broadcast %add3A_639 : i32 to vector<16xi32>
      %add3A_641 = arith.addi %mul3A_638, %add3A_640 : vector<16xi32>
      %gather3A_642 = tpu.vector_load_idx %arg16[%add3A_641] : memref<64xf32, #tpu.memory_space<vmem>>[vector<16xi32>], vector<16xf32>,
      %add3A_643 = arith.constant 0 : i32
      %add3A_644 = vector.broadcast %add3A_643 : i32 to vector<16xi32>
      %add3A_645 = arith.addi %add3A_635, %add3A_644 : vector<16xi32>
      %mul3A_646 = arith.mulf %div3A_624, %gather3A_642 : vector<16xf32>
      tpu.vector_store_idx %arg17[%add3A_645], %mul3A_646 {add = true} : memref<32768xf32, #tpu.memory_space<vmem>>[vector<16xi32>], vector<16xf32>,
      %add3A_647 = arith.constant 1 : i32
      %add3A_648 = vector.broadcast %add3A_647 : i32 to vector<16xi32>
      %add3A_649 = arith.addi %mul3A_638, %add3A_648 : vector<16xi32>
      %gather3A_650 = tpu.vector_load_idx %arg16[%add3A_649] : memref<64xf32, #tpu.memory_space<vmem>>[vector<16xi32>], vector<16xf32>,
      %add3A_651 = arith.constant 64 : i32
      %add3A_652 = vector.broadcast %add3A_651 : i32 to vector<16xi32>
      %add3A_653 = arith.addi %add3A_635, %add3A_652 : vector<16xi32>
      %mul3A_654 = arith.mulf %div3A_624, %gather3A_650 : vector<16xf32>
      tpu.vector_store_idx %arg17[%add3A_653], %mul3A_654 {add = true} : memref<32768xf32, #tpu.memory_space<vmem>>[vector<16xi32>], vector<16xf32>,
      %add3A_655 = arith.constant 2 : i32
      %add3A_656 = vector.broadcast %add3A_655 : i32 to vector<16xi32>
      %add3A_657 = arith.addi %mul3A_638, %add3A_656 : vector<16xi32>
      %gather3A_658 = tpu.vector_load_idx %arg16[%add3A_657] : memref<64xf32, #tpu.memory_space<vmem>>[vector<16xi32>], vector<16xf32>,
      %add3A_659 = arith.constant 128 : i32
      %add3A_660 = vector.broadcast %add3A_659 : i32 to vector<16xi32>
      %add3A_661 = arith.addi %add3A_635, %add3A_660 : vector<16xi32>
      %mul3A_662 = arith.mulf %div3A_624, %gather3A_658 : vector<16xf32>
      tpu.vector_store_idx %arg17[%add3A_661], %mul3A_662 {add = true} : memref<32768xf32, #tpu.memory_space<vmem>>[vector<16xi32>], vector<16xf32>,
      %add3A_663 = arith.constant 3 : i32
      %add3A_664 = vector.broadcast %add3A_663 : i32 to vector<16xi32>
      %add3A_665 = arith.addi %mul3A_638, %add3A_664 : vector<16xi32>
      %gather3A_666 = tpu.vector_load_idx %arg16[%add3A_665] : memref<64xf32, #tpu.memory_space<vmem>>[vector<16xi32>], vector<16xf32>,
      %add3A_667 = arith.constant 192 : i32
      %add3A_668 = vector.broadcast %add3A_667 : i32 to vector<16xi32>
      %add3A_669 = arith.addi %add3A_635, %add3A_668 : vector<16xi32>
      %mul3A_670 = arith.mulf %div3A_624, %gather3A_666 : vector<16xf32>
      tpu.vector_store_idx %arg17[%add3A_669], %mul3A_670 {add = true} : memref<32768xf32, #tpu.memory_space<vmem>>[vector<16xi32>], vector<16xf32>,
    }
    %scan3A_44 = arith.constant 128 : i32
    %mul3A_45 = arith.constant 32768 : i32
    %mul3A_46 = arith.muli %add3A, %mul3A_45 : i32
    "tpu.region"() ({
      %run_scoped3A = tpu.sem_alloc : memref<!tpu.dma_semaphore, #tpu.memory_space<semaphore_mem>>
      %dma_start3A_47 = tpu.memref_slice %arg8[%mul3A_46] : memref<1048576xf32, #tpu.memory_space<hbm>> -> memref<32768xf32, #tpu.memory_space<hbm>>
      %dma_start3A_48 = tpu.memref_slice %arg8[%mul3A_46] : memref<1048576xf32, #tpu.memory_space<hbm>> -> memref<32768xf32, #tpu.memory_space<hbm>>
      tpu.enqueue_dma source(%arg17 : memref<32768xf32, #tpu.memory_space<vmem>>) target(%dma_start3A_48 : memref<32768xf32, #tpu.memory_space<hbm>>) target_semaphore(%run_scoped3A : memref<!tpu.dma_semaphore, #tpu.memory_space<semaphore_mem>>)
      %dma_wait3A_49 = tpu.memref_slice %arg8[%mul3A_46] : memref<1048576xf32, #tpu.memory_space<hbm>> -> memref<32768xf32, #tpu.memory_space<hbm>>
      %dma_wait3A_50 = tpu.memref_slice %arg8[%mul3A_46] : memref<1048576xf32, #tpu.memory_space<hbm>> -> memref<32768xf32, #tpu.memory_space<hbm>>
      tpu.wait_dma2 semaphore(%run_scoped3A : memref<!tpu.dma_semaphore, #tpu.memory_space<semaphore_mem>>) src(%arg17 : memref<32768xf32, #tpu.memory_space<vmem>>) dst(%dma_wait3A_50 : memref<32768xf32, #tpu.memory_space<hbm>>)
      tpu.yield
    }) : () -> ()
    "tpu.region"() ({
      %run_scoped3A = tpu.sem_alloc : memref<!tpu.dma_semaphore, #tpu.memory_space<semaphore_mem>>
      %dma_start3A_47 = tpu.memref_slice %arg9[%mul3A_2] : memref<65536xf32, #tpu.memory_space<hbm>> -> memref<2048xf32, #tpu.memory_space<hbm>>
      %dma_start3A_48 = tpu.memref_slice %arg9[%mul3A_2] : memref<65536xf32, #tpu.memory_space<hbm>> -> memref<2048xf32, #tpu.memory_space<hbm>>
      tpu.enqueue_dma source(%arg18 : memref<2048xf32, #tpu.memory_space<vmem>>) target(%dma_start3A_48 : memref<2048xf32, #tpu.memory_space<hbm>>) target_semaphore(%run_scoped3A : memref<!tpu.dma_semaphore, #tpu.memory_space<semaphore_mem>>)
      %dma_wait3A_49 = tpu.memref_slice %arg9[%mul3A_2] : memref<65536xf32, #tpu.memory_space<hbm>> -> memref<2048xf32, #tpu.memory_space<hbm>>
      %dma_wait3A_50 = tpu.memref_slice %arg9[%mul3A_2] : memref<65536xf32, #tpu.memory_space<hbm>> -> memref<2048xf32, #tpu.memory_space<hbm>>
      tpu.wait_dma2 semaphore(%run_scoped3A : memref<!tpu.dma_semaphore, #tpu.memory_space<semaphore_mem>>) src(%arg18 : memref<2048xf32, #tpu.memory_space<vmem>>) dst(%dma_wait3A_50 : memref<2048xf32, #tpu.memory_space<hbm>>)
      tpu.yield
    }) : () -> ()
    return
  }
}

#map = affine_map<(d0, d1) -> (0)>
module attributes {stable_mosaic.version = 14 : i64} {
  func.func @_sc_edge_body(%arg0: i32, %arg1: i32, %arg2: memref<4096xf32, #tpu.memory_space<hbm>>, %arg3: memref<4096xf32, #tpu.memory_space<hbm>>, %arg4: memref<65536xi32, #tpu.memory_space<hbm>>, %arg5: memref<65536xi32, #tpu.memory_space<hbm>>, %arg6: memref<65536xi32, #tpu.memory_space<hbm>>, %arg7: memref<192xf32, #tpu.memory_space<hbm>>, %arg8: memref<1048576xf32, #tpu.memory_space<hbm>>, %arg9: memref<65536xf32, #tpu.memory_space<hbm>>, %arg10: memref<4096xf32, #tpu.memory_space<hbm>>, %arg11: memref<128xf32, #tpu.memory_space<vmem>>, %arg12: memref<128xf32, #tpu.memory_space<vmem>>, %arg13: memref<2048xi32, #tpu.memory_space<vmem>>, %arg14: memref<2048xi32, #tpu.memory_space<vmem>>, %arg15: memref<2048xi32, #tpu.memory_space<vmem>>, %arg16: memref<64xf32, #tpu.memory_space<vmem>>, %arg17: memref<32768xf32, #tpu.memory_space<vmem>>, %arg18: memref<2048xf32, #tpu.memory_space<vmem>>, %arg19: memref<128xf32, #tpu.memory_space<vmem>>, %arg20: memref<!tpu.dma_semaphore, #tpu.memory_space<semaphore_mem>>) attributes {dimension_semantics = [#tpu.dimension_semantics<core_parallel>, #tpu.dimension_semantics<subcore_parallel>], iteration_bounds = array<i64: 2, 16>, scalar_prefetch = 0 : i64, scratch_operands = 10 : i64, tpu.core_type = #tpu.core_type<sc_vector_subcore>, window_params = [{transform_indices = #map}, {transform_indices = #map}, {transform_indices = #map}, {transform_indices = #map}, {transform_indices = #map}, {transform_indices = #map}, {transform_indices = #map}, {transform_indices = #map}, {transform_indices = #map}]} {
    %mul3A = arith.constant 2 : i32
    %mul3A_0 = arith.muli %arg1, %mul3A : i32
    %add3A = arith.addi %mul3A_0, %arg0 : i32
    %mul3A_1 = arith.constant 2048 : i32
    %mul3A_2 = arith.muli %add3A, %mul3A_1 : i32
    %mul3A_3 = arith.constant 128 : i32
    %mul3A_4 = arith.muli %add3A, %mul3A_3 : i32
    %dma_start3A = tpu.memref_slice %arg2[%mul3A_4] : memref<4096xf32, #tpu.memory_space<hbm>> -> memref<128xf32, #tpu.memory_space<hbm>>
    %dma_start3A_5 = tpu.memref_slice %arg2[%mul3A_4] : memref<4096xf32, #tpu.memory_space<hbm>> -> memref<128xf32, #tpu.memory_space<hbm>>
    tpu.enqueue_dma source(%dma_start3A_5 : memref<128xf32, #tpu.memory_space<hbm>>) target(%arg11 : memref<128xf32, #tpu.memory_space<vmem>>) target_semaphore(%arg20 : memref<!tpu.dma_semaphore, #tpu.memory_space<semaphore_mem>>)
    %dma_start3A_6 = tpu.memref_slice %arg3[%mul3A_4] : memref<4096xf32, #tpu.memory_space<hbm>> -> memref<128xf32, #tpu.memory_space<hbm>>
    %dma_start3A_7 = tpu.memref_slice %arg3[%mul3A_4] : memref<4096xf32, #tpu.memory_space<hbm>> -> memref<128xf32, #tpu.memory_space<hbm>>
    tpu.enqueue_dma source(%dma_start3A_7 : memref<128xf32, #tpu.memory_space<hbm>>) target(%arg12 : memref<128xf32, #tpu.memory_space<vmem>>) target_semaphore(%arg20 : memref<!tpu.dma_semaphore, #tpu.memory_space<semaphore_mem>>)
    %dma_start3A_8 = tpu.memref_slice %arg4[%mul3A_2] : memref<65536xi32, #tpu.memory_space<hbm>> -> memref<2048xi32, #tpu.memory_space<hbm>>
    %dma_start3A_9 = tpu.memref_slice %arg4[%mul3A_2] : memref<65536xi32, #tpu.memory_space<hbm>> -> memref<2048xi32, #tpu.memory_space<hbm>>
    tpu.enqueue_dma source(%dma_start3A_9 : memref<2048xi32, #tpu.memory_space<hbm>>) target(%arg13 : memref<2048xi32, #tpu.memory_space<vmem>>) target_semaphore(%arg20 : memref<!tpu.dma_semaphore, #tpu.memory_space<semaphore_mem>>)
    %dma_start3A_10 = tpu.memref_slice %arg5[%mul3A_2] : memref<65536xi32, #tpu.memory_space<hbm>> -> memref<2048xi32, #tpu.memory_space<hbm>>
    %dma_start3A_11 = tpu.memref_slice %arg5[%mul3A_2] : memref<65536xi32, #tpu.memory_space<hbm>> -> memref<2048xi32, #tpu.memory_space<hbm>>
    tpu.enqueue_dma source(%dma_start3A_11 : memref<2048xi32, #tpu.memory_space<hbm>>) target(%arg14 : memref<2048xi32, #tpu.memory_space<vmem>>) target_semaphore(%arg20 : memref<!tpu.dma_semaphore, #tpu.memory_space<semaphore_mem>>)
    %dma_start3A_12 = tpu.memref_slice %arg6[%mul3A_2] : memref<65536xi32, #tpu.memory_space<hbm>> -> memref<2048xi32, #tpu.memory_space<hbm>>
    %dma_start3A_13 = tpu.memref_slice %arg6[%mul3A_2] : memref<65536xi32, #tpu.memory_space<hbm>> -> memref<2048xi32, #tpu.memory_space<hbm>>
    tpu.enqueue_dma source(%dma_start3A_13 : memref<2048xi32, #tpu.memory_space<hbm>>) target(%arg15 : memref<2048xi32, #tpu.memory_space<vmem>>) target_semaphore(%arg20 : memref<!tpu.dma_semaphore, #tpu.memory_space<semaphore_mem>>)
    %dma_start3A_14 = arith.constant 128 : i32
    %dma_start3A_15 = tpu.memref_slice %arg7[%dma_start3A_14] : memref<192xf32, #tpu.memory_space<hbm>> -> memref<64xf32, #tpu.memory_space<hbm>>
    %dma_start3A_16 = arith.constant 128 : i32
    %dma_start3A_17 = tpu.memref_slice %arg7[%dma_start3A_16] : memref<192xf32, #tpu.memory_space<hbm>> -> memref<64xf32, #tpu.memory_space<hbm>>
    tpu.enqueue_dma source(%dma_start3A_17 : memref<64xf32, #tpu.memory_space<hbm>>) target(%arg16 : memref<64xf32, #tpu.memory_space<vmem>>) target_semaphore(%arg20 : memref<!tpu.dma_semaphore, #tpu.memory_space<semaphore_mem>>)
    %broadcast_in_dim3A = arith.constant 0.000000e+00 : f32
    %broadcast_in_dim3A_18 = vector.broadcast %broadcast_in_dim3A : f32 to vector<16xf32>
    %scan3A = arith.constant 0 : i32
    %scan3A_19 = arith.constant 0 : i32
    %scan3A_20 = arith.constant 2048 : i32
    %scan3A_21 = arith.addi %scan3A_19, %scan3A_20 : i32
    %scan3A_22 = arith.constant 32 : i32
    scf.for %scan3A_47 = %scan3A_19 to %scan3A_21 step %scan3A_22  : i32 {
      %mul3A_48 = arith.constant 16 : i32
      %mul3A_49 = arith.muli %scan3A_47, %mul3A_48 : i32
      %swap3A = arith.index_cast %mul3A_49 : i32 to index
      %swap3A_50 = tpu.vector_load %arg17[%swap3A] {strides = array<i32>} : memref<32768xf32, #tpu.memory_space<vmem>>, vector<16xf32>,
      tpu.vector_store %arg17[%swap3A], %broadcast_in_dim3A_18 {strides = array<i32>} : memref<32768xf32, #tpu.memory_space<vmem>>, vector<16xf32>,
      %scan3A_51 = arith.constant 1 : i32
      %scan3A_52 = arith.addi %scan3A_47, %scan3A_51 : i32
      %mul3A_53 = arith.constant 16 : i32
      %mul3A_54 = arith.muli %scan3A_52, %mul3A_53 : i32
      %swap3A_55 = arith.index_cast %mul3A_54 : i32 to index
      %swap3A_56 = tpu.vector_load %arg17[%swap3A_55] {strides = array<i32>} : memref<32768xf32, #tpu.memory_space<vmem>>, vector<16xf32>,
      tpu.vector_store %arg17[%swap3A_55], %broadcast_in_dim3A_18 {strides = array<i32>} : memref<32768xf32, #tpu.memory_space<vmem>>, vector<16xf32>,
      %scan3A_57 = arith.constant 2 : i32
      %scan3A_58 = arith.addi %scan3A_47, %scan3A_57 : i32
      %mul3A_59 = arith.constant 16 : i32
      %mul3A_60 = arith.muli %scan3A_58, %mul3A_59 : i32
      %swap3A_61 = arith.index_cast %mul3A_60 : i32 to index
      %swap3A_62 = tpu.vector_load %arg17[%swap3A_61] {strides = array<i32>} : memref<32768xf32, #tpu.memory_space<vmem>>, vector<16xf32>,
      tpu.vector_store %arg17[%swap3A_61], %broadcast_in_dim3A_18 {strides = array<i32>} : memref<32768xf32, #tpu.memory_space<vmem>>, vector<16xf32>,
      %scan3A_63 = arith.constant 3 : i32
      %scan3A_64 = arith.addi %scan3A_47, %scan3A_63 : i32
      %mul3A_65 = arith.constant 16 : i32
      %mul3A_66 = arith.muli %scan3A_64, %mul3A_65 : i32
      %swap3A_67 = arith.index_cast %mul3A_66 : i32 to index
      %swap3A_68 = tpu.vector_load %arg17[%swap3A_67] {strides = array<i32>} : memref<32768xf32, #tpu.memory_space<vmem>>, vector<16xf32>,
      tpu.vector_store %arg17[%swap3A_67], %broadcast_in_dim3A_18 {strides = array<i32>} : memref<32768xf32, #tpu.memory_space<vmem>>, vector<16xf32>,
      %scan3A_69 = arith.constant 4 : i32
      %scan3A_70 = arith.addi %scan3A_47, %scan3A_69 : i32
      %mul3A_71 = arith.constant 16 : i32
      %mul3A_72 = arith.muli %scan3A_70, %mul3A_71 : i32
      %swap3A_73 = arith.index_cast %mul3A_72 : i32 to index
      %swap3A_74 = tpu.vector_load %arg17[%swap3A_73] {strides = array<i32>} : memref<32768xf32, #tpu.memory_space<vmem>>, vector<16xf32>,
      tpu.vector_store %arg17[%swap3A_73], %broadcast_in_dim3A_18 {strides = array<i32>} : memref<32768xf32, #tpu.memory_space<vmem>>, vector<16xf32>,
      %scan3A_75 = arith.constant 5 : i32
      %scan3A_76 = arith.addi %scan3A_47, %scan3A_75 : i32
      %mul3A_77 = arith.constant 16 : i32
      %mul3A_78 = arith.muli %scan3A_76, %mul3A_77 : i32
      %swap3A_79 = arith.index_cast %mul3A_78 : i32 to index
      %swap3A_80 = tpu.vector_load %arg17[%swap3A_79] {strides = array<i32>} : memref<32768xf32, #tpu.memory_space<vmem>>, vector<16xf32>,
      tpu.vector_store %arg17[%swap3A_79], %broadcast_in_dim3A_18 {strides = array<i32>} : memref<32768xf32, #tpu.memory_space<vmem>>, vector<16xf32>,
      %scan3A_81 = arith.constant 6 : i32
      %scan3A_82 = arith.addi %scan3A_47, %scan3A_81 : i32
      %mul3A_83 = arith.constant 16 : i32
      %mul3A_84 = arith.muli %scan3A_82, %mul3A_83 : i32
      %swap3A_85 = arith.index_cast %mul3A_84 : i32 to index
      %swap3A_86 = tpu.vector_load %arg17[%swap3A_85] {strides = array<i32>} : memref<32768xf32, #tpu.memory_space<vmem>>, vector<16xf32>,
      tpu.vector_store %arg17[%swap3A_85], %broadcast_in_dim3A_18 {strides = array<i32>} : memref<32768xf32, #tpu.memory_space<vmem>>, vector<16xf32>,
      %scan3A_87 = arith.constant 7 : i32
      %scan3A_88 = arith.addi %scan3A_47, %scan3A_87 : i32
      %mul3A_89 = arith.constant 16 : i32
      %mul3A_90 = arith.muli %scan3A_88, %mul3A_89 : i32
      %swap3A_91 = arith.index_cast %mul3A_90 : i32 to index
      %swap3A_92 = tpu.vector_load %arg17[%swap3A_91] {strides = array<i32>} : memref<32768xf32, #tpu.memory_space<vmem>>, vector<16xf32>,
      tpu.vector_store %arg17[%swap3A_91], %broadcast_in_dim3A_18 {strides = array<i32>} : memref<32768xf32, #tpu.memory_space<vmem>>, vector<16xf32>,
      %scan3A_93 = arith.constant 8 : i32
      %scan3A_94 = arith.addi %scan3A_47, %scan3A_93 : i32
      %mul3A_95 = arith.constant 16 : i32
      %mul3A_96 = arith.muli %scan3A_94, %mul3A_95 : i32
      %swap3A_97 = arith.index_cast %mul3A_96 : i32 to index
      %swap3A_98 = tpu.vector_load %arg17[%swap3A_97] {strides = array<i32>} : memref<32768xf32, #tpu.memory_space<vmem>>, vector<16xf32>,
      tpu.vector_store %arg17[%swap3A_97], %broadcast_in_dim3A_18 {strides = array<i32>} : memref<32768xf32, #tpu.memory_space<vmem>>, vector<16xf32>,
      %scan3A_99 = arith.constant 9 : i32
      %scan3A_100 = arith.addi %scan3A_47, %scan3A_99 : i32
      %mul3A_101 = arith.constant 16 : i32
      %mul3A_102 = arith.muli %scan3A_100, %mul3A_101 : i32
      %swap3A_103 = arith.index_cast %mul3A_102 : i32 to index
      %swap3A_104 = tpu.vector_load %arg17[%swap3A_103] {strides = array<i32>} : memref<32768xf32, #tpu.memory_space<vmem>>, vector<16xf32>,
      tpu.vector_store %arg17[%swap3A_103], %broadcast_in_dim3A_18 {strides = array<i32>} : memref<32768xf32, #tpu.memory_space<vmem>>, vector<16xf32>,
      %scan3A_105 = arith.constant 10 : i32
      %scan3A_106 = arith.addi %scan3A_47, %scan3A_105 : i32
      %mul3A_107 = arith.constant 16 : i32
      %mul3A_108 = arith.muli %scan3A_106, %mul3A_107 : i32
      %swap3A_109 = arith.index_cast %mul3A_108 : i32 to index
      %swap3A_110 = tpu.vector_load %arg17[%swap3A_109] {strides = array<i32>} : memref<32768xf32, #tpu.memory_space<vmem>>, vector<16xf32>,
      tpu.vector_store %arg17[%swap3A_109], %broadcast_in_dim3A_18 {strides = array<i32>} : memref<32768xf32, #tpu.memory_space<vmem>>, vector<16xf32>,
      %scan3A_111 = arith.constant 11 : i32
      %scan3A_112 = arith.addi %scan3A_47, %scan3A_111 : i32
      %mul3A_113 = arith.constant 16 : i32
      %mul3A_114 = arith.muli %scan3A_112, %mul3A_113 : i32
      %swap3A_115 = arith.index_cast %mul3A_114 : i32 to index
      %swap3A_116 = tpu.vector_load %arg17[%swap3A_115] {strides = array<i32>} : memref<32768xf32, #tpu.memory_space<vmem>>, vector<16xf32>,
      tpu.vector_store %arg17[%swap3A_115], %broadcast_in_dim3A_18 {strides = array<i32>} : memref<32768xf32, #tpu.memory_space<vmem>>, vector<16xf32>,
      %scan3A_117 = arith.constant 12 : i32
      %scan3A_118 = arith.addi %scan3A_47, %scan3A_117 : i32
      %mul3A_119 = arith.constant 16 : i32
      %mul3A_120 = arith.muli %scan3A_118, %mul3A_119 : i32
      %swap3A_121 = arith.index_cast %mul3A_120 : i32 to index
      %swap3A_122 = tpu.vector_load %arg17[%swap3A_121] {strides = array<i32>} : memref<32768xf32, #tpu.memory_space<vmem>>, vector<16xf32>,
      tpu.vector_store %arg17[%swap3A_121], %broadcast_in_dim3A_18 {strides = array<i32>} : memref<32768xf32, #tpu.memory_space<vmem>>, vector<16xf32>,
      %scan3A_123 = arith.constant 13 : i32
      %scan3A_124 = arith.addi %scan3A_47, %scan3A_123 : i32
      %mul3A_125 = arith.constant 16 : i32
      %mul3A_126 = arith.muli %scan3A_124, %mul3A_125 : i32
      %swap3A_127 = arith.index_cast %mul3A_126 : i32 to index
      %swap3A_128 = tpu.vector_load %arg17[%swap3A_127] {strides = array<i32>} : memref<32768xf32, #tpu.memory_space<vmem>>, vector<16xf32>,
      tpu.vector_store %arg17[%swap3A_127], %broadcast_in_dim3A_18 {strides = array<i32>} : memref<32768xf32, #tpu.memory_space<vmem>>, vector<16xf32>,
      %scan3A_129 = arith.constant 14 : i32
      %scan3A_130 = arith.addi %scan3A_47, %scan3A_129 : i32
      %mul3A_131 = arith.constant 16 : i32
      %mul3A_132 = arith.muli %scan3A_130, %mul3A_131 : i32
      %swap3A_133 = arith.index_cast %mul3A_132 : i32 to index
      %swap3A_134 = tpu.vector_load %arg17[%swap3A_133] {strides = array<i32>} : memref<32768xf32, #tpu.memory_space<vmem>>, vector<16xf32>,
      tpu.vector_store %arg17[%swap3A_133], %broadcast_in_dim3A_18 {strides = array<i32>} : memref<32768xf32, #tpu.memory_space<vmem>>, vector<16xf32>,
      %scan3A_135 = arith.constant 15 : i32
      %scan3A_136 = arith.addi %scan3A_47, %scan3A_135 : i32
      %mul3A_137 = arith.constant 16 : i32
      %mul3A_138 = arith.muli %scan3A_136, %mul3A_137 : i32
      %swap3A_139 = arith.index_cast %mul3A_138 : i32 to index
      %swap3A_140 = tpu.vector_load %arg17[%swap3A_139] {strides = array<i32>} : memref<32768xf32, #tpu.memory_space<vmem>>, vector<16xf32>,
      tpu.vector_store %arg17[%swap3A_139], %broadcast_in_dim3A_18 {strides = array<i32>} : memref<32768xf32, #tpu.memory_space<vmem>>, vector<16xf32>,
      %scan3A_141 = arith.constant 16 : i32
      %scan3A_142 = arith.addi %scan3A_47, %scan3A_141 : i32
      %mul3A_143 = arith.constant 16 : i32
      %mul3A_144 = arith.muli %scan3A_142, %mul3A_143 : i32
      %swap3A_145 = arith.index_cast %mul3A_144 : i32 to index
      %swap3A_146 = tpu.vector_load %arg17[%swap3A_145] {strides = array<i32>} : memref<32768xf32, #tpu.memory_space<vmem>>, vector<16xf32>,
      tpu.vector_store %arg17[%swap3A_145], %broadcast_in_dim3A_18 {strides = array<i32>} : memref<32768xf32, #tpu.memory_space<vmem>>, vector<16xf32>,
      %scan3A_147 = arith.constant 17 : i32
      %scan3A_148 = arith.addi %scan3A_47, %scan3A_147 : i32
      %mul3A_149 = arith.constant 16 : i32
      %mul3A_150 = arith.muli %scan3A_148, %mul3A_149 : i32
      %swap3A_151 = arith.index_cast %mul3A_150 : i32 to index
      %swap3A_152 = tpu.vector_load %arg17[%swap3A_151] {strides = array<i32>} : memref<32768xf32, #tpu.memory_space<vmem>>, vector<16xf32>,
      tpu.vector_store %arg17[%swap3A_151], %broadcast_in_dim3A_18 {strides = array<i32>} : memref<32768xf32, #tpu.memory_space<vmem>>, vector<16xf32>,
      %scan3A_153 = arith.constant 18 : i32
      %scan3A_154 = arith.addi %scan3A_47, %scan3A_153 : i32
      %mul3A_155 = arith.constant 16 : i32
      %mul3A_156 = arith.muli %scan3A_154, %mul3A_155 : i32
      %swap3A_157 = arith.index_cast %mul3A_156 : i32 to index
      %swap3A_158 = tpu.vector_load %arg17[%swap3A_157] {strides = array<i32>} : memref<32768xf32, #tpu.memory_space<vmem>>, vector<16xf32>,
      tpu.vector_store %arg17[%swap3A_157], %broadcast_in_dim3A_18 {strides = array<i32>} : memref<32768xf32, #tpu.memory_space<vmem>>, vector<16xf32>,
      %scan3A_159 = arith.constant 19 : i32
      %scan3A_160 = arith.addi %scan3A_47, %scan3A_159 : i32
      %mul3A_161 = arith.constant 16 : i32
      %mul3A_162 = arith.muli %scan3A_160, %mul3A_161 : i32
      %swap3A_163 = arith.index_cast %mul3A_162 : i32 to index
      %swap3A_164 = tpu.vector_load %arg17[%swap3A_163] {strides = array<i32>} : memref<32768xf32, #tpu.memory_space<vmem>>, vector<16xf32>,
      tpu.vector_store %arg17[%swap3A_163], %broadcast_in_dim3A_18 {strides = array<i32>} : memref<32768xf32, #tpu.memory_space<vmem>>, vector<16xf32>,
      %scan3A_165 = arith.constant 20 : i32
      %scan3A_166 = arith.addi %scan3A_47, %scan3A_165 : i32
      %mul3A_167 = arith.constant 16 : i32
      %mul3A_168 = arith.muli %scan3A_166, %mul3A_167 : i32
      %swap3A_169 = arith.index_cast %mul3A_168 : i32 to index
      %swap3A_170 = tpu.vector_load %arg17[%swap3A_169] {strides = array<i32>} : memref<32768xf32, #tpu.memory_space<vmem>>, vector<16xf32>,
      tpu.vector_store %arg17[%swap3A_169], %broadcast_in_dim3A_18 {strides = array<i32>} : memref<32768xf32, #tpu.memory_space<vmem>>, vector<16xf32>,
      %scan3A_171 = arith.constant 21 : i32
      %scan3A_172 = arith.addi %scan3A_47, %scan3A_171 : i32
      %mul3A_173 = arith.constant 16 : i32
      %mul3A_174 = arith.muli %scan3A_172, %mul3A_173 : i32
      %swap3A_175 = arith.index_cast %mul3A_174 : i32 to index
      %swap3A_176 = tpu.vector_load %arg17[%swap3A_175] {strides = array<i32>} : memref<32768xf32, #tpu.memory_space<vmem>>, vector<16xf32>,
      tpu.vector_store %arg17[%swap3A_175], %broadcast_in_dim3A_18 {strides = array<i32>} : memref<32768xf32, #tpu.memory_space<vmem>>, vector<16xf32>,
      %scan3A_177 = arith.constant 22 : i32
      %scan3A_178 = arith.addi %scan3A_47, %scan3A_177 : i32
      %mul3A_179 = arith.constant 16 : i32
      %mul3A_180 = arith.muli %scan3A_178, %mul3A_179 : i32
      %swap3A_181 = arith.index_cast %mul3A_180 : i32 to index
      %swap3A_182 = tpu.vector_load %arg17[%swap3A_181] {strides = array<i32>} : memref<32768xf32, #tpu.memory_space<vmem>>, vector<16xf32>,
      tpu.vector_store %arg17[%swap3A_181], %broadcast_in_dim3A_18 {strides = array<i32>} : memref<32768xf32, #tpu.memory_space<vmem>>, vector<16xf32>,
      %scan3A_183 = arith.constant 23 : i32
      %scan3A_184 = arith.addi %scan3A_47, %scan3A_183 : i32
      %mul3A_185 = arith.constant 16 : i32
      %mul3A_186 = arith.muli %scan3A_184, %mul3A_185 : i32
      %swap3A_187 = arith.index_cast %mul3A_186 : i32 to index
      %swap3A_188 = tpu.vector_load %arg17[%swap3A_187] {strides = array<i32>} : memref<32768xf32, #tpu.memory_space<vmem>>, vector<16xf32>,
      tpu.vector_store %arg17[%swap3A_187], %broadcast_in_dim3A_18 {strides = array<i32>} : memref<32768xf32, #tpu.memory_space<vmem>>, vector<16xf32>,
      %scan3A_189 = arith.constant 24 : i32
      %scan3A_190 = arith.addi %scan3A_47, %scan3A_189 : i32
      %mul3A_191 = arith.constant 16 : i32
      %mul3A_192 = arith.muli %scan3A_190, %mul3A_191 : i32
      %swap3A_193 = arith.index_cast %mul3A_192 : i32 to index
      %swap3A_194 = tpu.vector_load %arg17[%swap3A_193] {strides = array<i32>} : memref<32768xf32, #tpu.memory_space<vmem>>, vector<16xf32>,
      tpu.vector_store %arg17[%swap3A_193], %broadcast_in_dim3A_18 {strides = array<i32>} : memref<32768xf32, #tpu.memory_space<vmem>>, vector<16xf32>,
      %scan3A_195 = arith.constant 25 : i32
      %scan3A_196 = arith.addi %scan3A_47, %scan3A_195 : i32
      %mul3A_197 = arith.constant 16 : i32
      %mul3A_198 = arith.muli %scan3A_196, %mul3A_197 : i32
      %swap3A_199 = arith.index_cast %mul3A_198 : i32 to index
      %swap3A_200 = tpu.vector_load %arg17[%swap3A_199] {strides = array<i32>} : memref<32768xf32, #tpu.memory_space<vmem>>, vector<16xf32>,
      tpu.vector_store %arg17[%swap3A_199], %broadcast_in_dim3A_18 {strides = array<i32>} : memref<32768xf32, #tpu.memory_space<vmem>>, vector<16xf32>,
      %scan3A_201 = arith.constant 26 : i32
      %scan3A_202 = arith.addi %scan3A_47, %scan3A_201 : i32
      %mul3A_203 = arith.constant 16 : i32
      %mul3A_204 = arith.muli %scan3A_202, %mul3A_203 : i32
      %swap3A_205 = arith.index_cast %mul3A_204 : i32 to index
      %swap3A_206 = tpu.vector_load %arg17[%swap3A_205] {strides = array<i32>} : memref<32768xf32, #tpu.memory_space<vmem>>, vector<16xf32>,
      tpu.vector_store %arg17[%swap3A_205], %broadcast_in_dim3A_18 {strides = array<i32>} : memref<32768xf32, #tpu.memory_space<vmem>>, vector<16xf32>,
      %scan3A_207 = arith.constant 27 : i32
      %scan3A_208 = arith.addi %scan3A_47, %scan3A_207 : i32
      %mul3A_209 = arith.constant 16 : i32
      %mul3A_210 = arith.muli %scan3A_208, %mul3A_209 : i32
      %swap3A_211 = arith.index_cast %mul3A_210 : i32 to index
      %swap3A_212 = tpu.vector_load %arg17[%swap3A_211] {strides = array<i32>} : memref<32768xf32, #tpu.memory_space<vmem>>, vector<16xf32>,
      tpu.vector_store %arg17[%swap3A_211], %broadcast_in_dim3A_18 {strides = array<i32>} : memref<32768xf32, #tpu.memory_space<vmem>>, vector<16xf32>,
      %scan3A_213 = arith.constant 28 : i32
      %scan3A_214 = arith.addi %scan3A_47, %scan3A_213 : i32
      %mul3A_215 = arith.constant 16 : i32
      %mul3A_216 = arith.muli %scan3A_214, %mul3A_215 : i32
      %swap3A_217 = arith.index_cast %mul3A_216 : i32 to index
      %swap3A_218 = tpu.vector_load %arg17[%swap3A_217] {strides = array<i32>} : memref<32768xf32, #tpu.memory_space<vmem>>, vector<16xf32>,
      tpu.vector_store %arg17[%swap3A_217], %broadcast_in_dim3A_18 {strides = array<i32>} : memref<32768xf32, #tpu.memory_space<vmem>>, vector<16xf32>,
      %scan3A_219 = arith.constant 29 : i32
      %scan3A_220 = arith.addi %scan3A_47, %scan3A_219 : i32
      %mul3A_221 = arith.constant 16 : i32
      %mul3A_222 = arith.muli %scan3A_220, %mul3A_221 : i32
      %swap3A_223 = arith.index_cast %mul3A_222 : i32 to index
      %swap3A_224 = tpu.vector_load %arg17[%swap3A_223] {strides = array<i32>} : memref<32768xf32, #tpu.memory_space<vmem>>, vector<16xf32>,
      tpu.vector_store %arg17[%swap3A_223], %broadcast_in_dim3A_18 {strides = array<i32>} : memref<32768xf32, #tpu.memory_space<vmem>>, vector<16xf32>,
      %scan3A_225 = arith.constant 30 : i32
      %scan3A_226 = arith.addi %scan3A_47, %scan3A_225 : i32
      %mul3A_227 = arith.constant 16 : i32
      %mul3A_228 = arith.muli %scan3A_226, %mul3A_227 : i32
      %swap3A_229 = arith.index_cast %mul3A_228 : i32 to index
      %swap3A_230 = tpu.vector_load %arg17[%swap3A_229] {strides = array<i32>} : memref<32768xf32, #tpu.memory_space<vmem>>, vector<16xf32>,
      tpu.vector_store %arg17[%swap3A_229], %broadcast_in_dim3A_18 {strides = array<i32>} : memref<32768xf32, #tpu.memory_space<vmem>>, vector<16xf32>,
      %scan3A_231 = arith.constant 31 : i32
      %scan3A_232 = arith.addi %scan3A_47, %scan3A_231 : i32
      %mul3A_233 = arith.constant 16 : i32
      %mul3A_234 = arith.muli %scan3A_232, %mul3A_233 : i32
      %swap3A_235 = arith.index_cast %mul3A_234 : i32 to index
      %swap3A_236 = tpu.vector_load %arg17[%swap3A_235] {strides = array<i32>} : memref<32768xf32, #tpu.memory_space<vmem>>, vector<16xf32>,
      tpu.vector_store %arg17[%swap3A_235], %broadcast_in_dim3A_18 {strides = array<i32>} : memref<32768xf32, #tpu.memory_space<vmem>>, vector<16xf32>,
    }
    %scan3A_23 = arith.constant 2048 : i32
    %dma_wait3A = tpu.memref_slice %arg2[%mul3A_4] : memref<4096xf32, #tpu.memory_space<hbm>> -> memref<128xf32, #tpu.memory_space<hbm>>
    %dma_wait3A_24 = tpu.memref_slice %arg2[%mul3A_4] : memref<4096xf32, #tpu.memory_space<hbm>> -> memref<128xf32, #tpu.memory_space<hbm>>
    tpu.wait_dma2 semaphore(%arg20 : memref<!tpu.dma_semaphore, #tpu.memory_space<semaphore_mem>>) src(%dma_wait3A_24 : memref<128xf32, #tpu.memory_space<hbm>>) dst(%arg11 : memref<128xf32, #tpu.memory_space<vmem>>)
    %dma_wait3A_25 = tpu.memref_slice %arg3[%mul3A_4] : memref<4096xf32, #tpu.memory_space<hbm>> -> memref<128xf32, #tpu.memory_space<hbm>>
    %dma_wait3A_26 = tpu.memref_slice %arg3[%mul3A_4] : memref<4096xf32, #tpu.memory_space<hbm>> -> memref<128xf32, #tpu.memory_space<hbm>>
    tpu.wait_dma2 semaphore(%arg20 : memref<!tpu.dma_semaphore, #tpu.memory_space<semaphore_mem>>) src(%dma_wait3A_26 : memref<128xf32, #tpu.memory_space<hbm>>) dst(%arg12 : memref<128xf32, #tpu.memory_space<vmem>>)
    %dma_wait3A_27 = tpu.memref_slice %arg4[%mul3A_2] : memref<65536xi32, #tpu.memory_space<hbm>> -> memref<2048xi32, #tpu.memory_space<hbm>>
    %dma_wait3A_28 = tpu.memref_slice %arg4[%mul3A_2] : memref<65536xi32, #tpu.memory_space<hbm>> -> memref<2048xi32, #tpu.memory_space<hbm>>
    tpu.wait_dma2 semaphore(%arg20 : memref<!tpu.dma_semaphore, #tpu.memory_space<semaphore_mem>>) src(%dma_wait3A_28 : memref<2048xi32, #tpu.memory_space<hbm>>) dst(%arg13 : memref<2048xi32, #tpu.memory_space<vmem>>)
    %dma_wait3A_29 = tpu.memref_slice %arg5[%mul3A_2] : memref<65536xi32, #tpu.memory_space<hbm>> -> memref<2048xi32, #tpu.memory_space<hbm>>
    %dma_wait3A_30 = tpu.memref_slice %arg5[%mul3A_2] : memref<65536xi32, #tpu.memory_space<hbm>> -> memref<2048xi32, #tpu.memory_space<hbm>>
    tpu.wait_dma2 semaphore(%arg20 : memref<!tpu.dma_semaphore, #tpu.memory_space<semaphore_mem>>) src(%dma_wait3A_30 : memref<2048xi32, #tpu.memory_space<hbm>>) dst(%arg14 : memref<2048xi32, #tpu.memory_space<vmem>>)
    %dma_wait3A_31 = tpu.memref_slice %arg6[%mul3A_2] : memref<65536xi32, #tpu.memory_space<hbm>> -> memref<2048xi32, #tpu.memory_space<hbm>>
    %dma_wait3A_32 = tpu.memref_slice %arg6[%mul3A_2] : memref<65536xi32, #tpu.memory_space<hbm>> -> memref<2048xi32, #tpu.memory_space<hbm>>
    tpu.wait_dma2 semaphore(%arg20 : memref<!tpu.dma_semaphore, #tpu.memory_space<semaphore_mem>>) src(%dma_wait3A_32 : memref<2048xi32, #tpu.memory_space<hbm>>) dst(%arg15 : memref<2048xi32, #tpu.memory_space<vmem>>)
    %dma_wait3A_33 = arith.constant 128 : i32
    %dma_wait3A_34 = tpu.memref_slice %arg7[%dma_wait3A_33] : memref<192xf32, #tpu.memory_space<hbm>> -> memref<64xf32, #tpu.memory_space<hbm>>
    %dma_wait3A_35 = arith.constant 128 : i32
    %dma_wait3A_36 = tpu.memref_slice %arg7[%dma_wait3A_35] : memref<192xf32, #tpu.memory_space<hbm>> -> memref<64xf32, #tpu.memory_space<hbm>>
    tpu.wait_dma2 semaphore(%arg20 : memref<!tpu.dma_semaphore, #tpu.memory_space<semaphore_mem>>) src(%dma_wait3A_36 : memref<64xf32, #tpu.memory_space<hbm>>) dst(%arg16 : memref<64xf32, #tpu.memory_space<vmem>>)
    %broadcast_in_dim3A_37 = arith.constant 1.000000e+00 : f32
    %broadcast_in_dim3A_38 = vector.broadcast %broadcast_in_dim3A_37 : f32 to vector<16xf32>
    %scan3A_39 = arith.constant 0 : i32
    %scan3A_40 = arith.constant 0 : i32
    %scan3A_41 = arith.constant 128 : i32
    %scan3A_42 = arith.addi %scan3A_40, %scan3A_41 : i32
    %scan3A_43 = arith.constant 8 : i32
    scf.for %scan3A_47 = %scan3A_40 to %scan3A_42 step %scan3A_43  : i32 {
      %mul3A_48 = arith.constant 16 : i32
      %mul3A_49 = arith.muli %scan3A_47, %mul3A_48 : i32
      %get3A = arith.index_cast %mul3A_49 : i32 to index
      %get3A_50 = tpu.vector_load %arg13[%get3A] {strides = array<i32>} : memref<2048xi32, #tpu.memory_space<vmem>>, vector<16xi32>,
      %mul3A_51 = arith.constant 16 : i32
      %mul3A_52 = arith.muli %scan3A_47, %mul3A_51 : i32
      %get3A_53 = arith.index_cast %mul3A_52 : i32 to index
      %get3A_54 = tpu.vector_load %arg14[%get3A_53] {strides = array<i32>} : memref<2048xi32, #tpu.memory_space<vmem>>, vector<16xi32>,
      %mul3A_55 = arith.constant 16 : i32
      %mul3A_56 = arith.muli %scan3A_47, %mul3A_55 : i32
      %get3A_57 = arith.index_cast %mul3A_56 : i32 to index
      %get3A_58 = tpu.vector_load %arg15[%get3A_57] {strides = array<i32>} : memref<2048xi32, #tpu.memory_space<vmem>>, vector<16xi32>,
      %and3A = arith.constant 127 : i32
      %and3A_59 = vector.broadcast %and3A : i32 to vector<16xi32>
      %and3A_60 = arith.andi %get3A_50, %and3A_59 : vector<16xi32>
      %gather3A = tpu.vector_load_idx %arg11[%and3A_60] : memref<128xf32, #tpu.memory_space<vmem>>[vector<16xi32>], vector<16xf32>,
      %and3A_61 = arith.constant 127 : i32
      %and3A_62 = vector.broadcast %and3A_61 : i32 to vector<16xi32>
      %and3A_63 = arith.andi %get3A_54, %and3A_62 : vector<16xi32>
      %gather3A_64 = tpu.vector_load_idx %arg12[%and3A_63] : memref<128xf32, #tpu.memory_space<vmem>>[vector<16xi32>], vector<16xf32>,
      %add3A_65 = arith.addf %gather3A, %gather3A_64 : vector<16xf32>
      %neg3A = arith.constant 0.000000e+00 : f32
      %neg3A_66 = vector.broadcast %neg3A : f32 to vector<16xf32>
      %neg3A_67 = arith.subf %neg3A_66, %add3A_65 : vector<16xf32>
      %exp3A = math.exp %neg3A_67 : vector<16xf32>
      %add3A_68 = arith.constant 1.000000e+00 : f32
      %add3A_69 = vector.broadcast %add3A_68 : f32 to vector<16xf32>
      %add3A_70 = arith.addf %add3A_69, %exp3A : vector<16xf32>
      %div3A = arith.constant 1.000000e+00 : f32
      %div3A_71 = vector.broadcast %div3A : f32 to vector<16xf32>
      %div3A_72 = arith.divf %div3A_71, %add3A_70 : vector<16xf32>
      %mul3A_73 = arith.constant 16 : i32
      %mul3A_74 = arith.muli %scan3A_47, %mul3A_73 : i32
      %swap3A = arith.index_cast %mul3A_74 : i32 to index
      %swap3A_75 = tpu.vector_load %arg18[%swap3A] {strides = array<i32>} : memref<2048xf32, #tpu.memory_space<vmem>>, vector<16xf32>,
      tpu.vector_store %arg18[%swap3A], %div3A_72 {strides = array<i32>} : memref<2048xf32, #tpu.memory_space<vmem>>, vector<16xf32>,
      %mul3A_76 = arith.constant 256 : i32
      %mul3A_77 = vector.broadcast %mul3A_76 : i32 to vector<16xi32>
      %mul3A_78 = arith.muli %and3A_63, %mul3A_77 : vector<16xi32>
      %and3A_79 = arith.constant 63 : i32
      %and3A_80 = vector.broadcast %and3A_79 : i32 to vector<16xi32>
      %and3A_81 = arith.andi %get3A_50, %and3A_80 : vector<16xi32>
      %add3A_82 = arith.addi %mul3A_78, %and3A_81 : vector<16xi32>
      %mul3A_83 = arith.constant 4 : i32
      %mul3A_84 = vector.broadcast %mul3A_83 : i32 to vector<16xi32>
      %mul3A_85 = arith.muli %get3A_58, %mul3A_84 : vector<16xi32>
      %add3A_86 = arith.constant 0 : i32
      %add3A_87 = vector.broadcast %add3A_86 : i32 to vector<16xi32>
      %add3A_88 = arith.addi %mul3A_85, %add3A_87 : vector<16xi32>
      %gather3A_89 = tpu.vector_load_idx %arg16[%add3A_88] : memref<64xf32, #tpu.memory_space<vmem>>[vector<16xi32>], vector<16xf32>,
      %add3A_90 = arith.constant 0 : i32
      %add3A_91 = vector.broadcast %add3A_90 : i32 to vector<16xi32>
      %add3A_92 = arith.addi %add3A_82, %add3A_91 : vector<16xi32>
      %mul3A_93 = arith.mulf %div3A_72, %gather3A_89 : vector<16xf32>
      tpu.vector_store_idx %arg17[%add3A_92], %mul3A_93 {add = true} : memref<32768xf32, #tpu.memory_space<vmem>>[vector<16xi32>], vector<16xf32>,
      %add3A_94 = arith.constant 1 : i32
      %add3A_95 = vector.broadcast %add3A_94 : i32 to vector<16xi32>
      %add3A_96 = arith.addi %mul3A_85, %add3A_95 : vector<16xi32>
      %gather3A_97 = tpu.vector_load_idx %arg16[%add3A_96] : memref<64xf32, #tpu.memory_space<vmem>>[vector<16xi32>], vector<16xf32>,
      %add3A_98 = arith.constant 64 : i32
      %add3A_99 = vector.broadcast %add3A_98 : i32 to vector<16xi32>
      %add3A_100 = arith.addi %add3A_82, %add3A_99 : vector<16xi32>
      %mul3A_101 = arith.mulf %div3A_72, %gather3A_97 : vector<16xf32>
      tpu.vector_store_idx %arg17[%add3A_100], %mul3A_101 {add = true} : memref<32768xf32, #tpu.memory_space<vmem>>[vector<16xi32>], vector<16xf32>,
      %add3A_102 = arith.constant 2 : i32
      %add3A_103 = vector.broadcast %add3A_102 : i32 to vector<16xi32>
      %add3A_104 = arith.addi %mul3A_85, %add3A_103 : vector<16xi32>
      %gather3A_105 = tpu.vector_load_idx %arg16[%add3A_104] : memref<64xf32, #tpu.memory_space<vmem>>[vector<16xi32>], vector<16xf32>,
      %add3A_106 = arith.constant 128 : i32
      %add3A_107 = vector.broadcast %add3A_106 : i32 to vector<16xi32>
      %add3A_108 = arith.addi %add3A_82, %add3A_107 : vector<16xi32>
      %mul3A_109 = arith.mulf %div3A_72, %gather3A_105 : vector<16xf32>
      tpu.vector_store_idx %arg17[%add3A_108], %mul3A_109 {add = true} : memref<32768xf32, #tpu.memory_space<vmem>>[vector<16xi32>], vector<16xf32>,
      %add3A_110 = arith.constant 3 : i32
      %add3A_111 = vector.broadcast %add3A_110 : i32 to vector<16xi32>
      %add3A_112 = arith.addi %mul3A_85, %add3A_111 : vector<16xi32>
      %gather3A_113 = tpu.vector_load_idx %arg16[%add3A_112] : memref<64xf32, #tpu.memory_space<vmem>>[vector<16xi32>], vector<16xf32>,
      %add3A_114 = arith.constant 192 : i32
      %add3A_115 = vector.broadcast %add3A_114 : i32 to vector<16xi32>
      %add3A_116 = arith.addi %add3A_82, %add3A_115 : vector<16xi32>
      %mul3A_117 = arith.mulf %div3A_72, %gather3A_113 : vector<16xf32>
      tpu.vector_store_idx %arg17[%add3A_116], %mul3A_117 {add = true} : memref<32768xf32, #tpu.memory_space<vmem>>[vector<16xi32>], vector<16xf32>,
      %scan3A_118 = arith.constant 1 : i32
      %scan3A_119 = arith.addi %scan3A_47, %scan3A_118 : i32
      %mul3A_120 = arith.constant 16 : i32
      %mul3A_121 = arith.muli %scan3A_119, %mul3A_120 : i32
      %get3A_122 = arith.index_cast %mul3A_121 : i32 to index
      %get3A_123 = tpu.vector_load %arg13[%get3A_122] {strides = array<i32>} : memref<2048xi32, #tpu.memory_space<vmem>>, vector<16xi32>,
      %mul3A_124 = arith.constant 16 : i32
      %mul3A_125 = arith.muli %scan3A_119, %mul3A_124 : i32
      %get3A_126 = arith.index_cast %mul3A_125 : i32 to index
      %get3A_127 = tpu.vector_load %arg14[%get3A_126] {strides = array<i32>} : memref<2048xi32, #tpu.memory_space<vmem>>, vector<16xi32>,
      %mul3A_128 = arith.constant 16 : i32
      %mul3A_129 = arith.muli %scan3A_119, %mul3A_128 : i32
      %get3A_130 = arith.index_cast %mul3A_129 : i32 to index
      %get3A_131 = tpu.vector_load %arg15[%get3A_130] {strides = array<i32>} : memref<2048xi32, #tpu.memory_space<vmem>>, vector<16xi32>,
      %and3A_132 = arith.constant 127 : i32
      %and3A_133 = vector.broadcast %and3A_132 : i32 to vector<16xi32>
      %and3A_134 = arith.andi %get3A_123, %and3A_133 : vector<16xi32>
      %gather3A_135 = tpu.vector_load_idx %arg11[%and3A_134] : memref<128xf32, #tpu.memory_space<vmem>>[vector<16xi32>], vector<16xf32>,
      %and3A_136 = arith.constant 127 : i32
      %and3A_137 = vector.broadcast %and3A_136 : i32 to vector<16xi32>
      %and3A_138 = arith.andi %get3A_127, %and3A_137 : vector<16xi32>
      %gather3A_139 = tpu.vector_load_idx %arg12[%and3A_138] : memref<128xf32, #tpu.memory_space<vmem>>[vector<16xi32>], vector<16xf32>,
      %add3A_140 = arith.addf %gather3A_135, %gather3A_139 : vector<16xf32>
      %neg3A_141 = arith.constant 0.000000e+00 : f32
      %neg3A_142 = vector.broadcast %neg3A_141 : f32 to vector<16xf32>
      %neg3A_143 = arith.subf %neg3A_142, %add3A_140 : vector<16xf32>
      %exp3A_144 = math.exp %neg3A_143 : vector<16xf32>
      %add3A_145 = arith.constant 1.000000e+00 : f32
      %add3A_146 = vector.broadcast %add3A_145 : f32 to vector<16xf32>
      %add3A_147 = arith.addf %add3A_146, %exp3A_144 : vector<16xf32>
      %div3A_148 = arith.constant 1.000000e+00 : f32
      %div3A_149 = vector.broadcast %div3A_148 : f32 to vector<16xf32>
      %div3A_150 = arith.divf %div3A_149, %add3A_147 : vector<16xf32>
      %mul3A_151 = arith.constant 16 : i32
      %mul3A_152 = arith.muli %scan3A_119, %mul3A_151 : i32
      %swap3A_153 = arith.index_cast %mul3A_152 : i32 to index
      %swap3A_154 = tpu.vector_load %arg18[%swap3A_153] {strides = array<i32>} : memref<2048xf32, #tpu.memory_space<vmem>>, vector<16xf32>,
      tpu.vector_store %arg18[%swap3A_153], %div3A_150 {strides = array<i32>} : memref<2048xf32, #tpu.memory_space<vmem>>, vector<16xf32>,
      %mul3A_155 = arith.constant 256 : i32
      %mul3A_156 = vector.broadcast %mul3A_155 : i32 to vector<16xi32>
      %mul3A_157 = arith.muli %and3A_138, %mul3A_156 : vector<16xi32>
      %and3A_158 = arith.constant 63 : i32
      %and3A_159 = vector.broadcast %and3A_158 : i32 to vector<16xi32>
      %and3A_160 = arith.andi %get3A_123, %and3A_159 : vector<16xi32>
      %add3A_161 = arith.addi %mul3A_157, %and3A_160 : vector<16xi32>
      %mul3A_162 = arith.constant 4 : i32
      %mul3A_163 = vector.broadcast %mul3A_162 : i32 to vector<16xi32>
      %mul3A_164 = arith.muli %get3A_131, %mul3A_163 : vector<16xi32>
      %add3A_165 = arith.constant 0 : i32
      %add3A_166 = vector.broadcast %add3A_165 : i32 to vector<16xi32>
      %add3A_167 = arith.addi %mul3A_164, %add3A_166 : vector<16xi32>
      %gather3A_168 = tpu.vector_load_idx %arg16[%add3A_167] : memref<64xf32, #tpu.memory_space<vmem>>[vector<16xi32>], vector<16xf32>,
      %add3A_169 = arith.constant 0 : i32
      %add3A_170 = vector.broadcast %add3A_169 : i32 to vector<16xi32>
      %add3A_171 = arith.addi %add3A_161, %add3A_170 : vector<16xi32>
      %mul3A_172 = arith.mulf %div3A_150, %gather3A_168 : vector<16xf32>
      tpu.vector_store_idx %arg17[%add3A_171], %mul3A_172 {add = true} : memref<32768xf32, #tpu.memory_space<vmem>>[vector<16xi32>], vector<16xf32>,
      %add3A_173 = arith.constant 1 : i32
      %add3A_174 = vector.broadcast %add3A_173 : i32 to vector<16xi32>
      %add3A_175 = arith.addi %mul3A_164, %add3A_174 : vector<16xi32>
      %gather3A_176 = tpu.vector_load_idx %arg16[%add3A_175] : memref<64xf32, #tpu.memory_space<vmem>>[vector<16xi32>], vector<16xf32>,
      %add3A_177 = arith.constant 64 : i32
      %add3A_178 = vector.broadcast %add3A_177 : i32 to vector<16xi32>
      %add3A_179 = arith.addi %add3A_161, %add3A_178 : vector<16xi32>
      %mul3A_180 = arith.mulf %div3A_150, %gather3A_176 : vector<16xf32>
      tpu.vector_store_idx %arg17[%add3A_179], %mul3A_180 {add = true} : memref<32768xf32, #tpu.memory_space<vmem>>[vector<16xi32>], vector<16xf32>,
      %add3A_181 = arith.constant 2 : i32
      %add3A_182 = vector.broadcast %add3A_181 : i32 to vector<16xi32>
      %add3A_183 = arith.addi %mul3A_164, %add3A_182 : vector<16xi32>
      %gather3A_184 = tpu.vector_load_idx %arg16[%add3A_183] : memref<64xf32, #tpu.memory_space<vmem>>[vector<16xi32>], vector<16xf32>,
      %add3A_185 = arith.constant 128 : i32
      %add3A_186 = vector.broadcast %add3A_185 : i32 to vector<16xi32>
      %add3A_187 = arith.addi %add3A_161, %add3A_186 : vector<16xi32>
      %mul3A_188 = arith.mulf %div3A_150, %gather3A_184 : vector<16xf32>
      tpu.vector_store_idx %arg17[%add3A_187], %mul3A_188 {add = true} : memref<32768xf32, #tpu.memory_space<vmem>>[vector<16xi32>], vector<16xf32>,
      %add3A_189 = arith.constant 3 : i32
      %add3A_190 = vector.broadcast %add3A_189 : i32 to vector<16xi32>
      %add3A_191 = arith.addi %mul3A_164, %add3A_190 : vector<16xi32>
      %gather3A_192 = tpu.vector_load_idx %arg16[%add3A_191] : memref<64xf32, #tpu.memory_space<vmem>>[vector<16xi32>], vector<16xf32>,
      %add3A_193 = arith.constant 192 : i32
      %add3A_194 = vector.broadcast %add3A_193 : i32 to vector<16xi32>
      %add3A_195 = arith.addi %add3A_161, %add3A_194 : vector<16xi32>
      %mul3A_196 = arith.mulf %div3A_150, %gather3A_192 : vector<16xf32>
      tpu.vector_store_idx %arg17[%add3A_195], %mul3A_196 {add = true} : memref<32768xf32, #tpu.memory_space<vmem>>[vector<16xi32>], vector<16xf32>,
      %scan3A_197 = arith.constant 2 : i32
      %scan3A_198 = arith.addi %scan3A_47, %scan3A_197 : i32
      %mul3A_199 = arith.constant 16 : i32
      %mul3A_200 = arith.muli %scan3A_198, %mul3A_199 : i32
      %get3A_201 = arith.index_cast %mul3A_200 : i32 to index
      %get3A_202 = tpu.vector_load %arg13[%get3A_201] {strides = array<i32>} : memref<2048xi32, #tpu.memory_space<vmem>>, vector<16xi32>,
      %mul3A_203 = arith.constant 16 : i32
      %mul3A_204 = arith.muli %scan3A_198, %mul3A_203 : i32
      %get3A_205 = arith.index_cast %mul3A_204 : i32 to index
      %get3A_206 = tpu.vector_load %arg14[%get3A_205] {strides = array<i32>} : memref<2048xi32, #tpu.memory_space<vmem>>, vector<16xi32>,
      %mul3A_207 = arith.constant 16 : i32
      %mul3A_208 = arith.muli %scan3A_198, %mul3A_207 : i32
      %get3A_209 = arith.index_cast %mul3A_208 : i32 to index
      %get3A_210 = tpu.vector_load %arg15[%get3A_209] {strides = array<i32>} : memref<2048xi32, #tpu.memory_space<vmem>>, vector<16xi32>,
      %and3A_211 = arith.constant 127 : i32
      %and3A_212 = vector.broadcast %and3A_211 : i32 to vector<16xi32>
      %and3A_213 = arith.andi %get3A_202, %and3A_212 : vector<16xi32>
      %gather3A_214 = tpu.vector_load_idx %arg11[%and3A_213] : memref<128xf32, #tpu.memory_space<vmem>>[vector<16xi32>], vector<16xf32>,
      %and3A_215 = arith.constant 127 : i32
      %and3A_216 = vector.broadcast %and3A_215 : i32 to vector<16xi32>
      %and3A_217 = arith.andi %get3A_206, %and3A_216 : vector<16xi32>
      %gather3A_218 = tpu.vector_load_idx %arg12[%and3A_217] : memref<128xf32, #tpu.memory_space<vmem>>[vector<16xi32>], vector<16xf32>,
      %add3A_219 = arith.addf %gather3A_214, %gather3A_218 : vector<16xf32>
      %neg3A_220 = arith.constant 0.000000e+00 : f32
      %neg3A_221 = vector.broadcast %neg3A_220 : f32 to vector<16xf32>
      %neg3A_222 = arith.subf %neg3A_221, %add3A_219 : vector<16xf32>
      %exp3A_223 = math.exp %neg3A_222 : vector<16xf32>
      %add3A_224 = arith.constant 1.000000e+00 : f32
      %add3A_225 = vector.broadcast %add3A_224 : f32 to vector<16xf32>
      %add3A_226 = arith.addf %add3A_225, %exp3A_223 : vector<16xf32>
      %div3A_227 = arith.constant 1.000000e+00 : f32
      %div3A_228 = vector.broadcast %div3A_227 : f32 to vector<16xf32>
      %div3A_229 = arith.divf %div3A_228, %add3A_226 : vector<16xf32>
      %mul3A_230 = arith.constant 16 : i32
      %mul3A_231 = arith.muli %scan3A_198, %mul3A_230 : i32
      %swap3A_232 = arith.index_cast %mul3A_231 : i32 to index
      %swap3A_233 = tpu.vector_load %arg18[%swap3A_232] {strides = array<i32>} : memref<2048xf32, #tpu.memory_space<vmem>>, vector<16xf32>,
      tpu.vector_store %arg18[%swap3A_232], %div3A_229 {strides = array<i32>} : memref<2048xf32, #tpu.memory_space<vmem>>, vector<16xf32>,
      %mul3A_234 = arith.constant 256 : i32
      %mul3A_235 = vector.broadcast %mul3A_234 : i32 to vector<16xi32>
      %mul3A_236 = arith.muli %and3A_217, %mul3A_235 : vector<16xi32>
      %and3A_237 = arith.constant 63 : i32
      %and3A_238 = vector.broadcast %and3A_237 : i32 to vector<16xi32>
      %and3A_239 = arith.andi %get3A_202, %and3A_238 : vector<16xi32>
      %add3A_240 = arith.addi %mul3A_236, %and3A_239 : vector<16xi32>
      %mul3A_241 = arith.constant 4 : i32
      %mul3A_242 = vector.broadcast %mul3A_241 : i32 to vector<16xi32>
      %mul3A_243 = arith.muli %get3A_210, %mul3A_242 : vector<16xi32>
      %add3A_244 = arith.constant 0 : i32
      %add3A_245 = vector.broadcast %add3A_244 : i32 to vector<16xi32>
      %add3A_246 = arith.addi %mul3A_243, %add3A_245 : vector<16xi32>
      %gather3A_247 = tpu.vector_load_idx %arg16[%add3A_246] : memref<64xf32, #tpu.memory_space<vmem>>[vector<16xi32>], vector<16xf32>,
      %add3A_248 = arith.constant 0 : i32
      %add3A_249 = vector.broadcast %add3A_248 : i32 to vector<16xi32>
      %add3A_250 = arith.addi %add3A_240, %add3A_249 : vector<16xi32>
      %mul3A_251 = arith.mulf %div3A_229, %gather3A_247 : vector<16xf32>
      tpu.vector_store_idx %arg17[%add3A_250], %mul3A_251 {add = true} : memref<32768xf32, #tpu.memory_space<vmem>>[vector<16xi32>], vector<16xf32>,
      %add3A_252 = arith.constant 1 : i32
      %add3A_253 = vector.broadcast %add3A_252 : i32 to vector<16xi32>
      %add3A_254 = arith.addi %mul3A_243, %add3A_253 : vector<16xi32>
      %gather3A_255 = tpu.vector_load_idx %arg16[%add3A_254] : memref<64xf32, #tpu.memory_space<vmem>>[vector<16xi32>], vector<16xf32>,
      %add3A_256 = arith.constant 64 : i32
      %add3A_257 = vector.broadcast %add3A_256 : i32 to vector<16xi32>
      %add3A_258 = arith.addi %add3A_240, %add3A_257 : vector<16xi32>
      %mul3A_259 = arith.mulf %div3A_229, %gather3A_255 : vector<16xf32>
      tpu.vector_store_idx %arg17[%add3A_258], %mul3A_259 {add = true} : memref<32768xf32, #tpu.memory_space<vmem>>[vector<16xi32>], vector<16xf32>,
      %add3A_260 = arith.constant 2 : i32
      %add3A_261 = vector.broadcast %add3A_260 : i32 to vector<16xi32>
      %add3A_262 = arith.addi %mul3A_243, %add3A_261 : vector<16xi32>
      %gather3A_263 = tpu.vector_load_idx %arg16[%add3A_262] : memref<64xf32, #tpu.memory_space<vmem>>[vector<16xi32>], vector<16xf32>,
      %add3A_264 = arith.constant 128 : i32
      %add3A_265 = vector.broadcast %add3A_264 : i32 to vector<16xi32>
      %add3A_266 = arith.addi %add3A_240, %add3A_265 : vector<16xi32>
      %mul3A_267 = arith.mulf %div3A_229, %gather3A_263 : vector<16xf32>
      tpu.vector_store_idx %arg17[%add3A_266], %mul3A_267 {add = true} : memref<32768xf32, #tpu.memory_space<vmem>>[vector<16xi32>], vector<16xf32>,
      %add3A_268 = arith.constant 3 : i32
      %add3A_269 = vector.broadcast %add3A_268 : i32 to vector<16xi32>
      %add3A_270 = arith.addi %mul3A_243, %add3A_269 : vector<16xi32>
      %gather3A_271 = tpu.vector_load_idx %arg16[%add3A_270] : memref<64xf32, #tpu.memory_space<vmem>>[vector<16xi32>], vector<16xf32>,
      %add3A_272 = arith.constant 192 : i32
      %add3A_273 = vector.broadcast %add3A_272 : i32 to vector<16xi32>
      %add3A_274 = arith.addi %add3A_240, %add3A_273 : vector<16xi32>
      %mul3A_275 = arith.mulf %div3A_229, %gather3A_271 : vector<16xf32>
      tpu.vector_store_idx %arg17[%add3A_274], %mul3A_275 {add = true} : memref<32768xf32, #tpu.memory_space<vmem>>[vector<16xi32>], vector<16xf32>,
      %scan3A_276 = arith.constant 3 : i32
      %scan3A_277 = arith.addi %scan3A_47, %scan3A_276 : i32
      %mul3A_278 = arith.constant 16 : i32
      %mul3A_279 = arith.muli %scan3A_277, %mul3A_278 : i32
      %get3A_280 = arith.index_cast %mul3A_279 : i32 to index
      %get3A_281 = tpu.vector_load %arg13[%get3A_280] {strides = array<i32>} : memref<2048xi32, #tpu.memory_space<vmem>>, vector<16xi32>,
      %mul3A_282 = arith.constant 16 : i32
      %mul3A_283 = arith.muli %scan3A_277, %mul3A_282 : i32
      %get3A_284 = arith.index_cast %mul3A_283 : i32 to index
      %get3A_285 = tpu.vector_load %arg14[%get3A_284] {strides = array<i32>} : memref<2048xi32, #tpu.memory_space<vmem>>, vector<16xi32>,
      %mul3A_286 = arith.constant 16 : i32
      %mul3A_287 = arith.muli %scan3A_277, %mul3A_286 : i32
      %get3A_288 = arith.index_cast %mul3A_287 : i32 to index
      %get3A_289 = tpu.vector_load %arg15[%get3A_288] {strides = array<i32>} : memref<2048xi32, #tpu.memory_space<vmem>>, vector<16xi32>,
      %and3A_290 = arith.constant 127 : i32
      %and3A_291 = vector.broadcast %and3A_290 : i32 to vector<16xi32>
      %and3A_292 = arith.andi %get3A_281, %and3A_291 : vector<16xi32>
      %gather3A_293 = tpu.vector_load_idx %arg11[%and3A_292] : memref<128xf32, #tpu.memory_space<vmem>>[vector<16xi32>], vector<16xf32>,
      %and3A_294 = arith.constant 127 : i32
      %and3A_295 = vector.broadcast %and3A_294 : i32 to vector<16xi32>
      %and3A_296 = arith.andi %get3A_285, %and3A_295 : vector<16xi32>
      %gather3A_297 = tpu.vector_load_idx %arg12[%and3A_296] : memref<128xf32, #tpu.memory_space<vmem>>[vector<16xi32>], vector<16xf32>,
      %add3A_298 = arith.addf %gather3A_293, %gather3A_297 : vector<16xf32>
      %neg3A_299 = arith.constant 0.000000e+00 : f32
      %neg3A_300 = vector.broadcast %neg3A_299 : f32 to vector<16xf32>
      %neg3A_301 = arith.subf %neg3A_300, %add3A_298 : vector<16xf32>
      %exp3A_302 = math.exp %neg3A_301 : vector<16xf32>
      %add3A_303 = arith.constant 1.000000e+00 : f32
      %add3A_304 = vector.broadcast %add3A_303 : f32 to vector<16xf32>
      %add3A_305 = arith.addf %add3A_304, %exp3A_302 : vector<16xf32>
      %div3A_306 = arith.constant 1.000000e+00 : f32
      %div3A_307 = vector.broadcast %div3A_306 : f32 to vector<16xf32>
      %div3A_308 = arith.divf %div3A_307, %add3A_305 : vector<16xf32>
      %mul3A_309 = arith.constant 16 : i32
      %mul3A_310 = arith.muli %scan3A_277, %mul3A_309 : i32
      %swap3A_311 = arith.index_cast %mul3A_310 : i32 to index
      %swap3A_312 = tpu.vector_load %arg18[%swap3A_311] {strides = array<i32>} : memref<2048xf32, #tpu.memory_space<vmem>>, vector<16xf32>,
      tpu.vector_store %arg18[%swap3A_311], %div3A_308 {strides = array<i32>} : memref<2048xf32, #tpu.memory_space<vmem>>, vector<16xf32>,
      %mul3A_313 = arith.constant 256 : i32
      %mul3A_314 = vector.broadcast %mul3A_313 : i32 to vector<16xi32>
      %mul3A_315 = arith.muli %and3A_296, %mul3A_314 : vector<16xi32>
      %and3A_316 = arith.constant 63 : i32
      %and3A_317 = vector.broadcast %and3A_316 : i32 to vector<16xi32>
      %and3A_318 = arith.andi %get3A_281, %and3A_317 : vector<16xi32>
      %add3A_319 = arith.addi %mul3A_315, %and3A_318 : vector<16xi32>
      %mul3A_320 = arith.constant 4 : i32
      %mul3A_321 = vector.broadcast %mul3A_320 : i32 to vector<16xi32>
      %mul3A_322 = arith.muli %get3A_289, %mul3A_321 : vector<16xi32>
      %add3A_323 = arith.constant 0 : i32
      %add3A_324 = vector.broadcast %add3A_323 : i32 to vector<16xi32>
      %add3A_325 = arith.addi %mul3A_322, %add3A_324 : vector<16xi32>
      %gather3A_326 = tpu.vector_load_idx %arg16[%add3A_325] : memref<64xf32, #tpu.memory_space<vmem>>[vector<16xi32>], vector<16xf32>,
      %add3A_327 = arith.constant 0 : i32
      %add3A_328 = vector.broadcast %add3A_327 : i32 to vector<16xi32>
      %add3A_329 = arith.addi %add3A_319, %add3A_328 : vector<16xi32>
      %mul3A_330 = arith.mulf %div3A_308, %gather3A_326 : vector<16xf32>
      tpu.vector_store_idx %arg17[%add3A_329], %mul3A_330 {add = true} : memref<32768xf32, #tpu.memory_space<vmem>>[vector<16xi32>], vector<16xf32>,
      %add3A_331 = arith.constant 1 : i32
      %add3A_332 = vector.broadcast %add3A_331 : i32 to vector<16xi32>
      %add3A_333 = arith.addi %mul3A_322, %add3A_332 : vector<16xi32>
      %gather3A_334 = tpu.vector_load_idx %arg16[%add3A_333] : memref<64xf32, #tpu.memory_space<vmem>>[vector<16xi32>], vector<16xf32>,
      %add3A_335 = arith.constant 64 : i32
      %add3A_336 = vector.broadcast %add3A_335 : i32 to vector<16xi32>
      %add3A_337 = arith.addi %add3A_319, %add3A_336 : vector<16xi32>
      %mul3A_338 = arith.mulf %div3A_308, %gather3A_334 : vector<16xf32>
      tpu.vector_store_idx %arg17[%add3A_337], %mul3A_338 {add = true} : memref<32768xf32, #tpu.memory_space<vmem>>[vector<16xi32>], vector<16xf32>,
      %add3A_339 = arith.constant 2 : i32
      %add3A_340 = vector.broadcast %add3A_339 : i32 to vector<16xi32>
      %add3A_341 = arith.addi %mul3A_322, %add3A_340 : vector<16xi32>
      %gather3A_342 = tpu.vector_load_idx %arg16[%add3A_341] : memref<64xf32, #tpu.memory_space<vmem>>[vector<16xi32>], vector<16xf32>,
      %add3A_343 = arith.constant 128 : i32
      %add3A_344 = vector.broadcast %add3A_343 : i32 to vector<16xi32>
      %add3A_345 = arith.addi %add3A_319, %add3A_344 : vector<16xi32>
      %mul3A_346 = arith.mulf %div3A_308, %gather3A_342 : vector<16xf32>
      tpu.vector_store_idx %arg17[%add3A_345], %mul3A_346 {add = true} : memref<32768xf32, #tpu.memory_space<vmem>>[vector<16xi32>], vector<16xf32>,
      %add3A_347 = arith.constant 3 : i32
      %add3A_348 = vector.broadcast %add3A_347 : i32 to vector<16xi32>
      %add3A_349 = arith.addi %mul3A_322, %add3A_348 : vector<16xi32>
      %gather3A_350 = tpu.vector_load_idx %arg16[%add3A_349] : memref<64xf32, #tpu.memory_space<vmem>>[vector<16xi32>], vector<16xf32>,
      %add3A_351 = arith.constant 192 : i32
      %add3A_352 = vector.broadcast %add3A_351 : i32 to vector<16xi32>
      %add3A_353 = arith.addi %add3A_319, %add3A_352 : vector<16xi32>
      %mul3A_354 = arith.mulf %div3A_308, %gather3A_350 : vector<16xf32>
      tpu.vector_store_idx %arg17[%add3A_353], %mul3A_354 {add = true} : memref<32768xf32, #tpu.memory_space<vmem>>[vector<16xi32>], vector<16xf32>,
      %scan3A_355 = arith.constant 4 : i32
      %scan3A_356 = arith.addi %scan3A_47, %scan3A_355 : i32
      %mul3A_357 = arith.constant 16 : i32
      %mul3A_358 = arith.muli %scan3A_356, %mul3A_357 : i32
      %get3A_359 = arith.index_cast %mul3A_358 : i32 to index
      %get3A_360 = tpu.vector_load %arg13[%get3A_359] {strides = array<i32>} : memref<2048xi32, #tpu.memory_space<vmem>>, vector<16xi32>,
      %mul3A_361 = arith.constant 16 : i32
      %mul3A_362 = arith.muli %scan3A_356, %mul3A_361 : i32
      %get3A_363 = arith.index_cast %mul3A_362 : i32 to index
      %get3A_364 = tpu.vector_load %arg14[%get3A_363] {strides = array<i32>} : memref<2048xi32, #tpu.memory_space<vmem>>, vector<16xi32>,
      %mul3A_365 = arith.constant 16 : i32
      %mul3A_366 = arith.muli %scan3A_356, %mul3A_365 : i32
      %get3A_367 = arith.index_cast %mul3A_366 : i32 to index
      %get3A_368 = tpu.vector_load %arg15[%get3A_367] {strides = array<i32>} : memref<2048xi32, #tpu.memory_space<vmem>>, vector<16xi32>,
      %and3A_369 = arith.constant 127 : i32
      %and3A_370 = vector.broadcast %and3A_369 : i32 to vector<16xi32>
      %and3A_371 = arith.andi %get3A_360, %and3A_370 : vector<16xi32>
      %gather3A_372 = tpu.vector_load_idx %arg11[%and3A_371] : memref<128xf32, #tpu.memory_space<vmem>>[vector<16xi32>], vector<16xf32>,
      %and3A_373 = arith.constant 127 : i32
      %and3A_374 = vector.broadcast %and3A_373 : i32 to vector<16xi32>
      %and3A_375 = arith.andi %get3A_364, %and3A_374 : vector<16xi32>
      %gather3A_376 = tpu.vector_load_idx %arg12[%and3A_375] : memref<128xf32, #tpu.memory_space<vmem>>[vector<16xi32>], vector<16xf32>,
      %add3A_377 = arith.addf %gather3A_372, %gather3A_376 : vector<16xf32>
      %neg3A_378 = arith.constant 0.000000e+00 : f32
      %neg3A_379 = vector.broadcast %neg3A_378 : f32 to vector<16xf32>
      %neg3A_380 = arith.subf %neg3A_379, %add3A_377 : vector<16xf32>
      %exp3A_381 = math.exp %neg3A_380 : vector<16xf32>
      %add3A_382 = arith.constant 1.000000e+00 : f32
      %add3A_383 = vector.broadcast %add3A_382 : f32 to vector<16xf32>
      %add3A_384 = arith.addf %add3A_383, %exp3A_381 : vector<16xf32>
      %div3A_385 = arith.constant 1.000000e+00 : f32
      %div3A_386 = vector.broadcast %div3A_385 : f32 to vector<16xf32>
      %div3A_387 = arith.divf %div3A_386, %add3A_384 : vector<16xf32>
      %mul3A_388 = arith.constant 16 : i32
      %mul3A_389 = arith.muli %scan3A_356, %mul3A_388 : i32
      %swap3A_390 = arith.index_cast %mul3A_389 : i32 to index
      %swap3A_391 = tpu.vector_load %arg18[%swap3A_390] {strides = array<i32>} : memref<2048xf32, #tpu.memory_space<vmem>>, vector<16xf32>,
      tpu.vector_store %arg18[%swap3A_390], %div3A_387 {strides = array<i32>} : memref<2048xf32, #tpu.memory_space<vmem>>, vector<16xf32>,
      %mul3A_392 = arith.constant 256 : i32
      %mul3A_393 = vector.broadcast %mul3A_392 : i32 to vector<16xi32>
      %mul3A_394 = arith.muli %and3A_375, %mul3A_393 : vector<16xi32>
      %and3A_395 = arith.constant 63 : i32
      %and3A_396 = vector.broadcast %and3A_395 : i32 to vector<16xi32>
      %and3A_397 = arith.andi %get3A_360, %and3A_396 : vector<16xi32>
      %add3A_398 = arith.addi %mul3A_394, %and3A_397 : vector<16xi32>
      %mul3A_399 = arith.constant 4 : i32
      %mul3A_400 = vector.broadcast %mul3A_399 : i32 to vector<16xi32>
      %mul3A_401 = arith.muli %get3A_368, %mul3A_400 : vector<16xi32>
      %add3A_402 = arith.constant 0 : i32
      %add3A_403 = vector.broadcast %add3A_402 : i32 to vector<16xi32>
      %add3A_404 = arith.addi %mul3A_401, %add3A_403 : vector<16xi32>
      %gather3A_405 = tpu.vector_load_idx %arg16[%add3A_404] : memref<64xf32, #tpu.memory_space<vmem>>[vector<16xi32>], vector<16xf32>,
      %add3A_406 = arith.constant 0 : i32
      %add3A_407 = vector.broadcast %add3A_406 : i32 to vector<16xi32>
      %add3A_408 = arith.addi %add3A_398, %add3A_407 : vector<16xi32>
      %mul3A_409 = arith.mulf %div3A_387, %gather3A_405 : vector<16xf32>
      tpu.vector_store_idx %arg17[%add3A_408], %mul3A_409 {add = true} : memref<32768xf32, #tpu.memory_space<vmem>>[vector<16xi32>], vector<16xf32>,
      %add3A_410 = arith.constant 1 : i32
      %add3A_411 = vector.broadcast %add3A_410 : i32 to vector<16xi32>
      %add3A_412 = arith.addi %mul3A_401, %add3A_411 : vector<16xi32>
      %gather3A_413 = tpu.vector_load_idx %arg16[%add3A_412] : memref<64xf32, #tpu.memory_space<vmem>>[vector<16xi32>], vector<16xf32>,
      %add3A_414 = arith.constant 64 : i32
      %add3A_415 = vector.broadcast %add3A_414 : i32 to vector<16xi32>
      %add3A_416 = arith.addi %add3A_398, %add3A_415 : vector<16xi32>
      %mul3A_417 = arith.mulf %div3A_387, %gather3A_413 : vector<16xf32>
      tpu.vector_store_idx %arg17[%add3A_416], %mul3A_417 {add = true} : memref<32768xf32, #tpu.memory_space<vmem>>[vector<16xi32>], vector<16xf32>,
      %add3A_418 = arith.constant 2 : i32
      %add3A_419 = vector.broadcast %add3A_418 : i32 to vector<16xi32>
      %add3A_420 = arith.addi %mul3A_401, %add3A_419 : vector<16xi32>
      %gather3A_421 = tpu.vector_load_idx %arg16[%add3A_420] : memref<64xf32, #tpu.memory_space<vmem>>[vector<16xi32>], vector<16xf32>,
      %add3A_422 = arith.constant 128 : i32
      %add3A_423 = vector.broadcast %add3A_422 : i32 to vector<16xi32>
      %add3A_424 = arith.addi %add3A_398, %add3A_423 : vector<16xi32>
      %mul3A_425 = arith.mulf %div3A_387, %gather3A_421 : vector<16xf32>
      tpu.vector_store_idx %arg17[%add3A_424], %mul3A_425 {add = true} : memref<32768xf32, #tpu.memory_space<vmem>>[vector<16xi32>], vector<16xf32>,
      %add3A_426 = arith.constant 3 : i32
      %add3A_427 = vector.broadcast %add3A_426 : i32 to vector<16xi32>
      %add3A_428 = arith.addi %mul3A_401, %add3A_427 : vector<16xi32>
      %gather3A_429 = tpu.vector_load_idx %arg16[%add3A_428] : memref<64xf32, #tpu.memory_space<vmem>>[vector<16xi32>], vector<16xf32>,
      %add3A_430 = arith.constant 192 : i32
      %add3A_431 = vector.broadcast %add3A_430 : i32 to vector<16xi32>
      %add3A_432 = arith.addi %add3A_398, %add3A_431 : vector<16xi32>
      %mul3A_433 = arith.mulf %div3A_387, %gather3A_429 : vector<16xf32>
      tpu.vector_store_idx %arg17[%add3A_432], %mul3A_433 {add = true} : memref<32768xf32, #tpu.memory_space<vmem>>[vector<16xi32>], vector<16xf32>,
      %scan3A_434 = arith.constant 5 : i32
      %scan3A_435 = arith.addi %scan3A_47, %scan3A_434 : i32
      %mul3A_436 = arith.constant 16 : i32
      %mul3A_437 = arith.muli %scan3A_435, %mul3A_436 : i32
      %get3A_438 = arith.index_cast %mul3A_437 : i32 to index
      %get3A_439 = tpu.vector_load %arg13[%get3A_438] {strides = array<i32>} : memref<2048xi32, #tpu.memory_space<vmem>>, vector<16xi32>,
      %mul3A_440 = arith.constant 16 : i32
      %mul3A_441 = arith.muli %scan3A_435, %mul3A_440 : i32
      %get3A_442 = arith.index_cast %mul3A_441 : i32 to index
      %get3A_443 = tpu.vector_load %arg14[%get3A_442] {strides = array<i32>} : memref<2048xi32, #tpu.memory_space<vmem>>, vector<16xi32>,
      %mul3A_444 = arith.constant 16 : i32
      %mul3A_445 = arith.muli %scan3A_435, %mul3A_444 : i32
      %get3A_446 = arith.index_cast %mul3A_445 : i32 to index
      %get3A_447 = tpu.vector_load %arg15[%get3A_446] {strides = array<i32>} : memref<2048xi32, #tpu.memory_space<vmem>>, vector<16xi32>,
      %and3A_448 = arith.constant 127 : i32
      %and3A_449 = vector.broadcast %and3A_448 : i32 to vector<16xi32>
      %and3A_450 = arith.andi %get3A_439, %and3A_449 : vector<16xi32>
      %gather3A_451 = tpu.vector_load_idx %arg11[%and3A_450] : memref<128xf32, #tpu.memory_space<vmem>>[vector<16xi32>], vector<16xf32>,
      %and3A_452 = arith.constant 127 : i32
      %and3A_453 = vector.broadcast %and3A_452 : i32 to vector<16xi32>
      %and3A_454 = arith.andi %get3A_443, %and3A_453 : vector<16xi32>
      %gather3A_455 = tpu.vector_load_idx %arg12[%and3A_454] : memref<128xf32, #tpu.memory_space<vmem>>[vector<16xi32>], vector<16xf32>,
      %add3A_456 = arith.addf %gather3A_451, %gather3A_455 : vector<16xf32>
      %neg3A_457 = arith.constant 0.000000e+00 : f32
      %neg3A_458 = vector.broadcast %neg3A_457 : f32 to vector<16xf32>
      %neg3A_459 = arith.subf %neg3A_458, %add3A_456 : vector<16xf32>
      %exp3A_460 = math.exp %neg3A_459 : vector<16xf32>
      %add3A_461 = arith.constant 1.000000e+00 : f32
      %add3A_462 = vector.broadcast %add3A_461 : f32 to vector<16xf32>
      %add3A_463 = arith.addf %add3A_462, %exp3A_460 : vector<16xf32>
      %div3A_464 = arith.constant 1.000000e+00 : f32
      %div3A_465 = vector.broadcast %div3A_464 : f32 to vector<16xf32>
      %div3A_466 = arith.divf %div3A_465, %add3A_463 : vector<16xf32>
      %mul3A_467 = arith.constant 16 : i32
      %mul3A_468 = arith.muli %scan3A_435, %mul3A_467 : i32
      %swap3A_469 = arith.index_cast %mul3A_468 : i32 to index
      %swap3A_470 = tpu.vector_load %arg18[%swap3A_469] {strides = array<i32>} : memref<2048xf32, #tpu.memory_space<vmem>>, vector<16xf32>,
      tpu.vector_store %arg18[%swap3A_469], %div3A_466 {strides = array<i32>} : memref<2048xf32, #tpu.memory_space<vmem>>, vector<16xf32>,
      %mul3A_471 = arith.constant 256 : i32
      %mul3A_472 = vector.broadcast %mul3A_471 : i32 to vector<16xi32>
      %mul3A_473 = arith.muli %and3A_454, %mul3A_472 : vector<16xi32>
      %and3A_474 = arith.constant 63 : i32
      %and3A_475 = vector.broadcast %and3A_474 : i32 to vector<16xi32>
      %and3A_476 = arith.andi %get3A_439, %and3A_475 : vector<16xi32>
      %add3A_477 = arith.addi %mul3A_473, %and3A_476 : vector<16xi32>
      %mul3A_478 = arith.constant 4 : i32
      %mul3A_479 = vector.broadcast %mul3A_478 : i32 to vector<16xi32>
      %mul3A_480 = arith.muli %get3A_447, %mul3A_479 : vector<16xi32>
      %add3A_481 = arith.constant 0 : i32
      %add3A_482 = vector.broadcast %add3A_481 : i32 to vector<16xi32>
      %add3A_483 = arith.addi %mul3A_480, %add3A_482 : vector<16xi32>
      %gather3A_484 = tpu.vector_load_idx %arg16[%add3A_483] : memref<64xf32, #tpu.memory_space<vmem>>[vector<16xi32>], vector<16xf32>,
      %add3A_485 = arith.constant 0 : i32
      %add3A_486 = vector.broadcast %add3A_485 : i32 to vector<16xi32>
      %add3A_487 = arith.addi %add3A_477, %add3A_486 : vector<16xi32>
      %mul3A_488 = arith.mulf %div3A_466, %gather3A_484 : vector<16xf32>
      tpu.vector_store_idx %arg17[%add3A_487], %mul3A_488 {add = true} : memref<32768xf32, #tpu.memory_space<vmem>>[vector<16xi32>], vector<16xf32>,
      %add3A_489 = arith.constant 1 : i32
      %add3A_490 = vector.broadcast %add3A_489 : i32 to vector<16xi32>
      %add3A_491 = arith.addi %mul3A_480, %add3A_490 : vector<16xi32>
      %gather3A_492 = tpu.vector_load_idx %arg16[%add3A_491] : memref<64xf32, #tpu.memory_space<vmem>>[vector<16xi32>], vector<16xf32>,
      %add3A_493 = arith.constant 64 : i32
      %add3A_494 = vector.broadcast %add3A_493 : i32 to vector<16xi32>
      %add3A_495 = arith.addi %add3A_477, %add3A_494 : vector<16xi32>
      %mul3A_496 = arith.mulf %div3A_466, %gather3A_492 : vector<16xf32>
      tpu.vector_store_idx %arg17[%add3A_495], %mul3A_496 {add = true} : memref<32768xf32, #tpu.memory_space<vmem>>[vector<16xi32>], vector<16xf32>,
      %add3A_497 = arith.constant 2 : i32
      %add3A_498 = vector.broadcast %add3A_497 : i32 to vector<16xi32>
      %add3A_499 = arith.addi %mul3A_480, %add3A_498 : vector<16xi32>
      %gather3A_500 = tpu.vector_load_idx %arg16[%add3A_499] : memref<64xf32, #tpu.memory_space<vmem>>[vector<16xi32>], vector<16xf32>,
      %add3A_501 = arith.constant 128 : i32
      %add3A_502 = vector.broadcast %add3A_501 : i32 to vector<16xi32>
      %add3A_503 = arith.addi %add3A_477, %add3A_502 : vector<16xi32>
      %mul3A_504 = arith.mulf %div3A_466, %gather3A_500 : vector<16xf32>
      tpu.vector_store_idx %arg17[%add3A_503], %mul3A_504 {add = true} : memref<32768xf32, #tpu.memory_space<vmem>>[vector<16xi32>], vector<16xf32>,
      %add3A_505 = arith.constant 3 : i32
      %add3A_506 = vector.broadcast %add3A_505 : i32 to vector<16xi32>
      %add3A_507 = arith.addi %mul3A_480, %add3A_506 : vector<16xi32>
      %gather3A_508 = tpu.vector_load_idx %arg16[%add3A_507] : memref<64xf32, #tpu.memory_space<vmem>>[vector<16xi32>], vector<16xf32>,
      %add3A_509 = arith.constant 192 : i32
      %add3A_510 = vector.broadcast %add3A_509 : i32 to vector<16xi32>
      %add3A_511 = arith.addi %add3A_477, %add3A_510 : vector<16xi32>
      %mul3A_512 = arith.mulf %div3A_466, %gather3A_508 : vector<16xf32>
      tpu.vector_store_idx %arg17[%add3A_511], %mul3A_512 {add = true} : memref<32768xf32, #tpu.memory_space<vmem>>[vector<16xi32>], vector<16xf32>,
      %scan3A_513 = arith.constant 6 : i32
      %scan3A_514 = arith.addi %scan3A_47, %scan3A_513 : i32
      %mul3A_515 = arith.constant 16 : i32
      %mul3A_516 = arith.muli %scan3A_514, %mul3A_515 : i32
      %get3A_517 = arith.index_cast %mul3A_516 : i32 to index
      %get3A_518 = tpu.vector_load %arg13[%get3A_517] {strides = array<i32>} : memref<2048xi32, #tpu.memory_space<vmem>>, vector<16xi32>,
      %mul3A_519 = arith.constant 16 : i32
      %mul3A_520 = arith.muli %scan3A_514, %mul3A_519 : i32
      %get3A_521 = arith.index_cast %mul3A_520 : i32 to index
      %get3A_522 = tpu.vector_load %arg14[%get3A_521] {strides = array<i32>} : memref<2048xi32, #tpu.memory_space<vmem>>, vector<16xi32>,
      %mul3A_523 = arith.constant 16 : i32
      %mul3A_524 = arith.muli %scan3A_514, %mul3A_523 : i32
      %get3A_525 = arith.index_cast %mul3A_524 : i32 to index
      %get3A_526 = tpu.vector_load %arg15[%get3A_525] {strides = array<i32>} : memref<2048xi32, #tpu.memory_space<vmem>>, vector<16xi32>,
      %and3A_527 = arith.constant 127 : i32
      %and3A_528 = vector.broadcast %and3A_527 : i32 to vector<16xi32>
      %and3A_529 = arith.andi %get3A_518, %and3A_528 : vector<16xi32>
      %gather3A_530 = tpu.vector_load_idx %arg11[%and3A_529] : memref<128xf32, #tpu.memory_space<vmem>>[vector<16xi32>], vector<16xf32>,
      %and3A_531 = arith.constant 127 : i32
      %and3A_532 = vector.broadcast %and3A_531 : i32 to vector<16xi32>
      %and3A_533 = arith.andi %get3A_522, %and3A_532 : vector<16xi32>
      %gather3A_534 = tpu.vector_load_idx %arg12[%and3A_533] : memref<128xf32, #tpu.memory_space<vmem>>[vector<16xi32>], vector<16xf32>,
      %add3A_535 = arith.addf %gather3A_530, %gather3A_534 : vector<16xf32>
      %neg3A_536 = arith.constant 0.000000e+00 : f32
      %neg3A_537 = vector.broadcast %neg3A_536 : f32 to vector<16xf32>
      %neg3A_538 = arith.subf %neg3A_537, %add3A_535 : vector<16xf32>
      %exp3A_539 = math.exp %neg3A_538 : vector<16xf32>
      %add3A_540 = arith.constant 1.000000e+00 : f32
      %add3A_541 = vector.broadcast %add3A_540 : f32 to vector<16xf32>
      %add3A_542 = arith.addf %add3A_541, %exp3A_539 : vector<16xf32>
      %div3A_543 = arith.constant 1.000000e+00 : f32
      %div3A_544 = vector.broadcast %div3A_543 : f32 to vector<16xf32>
      %div3A_545 = arith.divf %div3A_544, %add3A_542 : vector<16xf32>
      %mul3A_546 = arith.constant 16 : i32
      %mul3A_547 = arith.muli %scan3A_514, %mul3A_546 : i32
      %swap3A_548 = arith.index_cast %mul3A_547 : i32 to index
      %swap3A_549 = tpu.vector_load %arg18[%swap3A_548] {strides = array<i32>} : memref<2048xf32, #tpu.memory_space<vmem>>, vector<16xf32>,
      tpu.vector_store %arg18[%swap3A_548], %div3A_545 {strides = array<i32>} : memref<2048xf32, #tpu.memory_space<vmem>>, vector<16xf32>,
      %mul3A_550 = arith.constant 256 : i32
      %mul3A_551 = vector.broadcast %mul3A_550 : i32 to vector<16xi32>
      %mul3A_552 = arith.muli %and3A_533, %mul3A_551 : vector<16xi32>
      %and3A_553 = arith.constant 63 : i32
      %and3A_554 = vector.broadcast %and3A_553 : i32 to vector<16xi32>
      %and3A_555 = arith.andi %get3A_518, %and3A_554 : vector<16xi32>
      %add3A_556 = arith.addi %mul3A_552, %and3A_555 : vector<16xi32>
      %mul3A_557 = arith.constant 4 : i32
      %mul3A_558 = vector.broadcast %mul3A_557 : i32 to vector<16xi32>
      %mul3A_559 = arith.muli %get3A_526, %mul3A_558 : vector<16xi32>
      %add3A_560 = arith.constant 0 : i32
      %add3A_561 = vector.broadcast %add3A_560 : i32 to vector<16xi32>
      %add3A_562 = arith.addi %mul3A_559, %add3A_561 : vector<16xi32>
      %gather3A_563 = tpu.vector_load_idx %arg16[%add3A_562] : memref<64xf32, #tpu.memory_space<vmem>>[vector<16xi32>], vector<16xf32>,
      %add3A_564 = arith.constant 0 : i32
      %add3A_565 = vector.broadcast %add3A_564 : i32 to vector<16xi32>
      %add3A_566 = arith.addi %add3A_556, %add3A_565 : vector<16xi32>
      %mul3A_567 = arith.mulf %div3A_545, %gather3A_563 : vector<16xf32>
      tpu.vector_store_idx %arg17[%add3A_566], %mul3A_567 {add = true} : memref<32768xf32, #tpu.memory_space<vmem>>[vector<16xi32>], vector<16xf32>,
      %add3A_568 = arith.constant 1 : i32
      %add3A_569 = vector.broadcast %add3A_568 : i32 to vector<16xi32>
      %add3A_570 = arith.addi %mul3A_559, %add3A_569 : vector<16xi32>
      %gather3A_571 = tpu.vector_load_idx %arg16[%add3A_570] : memref<64xf32, #tpu.memory_space<vmem>>[vector<16xi32>], vector<16xf32>,
      %add3A_572 = arith.constant 64 : i32
      %add3A_573 = vector.broadcast %add3A_572 : i32 to vector<16xi32>
      %add3A_574 = arith.addi %add3A_556, %add3A_573 : vector<16xi32>
      %mul3A_575 = arith.mulf %div3A_545, %gather3A_571 : vector<16xf32>
      tpu.vector_store_idx %arg17[%add3A_574], %mul3A_575 {add = true} : memref<32768xf32, #tpu.memory_space<vmem>>[vector<16xi32>], vector<16xf32>,
      %add3A_576 = arith.constant 2 : i32
      %add3A_577 = vector.broadcast %add3A_576 : i32 to vector<16xi32>
      %add3A_578 = arith.addi %mul3A_559, %add3A_577 : vector<16xi32>
      %gather3A_579 = tpu.vector_load_idx %arg16[%add3A_578] : memref<64xf32, #tpu.memory_space<vmem>>[vector<16xi32>], vector<16xf32>,
      %add3A_580 = arith.constant 128 : i32
      %add3A_581 = vector.broadcast %add3A_580 : i32 to vector<16xi32>
      %add3A_582 = arith.addi %add3A_556, %add3A_581 : vector<16xi32>
      %mul3A_583 = arith.mulf %div3A_545, %gather3A_579 : vector<16xf32>
      tpu.vector_store_idx %arg17[%add3A_582], %mul3A_583 {add = true} : memref<32768xf32, #tpu.memory_space<vmem>>[vector<16xi32>], vector<16xf32>,
      %add3A_584 = arith.constant 3 : i32
      %add3A_585 = vector.broadcast %add3A_584 : i32 to vector<16xi32>
      %add3A_586 = arith.addi %mul3A_559, %add3A_585 : vector<16xi32>
      %gather3A_587 = tpu.vector_load_idx %arg16[%add3A_586] : memref<64xf32, #tpu.memory_space<vmem>>[vector<16xi32>], vector<16xf32>,
      %add3A_588 = arith.constant 192 : i32
      %add3A_589 = vector.broadcast %add3A_588 : i32 to vector<16xi32>
      %add3A_590 = arith.addi %add3A_556, %add3A_589 : vector<16xi32>
      %mul3A_591 = arith.mulf %div3A_545, %gather3A_587 : vector<16xf32>
      tpu.vector_store_idx %arg17[%add3A_590], %mul3A_591 {add = true} : memref<32768xf32, #tpu.memory_space<vmem>>[vector<16xi32>], vector<16xf32>,
      %scan3A_592 = arith.constant 7 : i32
      %scan3A_593 = arith.addi %scan3A_47, %scan3A_592 : i32
      %mul3A_594 = arith.constant 16 : i32
      %mul3A_595 = arith.muli %scan3A_593, %mul3A_594 : i32
      %get3A_596 = arith.index_cast %mul3A_595 : i32 to index
      %get3A_597 = tpu.vector_load %arg13[%get3A_596] {strides = array<i32>} : memref<2048xi32, #tpu.memory_space<vmem>>, vector<16xi32>,
      %mul3A_598 = arith.constant 16 : i32
      %mul3A_599 = arith.muli %scan3A_593, %mul3A_598 : i32
      %get3A_600 = arith.index_cast %mul3A_599 : i32 to index
      %get3A_601 = tpu.vector_load %arg14[%get3A_600] {strides = array<i32>} : memref<2048xi32, #tpu.memory_space<vmem>>, vector<16xi32>,
      %mul3A_602 = arith.constant 16 : i32
      %mul3A_603 = arith.muli %scan3A_593, %mul3A_602 : i32
      %get3A_604 = arith.index_cast %mul3A_603 : i32 to index
      %get3A_605 = tpu.vector_load %arg15[%get3A_604] {strides = array<i32>} : memref<2048xi32, #tpu.memory_space<vmem>>, vector<16xi32>,
      %and3A_606 = arith.constant 127 : i32
      %and3A_607 = vector.broadcast %and3A_606 : i32 to vector<16xi32>
      %and3A_608 = arith.andi %get3A_597, %and3A_607 : vector<16xi32>
      %gather3A_609 = tpu.vector_load_idx %arg11[%and3A_608] : memref<128xf32, #tpu.memory_space<vmem>>[vector<16xi32>], vector<16xf32>,
      %and3A_610 = arith.constant 127 : i32
      %and3A_611 = vector.broadcast %and3A_610 : i32 to vector<16xi32>
      %and3A_612 = arith.andi %get3A_601, %and3A_611 : vector<16xi32>
      %gather3A_613 = tpu.vector_load_idx %arg12[%and3A_612] : memref<128xf32, #tpu.memory_space<vmem>>[vector<16xi32>], vector<16xf32>,
      %add3A_614 = arith.addf %gather3A_609, %gather3A_613 : vector<16xf32>
      %neg3A_615 = arith.constant 0.000000e+00 : f32
      %neg3A_616 = vector.broadcast %neg3A_615 : f32 to vector<16xf32>
      %neg3A_617 = arith.subf %neg3A_616, %add3A_614 : vector<16xf32>
      %exp3A_618 = math.exp %neg3A_617 : vector<16xf32>
      %add3A_619 = arith.constant 1.000000e+00 : f32
      %add3A_620 = vector.broadcast %add3A_619 : f32 to vector<16xf32>
      %add3A_621 = arith.addf %add3A_620, %exp3A_618 : vector<16xf32>
      %div3A_622 = arith.constant 1.000000e+00 : f32
      %div3A_623 = vector.broadcast %div3A_622 : f32 to vector<16xf32>
      %div3A_624 = arith.divf %div3A_623, %add3A_621 : vector<16xf32>
      %mul3A_625 = arith.constant 16 : i32
      %mul3A_626 = arith.muli %scan3A_593, %mul3A_625 : i32
      %swap3A_627 = arith.index_cast %mul3A_626 : i32 to index
      %swap3A_628 = tpu.vector_load %arg18[%swap3A_627] {strides = array<i32>} : memref<2048xf32, #tpu.memory_space<vmem>>, vector<16xf32>,
      tpu.vector_store %arg18[%swap3A_627], %div3A_624 {strides = array<i32>} : memref<2048xf32, #tpu.memory_space<vmem>>, vector<16xf32>,
      %mul3A_629 = arith.constant 256 : i32
      %mul3A_630 = vector.broadcast %mul3A_629 : i32 to vector<16xi32>
      %mul3A_631 = arith.muli %and3A_612, %mul3A_630 : vector<16xi32>
      %and3A_632 = arith.constant 63 : i32
      %and3A_633 = vector.broadcast %and3A_632 : i32 to vector<16xi32>
      %and3A_634 = arith.andi %get3A_597, %and3A_633 : vector<16xi32>
      %add3A_635 = arith.addi %mul3A_631, %and3A_634 : vector<16xi32>
      %mul3A_636 = arith.constant 4 : i32
      %mul3A_637 = vector.broadcast %mul3A_636 : i32 to vector<16xi32>
      %mul3A_638 = arith.muli %get3A_605, %mul3A_637 : vector<16xi32>
      %add3A_639 = arith.constant 0 : i32
      %add3A_640 = vector.broadcast %add3A_639 : i32 to vector<16xi32>
      %add3A_641 = arith.addi %mul3A_638, %add3A_640 : vector<16xi32>
      %gather3A_642 = tpu.vector_load_idx %arg16[%add3A_641] : memref<64xf32, #tpu.memory_space<vmem>>[vector<16xi32>], vector<16xf32>,
      %add3A_643 = arith.constant 0 : i32
      %add3A_644 = vector.broadcast %add3A_643 : i32 to vector<16xi32>
      %add3A_645 = arith.addi %add3A_635, %add3A_644 : vector<16xi32>
      %mul3A_646 = arith.mulf %div3A_624, %gather3A_642 : vector<16xf32>
      tpu.vector_store_idx %arg17[%add3A_645], %mul3A_646 {add = true} : memref<32768xf32, #tpu.memory_space<vmem>>[vector<16xi32>], vector<16xf32>,
      %add3A_647 = arith.constant 1 : i32
      %add3A_648 = vector.broadcast %add3A_647 : i32 to vector<16xi32>
      %add3A_649 = arith.addi %mul3A_638, %add3A_648 : vector<16xi32>
      %gather3A_650 = tpu.vector_load_idx %arg16[%add3A_649] : memref<64xf32, #tpu.memory_space<vmem>>[vector<16xi32>], vector<16xf32>,
      %add3A_651 = arith.constant 64 : i32
      %add3A_652 = vector.broadcast %add3A_651 : i32 to vector<16xi32>
      %add3A_653 = arith.addi %add3A_635, %add3A_652 : vector<16xi32>
      %mul3A_654 = arith.mulf %div3A_624, %gather3A_650 : vector<16xf32>
      tpu.vector_store_idx %arg17[%add3A_653], %mul3A_654 {add = true} : memref<32768xf32, #tpu.memory_space<vmem>>[vector<16xi32>], vector<16xf32>,
      %add3A_655 = arith.constant 2 : i32
      %add3A_656 = vector.broadcast %add3A_655 : i32 to vector<16xi32>
      %add3A_657 = arith.addi %mul3A_638, %add3A_656 : vector<16xi32>
      %gather3A_658 = tpu.vector_load_idx %arg16[%add3A_657] : memref<64xf32, #tpu.memory_space<vmem>>[vector<16xi32>], vector<16xf32>,
      %add3A_659 = arith.constant 128 : i32
      %add3A_660 = vector.broadcast %add3A_659 : i32 to vector<16xi32>
      %add3A_661 = arith.addi %add3A_635, %add3A_660 : vector<16xi32>
      %mul3A_662 = arith.mulf %div3A_624, %gather3A_658 : vector<16xf32>
      tpu.vector_store_idx %arg17[%add3A_661], %mul3A_662 {add = true} : memref<32768xf32, #tpu.memory_space<vmem>>[vector<16xi32>], vector<16xf32>,
      %add3A_663 = arith.constant 3 : i32
      %add3A_664 = vector.broadcast %add3A_663 : i32 to vector<16xi32>
      %add3A_665 = arith.addi %mul3A_638, %add3A_664 : vector<16xi32>
      %gather3A_666 = tpu.vector_load_idx %arg16[%add3A_665] : memref<64xf32, #tpu.memory_space<vmem>>[vector<16xi32>], vector<16xf32>,
      %add3A_667 = arith.constant 192 : i32
      %add3A_668 = vector.broadcast %add3A_667 : i32 to vector<16xi32>
      %add3A_669 = arith.addi %add3A_635, %add3A_668 : vector<16xi32>
      %mul3A_670 = arith.mulf %div3A_624, %gather3A_666 : vector<16xf32>
      tpu.vector_store_idx %arg17[%add3A_669], %mul3A_670 {add = true} : memref<32768xf32, #tpu.memory_space<vmem>>[vector<16xi32>], vector<16xf32>,
    }
    %scan3A_44 = arith.constant 128 : i32
    %mul3A_45 = arith.constant 32768 : i32
    %mul3A_46 = arith.muli %add3A, %mul3A_45 : i32
    "tpu.region"() ({
      %run_scoped3A = tpu.sem_alloc : memref<!tpu.dma_semaphore, #tpu.memory_space<semaphore_mem>>
      %dma_start3A_47 = tpu.memref_slice %arg8[%mul3A_46] : memref<1048576xf32, #tpu.memory_space<hbm>> -> memref<32768xf32, #tpu.memory_space<hbm>>
      %dma_start3A_48 = tpu.memref_slice %arg8[%mul3A_46] : memref<1048576xf32, #tpu.memory_space<hbm>> -> memref<32768xf32, #tpu.memory_space<hbm>>
      tpu.enqueue_dma source(%arg17 : memref<32768xf32, #tpu.memory_space<vmem>>) target(%dma_start3A_48 : memref<32768xf32, #tpu.memory_space<hbm>>) target_semaphore(%run_scoped3A : memref<!tpu.dma_semaphore, #tpu.memory_space<semaphore_mem>>)
      %dma_wait3A_49 = tpu.memref_slice %arg8[%mul3A_46] : memref<1048576xf32, #tpu.memory_space<hbm>> -> memref<32768xf32, #tpu.memory_space<hbm>>
      %dma_wait3A_50 = tpu.memref_slice %arg8[%mul3A_46] : memref<1048576xf32, #tpu.memory_space<hbm>> -> memref<32768xf32, #tpu.memory_space<hbm>>
      tpu.wait_dma2 semaphore(%run_scoped3A : memref<!tpu.dma_semaphore, #tpu.memory_space<semaphore_mem>>) src(%arg17 : memref<32768xf32, #tpu.memory_space<vmem>>) dst(%dma_wait3A_50 : memref<32768xf32, #tpu.memory_space<hbm>>)
      tpu.yield
    }) : () -> ()
    "tpu.region"() ({
      %run_scoped3A = tpu.sem_alloc : memref<!tpu.dma_semaphore, #tpu.memory_space<semaphore_mem>>
      %dma_start3A_47 = tpu.memref_slice %arg9[%mul3A_2] : memref<65536xf32, #tpu.memory_space<hbm>> -> memref<2048xf32, #tpu.memory_space<hbm>>
      %dma_start3A_48 = tpu.memref_slice %arg9[%mul3A_2] : memref<65536xf32, #tpu.memory_space<hbm>> -> memref<2048xf32, #tpu.memory_space<hbm>>
      tpu.enqueue_dma source(%arg18 : memref<2048xf32, #tpu.memory_space<vmem>>) target(%dma_start3A_48 : memref<2048xf32, #tpu.memory_space<hbm>>) target_semaphore(%run_scoped3A : memref<!tpu.dma_semaphore, #tpu.memory_space<semaphore_mem>>)
      %dma_wait3A_49 = tpu.memref_slice %arg9[%mul3A_2] : memref<65536xf32, #tpu.memory_space<hbm>> -> memref<2048xf32, #tpu.memory_space<hbm>>
      %dma_wait3A_50 = tpu.memref_slice %arg9[%mul3A_2] : memref<65536xf32, #tpu.memory_space<hbm>> -> memref<2048xf32, #tpu.memory_space<hbm>>
      tpu.wait_dma2 semaphore(%run_scoped3A : memref<!tpu.dma_semaphore, #tpu.memory_space<semaphore_mem>>) src(%arg18 : memref<2048xf32, #tpu.memory_space<vmem>>) dst(%dma_wait3A_50 : memref<2048xf32, #tpu.memory_space<hbm>>)
      tpu.yield
    }) : () -> ()
    return
  }
}

module attributes {stable_mosaic.version = 14 : i64} {
  func.func @_pre_body(%arg0: memref<4096x256xf32, #tpu.memory_space<vmem>>, %arg1: memref<3x256xf32, #tpu.memory_space<vmem>>, %arg2: memref<3x256xf32, #tpu.memory_space<vmem>>, %arg3: memref<4096x1xf32, #tpu.memory_space<vmem>>, %arg4: memref<4096x1xf32, #tpu.memory_space<vmem>>) attributes {dimension_semantics = [], scalar_prefetch = 0 : i64, scratch_operands = 0 : i64, tpu.core_type = #tpu.core_type<tc>} {
    %get3A = arith.constant 0 : index
    %get3A_0 = arith.constant 0 : index
    %get3A_1 = vector.load %arg0[%get3A, %get3A_0] : memref<4096x256xf32, #tpu.memory_space<vmem>>, vector<4096x256xf32>
    %get3A_2 = arith.constant 0 : index
    %get3A_3 = arith.constant 0 : index
    %get3A_4 = vector.load %arg1[%get3A_2, %get3A_3] : memref<3x256xf32, #tpu.memory_space<vmem>>, vector<1x256xf32>
    %dot_general3A = arith.constant dense<0.000000e+00> : vector<4096x1xf32>
    %dot_general3A_5 = tpu.matmul %get3A_1, %get3A_4, %dot_general3A {dimension_numbers = #tpu.dot_dimension_numbers<[1], [1], [0], [0], [0, 0, 1, 0], [], []>, transpose_lhs_hint = false} : vector<4096x256xf32>, vector<1x256xf32>, vector<4096x1xf32> -> vector<4096x1xf32>
    %swap3A = arith.constant 0 : index
    %swap3A_6 = arith.constant 0 : index
    %swap3A_7 = vector.load %arg3[%swap3A, %swap3A_6] : memref<4096x1xf32, #tpu.memory_space<vmem>>, vector<4096x1xf32>
    tpu.vector_store %arg3[%swap3A, %swap3A_6], %dot_general3A_5 {strides = array<i32>} : memref<4096x1xf32, #tpu.memory_space<vmem>>, vector<4096x1xf32>,
    %get3A_8 = arith.constant 0 : index
    %get3A_9 = arith.constant 0 : index
    %get3A_10 = vector.load %arg2[%get3A_8, %get3A_9] : memref<3x256xf32, #tpu.memory_space<vmem>>, vector<1x256xf32>
    %dot_general3A_11 = arith.constant dense<0.000000e+00> : vector<4096x1xf32>
    %dot_general3A_12 = tpu.matmul %get3A_1, %get3A_10, %dot_general3A_11 {dimension_numbers = #tpu.dot_dimension_numbers<[1], [1], [0], [0], [0, 0, 1, 0], [], []>, transpose_lhs_hint = false} : vector<4096x256xf32>, vector<1x256xf32>, vector<4096x1xf32> -> vector<4096x1xf32>
    %swap3A_13 = arith.constant 0 : index
    %swap3A_14 = arith.constant 0 : index
    %swap3A_15 = vector.load %arg4[%swap3A_13, %swap3A_14] : memref<4096x1xf32, #tpu.memory_space<vmem>>, vector<4096x1xf32>
    tpu.vector_store %arg4[%swap3A_13, %swap3A_14], %dot_general3A_12 {strides = array<i32>} : memref<4096x1xf32, #tpu.memory_space<vmem>>, vector<4096x1xf32>,
    return
  }
}

module attributes {stable_mosaic.version = 14 : i64} {
  func.func @_tc_layer_body(%arg0: i32, %arg1: memref<256x256xf32, #tpu.memory_space<vmem>>, %arg2: memref<1x256x256xf32, #tpu.memory_space<vmem>>, %arg3: memref<1x1024x256xf32, #tpu.memory_space<vmem>>, %arg4: memref<1x256x256xf32, #tpu.memory_space<vmem>>, %arg5: memref<1x256x1xf32, #tpu.memory_space<vmem>>, %arg6: memref<1x32x128xf32, #tpu.memory_space<vmem>>, %arg7: memref<1x1x256xf32, #tpu.memory_space<vmem>>, %arg8: memref<1x1x256xf32, #tpu.memory_space<vmem>>, %arg9: memref<256x256xf32, #tpu.memory_space<vmem>>, %arg10: memref<1x256x1xf32, #tpu.memory_space<vmem>>, %arg11: memref<1x256x1xf32, #tpu.memory_space<vmem>>, %arg12: memref<1x1x1xf32, #tpu.memory_space<vmem>>) attributes {dimension_semantics = [#tpu.dimension_semantics<arbitrary>], iteration_bounds = array<i64: 16>, scalar_prefetch = 0 : i64, scratch_operands = 0 : i64, tpu.core_type = #tpu.core_type<tc>, window_params = [{transform_indices = @transform_0, window_bounds = array<i64: 256, 256>}, {transform_indices = @transform_1, window_bounds = array<i64: 1, 256, 256>}, {transform_indices = @transform_2, window_bounds = array<i64: 1, 1024, 256>}, {transform_indices = @transform_3, window_bounds = array<i64: 1, 256, 256>}, {transform_indices = @transform_4, window_bounds = array<i64: 1, 256, 1>}, {transform_indices = @transform_5, window_bounds = array<i64: 1, 32, 128>}, {transform_indices = @transform_6, window_bounds = array<i64: 1, 1, 256>}, {transform_indices = @transform_7, window_bounds = array<i64: 1, 1, 256>}, {transform_indices = @transform_8, window_bounds = array<i64: 256, 256>}, {transform_indices = @transform_9, window_bounds = array<i64: 1, 256, 1>}, {transform_indices = @transform_10, window_bounds = array<i64: 1, 256, 1>}, {transform_indices = @transform_11, window_bounds = array<i64: 1, 1, 1>}]} {
    %get3A = arith.constant 0 : index
    %get3A_0 = arith.constant 0 : index
    %get3A_1 = vector.load %arg1[%get3A, %get3A_0] : memref<256x256xf32, #tpu.memory_space<vmem>>, vector<256x256xf32>
    %get3A_2 = arith.constant 0 : index
    %get3A_3 = arith.constant 0 : index
    %get3A_4 = arith.constant 0 : index
    %get3A_5 = vector.load %arg2[%get3A_2, %get3A_3, %get3A_4] : memref<1x256x256xf32, #tpu.memory_space<vmem>>, vector<1x256x256xf32>
    %get3A_6 = vector.shape_cast %get3A_5 : vector<1x256x256xf32> to vector<256x256xf32>
    %get3A_7 = arith.constant 0 : index
    %get3A_8 = arith.constant 0 : index
    %get3A_9 = arith.constant 0 : index
    %get3A_10 = vector.load %arg3[%get3A_7, %get3A_8, %get3A_9] : memref<1x1024x256xf32, #tpu.memory_space<vmem>>, vector<1x256x256xf32>
    %get3A_11 = vector.shape_cast %get3A_10 : vector<1x256x256xf32> to vector<256x256xf32>
    %dot_general3A = arith.constant dense<0.000000e+00> : vector<256x256xf32>
    %dot_general3A_12 = tpu.matmul %get3A_1, %get3A_11, %dot_general3A {dimension_numbers = #tpu.dot_dimension_numbers<[1], [0], [0], [1], [0, 0, 1, 1], [], []>, transpose_lhs_hint = false} : vector<256x256xf32>, vector<256x256xf32>, vector<256x256xf32> -> vector<256x256xf32>
    %get3A_13 = arith.constant 0 : index
    %get3A_14 = arith.constant 256 : index
    %get3A_15 = arith.constant 0 : index
    %get3A_16 = vector.load %arg3[%get3A_13, %get3A_14, %get3A_15] : memref<1x1024x256xf32, #tpu.memory_space<vmem>>, vector<1x256x256xf32>
    %get3A_17 = vector.shape_cast %get3A_16 : vector<1x256x256xf32> to vector<256x256xf32>
    %dot_general3A_18 = arith.constant dense<0.000000e+00> : vector<256x256xf32>
    %dot_general3A_19 = tpu.matmul %get3A_1, %get3A_17, %dot_general3A_18 {dimension_numbers = #tpu.dot_dimension_numbers<[1], [0], [0], [1], [0, 0, 1, 1], [], []>, transpose_lhs_hint = false} : vector<256x256xf32>, vector<256x256xf32>, vector<256x256xf32> -> vector<256x256xf32>
    %get3A_20 = arith.constant 0 : index
    %get3A_21 = arith.constant 512 : index
    %get3A_22 = arith.constant 0 : index
    %get3A_23 = vector.load %arg3[%get3A_20, %get3A_21, %get3A_22] : memref<1x1024x256xf32, #tpu.memory_space<vmem>>, vector<1x256x256xf32>
    %get3A_24 = vector.shape_cast %get3A_23 : vector<1x256x256xf32> to vector<256x256xf32>
    %dot_general3A_25 = arith.constant dense<0.000000e+00> : vector<256x256xf32>
    %dot_general3A_26 = tpu.matmul %get3A_1, %get3A_24, %dot_general3A_25 {dimension_numbers = #tpu.dot_dimension_numbers<[1], [0], [0], [1], [0, 0, 1, 1], [], []>, transpose_lhs_hint = false} : vector<256x256xf32>, vector<256x256xf32>, vector<256x256xf32> -> vector<256x256xf32>
    %get3A_27 = arith.constant 0 : index
    %get3A_28 = arith.constant 768 : index
    %get3A_29 = arith.constant 0 : index
    %get3A_30 = vector.load %arg3[%get3A_27, %get3A_28, %get3A_29] : memref<1x1024x256xf32, #tpu.memory_space<vmem>>, vector<1x256x256xf32>
    %get3A_31 = vector.shape_cast %get3A_30 : vector<1x256x256xf32> to vector<256x256xf32>
    %dot_general3A_32 = arith.constant dense<0.000000e+00> : vector<256x256xf32>
    %dot_general3A_33 = tpu.matmul %get3A_1, %get3A_31, %dot_general3A_32 {dimension_numbers = #tpu.dot_dimension_numbers<[1], [0], [0], [1], [0, 0, 1, 1], [], []>, transpose_lhs_hint = false} : vector<256x256xf32>, vector<256x256xf32>, vector<256x256xf32> -> vector<256x256xf32>
    %slice3A = vector.extract_strided_slice %dot_general3A_12 {offsets = [0, 0], sizes = [64, 256], strides = [1, 1]} : vector<256x256xf32> to vector<64x256xf32>
    %slice3A_34 = vector.extract_strided_slice %dot_general3A_19 {offsets = [0, 0], sizes = [64, 256], strides = [1, 1]} : vector<256x256xf32> to vector<64x256xf32>
    %slice3A_35 = vector.extract_strided_slice %dot_general3A_26 {offsets = [0, 0], sizes = [64, 256], strides = [1, 1]} : vector<256x256xf32> to vector<64x256xf32>
    %slice3A_36 = vector.extract_strided_slice %dot_general3A_33 {offsets = [0, 0], sizes = [64, 256], strides = [1, 1]} : vector<256x256xf32> to vector<64x256xf32>
    %concatenate3A = tpu.concatenate %slice3A, %slice3A_34, %slice3A_35, %slice3A_36 in 0 : vector<64x256xf32>, vector<64x256xf32>, vector<64x256xf32>, vector<64x256xf32> -> vector<256x256xf32>
    %slice3A_37 = vector.extract_strided_slice %get3A_6 {offsets = [0, 0], sizes = [64, 256], strides = [1, 1]} : vector<256x256xf32> to vector<64x256xf32>
    %dot_general3A_38 = arith.constant dense<0.000000e+00> : vector<64x256xf32>
    %dot_general3A_39 = tpu.matmul %slice3A_37, %concatenate3A, %dot_general3A_38 {dimension_numbers = #tpu.dot_dimension_numbers<[1], [0], [0], [1], [0, 0, 1, 1], [], []>, transpose_lhs_hint = false} : vector<64x256xf32>, vector<256x256xf32>, vector<64x256xf32> -> vector<64x256xf32>
    %slice3A_40 = vector.extract_strided_slice %dot_general3A_12 {offsets = [64, 0], sizes = [64, 256], strides = [1, 1]} : vector<256x256xf32> to vector<64x256xf32>
    %slice3A_41 = vector.extract_strided_slice %dot_general3A_19 {offsets = [64, 0], sizes = [64, 256], strides = [1, 1]} : vector<256x256xf32> to vector<64x256xf32>
    %slice3A_42 = vector.extract_strided_slice %dot_general3A_26 {offsets = [64, 0], sizes = [64, 256], strides = [1, 1]} : vector<256x256xf32> to vector<64x256xf32>
    %slice3A_43 = vector.extract_strided_slice %dot_general3A_33 {offsets = [64, 0], sizes = [64, 256], strides = [1, 1]} : vector<256x256xf32> to vector<64x256xf32>
    %concatenate3A_44 = tpu.concatenate %slice3A_40, %slice3A_41, %slice3A_42, %slice3A_43 in 0 : vector<64x256xf32>, vector<64x256xf32>, vector<64x256xf32>, vector<64x256xf32> -> vector<256x256xf32>
    %slice3A_45 = vector.extract_strided_slice %get3A_6 {offsets = [64, 0], sizes = [64, 256], strides = [1, 1]} : vector<256x256xf32> to vector<64x256xf32>
    %dot_general3A_46 = arith.constant dense<0.000000e+00> : vector<64x256xf32>
    %dot_general3A_47 = tpu.matmul %slice3A_45, %concatenate3A_44, %dot_general3A_46 {dimension_numbers = #tpu.dot_dimension_numbers<[1], [0], [0], [1], [0, 0, 1, 1], [], []>, transpose_lhs_hint = false} : vector<64x256xf32>, vector<256x256xf32>, vector<64x256xf32> -> vector<64x256xf32>
    %slice3A_48 = vector.extract_strided_slice %dot_general3A_12 {offsets = [128, 0], sizes = [64, 256], strides = [1, 1]} : vector<256x256xf32> to vector<64x256xf32>
    %slice3A_49 = vector.extract_strided_slice %dot_general3A_19 {offsets = [128, 0], sizes = [64, 256], strides = [1, 1]} : vector<256x256xf32> to vector<64x256xf32>
    %slice3A_50 = vector.extract_strided_slice %dot_general3A_26 {offsets = [128, 0], sizes = [64, 256], strides = [1, 1]} : vector<256x256xf32> to vector<64x256xf32>
    %slice3A_51 = vector.extract_strided_slice %dot_general3A_33 {offsets = [128, 0], sizes = [64, 256], strides = [1, 1]} : vector<256x256xf32> to vector<64x256xf32>
    %concatenate3A_52 = tpu.concatenate %slice3A_48, %slice3A_49, %slice3A_50, %slice3A_51 in 0 : vector<64x256xf32>, vector<64x256xf32>, vector<64x256xf32>, vector<64x256xf32> -> vector<256x256xf32>
    %slice3A_53 = vector.extract_strided_slice %get3A_6 {offsets = [128, 0], sizes = [64, 256], strides = [1, 1]} : vector<256x256xf32> to vector<64x256xf32>
    %dot_general3A_54 = arith.constant dense<0.000000e+00> : vector<64x256xf32>
    %dot_general3A_55 = tpu.matmul %slice3A_53, %concatenate3A_52, %dot_general3A_54 {dimension_numbers = #tpu.dot_dimension_numbers<[1], [0], [0], [1], [0, 0, 1, 1], [], []>, transpose_lhs_hint = false} : vector<64x256xf32>, vector<256x256xf32>, vector<64x256xf32> -> vector<64x256xf32>
    %slice3A_56 = vector.extract_strided_slice %dot_general3A_12 {offsets = [192, 0], sizes = [64, 256], strides = [1, 1]} : vector<256x256xf32> to vector<64x256xf32>
    %slice3A_57 = vector.extract_strided_slice %dot_general3A_19 {offsets = [192, 0], sizes = [64, 256], strides = [1, 1]} : vector<256x256xf32> to vector<64x256xf32>
    %slice3A_58 = vector.extract_strided_slice %dot_general3A_26 {offsets = [192, 0], sizes = [64, 256], strides = [1, 1]} : vector<256x256xf32> to vector<64x256xf32>
    %slice3A_59 = vector.extract_strided_slice %dot_general3A_33 {offsets = [192, 0], sizes = [64, 256], strides = [1, 1]} : vector<256x256xf32> to vector<64x256xf32>
    %concatenate3A_60 = tpu.concatenate %slice3A_56, %slice3A_57, %slice3A_58, %slice3A_59 in 0 : vector<64x256xf32>, vector<64x256xf32>, vector<64x256xf32>, vector<64x256xf32> -> vector<256x256xf32>
    %slice3A_61 = vector.extract_strided_slice %get3A_6 {offsets = [192, 0], sizes = [64, 256], strides = [1, 1]} : vector<256x256xf32> to vector<64x256xf32>
    %dot_general3A_62 = arith.constant dense<0.000000e+00> : vector<64x256xf32>
    %dot_general3A_63 = tpu.matmul %slice3A_61, %concatenate3A_60, %dot_general3A_62 {dimension_numbers = #tpu.dot_dimension_numbers<[1], [0], [0], [1], [0, 0, 1, 1], [], []>, transpose_lhs_hint = false} : vector<64x256xf32>, vector<256x256xf32>, vector<64x256xf32> -> vector<64x256xf32>
    %concatenate3A_64 = tpu.concatenate %dot_general3A_39, %dot_general3A_47, %dot_general3A_55, %dot_general3A_63 in 0 : vector<64x256xf32>, vector<64x256xf32>, vector<64x256xf32>, vector<64x256xf32> -> vector<256x256xf32>
    %get3A_65 = arith.constant 0 : index
    %get3A_66 = arith.constant 0 : index
    %get3A_67 = arith.constant 0 : index
    %get3A_68 = vector.load %arg5[%get3A_65, %get3A_66, %get3A_67] : memref<1x256x1xf32, #tpu.memory_space<vmem>>, vector<1x256x1xf32>
    %get3A_69 = vector.shape_cast %get3A_68 : vector<1x256x1xf32> to vector<256x1xf32>
    %max3A = arith.constant 1.000000e+00 : f32
    %max3A_70 = vector.broadcast %max3A : f32 to vector<256x1xf32>
    %max3A_71 = arith.maximumf %get3A_69, %max3A_70 : vector<256x1xf32>
    %div3A = vector.broadcast %max3A_71 : vector<256x1xf32> to vector<256x256xf32>
    %div3A_72 = arith.divf %concatenate3A_64, %div3A : vector<256x256xf32>
    %get3A_73 = arith.constant 0 : index
    %get3A_74 = arith.constant 0 : index
    %get3A_75 = arith.constant 0 : index
    %get3A_76 = vector.load %arg4[%get3A_73, %get3A_74, %get3A_75] : memref<1x256x256xf32, #tpu.memory_space<vmem>>, vector<1x256x256xf32>
    %get3A_77 = vector.shape_cast %get3A_76 : vector<1x256x256xf32> to vector<256x256xf32>
    %dot_general3A_78 = arith.constant dense<0.000000e+00> : vector<256x256xf32>
    %dot_general3A_79 = tpu.matmul %get3A_1, %get3A_77, %dot_general3A_78 {dimension_numbers = #tpu.dot_dimension_numbers<[1], [0], [0], [1], [0, 0, 1, 1], [], []>, transpose_lhs_hint = false} : vector<256x256xf32>, vector<256x256xf32>, vector<256x256xf32> -> vector<256x256xf32>
    %add3A = arith.addf %div3A_72, %dot_general3A_79 : vector<256x256xf32>
    %max3A_80 = arith.constant 0.000000e+00 : f32
    %max3A_81 = vector.broadcast %max3A_80 : f32 to vector<256x256xf32>
    %max3A_82 = arith.maximumf %add3A, %max3A_81 : vector<256x256xf32>
    %swap3A = arith.constant 0 : index
    %swap3A_83 = arith.constant 0 : index
    %swap3A_84 = vector.load %arg9[%swap3A, %swap3A_83] : memref<256x256xf32, #tpu.memory_space<vmem>>, vector<256x256xf32>
    tpu.vector_store %arg9[%swap3A, %swap3A_83], %max3A_82 {strides = array<i32>} : memref<256x256xf32, #tpu.memory_space<vmem>>, vector<256x256xf32>,
    %get3A_85 = arith.constant 0 : index
    %get3A_86 = arith.constant 0 : index
    %get3A_87 = arith.constant 0 : index
    %get3A_88 = vector.load %arg7[%get3A_85, %get3A_86, %get3A_87] : memref<1x1x256xf32, #tpu.memory_space<vmem>>, vector<1x1x256xf32>
    %get3A_89 = vector.shape_cast %get3A_88 : vector<1x1x256xf32> to vector<1x256xf32>
    %dot_general3A_90 = arith.constant dense<0.000000e+00> : vector<256x1xf32>
    %dot_general3A_91 = tpu.matmul %max3A_82, %get3A_89, %dot_general3A_90 {dimension_numbers = #tpu.dot_dimension_numbers<[1], [1], [0], [0], [0, 0, 1, 0], [], []>, transpose_lhs_hint = false} : vector<256x256xf32>, vector<1x256xf32>, vector<256x1xf32> -> vector<256x1xf32>
    %broadcast_in_dim3A = vector.shape_cast %dot_general3A_91 : vector<256x1xf32> to vector<1x256x1xf32>
    %swap3A_92 = arith.constant 0 : index
    %swap3A_93 = arith.constant 0 : index
    %swap3A_94 = arith.constant 0 : index
    %swap3A_95 = vector.load %arg10[%swap3A_92, %swap3A_93, %swap3A_94] : memref<1x256x1xf32, #tpu.memory_space<vmem>>, vector<1x256x1xf32>
    tpu.vector_store %arg10[%swap3A_92, %swap3A_93, %swap3A_94], %broadcast_in_dim3A {strides = array<i32>} : memref<1x256x1xf32, #tpu.memory_space<vmem>>, vector<1x256x1xf32>,
    %get3A_96 = arith.constant 0 : index
    %get3A_97 = arith.constant 0 : index
    %get3A_98 = arith.constant 0 : index
    %get3A_99 = vector.load %arg8[%get3A_96, %get3A_97, %get3A_98] : memref<1x1x256xf32, #tpu.memory_space<vmem>>, vector<1x1x256xf32>
    %get3A_100 = vector.shape_cast %get3A_99 : vector<1x1x256xf32> to vector<1x256xf32>
    %dot_general3A_101 = arith.constant dense<0.000000e+00> : vector<256x1xf32>
    %dot_general3A_102 = tpu.matmul %max3A_82, %get3A_100, %dot_general3A_101 {dimension_numbers = #tpu.dot_dimension_numbers<[1], [1], [0], [0], [0, 0, 1, 0], [], []>, transpose_lhs_hint = false} : vector<256x256xf32>, vector<1x256xf32>, vector<256x1xf32> -> vector<256x1xf32>
    %broadcast_in_dim3A_103 = vector.shape_cast %dot_general3A_102 : vector<256x1xf32> to vector<1x256x1xf32>
    %swap3A_104 = arith.constant 0 : index
    %swap3A_105 = arith.constant 0 : index
    %swap3A_106 = arith.constant 0 : index
    %swap3A_107 = vector.load %arg11[%swap3A_104, %swap3A_105, %swap3A_106] : memref<1x256x1xf32, #tpu.memory_space<vmem>>, vector<1x256x1xf32>
    tpu.vector_store %arg11[%swap3A_104, %swap3A_105, %swap3A_106], %broadcast_in_dim3A_103 {strides = array<i32>} : memref<1x256x1xf32, #tpu.memory_space<vmem>>, vector<1x256x1xf32>,
    %get3A_108 = arith.constant 0 : index
    %get3A_109 = arith.constant 0 : index
    %get3A_110 = arith.constant 0 : index
    %get3A_111 = vector.load %arg6[%get3A_108, %get3A_109, %get3A_110] : memref<1x32x128xf32, #tpu.memory_space<vmem>>, vector<1x32x128xf32>
    %get3A_112 = vector.shape_cast %get3A_111 : vector<1x32x128xf32> to vector<32x128xf32>
    %mul3A = arith.constant 2.000000e+00 : f32
    %mul3A_113 = vector.broadcast %mul3A : f32 to vector<32x128xf32>
    %mul3A_114 = arith.mulf %mul3A_113, %get3A_112 : vector<32x128xf32>
    %add3A_115 = arith.constant 1.000000e-10 : f32
    %add3A_116 = vector.broadcast %add3A_115 : f32 to vector<32x128xf32>
    %add3A_117 = arith.addf %mul3A_114, %add3A_116 : vector<32x128xf32>
    %log3A = math.log %add3A_117 : vector<32x128xf32>
    %mul3A_118 = arith.mulf %get3A_112, %log3A : vector<32x128xf32>
    %sub3A = arith.constant 1.000000e+00 : f32
    %sub3A_119 = vector.broadcast %sub3A : f32 to vector<32x128xf32>
    %sub3A_120 = arith.subf %sub3A_119, %get3A_112 : vector<32x128xf32>
    %sub3A_121 = arith.constant 1.000000e+00 : f32
    %sub3A_122 = vector.broadcast %sub3A_121 : f32 to vector<32x128xf32>
    %sub3A_123 = arith.subf %sub3A_122, %get3A_112 : vector<32x128xf32>
    %mul3A_124 = arith.constant 2.000000e+00 : f32
    %mul3A_125 = vector.broadcast %mul3A_124 : f32 to vector<32x128xf32>
    %mul3A_126 = arith.mulf %mul3A_125, %sub3A_123 : vector<32x128xf32>
    %add3A_127 = arith.constant 1.000000e-10 : f32
    %add3A_128 = vector.broadcast %add3A_127 : f32 to vector<32x128xf32>
    %add3A_129 = arith.addf %mul3A_126, %add3A_128 : vector<32x128xf32>
    %log3A_130 = math.log %add3A_129 : vector<32x128xf32>
    %mul3A_131 = arith.mulf %sub3A_120, %log3A_130 : vector<32x128xf32>
    %add3A_132 = arith.addf %mul3A_118, %mul3A_131 : vector<32x128xf32>
    %reduce_sum3A = vector.shape_cast %add3A_132 : vector<32x128xf32> to vector<1x32x128xf32>
    %reduce_sum3A_133 = arith.constant dense<0.000000e+00> : vector<1xf32>
    %reduce_sum3A_134 = vector.multi_reduction <add>, %reduce_sum3A, %reduce_sum3A_133 [1, 2] : vector<1x32x128xf32> to vector<1xf32>
    %reduce_sum3A_135 = vector.shape_cast %reduce_sum3A_134 : vector<1xf32> to vector<1x1x1xf32>
    %reduce_sum3A_136 = vector.extract %reduce_sum3A_135[0, 0, 0] : f32 from vector<1x1x1xf32>
    %reshape3A = vector.broadcast %reduce_sum3A_136 : f32 to vector<1x1x1xf32>
    %swap3A_137 = arith.constant 0 : index
    %swap3A_138 = arith.constant 0 : index
    %swap3A_139 = arith.constant 0 : index
    %swap3A_140 = vector.load %arg12[%swap3A_137, %swap3A_138, %swap3A_139] : memref<1x1x1xf32, #tpu.memory_space<vmem>>, vector<1x1x1xf32>
    tpu.vector_store %arg12[%swap3A_137, %swap3A_138, %swap3A_139], %reshape3A {strides = array<i32>} : memref<1x1x1xf32, #tpu.memory_space<vmem>>, vector<1x1x1xf32>,
    return
  }
  func.func @transform_0(%arg0: i32) -> (i32, i32) {
    %c0_i32 = arith.constant 0 : i32
    %c0_i32_0 = arith.constant 0 : i32
    return %arg0, %c0_i32 : i32, i32
  }
  func.func @transform_1(%arg0: i32) -> (i32, i32, i32) {
    %c0_i32 = arith.constant 0 : i32
    %c0_i32_0 = arith.constant 0 : i32
    %c0_i32_1 = arith.constant 0 : i32
    return %arg0, %c0_i32, %c0_i32_0 : i32, i32, i32
  }
  func.func @transform_2(%arg0: i32) -> (i32, i32, i32) {
    %c0_i32 = arith.constant 0 : i32
    %c0_i32_0 = arith.constant 0 : i32
    %c0_i32_1 = arith.constant 0 : i32
    %c0_i32_2 = arith.constant 0 : i32
    return %c0_i32, %c0_i32_0, %c0_i32_1 : i32, i32, i32
  }
  func.func @transform_3(%arg0: i32) -> (i32, i32, i32) {
    %c0_i32 = arith.constant 0 : i32
    %c0_i32_0 = arith.constant 0 : i32
    %c0_i32_1 = arith.constant 0 : i32
    %c0_i32_2 = arith.constant 0 : i32
    return %c0_i32, %c0_i32_0, %c0_i32_1 : i32, i32, i32
  }
  func.func @transform_4(%arg0: i32) -> (i32, i32, i32) {
    %c0_i32 = arith.constant 0 : i32
    %c0_i32_0 = arith.constant 0 : i32
    %c0_i32_1 = arith.constant 0 : i32
    return %arg0, %c0_i32, %c0_i32_0 : i32, i32, i32
  }
  func.func @transform_5(%arg0: i32) -> (i32, i32, i32) {
    %c0_i32 = arith.constant 0 : i32
    %c0_i32_0 = arith.constant 0 : i32
    %c0_i32_1 = arith.constant 0 : i32
    return %arg0, %c0_i32, %c0_i32_0 : i32, i32, i32
  }
  func.func @transform_6(%arg0: i32) -> (i32, i32, i32) {
    %c1_i32 = arith.constant 1 : i32
    %c0_i32 = arith.constant 0 : i32
    %c0_i32_0 = arith.constant 0 : i32
    %c0_i32_1 = arith.constant 0 : i32
    return %c1_i32, %c0_i32, %c0_i32_0 : i32, i32, i32
  }
  func.func @transform_7(%arg0: i32) -> (i32, i32, i32) {
    %c1_i32 = arith.constant 1 : i32
    %c0_i32 = arith.constant 0 : i32
    %c0_i32_0 = arith.constant 0 : i32
    %c0_i32_1 = arith.constant 0 : i32
    return %c1_i32, %c0_i32, %c0_i32_0 : i32, i32, i32
  }
  func.func @transform_8(%arg0: i32) -> (i32, i32) {
    %c0_i32 = arith.constant 0 : i32
    %c0_i32_0 = arith.constant 0 : i32
    return %arg0, %c0_i32 : i32, i32
  }
  func.func @transform_9(%arg0: i32) -> (i32, i32, i32) {
    %c0_i32 = arith.constant 0 : i32
    %c0_i32_0 = arith.constant 0 : i32
    %c0_i32_1 = arith.constant 0 : i32
    return %arg0, %c0_i32, %c0_i32_0 : i32, i32, i32
  }
  func.func @transform_10(%arg0: i32) -> (i32, i32, i32) {
    %c0_i32 = arith.constant 0 : i32
    %c0_i32_0 = arith.constant 0 : i32
    %c0_i32_1 = arith.constant 0 : i32
    return %arg0, %c0_i32, %c0_i32_0 : i32, i32, i32
  }
  func.func @transform_11(%arg0: i32) -> (i32, i32, i32) {
    %c0_i32 = arith.constant 0 : i32
    %c0_i32_0 = arith.constant 0 : i32
    %c0_i32_1 = arith.constant 0 : i32
    return %arg0, %c0_i32, %c0_i32_0 : i32, i32, i32
  }
}

module attributes {stable_mosaic.version = 14 : i64} {
  func.func @_tc_layer_body(%arg0: i32, %arg1: memref<256x256xf32, #tpu.memory_space<vmem>>, %arg2: memref<1x256x256xf32, #tpu.memory_space<vmem>>, %arg3: memref<1x1024x256xf32, #tpu.memory_space<vmem>>, %arg4: memref<1x256x256xf32, #tpu.memory_space<vmem>>, %arg5: memref<1x256x1xf32, #tpu.memory_space<vmem>>, %arg6: memref<1x32x128xf32, #tpu.memory_space<vmem>>, %arg7: memref<1x1x256xf32, #tpu.memory_space<vmem>>, %arg8: memref<1x1x256xf32, #tpu.memory_space<vmem>>, %arg9: memref<256x256xf32, #tpu.memory_space<vmem>>, %arg10: memref<1x256x1xf32, #tpu.memory_space<vmem>>, %arg11: memref<1x256x1xf32, #tpu.memory_space<vmem>>, %arg12: memref<1x1x1xf32, #tpu.memory_space<vmem>>) attributes {dimension_semantics = [#tpu.dimension_semantics<arbitrary>], iteration_bounds = array<i64: 16>, scalar_prefetch = 0 : i64, scratch_operands = 0 : i64, tpu.core_type = #tpu.core_type<tc>, window_params = [{transform_indices = @transform_0, window_bounds = array<i64: 256, 256>}, {transform_indices = @transform_1, window_bounds = array<i64: 1, 256, 256>}, {transform_indices = @transform_2, window_bounds = array<i64: 1, 1024, 256>}, {transform_indices = @transform_3, window_bounds = array<i64: 1, 256, 256>}, {transform_indices = @transform_4, window_bounds = array<i64: 1, 256, 1>}, {transform_indices = @transform_5, window_bounds = array<i64: 1, 32, 128>}, {transform_indices = @transform_6, window_bounds = array<i64: 1, 1, 256>}, {transform_indices = @transform_7, window_bounds = array<i64: 1, 1, 256>}, {transform_indices = @transform_8, window_bounds = array<i64: 256, 256>}, {transform_indices = @transform_9, window_bounds = array<i64: 1, 256, 1>}, {transform_indices = @transform_10, window_bounds = array<i64: 1, 256, 1>}, {transform_indices = @transform_11, window_bounds = array<i64: 1, 1, 1>}]} {
    %get3A = arith.constant 0 : index
    %get3A_0 = arith.constant 0 : index
    %get3A_1 = vector.load %arg1[%get3A, %get3A_0] : memref<256x256xf32, #tpu.memory_space<vmem>>, vector<256x256xf32>
    %get3A_2 = arith.constant 0 : index
    %get3A_3 = arith.constant 0 : index
    %get3A_4 = arith.constant 0 : index
    %get3A_5 = vector.load %arg2[%get3A_2, %get3A_3, %get3A_4] : memref<1x256x256xf32, #tpu.memory_space<vmem>>, vector<1x256x256xf32>
    %get3A_6 = vector.shape_cast %get3A_5 : vector<1x256x256xf32> to vector<256x256xf32>
    %get3A_7 = arith.constant 0 : index
    %get3A_8 = arith.constant 0 : index
    %get3A_9 = arith.constant 0 : index
    %get3A_10 = vector.load %arg3[%get3A_7, %get3A_8, %get3A_9] : memref<1x1024x256xf32, #tpu.memory_space<vmem>>, vector<1x256x256xf32>
    %get3A_11 = vector.shape_cast %get3A_10 : vector<1x256x256xf32> to vector<256x256xf32>
    %dot_general3A = arith.constant dense<0.000000e+00> : vector<256x256xf32>
    %dot_general3A_12 = tpu.matmul %get3A_1, %get3A_11, %dot_general3A {dimension_numbers = #tpu.dot_dimension_numbers<[1], [0], [0], [1], [0, 0, 1, 1], [], []>, transpose_lhs_hint = false} : vector<256x256xf32>, vector<256x256xf32>, vector<256x256xf32> -> vector<256x256xf32>
    %get3A_13 = arith.constant 0 : index
    %get3A_14 = arith.constant 256 : index
    %get3A_15 = arith.constant 0 : index
    %get3A_16 = vector.load %arg3[%get3A_13, %get3A_14, %get3A_15] : memref<1x1024x256xf32, #tpu.memory_space<vmem>>, vector<1x256x256xf32>
    %get3A_17 = vector.shape_cast %get3A_16 : vector<1x256x256xf32> to vector<256x256xf32>
    %dot_general3A_18 = arith.constant dense<0.000000e+00> : vector<256x256xf32>
    %dot_general3A_19 = tpu.matmul %get3A_1, %get3A_17, %dot_general3A_18 {dimension_numbers = #tpu.dot_dimension_numbers<[1], [0], [0], [1], [0, 0, 1, 1], [], []>, transpose_lhs_hint = false} : vector<256x256xf32>, vector<256x256xf32>, vector<256x256xf32> -> vector<256x256xf32>
    %get3A_20 = arith.constant 0 : index
    %get3A_21 = arith.constant 512 : index
    %get3A_22 = arith.constant 0 : index
    %get3A_23 = vector.load %arg3[%get3A_20, %get3A_21, %get3A_22] : memref<1x1024x256xf32, #tpu.memory_space<vmem>>, vector<1x256x256xf32>
    %get3A_24 = vector.shape_cast %get3A_23 : vector<1x256x256xf32> to vector<256x256xf32>
    %dot_general3A_25 = arith.constant dense<0.000000e+00> : vector<256x256xf32>
    %dot_general3A_26 = tpu.matmul %get3A_1, %get3A_24, %dot_general3A_25 {dimension_numbers = #tpu.dot_dimension_numbers<[1], [0], [0], [1], [0, 0, 1, 1], [], []>, transpose_lhs_hint = false} : vector<256x256xf32>, vector<256x256xf32>, vector<256x256xf32> -> vector<256x256xf32>
    %get3A_27 = arith.constant 0 : index
    %get3A_28 = arith.constant 768 : index
    %get3A_29 = arith.constant 0 : index
    %get3A_30 = vector.load %arg3[%get3A_27, %get3A_28, %get3A_29] : memref<1x1024x256xf32, #tpu.memory_space<vmem>>, vector<1x256x256xf32>
    %get3A_31 = vector.shape_cast %get3A_30 : vector<1x256x256xf32> to vector<256x256xf32>
    %dot_general3A_32 = arith.constant dense<0.000000e+00> : vector<256x256xf32>
    %dot_general3A_33 = tpu.matmul %get3A_1, %get3A_31, %dot_general3A_32 {dimension_numbers = #tpu.dot_dimension_numbers<[1], [0], [0], [1], [0, 0, 1, 1], [], []>, transpose_lhs_hint = false} : vector<256x256xf32>, vector<256x256xf32>, vector<256x256xf32> -> vector<256x256xf32>
    %slice3A = vector.extract_strided_slice %dot_general3A_12 {offsets = [0, 0], sizes = [64, 256], strides = [1, 1]} : vector<256x256xf32> to vector<64x256xf32>
    %slice3A_34 = vector.extract_strided_slice %dot_general3A_19 {offsets = [0, 0], sizes = [64, 256], strides = [1, 1]} : vector<256x256xf32> to vector<64x256xf32>
    %slice3A_35 = vector.extract_strided_slice %dot_general3A_26 {offsets = [0, 0], sizes = [64, 256], strides = [1, 1]} : vector<256x256xf32> to vector<64x256xf32>
    %slice3A_36 = vector.extract_strided_slice %dot_general3A_33 {offsets = [0, 0], sizes = [64, 256], strides = [1, 1]} : vector<256x256xf32> to vector<64x256xf32>
    %concatenate3A = tpu.concatenate %slice3A, %slice3A_34, %slice3A_35, %slice3A_36 in 0 : vector<64x256xf32>, vector<64x256xf32>, vector<64x256xf32>, vector<64x256xf32> -> vector<256x256xf32>
    %slice3A_37 = vector.extract_strided_slice %get3A_6 {offsets = [0, 0], sizes = [64, 256], strides = [1, 1]} : vector<256x256xf32> to vector<64x256xf32>
    %dot_general3A_38 = arith.constant dense<0.000000e+00> : vector<64x256xf32>
    %dot_general3A_39 = tpu.matmul %slice3A_37, %concatenate3A, %dot_general3A_38 {dimension_numbers = #tpu.dot_dimension_numbers<[1], [0], [0], [1], [0, 0, 1, 1], [], []>, transpose_lhs_hint = false} : vector<64x256xf32>, vector<256x256xf32>, vector<64x256xf32> -> vector<64x256xf32>
    %slice3A_40 = vector.extract_strided_slice %dot_general3A_12 {offsets = [64, 0], sizes = [64, 256], strides = [1, 1]} : vector<256x256xf32> to vector<64x256xf32>
    %slice3A_41 = vector.extract_strided_slice %dot_general3A_19 {offsets = [64, 0], sizes = [64, 256], strides = [1, 1]} : vector<256x256xf32> to vector<64x256xf32>
    %slice3A_42 = vector.extract_strided_slice %dot_general3A_26 {offsets = [64, 0], sizes = [64, 256], strides = [1, 1]} : vector<256x256xf32> to vector<64x256xf32>
    %slice3A_43 = vector.extract_strided_slice %dot_general3A_33 {offsets = [64, 0], sizes = [64, 256], strides = [1, 1]} : vector<256x256xf32> to vector<64x256xf32>
    %concatenate3A_44 = tpu.concatenate %slice3A_40, %slice3A_41, %slice3A_42, %slice3A_43 in 0 : vector<64x256xf32>, vector<64x256xf32>, vector<64x256xf32>, vector<64x256xf32> -> vector<256x256xf32>
    %slice3A_45 = vector.extract_strided_slice %get3A_6 {offsets = [64, 0], sizes = [64, 256], strides = [1, 1]} : vector<256x256xf32> to vector<64x256xf32>
    %dot_general3A_46 = arith.constant dense<0.000000e+00> : vector<64x256xf32>
    %dot_general3A_47 = tpu.matmul %slice3A_45, %concatenate3A_44, %dot_general3A_46 {dimension_numbers = #tpu.dot_dimension_numbers<[1], [0], [0], [1], [0, 0, 1, 1], [], []>, transpose_lhs_hint = false} : vector<64x256xf32>, vector<256x256xf32>, vector<64x256xf32> -> vector<64x256xf32>
    %slice3A_48 = vector.extract_strided_slice %dot_general3A_12 {offsets = [128, 0], sizes = [64, 256], strides = [1, 1]} : vector<256x256xf32> to vector<64x256xf32>
    %slice3A_49 = vector.extract_strided_slice %dot_general3A_19 {offsets = [128, 0], sizes = [64, 256], strides = [1, 1]} : vector<256x256xf32> to vector<64x256xf32>
    %slice3A_50 = vector.extract_strided_slice %dot_general3A_26 {offsets = [128, 0], sizes = [64, 256], strides = [1, 1]} : vector<256x256xf32> to vector<64x256xf32>
    %slice3A_51 = vector.extract_strided_slice %dot_general3A_33 {offsets = [128, 0], sizes = [64, 256], strides = [1, 1]} : vector<256x256xf32> to vector<64x256xf32>
    %concatenate3A_52 = tpu.concatenate %slice3A_48, %slice3A_49, %slice3A_50, %slice3A_51 in 0 : vector<64x256xf32>, vector<64x256xf32>, vector<64x256xf32>, vector<64x256xf32> -> vector<256x256xf32>
    %slice3A_53 = vector.extract_strided_slice %get3A_6 {offsets = [128, 0], sizes = [64, 256], strides = [1, 1]} : vector<256x256xf32> to vector<64x256xf32>
    %dot_general3A_54 = arith.constant dense<0.000000e+00> : vector<64x256xf32>
    %dot_general3A_55 = tpu.matmul %slice3A_53, %concatenate3A_52, %dot_general3A_54 {dimension_numbers = #tpu.dot_dimension_numbers<[1], [0], [0], [1], [0, 0, 1, 1], [], []>, transpose_lhs_hint = false} : vector<64x256xf32>, vector<256x256xf32>, vector<64x256xf32> -> vector<64x256xf32>
    %slice3A_56 = vector.extract_strided_slice %dot_general3A_12 {offsets = [192, 0], sizes = [64, 256], strides = [1, 1]} : vector<256x256xf32> to vector<64x256xf32>
    %slice3A_57 = vector.extract_strided_slice %dot_general3A_19 {offsets = [192, 0], sizes = [64, 256], strides = [1, 1]} : vector<256x256xf32> to vector<64x256xf32>
    %slice3A_58 = vector.extract_strided_slice %dot_general3A_26 {offsets = [192, 0], sizes = [64, 256], strides = [1, 1]} : vector<256x256xf32> to vector<64x256xf32>
    %slice3A_59 = vector.extract_strided_slice %dot_general3A_33 {offsets = [192, 0], sizes = [64, 256], strides = [1, 1]} : vector<256x256xf32> to vector<64x256xf32>
    %concatenate3A_60 = tpu.concatenate %slice3A_56, %slice3A_57, %slice3A_58, %slice3A_59 in 0 : vector<64x256xf32>, vector<64x256xf32>, vector<64x256xf32>, vector<64x256xf32> -> vector<256x256xf32>
    %slice3A_61 = vector.extract_strided_slice %get3A_6 {offsets = [192, 0], sizes = [64, 256], strides = [1, 1]} : vector<256x256xf32> to vector<64x256xf32>
    %dot_general3A_62 = arith.constant dense<0.000000e+00> : vector<64x256xf32>
    %dot_general3A_63 = tpu.matmul %slice3A_61, %concatenate3A_60, %dot_general3A_62 {dimension_numbers = #tpu.dot_dimension_numbers<[1], [0], [0], [1], [0, 0, 1, 1], [], []>, transpose_lhs_hint = false} : vector<64x256xf32>, vector<256x256xf32>, vector<64x256xf32> -> vector<64x256xf32>
    %concatenate3A_64 = tpu.concatenate %dot_general3A_39, %dot_general3A_47, %dot_general3A_55, %dot_general3A_63 in 0 : vector<64x256xf32>, vector<64x256xf32>, vector<64x256xf32>, vector<64x256xf32> -> vector<256x256xf32>
    %get3A_65 = arith.constant 0 : index
    %get3A_66 = arith.constant 0 : index
    %get3A_67 = arith.constant 0 : index
    %get3A_68 = vector.load %arg5[%get3A_65, %get3A_66, %get3A_67] : memref<1x256x1xf32, #tpu.memory_space<vmem>>, vector<1x256x1xf32>
    %get3A_69 = vector.shape_cast %get3A_68 : vector<1x256x1xf32> to vector<256x1xf32>
    %max3A = arith.constant 1.000000e+00 : f32
    %max3A_70 = vector.broadcast %max3A : f32 to vector<256x1xf32>
    %max3A_71 = arith.maximumf %get3A_69, %max3A_70 : vector<256x1xf32>
    %div3A = vector.broadcast %max3A_71 : vector<256x1xf32> to vector<256x256xf32>
    %div3A_72 = arith.divf %concatenate3A_64, %div3A : vector<256x256xf32>
    %get3A_73 = arith.constant 0 : index
    %get3A_74 = arith.constant 0 : index
    %get3A_75 = arith.constant 0 : index
    %get3A_76 = vector.load %arg4[%get3A_73, %get3A_74, %get3A_75] : memref<1x256x256xf32, #tpu.memory_space<vmem>>, vector<1x256x256xf32>
    %get3A_77 = vector.shape_cast %get3A_76 : vector<1x256x256xf32> to vector<256x256xf32>
    %dot_general3A_78 = arith.constant dense<0.000000e+00> : vector<256x256xf32>
    %dot_general3A_79 = tpu.matmul %get3A_1, %get3A_77, %dot_general3A_78 {dimension_numbers = #tpu.dot_dimension_numbers<[1], [0], [0], [1], [0, 0, 1, 1], [], []>, transpose_lhs_hint = false} : vector<256x256xf32>, vector<256x256xf32>, vector<256x256xf32> -> vector<256x256xf32>
    %add3A = arith.addf %div3A_72, %dot_general3A_79 : vector<256x256xf32>
    %max3A_80 = arith.constant 0.000000e+00 : f32
    %max3A_81 = vector.broadcast %max3A_80 : f32 to vector<256x256xf32>
    %max3A_82 = arith.maximumf %add3A, %max3A_81 : vector<256x256xf32>
    %swap3A = arith.constant 0 : index
    %swap3A_83 = arith.constant 0 : index
    %swap3A_84 = vector.load %arg9[%swap3A, %swap3A_83] : memref<256x256xf32, #tpu.memory_space<vmem>>, vector<256x256xf32>
    tpu.vector_store %arg9[%swap3A, %swap3A_83], %max3A_82 {strides = array<i32>} : memref<256x256xf32, #tpu.memory_space<vmem>>, vector<256x256xf32>,
    %get3A_85 = arith.constant 0 : index
    %get3A_86 = arith.constant 0 : index
    %get3A_87 = arith.constant 0 : index
    %get3A_88 = vector.load %arg7[%get3A_85, %get3A_86, %get3A_87] : memref<1x1x256xf32, #tpu.memory_space<vmem>>, vector<1x1x256xf32>
    %get3A_89 = vector.shape_cast %get3A_88 : vector<1x1x256xf32> to vector<1x256xf32>
    %dot_general3A_90 = arith.constant dense<0.000000e+00> : vector<256x1xf32>
    %dot_general3A_91 = tpu.matmul %max3A_82, %get3A_89, %dot_general3A_90 {dimension_numbers = #tpu.dot_dimension_numbers<[1], [1], [0], [0], [0, 0, 1, 0], [], []>, transpose_lhs_hint = false} : vector<256x256xf32>, vector<1x256xf32>, vector<256x1xf32> -> vector<256x1xf32>
    %broadcast_in_dim3A = vector.shape_cast %dot_general3A_91 : vector<256x1xf32> to vector<1x256x1xf32>
    %swap3A_92 = arith.constant 0 : index
    %swap3A_93 = arith.constant 0 : index
    %swap3A_94 = arith.constant 0 : index
    %swap3A_95 = vector.load %arg10[%swap3A_92, %swap3A_93, %swap3A_94] : memref<1x256x1xf32, #tpu.memory_space<vmem>>, vector<1x256x1xf32>
    tpu.vector_store %arg10[%swap3A_92, %swap3A_93, %swap3A_94], %broadcast_in_dim3A {strides = array<i32>} : memref<1x256x1xf32, #tpu.memory_space<vmem>>, vector<1x256x1xf32>,
    %get3A_96 = arith.constant 0 : index
    %get3A_97 = arith.constant 0 : index
    %get3A_98 = arith.constant 0 : index
    %get3A_99 = vector.load %arg8[%get3A_96, %get3A_97, %get3A_98] : memref<1x1x256xf32, #tpu.memory_space<vmem>>, vector<1x1x256xf32>
    %get3A_100 = vector.shape_cast %get3A_99 : vector<1x1x256xf32> to vector<1x256xf32>
    %dot_general3A_101 = arith.constant dense<0.000000e+00> : vector<256x1xf32>
    %dot_general3A_102 = tpu.matmul %max3A_82, %get3A_100, %dot_general3A_101 {dimension_numbers = #tpu.dot_dimension_numbers<[1], [1], [0], [0], [0, 0, 1, 0], [], []>, transpose_lhs_hint = false} : vector<256x256xf32>, vector<1x256xf32>, vector<256x1xf32> -> vector<256x1xf32>
    %broadcast_in_dim3A_103 = vector.shape_cast %dot_general3A_102 : vector<256x1xf32> to vector<1x256x1xf32>
    %swap3A_104 = arith.constant 0 : index
    %swap3A_105 = arith.constant 0 : index
    %swap3A_106 = arith.constant 0 : index
    %swap3A_107 = vector.load %arg11[%swap3A_104, %swap3A_105, %swap3A_106] : memref<1x256x1xf32, #tpu.memory_space<vmem>>, vector<1x256x1xf32>
    tpu.vector_store %arg11[%swap3A_104, %swap3A_105, %swap3A_106], %broadcast_in_dim3A_103 {strides = array<i32>} : memref<1x256x1xf32, #tpu.memory_space<vmem>>, vector<1x256x1xf32>,
    %get3A_108 = arith.constant 0 : index
    %get3A_109 = arith.constant 0 : index
    %get3A_110 = arith.constant 0 : index
    %get3A_111 = vector.load %arg6[%get3A_108, %get3A_109, %get3A_110] : memref<1x32x128xf32, #tpu.memory_space<vmem>>, vector<1x32x128xf32>
    %get3A_112 = vector.shape_cast %get3A_111 : vector<1x32x128xf32> to vector<32x128xf32>
    %mul3A = arith.constant 2.000000e+00 : f32
    %mul3A_113 = vector.broadcast %mul3A : f32 to vector<32x128xf32>
    %mul3A_114 = arith.mulf %mul3A_113, %get3A_112 : vector<32x128xf32>
    %add3A_115 = arith.constant 1.000000e-10 : f32
    %add3A_116 = vector.broadcast %add3A_115 : f32 to vector<32x128xf32>
    %add3A_117 = arith.addf %mul3A_114, %add3A_116 : vector<32x128xf32>
    %log3A = math.log %add3A_117 : vector<32x128xf32>
    %mul3A_118 = arith.mulf %get3A_112, %log3A : vector<32x128xf32>
    %sub3A = arith.constant 1.000000e+00 : f32
    %sub3A_119 = vector.broadcast %sub3A : f32 to vector<32x128xf32>
    %sub3A_120 = arith.subf %sub3A_119, %get3A_112 : vector<32x128xf32>
    %sub3A_121 = arith.constant 1.000000e+00 : f32
    %sub3A_122 = vector.broadcast %sub3A_121 : f32 to vector<32x128xf32>
    %sub3A_123 = arith.subf %sub3A_122, %get3A_112 : vector<32x128xf32>
    %mul3A_124 = arith.constant 2.000000e+00 : f32
    %mul3A_125 = vector.broadcast %mul3A_124 : f32 to vector<32x128xf32>
    %mul3A_126 = arith.mulf %mul3A_125, %sub3A_123 : vector<32x128xf32>
    %add3A_127 = arith.constant 1.000000e-10 : f32
    %add3A_128 = vector.broadcast %add3A_127 : f32 to vector<32x128xf32>
    %add3A_129 = arith.addf %mul3A_126, %add3A_128 : vector<32x128xf32>
    %log3A_130 = math.log %add3A_129 : vector<32x128xf32>
    %mul3A_131 = arith.mulf %sub3A_120, %log3A_130 : vector<32x128xf32>
    %add3A_132 = arith.addf %mul3A_118, %mul3A_131 : vector<32x128xf32>
    %reduce_sum3A = vector.shape_cast %add3A_132 : vector<32x128xf32> to vector<1x32x128xf32>
    %reduce_sum3A_133 = arith.constant dense<0.000000e+00> : vector<1xf32>
    %reduce_sum3A_134 = vector.multi_reduction <add>, %reduce_sum3A, %reduce_sum3A_133 [1, 2] : vector<1x32x128xf32> to vector<1xf32>
    %reduce_sum3A_135 = vector.shape_cast %reduce_sum3A_134 : vector<1xf32> to vector<1x1x1xf32>
    %reduce_sum3A_136 = vector.extract %reduce_sum3A_135[0, 0, 0] : f32 from vector<1x1x1xf32>
    %reshape3A = vector.broadcast %reduce_sum3A_136 : f32 to vector<1x1x1xf32>
    %swap3A_137 = arith.constant 0 : index
    %swap3A_138 = arith.constant 0 : index
    %swap3A_139 = arith.constant 0 : index
    %swap3A_140 = vector.load %arg12[%swap3A_137, %swap3A_138, %swap3A_139] : memref<1x1x1xf32, #tpu.memory_space<vmem>>, vector<1x1x1xf32>
    tpu.vector_store %arg12[%swap3A_137, %swap3A_138, %swap3A_139], %reshape3A {strides = array<i32>} : memref<1x1x1xf32, #tpu.memory_space<vmem>>, vector<1x1x1xf32>,
    return
  }
  func.func @transform_0(%arg0: i32) -> (i32, i32) {
    %c0_i32 = arith.constant 0 : i32
    %c0_i32_0 = arith.constant 0 : i32
    return %arg0, %c0_i32 : i32, i32
  }
  func.func @transform_1(%arg0: i32) -> (i32, i32, i32) {
    %c0_i32 = arith.constant 0 : i32
    %c0_i32_0 = arith.constant 0 : i32
    %c0_i32_1 = arith.constant 0 : i32
    return %arg0, %c0_i32, %c0_i32_0 : i32, i32, i32
  }
  func.func @transform_2(%arg0: i32) -> (i32, i32, i32) {
    %c1_i32 = arith.constant 1 : i32
    %c0_i32 = arith.constant 0 : i32
    %c0_i32_0 = arith.constant 0 : i32
    %c0_i32_1 = arith.constant 0 : i32
    return %c1_i32, %c0_i32, %c0_i32_0 : i32, i32, i32
  }
  func.func @transform_3(%arg0: i32) -> (i32, i32, i32) {
    %c1_i32 = arith.constant 1 : i32
    %c0_i32 = arith.constant 0 : i32
    %c0_i32_0 = arith.constant 0 : i32
    %c0_i32_1 = arith.constant 0 : i32
    return %c1_i32, %c0_i32, %c0_i32_0 : i32, i32, i32
  }
  func.func @transform_4(%arg0: i32) -> (i32, i32, i32) {
    %c0_i32 = arith.constant 0 : i32
    %c0_i32_0 = arith.constant 0 : i32
    %c0_i32_1 = arith.constant 0 : i32
    return %arg0, %c0_i32, %c0_i32_0 : i32, i32, i32
  }
  func.func @transform_5(%arg0: i32) -> (i32, i32, i32) {
    %c0_i32 = arith.constant 0 : i32
    %c0_i32_0 = arith.constant 0 : i32
    %c0_i32_1 = arith.constant 0 : i32
    return %arg0, %c0_i32, %c0_i32_0 : i32, i32, i32
  }
  func.func @transform_6(%arg0: i32) -> (i32, i32, i32) {
    %c2_i32 = arith.constant 2 : i32
    %c0_i32 = arith.constant 0 : i32
    %c0_i32_0 = arith.constant 0 : i32
    %c0_i32_1 = arith.constant 0 : i32
    return %c2_i32, %c0_i32, %c0_i32_0 : i32, i32, i32
  }
  func.func @transform_7(%arg0: i32) -> (i32, i32, i32) {
    %c2_i32 = arith.constant 2 : i32
    %c0_i32 = arith.constant 0 : i32
    %c0_i32_0 = arith.constant 0 : i32
    %c0_i32_1 = arith.constant 0 : i32
    return %c2_i32, %c0_i32, %c0_i32_0 : i32, i32, i32
  }
  func.func @transform_8(%arg0: i32) -> (i32, i32) {
    %c0_i32 = arith.constant 0 : i32
    %c0_i32_0 = arith.constant 0 : i32
    return %arg0, %c0_i32 : i32, i32
  }
  func.func @transform_9(%arg0: i32) -> (i32, i32, i32) {
    %c0_i32 = arith.constant 0 : i32
    %c0_i32_0 = arith.constant 0 : i32
    %c0_i32_1 = arith.constant 0 : i32
    return %arg0, %c0_i32, %c0_i32_0 : i32, i32, i32
  }
  func.func @transform_10(%arg0: i32) -> (i32, i32, i32) {
    %c0_i32 = arith.constant 0 : i32
    %c0_i32_0 = arith.constant 0 : i32
    %c0_i32_1 = arith.constant 0 : i32
    return %arg0, %c0_i32, %c0_i32_0 : i32, i32, i32
  }
  func.func @transform_11(%arg0: i32) -> (i32, i32, i32) {
    %c0_i32 = arith.constant 0 : i32
    %c0_i32_0 = arith.constant 0 : i32
    %c0_i32_1 = arith.constant 0 : i32
    return %arg0, %c0_i32, %c0_i32_0 : i32, i32, i32
  }
}

module attributes {stable_mosaic.version = 14 : i64} {
  func.func @_epi_body(%arg0: i32, %arg1: memref<64xi32, #tpu.memory_space<smem>>, %arg2: memref<256x256xf32, #tpu.memory_space<vmem>>, %arg3: memref<1x256x256xf32, #tpu.memory_space<vmem>>, %arg4: memref<1x1024x256xf32, #tpu.memory_space<vmem>>, %arg5: memref<1x256x256xf32, #tpu.memory_space<vmem>>, %arg6: memref<1x256x1xf32, #tpu.memory_space<vmem>>, %arg7: memref<1x32x128xf32, #tpu.memory_space<vmem>>, %arg8: memref<256x256xf32, #tpu.memory_space<vmem>>, %arg9: memref<1x1x256xi32, #tpu.memory_space<vmem>>, %arg10: memref<16x32xf32, #tpu.memory_space<vmem>>, %arg11: memref<256x256xf32, #tpu.memory_space<vmem>>, %arg12: memref<256x256xf32, #tpu.memory_space<vmem>>, %arg13: memref<1x2592xf32, #tpu.memory_space<vmem>>, %arg14: memref<1x1xf32, #tpu.memory_space<vmem>>, %arg15: memref<16x1x1xf32, #tpu.memory_space<vmem>>, %arg16: memref<16x1x1xf32, #tpu.memory_space<vmem>>, %arg17: memref<1x4x1xf32, #tpu.memory_space<vmem>>, %arg18: memref<1x1x1xf32, #tpu.memory_space<vmem>>) attributes {dimension_semantics = [#tpu.dimension_semantics<arbitrary>], iteration_bounds = array<i64: 16>, scalar_prefetch = 1 : i64, scratch_operands = 0 : i64, tpu.core_type = #tpu.core_type<tc>, window_params = [{transform_indices = @transform_0, window_bounds = array<i64: 256, 256>}, {transform_indices = @transform_1, window_bounds = array<i64: 1, 256, 256>}, {transform_indices = @transform_2, window_bounds = array<i64: 1, 1024, 256>}, {transform_indices = @transform_3, window_bounds = array<i64: 1, 256, 256>}, {transform_indices = @transform_4, window_bounds = array<i64: 1, 256, 1>}, {transform_indices = @transform_5, window_bounds = array<i64: 1, 32, 128>}, {transform_indices = @transform_6, window_bounds = array<i64: 256, 256>}, {transform_indices = @transform_7, window_bounds = array<i64: 1, 1, 256>}, {pipeline_mode = #tpu.pipeline_mode<synchronous>, transform_indices = @transform_8, window_bounds = array<i64: 16, 32>}, {pipeline_mode = #tpu.pipeline_mode<synchronous>, transform_indices = @transform_9, window_bounds = array<i64: 256, 256>}, {pipeline_mode = #tpu.pipeline_mode<synchronous>, transform_indices = @transform_10, window_bounds = array<i64: 256, 256>}, {pipeline_mode = #tpu.pipeline_mode<synchronous>, transform_indices = @transform_11, window_bounds = array<i64: 1, 2592>}, {pipeline_mode = #tpu.pipeline_mode<synchronous>, transform_indices = @transform_12, window_bounds = array<i64: 1, 1>}, {pipeline_mode = #tpu.pipeline_mode<synchronous>, transform_indices = @transform_13, window_bounds = array<i64: 16, 1, 1>}, {pipeline_mode = #tpu.pipeline_mode<synchronous>, transform_indices = @transform_14, window_bounds = array<i64: 16, 1, 1>}, {transform_indices = @transform_15, window_bounds = array<i64: 1, 4, 1>}, {pipeline_mode = #tpu.pipeline_mode<synchronous>, transform_indices = @transform_16, window_bounds = array<i64: 1, 1, 1>}]} {
    %get3A = arith.constant 0 : index
    %get3A_0 = arith.constant 0 : index
    %get3A_1 = vector.load %arg2[%get3A, %get3A_0] : memref<256x256xf32, #tpu.memory_space<vmem>>, vector<256x256xf32>
    %get3A_2 = arith.constant 0 : index
    %get3A_3 = arith.constant 0 : index
    %get3A_4 = arith.constant 0 : index
    %get3A_5 = vector.load %arg3[%get3A_2, %get3A_3, %get3A_4] : memref<1x256x256xf32, #tpu.memory_space<vmem>>, vector<1x256x256xf32>
    %get3A_6 = vector.shape_cast %get3A_5 : vector<1x256x256xf32> to vector<256x256xf32>
    %get3A_7 = arith.constant 0 : index
    %get3A_8 = arith.constant 0 : index
    %get3A_9 = arith.constant 0 : index
    %get3A_10 = vector.load %arg4[%get3A_7, %get3A_8, %get3A_9] : memref<1x1024x256xf32, #tpu.memory_space<vmem>>, vector<1x256x256xf32>
    %get3A_11 = vector.shape_cast %get3A_10 : vector<1x256x256xf32> to vector<256x256xf32>
    %dot_general3A = arith.constant dense<0.000000e+00> : vector<256x256xf32>
    %dot_general3A_12 = tpu.matmul %get3A_1, %get3A_11, %dot_general3A {dimension_numbers = #tpu.dot_dimension_numbers<[1], [0], [0], [1], [0, 0, 1, 1], [], []>, transpose_lhs_hint = false} : vector<256x256xf32>, vector<256x256xf32>, vector<256x256xf32> -> vector<256x256xf32>
    %get3A_13 = arith.constant 0 : index
    %get3A_14 = arith.constant 256 : index
    %get3A_15 = arith.constant 0 : index
    %get3A_16 = vector.load %arg4[%get3A_13, %get3A_14, %get3A_15] : memref<1x1024x256xf32, #tpu.memory_space<vmem>>, vector<1x256x256xf32>
    %get3A_17 = vector.shape_cast %get3A_16 : vector<1x256x256xf32> to vector<256x256xf32>
    %dot_general3A_18 = arith.constant dense<0.000000e+00> : vector<256x256xf32>
    %dot_general3A_19 = tpu.matmul %get3A_1, %get3A_17, %dot_general3A_18 {dimension_numbers = #tpu.dot_dimension_numbers<[1], [0], [0], [1], [0, 0, 1, 1], [], []>, transpose_lhs_hint = false} : vector<256x256xf32>, vector<256x256xf32>, vector<256x256xf32> -> vector<256x256xf32>
    %get3A_20 = arith.constant 0 : index
    %get3A_21 = arith.constant 512 : index
    %get3A_22 = arith.constant 0 : index
    %get3A_23 = vector.load %arg4[%get3A_20, %get3A_21, %get3A_22] : memref<1x1024x256xf32, #tpu.memory_space<vmem>>, vector<1x256x256xf32>
    %get3A_24 = vector.shape_cast %get3A_23 : vector<1x256x256xf32> to vector<256x256xf32>
    %dot_general3A_25 = arith.constant dense<0.000000e+00> : vector<256x256xf32>
    %dot_general3A_26 = tpu.matmul %get3A_1, %get3A_24, %dot_general3A_25 {dimension_numbers = #tpu.dot_dimension_numbers<[1], [0], [0], [1], [0, 0, 1, 1], [], []>, transpose_lhs_hint = false} : vector<256x256xf32>, vector<256x256xf32>, vector<256x256xf32> -> vector<256x256xf32>
    %get3A_27 = arith.constant 0 : index
    %get3A_28 = arith.constant 768 : index
    %get3A_29 = arith.constant 0 : index
    %get3A_30 = vector.load %arg4[%get3A_27, %get3A_28, %get3A_29] : memref<1x1024x256xf32, #tpu.memory_space<vmem>>, vector<1x256x256xf32>
    %get3A_31 = vector.shape_cast %get3A_30 : vector<1x256x256xf32> to vector<256x256xf32>
    %dot_general3A_32 = arith.constant dense<0.000000e+00> : vector<256x256xf32>
    %dot_general3A_33 = tpu.matmul %get3A_1, %get3A_31, %dot_general3A_32 {dimension_numbers = #tpu.dot_dimension_numbers<[1], [0], [0], [1], [0, 0, 1, 1], [], []>, transpose_lhs_hint = false} : vector<256x256xf32>, vector<256x256xf32>, vector<256x256xf32> -> vector<256x256xf32>
    %slice3A = vector.extract_strided_slice %dot_general3A_12 {offsets = [0, 0], sizes = [64, 256], strides = [1, 1]} : vector<256x256xf32> to vector<64x256xf32>
    %slice3A_34 = vector.extract_strided_slice %dot_general3A_19 {offsets = [0, 0], sizes = [64, 256], strides = [1, 1]} : vector<256x256xf32> to vector<64x256xf32>
    %slice3A_35 = vector.extract_strided_slice %dot_general3A_26 {offsets = [0, 0], sizes = [64, 256], strides = [1, 1]} : vector<256x256xf32> to vector<64x256xf32>
    %slice3A_36 = vector.extract_strided_slice %dot_general3A_33 {offsets = [0, 0], sizes = [64, 256], strides = [1, 1]} : vector<256x256xf32> to vector<64x256xf32>
    %concatenate3A = tpu.concatenate %slice3A, %slice3A_34, %slice3A_35, %slice3A_36 in 0 : vector<64x256xf32>, vector<64x256xf32>, vector<64x256xf32>, vector<64x256xf32> -> vector<256x256xf32>
    %slice3A_37 = vector.extract_strided_slice %get3A_6 {offsets = [0, 0], sizes = [64, 256], strides = [1, 1]} : vector<256x256xf32> to vector<64x256xf32>
    %dot_general3A_38 = arith.constant dense<0.000000e+00> : vector<64x256xf32>
    %dot_general3A_39 = tpu.matmul %slice3A_37, %concatenate3A, %dot_general3A_38 {dimension_numbers = #tpu.dot_dimension_numbers<[1], [0], [0], [1], [0, 0, 1, 1], [], []>, transpose_lhs_hint = false} : vector<64x256xf32>, vector<256x256xf32>, vector<64x256xf32> -> vector<64x256xf32>
    %slice3A_40 = vector.extract_strided_slice %dot_general3A_12 {offsets = [64, 0], sizes = [64, 256], strides = [1, 1]} : vector<256x256xf32> to vector<64x256xf32>
    %slice3A_41 = vector.extract_strided_slice %dot_general3A_19 {offsets = [64, 0], sizes = [64, 256], strides = [1, 1]} : vector<256x256xf32> to vector<64x256xf32>
    %slice3A_42 = vector.extract_strided_slice %dot_general3A_26 {offsets = [64, 0], sizes = [64, 256], strides = [1, 1]} : vector<256x256xf32> to vector<64x256xf32>
    %slice3A_43 = vector.extract_strided_slice %dot_general3A_33 {offsets = [64, 0], sizes = [64, 256], strides = [1, 1]} : vector<256x256xf32> to vector<64x256xf32>
    %concatenate3A_44 = tpu.concatenate %slice3A_40, %slice3A_41, %slice3A_42, %slice3A_43 in 0 : vector<64x256xf32>, vector<64x256xf32>, vector<64x256xf32>, vector<64x256xf32> -> vector<256x256xf32>
    %slice3A_45 = vector.extract_strided_slice %get3A_6 {offsets = [64, 0], sizes = [64, 256], strides = [1, 1]} : vector<256x256xf32> to vector<64x256xf32>
    %dot_general3A_46 = arith.constant dense<0.000000e+00> : vector<64x256xf32>
    %dot_general3A_47 = tpu.matmul %slice3A_45, %concatenate3A_44, %dot_general3A_46 {dimension_numbers = #tpu.dot_dimension_numbers<[1], [0], [0], [1], [0, 0, 1, 1], [], []>, transpose_lhs_hint = false} : vector<64x256xf32>, vector<256x256xf32>, vector<64x256xf32> -> vector<64x256xf32>
    %slice3A_48 = vector.extract_strided_slice %dot_general3A_12 {offsets = [128, 0], sizes = [64, 256], strides = [1, 1]} : vector<256x256xf32> to vector<64x256xf32>
    %slice3A_49 = vector.extract_strided_slice %dot_general3A_19 {offsets = [128, 0], sizes = [64, 256], strides = [1, 1]} : vector<256x256xf32> to vector<64x256xf32>
    %slice3A_50 = vector.extract_strided_slice %dot_general3A_26 {offsets = [128, 0], sizes = [64, 256], strides = [1, 1]} : vector<256x256xf32> to vector<64x256xf32>
    %slice3A_51 = vector.extract_strided_slice %dot_general3A_33 {offsets = [128, 0], sizes = [64, 256], strides = [1, 1]} : vector<256x256xf32> to vector<64x256xf32>
    %concatenate3A_52 = tpu.concatenate %slice3A_48, %slice3A_49, %slice3A_50, %slice3A_51 in 0 : vector<64x256xf32>, vector<64x256xf32>, vector<64x256xf32>, vector<64x256xf32> -> vector<256x256xf32>
    %slice3A_53 = vector.extract_strided_slice %get3A_6 {offsets = [128, 0], sizes = [64, 256], strides = [1, 1]} : vector<256x256xf32> to vector<64x256xf32>
    %dot_general3A_54 = arith.constant dense<0.000000e+00> : vector<64x256xf32>
    %dot_general3A_55 = tpu.matmul %slice3A_53, %concatenate3A_52, %dot_general3A_54 {dimension_numbers = #tpu.dot_dimension_numbers<[1], [0], [0], [1], [0, 0, 1, 1], [], []>, transpose_lhs_hint = false} : vector<64x256xf32>, vector<256x256xf32>, vector<64x256xf32> -> vector<64x256xf32>
    %slice3A_56 = vector.extract_strided_slice %dot_general3A_12 {offsets = [192, 0], sizes = [64, 256], strides = [1, 1]} : vector<256x256xf32> to vector<64x256xf32>
    %slice3A_57 = vector.extract_strided_slice %dot_general3A_19 {offsets = [192, 0], sizes = [64, 256], strides = [1, 1]} : vector<256x256xf32> to vector<64x256xf32>
    %slice3A_58 = vector.extract_strided_slice %dot_general3A_26 {offsets = [192, 0], sizes = [64, 256], strides = [1, 1]} : vector<256x256xf32> to vector<64x256xf32>
    %slice3A_59 = vector.extract_strided_slice %dot_general3A_33 {offsets = [192, 0], sizes = [64, 256], strides = [1, 1]} : vector<256x256xf32> to vector<64x256xf32>
    %concatenate3A_60 = tpu.concatenate %slice3A_56, %slice3A_57, %slice3A_58, %slice3A_59 in 0 : vector<64x256xf32>, vector<64x256xf32>, vector<64x256xf32>, vector<64x256xf32> -> vector<256x256xf32>
    %slice3A_61 = vector.extract_strided_slice %get3A_6 {offsets = [192, 0], sizes = [64, 256], strides = [1, 1]} : vector<256x256xf32> to vector<64x256xf32>
    %dot_general3A_62 = arith.constant dense<0.000000e+00> : vector<64x256xf32>
    %dot_general3A_63 = tpu.matmul %slice3A_61, %concatenate3A_60, %dot_general3A_62 {dimension_numbers = #tpu.dot_dimension_numbers<[1], [0], [0], [1], [0, 0, 1, 1], [], []>, transpose_lhs_hint = false} : vector<64x256xf32>, vector<256x256xf32>, vector<64x256xf32> -> vector<64x256xf32>
    %concatenate3A_64 = tpu.concatenate %dot_general3A_39, %dot_general3A_47, %dot_general3A_55, %dot_general3A_63 in 0 : vector<64x256xf32>, vector<64x256xf32>, vector<64x256xf32>, vector<64x256xf32> -> vector<256x256xf32>
    %get3A_65 = arith.constant 0 : index
    %get3A_66 = arith.constant 0 : index
    %get3A_67 = arith.constant 0 : index
    %get3A_68 = vector.load %arg6[%get3A_65, %get3A_66, %get3A_67] : memref<1x256x1xf32, #tpu.memory_space<vmem>>, vector<1x256x1xf32>
    %get3A_69 = vector.shape_cast %get3A_68 : vector<1x256x1xf32> to vector<256x1xf32>
    %max3A = arith.constant 1.000000e+00 : f32
    %max3A_70 = vector.broadcast %max3A : f32 to vector<256x1xf32>
    %max3A_71 = arith.maximumf %get3A_69, %max3A_70 : vector<256x1xf32>
    %div3A = vector.broadcast %max3A_71 : vector<256x1xf32> to vector<256x256xf32>
    %div3A_72 = arith.divf %concatenate3A_64, %div3A : vector<256x256xf32>
    %get3A_73 = arith.constant 0 : index
    %get3A_74 = arith.constant 0 : index
    %get3A_75 = arith.constant 0 : index
    %get3A_76 = vector.load %arg5[%get3A_73, %get3A_74, %get3A_75] : memref<1x256x256xf32, #tpu.memory_space<vmem>>, vector<1x256x256xf32>
    %get3A_77 = vector.shape_cast %get3A_76 : vector<1x256x256xf32> to vector<256x256xf32>
    %dot_general3A_78 = arith.constant dense<0.000000e+00> : vector<256x256xf32>
    %dot_general3A_79 = tpu.matmul %get3A_1, %get3A_77, %dot_general3A_78 {dimension_numbers = #tpu.dot_dimension_numbers<[1], [0], [0], [1], [0, 0, 1, 1], [], []>, transpose_lhs_hint = false} : vector<256x256xf32>, vector<256x256xf32>, vector<256x256xf32> -> vector<256x256xf32>
    %add3A = arith.addf %div3A_72, %dot_general3A_79 : vector<256x256xf32>
    %max3A_80 = arith.constant 0.000000e+00 : f32
    %max3A_81 = vector.broadcast %max3A_80 : f32 to vector<256x256xf32>
    %max3A_82 = arith.maximumf %add3A, %max3A_81 : vector<256x256xf32>
    %get3A_83 = arith.constant 0 : index
    %get3A_84 = arith.constant 0 : index
    %get3A_85 = arith.constant 0 : index
    %get3A_86 = vector.load %arg7[%get3A_83, %get3A_84, %get3A_85] : memref<1x32x128xf32, #tpu.memory_space<vmem>>, vector<1x32x128xf32>
    %get3A_87 = vector.shape_cast %get3A_86 : vector<1x32x128xf32> to vector<32x128xf32>
    %mul3A = arith.constant 2.000000e+00 : f32
    %mul3A_88 = vector.broadcast %mul3A : f32 to vector<32x128xf32>
    %mul3A_89 = arith.mulf %mul3A_88, %get3A_87 : vector<32x128xf32>
    %add3A_90 = arith.constant 1.000000e-10 : f32
    %add3A_91 = vector.broadcast %add3A_90 : f32 to vector<32x128xf32>
    %add3A_92 = arith.addf %mul3A_89, %add3A_91 : vector<32x128xf32>
    %log3A = math.log %add3A_92 : vector<32x128xf32>
    %mul3A_93 = arith.mulf %get3A_87, %log3A : vector<32x128xf32>
    %sub3A = arith.constant 1.000000e+00 : f32
    %sub3A_94 = vector.broadcast %sub3A : f32 to vector<32x128xf32>
    %sub3A_95 = arith.subf %sub3A_94, %get3A_87 : vector<32x128xf32>
    %sub3A_96 = arith.constant 1.000000e+00 : f32
    %sub3A_97 = vector.broadcast %sub3A_96 : f32 to vector<32x128xf32>
    %sub3A_98 = arith.subf %sub3A_97, %get3A_87 : vector<32x128xf32>
    %mul3A_99 = arith.constant 2.000000e+00 : f32
    %mul3A_100 = vector.broadcast %mul3A_99 : f32 to vector<32x128xf32>
    %mul3A_101 = arith.mulf %mul3A_100, %sub3A_98 : vector<32x128xf32>
    %add3A_102 = arith.constant 1.000000e-10 : f32
    %add3A_103 = vector.broadcast %add3A_102 : f32 to vector<32x128xf32>
    %add3A_104 = arith.addf %mul3A_101, %add3A_103 : vector<32x128xf32>
    %log3A_105 = math.log %add3A_104 : vector<32x128xf32>
    %mul3A_106 = arith.mulf %sub3A_95, %log3A_105 : vector<32x128xf32>
    %add3A_107 = arith.addf %mul3A_93, %mul3A_106 : vector<32x128xf32>
    %reduce_sum3A = vector.shape_cast %add3A_107 : vector<32x128xf32> to vector<1x32x128xf32>
    %reduce_sum3A_108 = arith.constant dense<0.000000e+00> : vector<1xf32>
    %reduce_sum3A_109 = vector.multi_reduction <add>, %reduce_sum3A, %reduce_sum3A_108 [1, 2] : vector<1x32x128xf32> to vector<1xf32>
    %reduce_sum3A_110 = vector.shape_cast %reduce_sum3A_109 : vector<1xf32> to vector<1x1x1xf32>
    %reduce_sum3A_111 = vector.extract %reduce_sum3A_110[0, 0, 0] : f32 from vector<1x1x1xf32>
    %eq3A = arith.constant 0 : i32
    %eq3A_112 = arith.cmpi eq, %arg0, %eq3A : i32
    %convert_element_type3A = arith.extui %eq3A_112 : i1 to i32
    %cond3A = arith.constant 0 : i32
    %cond3A_113 = arith.cmpi ne, %convert_element_type3A, %cond3A : i32
    scf.if %cond3A_113 {
      %get3A_320 = arith.constant 0 : index
      %get3A_321 = arith.constant 0 : index
      %get3A_322 = arith.constant 0 : index
      %get3A_323 = vector.load %arg15[%get3A_320, %get3A_321, %get3A_322] : memref<16x1x1xf32, #tpu.memory_space<vmem>>, vector<16x1x1xf32>
      %reduce_sum3A_324 = vector.shape_cast %get3A_323 : vector<16x1x1xf32> to vector<1x16x1x1xf32>
      %reduce_sum3A_325 = arith.constant dense<0.000000e+00> : vector<1xf32>
      %reduce_sum3A_326 = vector.multi_reduction <add>, %reduce_sum3A_324, %reduce_sum3A_325 [1, 2, 3] : vector<1x16x1x1xf32> to vector<1xf32>
      %reduce_sum3A_327 = vector.shape_cast %reduce_sum3A_326 : vector<1xf32> to vector<1x1x1x1xf32>
      %reduce_sum3A_328 = vector.extract %reduce_sum3A_327[0, 0, 0, 0] : f32 from vector<1x1x1x1xf32>
      %get3A_329 = arith.constant 0 : index
      %get3A_330 = arith.constant 0 : index
      %get3A_331 = arith.constant 0 : index
      %get3A_332 = vector.load %arg16[%get3A_329, %get3A_330, %get3A_331] : memref<16x1x1xf32, #tpu.memory_space<vmem>>, vector<16x1x1xf32>
      %reduce_sum3A_333 = vector.shape_cast %get3A_332 : vector<16x1x1xf32> to vector<1x16x1x1xf32>
      %reduce_sum3A_334 = arith.constant dense<0.000000e+00> : vector<1xf32>
      %reduce_sum3A_335 = vector.multi_reduction <add>, %reduce_sum3A_333, %reduce_sum3A_334 [1, 2, 3] : vector<1x16x1x1xf32> to vector<1xf32>
      %reduce_sum3A_336 = vector.shape_cast %reduce_sum3A_335 : vector<1xf32> to vector<1x1x1x1xf32>
      %reduce_sum3A_337 = vector.extract %reduce_sum3A_336[0, 0, 0, 0] : f32 from vector<1x1x1x1xf32>
      %add3A_338 = arith.addf %reduce_sum3A_328, %reduce_sum3A_337 : f32
      %reshape3A_339 = vector.broadcast %add3A_338 : f32 to vector<1x1x1xf32>
      %swap3A_340 = arith.constant 0 : index
      %swap3A_341 = arith.constant 0 : index
      %swap3A_342 = arith.constant 0 : index
      %swap3A_343 = vector.load %arg18[%swap3A_340, %swap3A_341, %swap3A_342] : memref<1x1x1xf32, #tpu.memory_space<vmem>>, vector<1x1x1xf32>
      tpu.vector_store %arg18[%swap3A_340, %swap3A_341, %swap3A_342], %reshape3A_339 {strides = array<i32>} : memref<1x1x1xf32, #tpu.memory_space<vmem>>, vector<1x1x1xf32>,
    } else {
    }
    %get3A_114 = arith.constant 0 : index
    %get3A_115 = arith.constant 0 : index
    %get3A_116 = arith.constant 0 : index
    %get3A_117 = vector.load %arg18[%get3A_114, %get3A_115, %get3A_116] : memref<1x1x1xf32, #tpu.memory_space<vmem>>, vector<1x1x1xf32>
    %reshape3A = vector.broadcast %reduce_sum3A_111 : f32 to vector<1x1x1xf32>
    %add3A_118 = arith.addf %get3A_117, %reshape3A : vector<1x1x1xf32>
    %swap3A = arith.constant 0 : index
    %swap3A_119 = arith.constant 0 : index
    %swap3A_120 = arith.constant 0 : index
    %swap3A_121 = vector.load %arg18[%swap3A, %swap3A_119, %swap3A_120] : memref<1x1x1xf32, #tpu.memory_space<vmem>>, vector<1x1x1xf32>
    tpu.vector_store %arg18[%swap3A, %swap3A_119, %swap3A_120], %add3A_118 {strides = array<i32>} : memref<1x1x1xf32, #tpu.memory_space<vmem>>, vector<1x1x1xf32>,
    %eq3A_122 = arith.constant 15 : i32
    %eq3A_123 = arith.cmpi eq, %arg0, %eq3A_122 : i32
    %convert_element_type3A_124 = arith.extui %eq3A_123 : i1 to i32
    %cond3A_125 = arith.constant 0 : i32
    %cond3A_126 = arith.cmpi ne, %convert_element_type3A_124, %cond3A_125 : i32
    scf.if %cond3A_126 {
      %get3A_320 = arith.constant 0 : index
      %get3A_321 = arith.constant 0 : index
      %get3A_322 = arith.constant 0 : index
      %get3A_323 = vector.load %arg18[%get3A_320, %get3A_321, %get3A_322] : memref<1x1x1xf32, #tpu.memory_space<vmem>>, vector<1x1x1xf32>
      %div3A_324 = arith.constant 1.966080e+05 : f32
      %div3A_325 = vector.broadcast %div3A_324 : f32 to vector<1x1x1xf32>
      %div3A_326 = arith.divf %get3A_323, %div3A_325 : vector<1x1x1xf32>
      %swap3A_327 = arith.constant 0 : index
      %swap3A_328 = arith.constant 0 : index
      %swap3A_329 = arith.constant 0 : index
      %swap3A_330 = vector.load %arg18[%swap3A_327, %swap3A_328, %swap3A_329] : memref<1x1x1xf32, #tpu.memory_space<vmem>>, vector<1x1x1xf32>
      tpu.vector_store %arg18[%swap3A_327, %swap3A_328, %swap3A_329], %div3A_326 {strides = array<i32>} : memref<1x1x1xf32, #tpu.memory_space<vmem>>, vector<1x1x1xf32>,
    } else {
    }
    %get3A_127 = arith.constant 0 : index
    %get3A_128 = arith.constant 0 : index
    %get3A_129 = vector.load %arg13[%get3A_127, %get3A_128] : memref<1x2592xf32, #tpu.memory_space<vmem>>, vector<1x2592xf32>
    %slice3A_130 = vector.extract_strided_slice %get3A_129 {offsets = [0, 0], sizes = [1, 768], strides = [1, 1]} : vector<1x2592xf32> to vector<1x768xf32>
    %slice3A_131 = vector.extract_strided_slice %get3A_129 {offsets = [0, 768], sizes = [1, 768], strides = [1, 1]} : vector<1x2592xf32> to vector<1x768xf32>
    %slice3A_132 = vector.extract_strided_slice %get3A_129 {offsets = [0, 1536], sizes = [1, 768], strides = [1, 1]} : vector<1x2592xf32> to vector<1x768xf32>
    %slice3A_133 = vector.extract_strided_slice %get3A_129 {offsets = [0, 2304], sizes = [1, 32], strides = [1, 1]} : vector<1x2592xf32> to vector<1x32xf32>
    %slice3A_134 = vector.extract_strided_slice %get3A_129 {offsets = [0, 2336], sizes = [1, 256], strides = [1, 1]} : vector<1x2592xf32> to vector<1x256xf32>
    %get3A_135 = arith.constant 0 : index
    %get3A_136 = arith.constant 0 : index
    %get3A_137 = vector.load %arg8[%get3A_135, %get3A_136] : memref<256x256xf32, #tpu.memory_space<vmem>>, vector<256x256xf32>
    %concatenate3A_138 = tpu.concatenate %get3A_137, %get3A_1, %max3A_82 in 1 : vector<256x256xf32>, vector<256x256xf32>, vector<256x256xf32> -> vector<256x768xf32>
    %iota3A = tpu.iota {dimensions = array<i32: 0>} : vector<4x256xi32>
    %iota3A_139 = tpu.iota {dimensions = array<i32: 1>} : vector<4x256xi32>
    %shift_right_logical3A = arith.constant 6 : i32
    %shift_right_logical3A_140 = vector.broadcast %shift_right_logical3A : i32 to vector<4x256xi32>
    %shift_right_logical3A_141 = arith.shrui %iota3A_139, %shift_right_logical3A_140 : vector<4x256xi32>
    %eq3A_142 = arith.cmpi eq, %shift_right_logical3A_141, %iota3A : vector<4x256xi32>
    %get3A_143 = arith.constant 0 : index
    %get3A_144 = arith.constant 0 : index
    %get3A_145 = arith.constant 0 : index
    %get3A_146 = vector.load %arg9[%get3A_143, %get3A_144, %get3A_145] : memref<1x1x256xi32, #tpu.memory_space<vmem>>, vector<1x1x256xi32>
    %get3A_147 = vector.shape_cast %get3A_146 : vector<1x1x256xi32> to vector<1x256xi32>
    %jit3A = arith.constant 1.562500e-02 : f32
    %jit3A_148 = arith.constant 0.000000e+00 : f32
    %broadcast_in_dim3A = vector.broadcast %jit3A : f32 to vector<4x256xf32>
    %broadcast_in_dim3A_149 = vector.broadcast %jit3A_148 : f32 to vector<4x256xf32>
    %select_n3A = arith.select %eq3A_142, %broadcast_in_dim3A, %broadcast_in_dim3A_149 : vector<4x256xi1>, vector<4x256xf32>
    %eq3A_150 = arith.constant 1 : i32
    %eq3A_151 = vector.broadcast %eq3A_150 : i32 to vector<1x256xi32>
    %eq3A_152 = arith.cmpi eq, %get3A_147, %eq3A_151 : vector<1x256xi32>
    %and3A = vector.broadcast %eq3A_152 : vector<1x256xi1> to vector<4x256xi1>
    %and3A_153 = arith.andi %eq3A_142, %and3A : vector<4x256xi1>
    %jit3A_154 = arith.constant 1.000000e+00 : f32
    %jit3A_155 = arith.constant 0.000000e+00 : f32
    %broadcast_in_dim3A_156 = vector.broadcast %jit3A_154 : f32 to vector<4x256xf32>
    %broadcast_in_dim3A_157 = vector.broadcast %jit3A_155 : f32 to vector<4x256xf32>
    %select_n3A_158 = arith.select %and3A_153, %broadcast_in_dim3A_156, %broadcast_in_dim3A_157 : vector<4x256xi1>, vector<4x256xf32>
    %eq3A_159 = arith.constant 2 : i32
    %eq3A_160 = vector.broadcast %eq3A_159 : i32 to vector<1x256xi32>
    %eq3A_161 = arith.cmpi eq, %get3A_147, %eq3A_160 : vector<1x256xi32>
    %and3A_162 = vector.broadcast %eq3A_161 : vector<1x256xi1> to vector<4x256xi1>
    %and3A_163 = arith.andi %eq3A_142, %and3A_162 : vector<4x256xi1>
    %jit3A_164 = arith.constant 1.000000e+00 : f32
    %jit3A_165 = arith.constant 0.000000e+00 : f32
    %broadcast_in_dim3A_166 = vector.broadcast %jit3A_164 : f32 to vector<4x256xf32>
    %broadcast_in_dim3A_167 = vector.broadcast %jit3A_165 : f32 to vector<4x256xf32>
    %select_n3A_168 = arith.select %and3A_163, %broadcast_in_dim3A_166, %broadcast_in_dim3A_167 : vector<4x256xi1>, vector<4x256xf32>
    %concatenate3A_169 = tpu.concatenate %select_n3A, %select_n3A_158, %select_n3A_168 in 0 : vector<4x256xf32>, vector<4x256xf32>, vector<4x256xf32> -> vector<12x256xf32>
    %dot_general3A_170 = arith.constant dense<0.000000e+00> : vector<12x768xf32>
    %dot_general3A_171 = tpu.matmul %concatenate3A_169, %concatenate3A_138, %dot_general3A_170 {dimension_numbers = #tpu.dot_dimension_numbers<[1], [0], [0], [1], [0, 0, 1, 1], [], []>, transpose_lhs_hint = false} : vector<12x256xf32>, vector<256x768xf32>, vector<12x768xf32> -> vector<12x768xf32>
    %slice3A_172 = vector.extract_strided_slice %dot_general3A_171 {offsets = [0, 0], sizes = [4, 768], strides = [1, 1]} : vector<12x768xf32> to vector<4x768xf32>
    %slice3A_173 = vector.extract_strided_slice %dot_general3A_171 {offsets = [4, 0], sizes = [4, 768], strides = [1, 1]} : vector<12x768xf32> to vector<4x768xf32>
    %slice3A_174 = vector.extract_strided_slice %dot_general3A_171 {offsets = [8, 0], sizes = [4, 768], strides = [1, 1]} : vector<12x768xf32> to vector<4x768xf32>
    %get3A_175 = arith.constant 0 : index
    %get3A_176 = arith.constant 0 : index
    %get3A_177 = vector.load %arg11[%get3A_175, %get3A_176] : memref<256x256xf32, #tpu.memory_space<vmem>>, vector<256x256xf32>
    %dot_general3A_178 = arith.constant dense<0.000000e+00> : vector<256x256xf32>
    %dot_general3A_179 = tpu.matmul %max3A_82, %get3A_177, %dot_general3A_178 {dimension_numbers = #tpu.dot_dimension_numbers<[1], [0], [0], [1], [0, 0, 1, 1], [], []>, transpose_lhs_hint = false} : vector<256x256xf32>, vector<256x256xf32>, vector<256x256xf32> -> vector<256x256xf32>
    %max3A_180 = arith.constant 0.000000e+00 : f32
    %max3A_181 = vector.broadcast %max3A_180 : f32 to vector<256x256xf32>
    %max3A_182 = arith.maximumf %dot_general3A_179, %max3A_181 : vector<256x256xf32>
    %mul3A_183 = arith.mulf %max3A_182, %max3A_182 : vector<256x256xf32>
    %reduce_sum3A_184 = arith.constant dense<0.000000e+00> : vector<256xf32>
    %reduce_sum3A_185 = vector.multi_reduction <add>, %mul3A_183, %reduce_sum3A_184 [1] : vector<256x256xf32> to vector<256xf32>
    %broadcast_in_dim3A_186 = vector.shape_cast %reduce_sum3A_185 : vector<256xf32> to vector<256x1xf32>
    %sqrt3A = math.sqrt %broadcast_in_dim3A_186 : vector<256x1xf32>
    %add3A_187 = arith.constant 9.99999993E-9 : f32
    %add3A_188 = vector.broadcast %add3A_187 : f32 to vector<256x1xf32>
    %add3A_189 = arith.addf %sqrt3A, %add3A_188 : vector<256x1xf32>
    %div3A_190 = vector.broadcast %add3A_189 : vector<256x1xf32> to vector<256x256xf32>
    %div3A_191 = arith.divf %max3A_182, %div3A_190 : vector<256x256xf32>
    %dot_general3A_192 = arith.constant dense<0.000000e+00> : vector<256x256xf32>
    %dot_general3A_193 = tpu.matmul %div3A_191, %div3A_191, %dot_general3A_192 {dimension_numbers = #tpu.dot_dimension_numbers<[1], [1], [0], [0], [0, 0, 1, 0], [], []>, transpose_lhs_hint = false} : vector<256x256xf32>, vector<256x256xf32>, vector<256x256xf32> -> vector<256x256xf32>
    %iota3A_194 = tpu.iota {dimensions = array<i32: 0>} : vector<256x256xi32>
    %iota3A_195 = tpu.iota {dimensions = array<i32: 1>} : vector<256x256xi32>
    %shift_right_logical3A_196 = arith.constant 6 : i32
    %shift_right_logical3A_197 = vector.broadcast %shift_right_logical3A_196 : i32 to vector<256x256xi32>
    %shift_right_logical3A_198 = arith.shrui %iota3A_194, %shift_right_logical3A_197 : vector<256x256xi32>
    %shift_right_logical3A_199 = arith.constant 6 : i32
    %shift_right_logical3A_200 = vector.broadcast %shift_right_logical3A_199 : i32 to vector<256x256xi32>
    %shift_right_logical3A_201 = arith.shrui %iota3A_195, %shift_right_logical3A_200 : vector<256x256xi32>
    %eq3A_202 = arith.cmpi eq, %shift_right_logical3A_198, %shift_right_logical3A_201 : vector<256x256xi32>
    %max3A_203 = arith.constant 0.000000e+00 : f32
    %max3A_204 = vector.broadcast %max3A_203 : f32 to vector<256x256xf32>
    %max3A_205 = arith.maximumf %dot_general3A_193, %max3A_204 : vector<256x256xf32>
    %jit3A_206 = arith.constant 0.000000e+00 : f32
    %broadcast_in_dim3A_207 = vector.broadcast %jit3A_206 : f32 to vector<256x256xf32>
    %select_n3A_208 = arith.select %eq3A_202, %max3A_205, %broadcast_in_dim3A_207 : vector<256x256xi1>, vector<256x256xf32>
    %eq3A_209 = arith.cmpi eq, %iota3A_194, %iota3A_195 : vector<256x256xi32>
    %convert_element_type3A_210 = arith.extui %eq3A_209 : vector<256x256xi1> to vector<256x256xi32>
    %convert_element_type3A_211 = arith.sitofp %convert_element_type3A_210 : vector<256x256xi32> to vector<256x256xf32>
    %add3A_212 = arith.addf %select_n3A_208, %convert_element_type3A_211 : vector<256x256xf32>
    %reduce_sum3A_213 = arith.constant dense<0.000000e+00> : vector<256xf32>
    %reduce_sum3A_214 = vector.multi_reduction <add>, %add3A_212, %reduce_sum3A_213 [1] : vector<256x256xf32> to vector<256xf32>
    %broadcast_in_dim3A_215 = vector.shape_cast %reduce_sum3A_214 : vector<256xf32> to vector<256x1xf32>
    %div3A_216 = vector.broadcast %broadcast_in_dim3A_215 : vector<256x1xf32> to vector<256x256xf32>
    %div3A_217 = arith.divf %add3A_212, %div3A_216 : vector<256x256xf32>
    %get3A_218 = arith.constant 0 : index
    %get3A_219 = arith.constant 0 : index
    %get3A_220 = vector.load %arg12[%get3A_218, %get3A_219] : memref<256x256xf32, #tpu.memory_space<vmem>>, vector<256x256xf32>
    %dot_general3A_221 = arith.constant dense<0.000000e+00> : vector<256x256xf32>
    %dot_general3A_222 = tpu.matmul %max3A_182, %get3A_220, %dot_general3A_221 {dimension_numbers = #tpu.dot_dimension_numbers<[1], [0], [0], [1], [0, 0, 1, 1], [], []>, transpose_lhs_hint = false} : vector<256x256xf32>, vector<256x256xf32>, vector<256x256xf32> -> vector<256x256xf32>
    %dot_general3A_223 = arith.constant dense<0.000000e+00> : vector<256x256xf32>
    %dot_general3A_224 = tpu.matmul %div3A_217, %dot_general3A_222, %dot_general3A_223 {dimension_numbers = #tpu.dot_dimension_numbers<[1], [0], [0], [1], [0, 0, 1, 1], [], []>, transpose_lhs_hint = false} : vector<256x256xf32>, vector<256x256xf32>, vector<256x256xf32> -> vector<256x256xf32>
    %max3A_225 = arith.constant 0.000000e+00 : f32
    %max3A_226 = vector.broadcast %max3A_225 : f32 to vector<256x256xf32>
    %max3A_227 = arith.maximumf %dot_general3A_224, %max3A_226 : vector<256x256xf32>
    %dot_general3A_228 = arith.constant dense<0.000000e+00> : vector<4x256xf32>
    %dot_general3A_229 = tpu.matmul %select_n3A, %max3A_227, %dot_general3A_228 {dimension_numbers = #tpu.dot_dimension_numbers<[1], [0], [0], [1], [0, 0, 1, 1], [], []>, transpose_lhs_hint = false} : vector<4x256xf32>, vector<256x256xf32>, vector<4x256xf32> -> vector<4x256xf32>
    %iota3A_230 = tpu.iota {dimensions = array<i32: 1>} : vector<1x16xi32>
    %mul3A_231 = arith.constant 4 : i32
    %mul3A_232 = arith.muli %arg0, %mul3A_231 : i32
    %add3A_233 = arith.constant 0 : i32
    %add3A_234 = arith.addi %mul3A_232, %add3A_233 : i32
    %get3A_235 = arith.index_cast %add3A_234 : i32 to index
    %get3A_236 = memref.load %arg1[%get3A_235] : memref<64xi32, #tpu.memory_space<smem>>
    %eq3A_237 = vector.broadcast %get3A_236 : i32 to vector<1x16xi32>
    %eq3A_238 = arith.cmpi eq, %iota3A_230, %eq3A_237 : vector<1x16xi32>
    %convert_element_type3A_239 = arith.extui %eq3A_238 : vector<1x16xi1> to vector<1x16xi32>
    %convert_element_type3A_240 = arith.sitofp %convert_element_type3A_239 : vector<1x16xi32> to vector<1x16xf32>
    %iota3A_241 = tpu.iota {dimensions = array<i32: 1>} : vector<1x16xi32>
    %mul3A_242 = arith.constant 4 : i32
    %mul3A_243 = arith.muli %arg0, %mul3A_242 : i32
    %add3A_244 = arith.constant 1 : i32
    %add3A_245 = arith.addi %mul3A_243, %add3A_244 : i32
    %get3A_246 = arith.index_cast %add3A_245 : i32 to index
    %get3A_247 = memref.load %arg1[%get3A_246] : memref<64xi32, #tpu.memory_space<smem>>
    %eq3A_248 = vector.broadcast %get3A_247 : i32 to vector<1x16xi32>
    %eq3A_249 = arith.cmpi eq, %iota3A_241, %eq3A_248 : vector<1x16xi32>
    %convert_element_type3A_250 = arith.extui %eq3A_249 : vector<1x16xi1> to vector<1x16xi32>
    %convert_element_type3A_251 = arith.sitofp %convert_element_type3A_250 : vector<1x16xi32> to vector<1x16xf32>
    %iota3A_252 = tpu.iota {dimensions = array<i32: 1>} : vector<1x16xi32>
    %mul3A_253 = arith.constant 4 : i32
    %mul3A_254 = arith.muli %arg0, %mul3A_253 : i32
    %add3A_255 = arith.constant 2 : i32
    %add3A_256 = arith.addi %mul3A_254, %add3A_255 : i32
    %get3A_257 = arith.index_cast %add3A_256 : i32 to index
    %get3A_258 = memref.load %arg1[%get3A_257] : memref<64xi32, #tpu.memory_space<smem>>
    %eq3A_259 = vector.broadcast %get3A_258 : i32 to vector<1x16xi32>
    %eq3A_260 = arith.cmpi eq, %iota3A_252, %eq3A_259 : vector<1x16xi32>
    %convert_element_type3A_261 = arith.extui %eq3A_260 : vector<1x16xi1> to vector<1x16xi32>
    %convert_element_type3A_262 = arith.sitofp %convert_element_type3A_261 : vector<1x16xi32> to vector<1x16xf32>
    %iota3A_263 = tpu.iota {dimensions = array<i32: 1>} : vector<1x16xi32>
    %mul3A_264 = arith.constant 4 : i32
    %mul3A_265 = arith.muli %arg0, %mul3A_264 : i32
    %add3A_266 = arith.constant 3 : i32
    %add3A_267 = arith.addi %mul3A_265, %add3A_266 : i32
    %get3A_268 = arith.index_cast %add3A_267 : i32 to index
    %get3A_269 = memref.load %arg1[%get3A_268] : memref<64xi32, #tpu.memory_space<smem>>
    %eq3A_270 = vector.broadcast %get3A_269 : i32 to vector<1x16xi32>
    %eq3A_271 = arith.cmpi eq, %iota3A_263, %eq3A_270 : vector<1x16xi32>
    %convert_element_type3A_272 = arith.extui %eq3A_271 : vector<1x16xi1> to vector<1x16xi32>
    %convert_element_type3A_273 = arith.sitofp %convert_element_type3A_272 : vector<1x16xi32> to vector<1x16xf32>
    %concatenate3A_274 = tpu.concatenate %convert_element_type3A_240, %convert_element_type3A_251, %convert_element_type3A_262, %convert_element_type3A_273 in 0 : vector<1x16xf32>, vector<1x16xf32>, vector<1x16xf32>, vector<1x16xf32> -> vector<4x16xf32>
    %get3A_275 = arith.constant 0 : index
    %get3A_276 = arith.constant 0 : index
    %get3A_277 = vector.load %arg10[%get3A_275, %get3A_276] : memref<16x32xf32, #tpu.memory_space<vmem>>, vector<16x32xf32>
    %dot_general3A_278 = arith.constant dense<0.000000e+00> : vector<4x32xf32>
    %dot_general3A_279 = tpu.matmul %concatenate3A_274, %get3A_277, %dot_general3A_278 {dimension_numbers = #tpu.dot_dimension_numbers<[1], [0], [0], [1], [0, 0, 1, 1], [], []>, transpose_lhs_hint = false} : vector<4x16xf32>, vector<16x32xf32>, vector<4x32xf32> -> vector<4x32xf32>
    %mul3A_280 = vector.broadcast %slice3A_130 : vector<1x768xf32> to vector<4x768xf32>
    %mul3A_281 = arith.mulf %slice3A_172, %mul3A_280 : vector<4x768xf32>
    %reduce_sum3A_282 = arith.constant dense<0.000000e+00> : vector<4xf32>
    %reduce_sum3A_283 = vector.multi_reduction <add>, %mul3A_281, %reduce_sum3A_282 [1] : vector<4x768xf32> to vector<4xf32>
    %broadcast_in_dim3A_284 = vector.shape_cast %reduce_sum3A_283 : vector<4xf32> to vector<4x1xf32>
    %mul3A_285 = vector.broadcast %slice3A_131 : vector<1x768xf32> to vector<4x768xf32>
    %mul3A_286 = arith.mulf %slice3A_173, %mul3A_285 : vector<4x768xf32>
    %reduce_sum3A_287 = arith.constant dense<0.000000e+00> : vector<4xf32>
    %reduce_sum3A_288 = vector.multi_reduction <add>, %mul3A_286, %reduce_sum3A_287 [1] : vector<4x768xf32> to vector<4xf32>
    %broadcast_in_dim3A_289 = vector.shape_cast %reduce_sum3A_288 : vector<4xf32> to vector<4x1xf32>
    %add3A_290 = arith.addf %broadcast_in_dim3A_284, %broadcast_in_dim3A_289 : vector<4x1xf32>
    %mul3A_291 = vector.broadcast %slice3A_132 : vector<1x768xf32> to vector<4x768xf32>
    %mul3A_292 = arith.mulf %slice3A_174, %mul3A_291 : vector<4x768xf32>
    %reduce_sum3A_293 = arith.constant dense<0.000000e+00> : vector<4xf32>
    %reduce_sum3A_294 = vector.multi_reduction <add>, %mul3A_292, %reduce_sum3A_293 [1] : vector<4x768xf32> to vector<4xf32>
    %broadcast_in_dim3A_295 = vector.shape_cast %reduce_sum3A_294 : vector<4xf32> to vector<4x1xf32>
    %add3A_296 = arith.addf %add3A_290, %broadcast_in_dim3A_295 : vector<4x1xf32>
    %mul3A_297 = vector.broadcast %slice3A_133 : vector<1x32xf32> to vector<4x32xf32>
    %mul3A_298 = arith.mulf %dot_general3A_279, %mul3A_297 : vector<4x32xf32>
    %reduce_sum3A_299 = arith.constant dense<0.000000e+00> : vector<4xf32>
    %reduce_sum3A_300 = vector.multi_reduction <add>, %mul3A_298, %reduce_sum3A_299 [1] : vector<4x32xf32> to vector<4xf32>
    %broadcast_in_dim3A_301 = vector.shape_cast %reduce_sum3A_300 : vector<4xf32> to vector<4x1xf32>
    %add3A_302 = arith.addf %add3A_296, %broadcast_in_dim3A_301 : vector<4x1xf32>
    %mul3A_303 = vector.broadcast %slice3A_134 : vector<1x256xf32> to vector<4x256xf32>
    %mul3A_304 = arith.mulf %dot_general3A_229, %mul3A_303 : vector<4x256xf32>
    %reduce_sum3A_305 = arith.constant dense<0.000000e+00> : vector<4xf32>
    %reduce_sum3A_306 = vector.multi_reduction <add>, %mul3A_304, %reduce_sum3A_305 [1] : vector<4x256xf32> to vector<4xf32>
    %broadcast_in_dim3A_307 = vector.shape_cast %reduce_sum3A_306 : vector<4xf32> to vector<4x1xf32>
    %add3A_308 = arith.addf %add3A_302, %broadcast_in_dim3A_307 : vector<4x1xf32>
    %get3A_309 = arith.constant 0 : index
    %get3A_310 = arith.constant 0 : index
    %get3A_311 = vector.load %arg14[%get3A_309, %get3A_310] : memref<1x1xf32, #tpu.memory_space<vmem>>, vector<1x1xf32>
    %get3A_312 = vector.extract %get3A_311[0, 0] : f32 from vector<1x1xf32>
    %add3A_313 = vector.broadcast %get3A_312 : f32 to vector<4x1xf32>
    %add3A_314 = arith.addf %add3A_308, %add3A_313 : vector<4x1xf32>
    %broadcast_in_dim3A_315 = vector.shape_cast %add3A_314 : vector<4x1xf32> to vector<1x4x1xf32>
    %swap3A_316 = arith.constant 0 : index
    %swap3A_317 = arith.constant 0 : index
    %swap3A_318 = arith.constant 0 : index
    %swap3A_319 = vector.load %arg17[%swap3A_316, %swap3A_317, %swap3A_318] : memref<1x4x1xf32, #tpu.memory_space<vmem>>, vector<1x4x1xf32>
    tpu.vector_store %arg17[%swap3A_316, %swap3A_317, %swap3A_318], %broadcast_in_dim3A_315 {strides = array<i32>} : memref<1x4x1xf32, #tpu.memory_space<vmem>>, vector<1x4x1xf32>,
    return
  }
  func.func @transform_0(%arg0: i32, %arg1: memref<64xi32, #tpu.memory_space<smem>>) -> (i32, i32) {
    %c0_i32 = arith.constant 0 : i32
    %c0_i32_0 = arith.constant 0 : i32
    return %arg0, %c0_i32 : i32, i32
  }
  func.func @transform_1(%arg0: i32, %arg1: memref<64xi32, #tpu.memory_space<smem>>) -> (i32, i32, i32) {
    %c0_i32 = arith.constant 0 : i32
    %c0_i32_0 = arith.constant 0 : i32
    %c0_i32_1 = arith.constant 0 : i32
    return %arg0, %c0_i32, %c0_i32_0 : i32, i32, i32
  }
  func.func @transform_2(%arg0: i32, %arg1: memref<64xi32, #tpu.memory_space<smem>>) -> (i32, i32, i32) {
    %c2_i32 = arith.constant 2 : i32
    %c0_i32 = arith.constant 0 : i32
    %c0_i32_0 = arith.constant 0 : i32
    %c0_i32_1 = arith.constant 0 : i32
    return %c2_i32, %c0_i32, %c0_i32_0 : i32, i32, i32
  }
  func.func @transform_3(%arg0: i32, %arg1: memref<64xi32, #tpu.memory_space<smem>>) -> (i32, i32, i32) {
    %c2_i32 = arith.constant 2 : i32
    %c0_i32 = arith.constant 0 : i32
    %c0_i32_0 = arith.constant 0 : i32
    %c0_i32_1 = arith.constant 0 : i32
    return %c2_i32, %c0_i32, %c0_i32_0 : i32, i32, i32
  }
  func.func @transform_4(%arg0: i32, %arg1: memref<64xi32, #tpu.memory_space<smem>>) -> (i32, i32, i32) {
    %c0_i32 = arith.constant 0 : i32
    %c0_i32_0 = arith.constant 0 : i32
    %c0_i32_1 = arith.constant 0 : i32
    return %arg0, %c0_i32, %c0_i32_0 : i32, i32, i32
  }
  func.func @transform_5(%arg0: i32, %arg1: memref<64xi32, #tpu.memory_space<smem>>) -> (i32, i32, i32) {
    %c0_i32 = arith.constant 0 : i32
    %c0_i32_0 = arith.constant 0 : i32
    %c0_i32_1 = arith.constant 0 : i32
    return %arg0, %c0_i32, %c0_i32_0 : i32, i32, i32
  }
  func.func @transform_6(%arg0: i32, %arg1: memref<64xi32, #tpu.memory_space<smem>>) -> (i32, i32) {
    %c0_i32 = arith.constant 0 : i32
    %c0_i32_0 = arith.constant 0 : i32
    return %arg0, %c0_i32 : i32, i32
  }
  func.func @transform_7(%arg0: i32, %arg1: memref<64xi32, #tpu.memory_space<smem>>) -> (i32, i32, i32) {
    %c0_i32 = arith.constant 0 : i32
    %c0_i32_0 = arith.constant 0 : i32
    %c0_i32_1 = arith.constant 0 : i32
    return %arg0, %c0_i32, %c0_i32_0 : i32, i32, i32
  }
  func.func @transform_8(%arg0: i32, %arg1: memref<64xi32, #tpu.memory_space<smem>>) -> (i32, i32) {
    %c0_i32 = arith.constant 0 : i32
    %c0_i32_0 = arith.constant 0 : i32
    %c0_i32_1 = arith.constant 0 : i32
    return %c0_i32, %c0_i32_0 : i32, i32
  }
  func.func @transform_9(%arg0: i32, %arg1: memref<64xi32, #tpu.memory_space<smem>>) -> (i32, i32) {
    %c0_i32 = arith.constant 0 : i32
    %c0_i32_0 = arith.constant 0 : i32
    %c0_i32_1 = arith.constant 0 : i32
    return %c0_i32, %c0_i32_0 : i32, i32
  }
  func.func @transform_10(%arg0: i32, %arg1: memref<64xi32, #tpu.memory_space<smem>>) -> (i32, i32) {
    %c0_i32 = arith.constant 0 : i32
    %c0_i32_0 = arith.constant 0 : i32
    %c0_i32_1 = arith.constant 0 : i32
    return %c0_i32, %c0_i32_0 : i32, i32
  }
  func.func @transform_11(%arg0: i32, %arg1: memref<64xi32, #tpu.memory_space<smem>>) -> (i32, i32) {
    %c0_i32 = arith.constant 0 : i32
    %c0_i32_0 = arith.constant 0 : i32
    %c0_i32_1 = arith.constant 0 : i32
    return %c0_i32, %c0_i32_0 : i32, i32
  }
  func.func @transform_12(%arg0: i32, %arg1: memref<64xi32, #tpu.memory_space<smem>>) -> (i32, i32) {
    %c0_i32 = arith.constant 0 : i32
    %c0_i32_0 = arith.constant 0 : i32
    %c0_i32_1 = arith.constant 0 : i32
    return %c0_i32, %c0_i32_0 : i32, i32
  }
  func.func @transform_13(%arg0: i32, %arg1: memref<64xi32, #tpu.memory_space<smem>>) -> (i32, i32, i32) {
    %c0_i32 = arith.constant 0 : i32
    %c0_i32_0 = arith.constant 0 : i32
    %c0_i32_1 = arith.constant 0 : i32
    %c0_i32_2 = arith.constant 0 : i32
    return %c0_i32, %c0_i32_0, %c0_i32_1 : i32, i32, i32
  }
  func.func @transform_14(%arg0: i32, %arg1: memref<64xi32, #tpu.memory_space<smem>>) -> (i32, i32, i32) {
    %c0_i32 = arith.constant 0 : i32
    %c0_i32_0 = arith.constant 0 : i32
    %c0_i32_1 = arith.constant 0 : i32
    %c0_i32_2 = arith.constant 0 : i32
    return %c0_i32, %c0_i32_0, %c0_i32_1 : i32, i32, i32
  }
  func.func @transform_15(%arg0: i32, %arg1: memref<64xi32, #tpu.memory_space<smem>>) -> (i32, i32, i32) {
    %c0_i32 = arith.constant 0 : i32
    %c0_i32_0 = arith.constant 0 : i32
    %c0_i32_1 = arith.constant 0 : i32
    return %arg0, %c0_i32, %c0_i32_0 : i32, i32, i32
  }
  func.func @transform_16(%arg0: i32, %arg1: memref<64xi32, #tpu.memory_space<smem>>) -> (i32, i32, i32) {
    %c0_i32 = arith.constant 0 : i32
    %c0_i32_0 = arith.constant 0 : i32
    %c0_i32_1 = arith.constant 0 : i32
    %c0_i32_2 = arith.constant 0 : i32
    return %c0_i32, %c0_i32_0, %c0_i32_1 : i32, i32, i32
  }
}

</mosaic_0001>

<sc_bundles>
// kernel: kernel.12.cloned.1.call-start
scs
__scs_entry_jumppad:
0x0: {  	(pc) =	sbr.rel $0x88, $3  }
0x1: {  	(tag) =	ssettag $0x0;
	lr =	simm.s32 $0x1  }
0x2: {  	[smem:$0x3F92] =	sst lr;
	_ =	strace $0xD0000000  }
0x3: {  	_ = 	snop  }
0x4: {  	_ = 	snop  }
0x5: {  	_ = 	snop  }
0x6: {  	_ = 	snop  }
0x7: {  	_ = 	snop  }
__scs_overlays_trampoline_lowered:
0x8: {  	[smem:$0x3FA1] =	sst s0  }
0x9: {  	[smem:$0x3FA2] =	sst s1  }
0xa: {  	[smem:$0x3FA3] =	sst s2  }
0xb: {  	[smem:$0x3FA4] =	sst s3  }
0xc: {  	[smem:$0x3FA5] =	sst s4  }
0xd: {  	[smem:$0x3FA6] =	sst s5  }
0xe: {  	[smem:$0x3FA7] =	sst s6  }
0xf: {  	[smem:$0x3FA8] =	sst s7  }
0x10: {  	[smem:$0x3FA9] =	sst s8  }
0x11: {  	[smem:$0x3FAA] =	sst s9;
	s0 =	simm.s32 @!p0 $0x0  }
0x12: {  	s1 =	sld [smem:$0x3F90];
	s0 =	simm.s32 @p0 $0x1  }
0x13: {  	[smem:$0x3FAB] =	sst s0;
	s0 =	simm.s32 @!p1 $0x0  }
0x14: {  	s2 =	sld [smem:$0x3F8F];
	s0 =	simm.s32 @p1 $0x1  }
0x15: {  	[smem:$0x3FAC] =	sst s0;
	s0 =	simm.s32 @!p2 $0x0  }
0x16: {  	s3 =	sld [smem:$0x3FDB];
	s0 =	simm.s32 @p2 $0x1  }
0x17: {  	s4 =	simm.s32 $0x1BF5;
	[smem:$0x3FAE] =	sst s0  }
0x18: {  	s0 =	sld [smem:$0x3F91];
	_ =	swait.ge [sflag:s4], $0x0  }
0x19: {  	s7 =	sld [smem:$0x3F92]  }
0x1a: {  	s8 =	sadd.s32 $0xFFFFE003, lr  }
0x1b: {  	s9 =	sadd.s32 $0xFFFFFEF7, lr;
	s5 =	simm.s32 $0xFFFFFFFF;
	p2 =	slt.u32 s8, $0xFFFFF086  }
0x1c: {  	p1 =	slt.u32 s9, $0xF7A;
	s5 =	simm.s32 @!p2 $0x0  }
0x1d: {  	s5 =	simm.s32 @p1 $0x1;
	p0 =	seq.s32 s7, s2  }
0x1e: {  	s7 =	smul.u32 @!p0 $0xF7A, s2;
	p2 =	seq.s32 @!p0 s5, $0x0  }
0x1f: {  	s9 =	smul.u32 $0xF7A, s1;
	s8 =	simm.s32 @!p0 $0x1BF5;
	p2 =	por !p2, p0  }
0x20: {  	[sflag:s8] =	ssyncset.s32 @!p0 $0xFFFFF086;
	s6 =	sadd.s32 @!p0 s3, s7;
	s7 =	simm.s32 @!p0 $0x108  }
0x21: {  	s3 =	sadd.s32 s3, s9;
	s6 =	sadd.s32 @!p0 $0x88, s6;
	s7 =	simm.s32 @p2 $0x1082  }
0x22: {  	[simem:s7], [sflag:s8] =	dma.local @!p0 [hbm:s6], $0xF7A  }
0x23: {  	s9 =	sor.u32 $0xD0000000, s2;
	s6 =	simm.s32 $0x108;
	_ =	swait.ge @!p0 [sflag:s8], $0x0  }
0x24: {  	s3 =	sadd.s32 $0x88, s3;
	s6 =	simm.s32 @!p1 $0x1082;
	[sflag:s4] =	ssyncset.s32 $0xFFFFF086  }
0x25: {  	[simem:s6], [sflag:s4] =	dma.local [hbm:s3], $0xF7A  }
0x26: {  	[smem:$0x3F92] =	sst s1;
	(tag) =	ssettag s2;
	_ =	strace s9  }
0x27: {  	s1 =	sld [smem:$0x3FA2]  }
0x28: {  	s2 =	sld [smem:$0x3FA3]  }
0x29: {  	s4 =	sld [smem:$0x3FA5]  }
0x2a: {  	p0 =	seq.s32 s5, $0x0;
	s5 =	sld [smem:$0x3FA6]  }
0x2b: {  	s6 =	sld [smem:$0x3FA7]  }
0x2c: {  	s7 =	sld [smem:$0x3FA8]  }
0x2d: {  	s3 =	simm.s32 $0x108;
	s8 =	sld [smem:$0x3FA9]  }
0x2e: {  	s3 =	simm.s32 @!p0 $0x1082;
	s9 =	sld [smem:$0x3FAA]  }
0x2f: {  	lr =	sadd.s32 s0, s3;
	s0 =	sld [smem:$0x3FA1]  }
0x30: {  	s3 =	sld [smem:$0x3FA4]  }
0x31: {  	[smem:$0x3FAD] =	sst s10  }
0x32: {  	s10 =	sld [smem:$0x3FAB];
	_ =	sdelay $0x3  }
0x33: {  	p0 =	seq.s32 s10, $0x1;
	s10 =	sld [smem:$0x3FAD];
	_ =	sdelay $0x3  }
0x34: {  	[smem:$0x3FAD] =	sst s10  }
0x35: {  	s10 =	sld [smem:$0x3FAC];
	_ =	sdelay $0x3  }
0x36: {  	p1 =	seq.s32 s10, $0x1;
	s10 =	sld [smem:$0x3FAD];
	_ =	sdelay $0x3  }
0x37: {  	[smem:$0x3FAD] =	sst s10  }
0x38: {  	s10 =	sld [smem:$0x3FAE]  }
0x39: {  	_ = 	snop;
	(pc) =	sbr.ind lr, $3  }
0x3a: {  	_ = 	snop  }
0x3b: {  	_ = 	snop  }
0x3c: {  	p2 =	seq.s32 s10, $0x1;
	s10 =	sld [smem:$0x3FAD]  }
0x3d: {  	_ =	shalt  }
0x3e: {  	_ =	shalt  }
0x3f: {  	_ =	shalt  }
0x40: {  	_ =	shalt  }
0x41: {  	_ =	shalt  }
0x42: {  	_ =	shalt  }
0x43: {  	_ =	shalt  }
0x44: {  	_ =	shalt  }
0x45: {  	_ =	shalt  }
0x46: {  	_ =	shalt  }
0x47: {  	_ =	shalt  }
0x48: {  	_ =	shalt  }
0x49: {  	_ =	shalt  }
0x4a: {  	_ =	shalt  }
0x4b: {  	_ =	shalt  }
0x4c: {  	_ =	shalt  }
0x4d: {  	_ =	shalt  }
0x4e: {  	_ =	shalt  }
0x4f: {  	_ =	shalt  }
0x50: {  	_ =	shalt  }
0x51: {  	_ =	shalt  }
0x52: {  	_ =	shalt  }
0x53: {  	_ =	shalt  }
0x54: {  	_ =	shalt  }
0x55: {  	_ =	shalt  }
0x56: {  	_ =	shalt  }
0x57: {  	_ =	shalt  }
0x58: {  	_ =	shalt  }
0x59: {  	_ =	shalt  }
0x5a: {  	_ =	shalt  }
0x5b: {  	_ =	shalt  }
0x5c: {  	_ =	shalt  }
0x5d: {  	_ =	shalt  }
0x5e: {  	_ =	shalt  }
0x5f: {  	_ =	shalt  }
0x60: {  	_ =	shalt  }
0x61: {  	_ =	shalt  }
0x62: {  	_ =	shalt  }
0x63: {  	_ =	shalt  }
0x64: {  	_ =	shalt  }
0x65: {  	_ =	shalt  }
0x66: {  	_ =	shalt  }
0x67: {  	_ =	shalt  }
0x68: {  	_ =	shalt  }
0x69: {  	_ =	shalt  }
0x6a: {  	_ =	shalt  }
0x6b: {  	_ =	shalt  }
0x6c: {  	_ =	shalt  }
0x6d: {  	_ =	shalt  }
0x6e: {  	_ =	shalt  }
0x6f: {  	_ =	shalt  }
0x70: {  	_ =	shalt  }
0x71: {  	_ =	shalt  }
0x72: {  	_ =	shalt  }
0x73: {  	_ =	shalt  }
0x74: {  	_ =	shalt  }
0x75: {  	_ =	shalt  }
0x76: {  	_ =	shalt  }
0x77: {  	_ =	shalt  }
0x78: {  	_ =	shalt  }
0x79: {  	_ =	shalt  }
0x7a: {  	_ =	shalt  }
0x7b: {  	_ =	shalt  }
0x7c: {  	_ =	shalt  }
0x7d: {  	_ =	shalt  }
0x7e: {  	_ =	shalt  }
0x7f: {  	_ =	shalt  }
0x80: {  	_ =	shalt  }
0x81: {  	_ =	shalt  }
0x82: {  	_ =	shalt  }
0x83: {  	_ =	shalt  }
0x84: {  	_ =	shalt  }
0x85: {  	_ =	shalt  }
0x86: {  	_ =	shalt  }
0x87: {  	_ =	shalt  }
.Lfunc_end0:
.L_simem_size_0:
called_computation.1_lowered:
.L_overlay_start_0:
0x88: {  	s2 =	sld [smem:$0x3FD9]  }
0x89: {  	s3 =	sld [smem:$0x3FFE];
	_ =	sdelay $0x1  }
0x8a: {  	s1 =	srdreg.scid  }
0x8b: {  	s0 =	sand.u32 $0x1, s1  }
0x8c: {  	s17 =	sshll.u32 s0, $0xA;
	s2 =	sadd.s32 s3, s2  }
0x8d: {  	s2 =	sadd.s32 s2, s17  }
0x8e: {  	[smem:$0x3FB9] =	sst s2  }
0x8f: {  	_ = 	snop  }
0x90: {  	s2 =	sld [smem:$0x3FC7];
	(tm) =	ssettm $0x1  }
0x91: {  	s18 =	sld [smem:$0x3FFB];
	_ =	sdelay $0x3  }
0x92: {  	_ =	strace s18  }
0x93: {  	s3 =	sld [smem:$0x3FFC];
	_ =	sdelay $0x3  }
0x94: {  	_ =	strace s3  }
0x95: {  	s3 =	sld [smem:$0x3FFD];
	_ =	sdelay $0x3  }
0x96: {  	_ =	strace s3  }
0x97: {  	_ =	strace $0x8FFFFFFF  }
0x98: {  	s19 =	sld [smem:$0x3FDB];
	_ =	sdelay $0x1  }
0x99: {  	s4 =	simm.s32 $_scs_section_size  }
0x9a: {  	s5 =	simm.s32 $_size__tile_overlayer_lowered;
	s6 =	simm.s32 $_tile_overlayer_lowered  }
0x9b: {  	s22 =	simm.s32 $0x1BFF;
	s21 =	sshll.u32 s6, $0x1;
	s3 =	sadd.s32 s4, s19  }
0x9c: {  	s7 =	simm.s32 $0x0;
	s20 =	sshll.u32 s5, $0x1;
	s5 =	sadd.s32 s21, s3  }
0x9d: {  	[timem:s7], [sflag:s22] =	dma.local [hbm:s5], s20  }
0x9e: {  	_ =	swait.ge [sflag:s22], s20  }
0x9f: {  	s4 =	ssub.s32 $0x0, s20;
	[sflag:s22] =	ssyncset.done $0x0  }
0xa0: {  	[sflag:s22] =	ssyncadd.s32 s4;
	_ =	sdelay $0x1  }
0xa1: {  	s23 =	simm.s32 $0x1B8B  }
0xa2: {  	_ =	swait.ge [sflag:s23], $0x1  }
0xa3: {  	[sflag:s23] =	ssyncset.done $0x0  }
0xa4: {  	s25 =	simm.s32 $0x1B8E;
	s24 =	sld [smem:$0x3FFE];
	[sflag:s23] =	ssyncadd.s32 $0xFFFFFFFF  }
0xa5: {  	s26 =	simm.s32 $execute0_lowered;
	[smem:$0x3FD2] =	sst s25  }
0xa6: {  	s5 =	sshll.u32 s26, $0x1;
	_ =	strace $0x80000049;
	[dreg:$0x1] =	wrdreg $0xFFFFFFFF  }
0xa7: {  	s28 =	simm.s32 $_size_execute0_lowered;
	s3 =	sadd.s32 s3, s5;
	[dreg:$0x0] =	wrdreg $0x0  }
0xa8: {  	s5 =	sshll.u32 s28, $0x1;
	[dreg:$0x2] =	wrdreg s3  }
0xa9: {  	[dreg:$0x3] =	wrdreg s5  }
0xaa: {  	[dreg:$0x4] =	wrdreg $0xC0  }
0xab: {  	_ =	task [dreg:s7], $0x5FFFF  }
0xac: {  	[dreg:$0x1] =	wrdreg $0xFFFFFFFF  }
0xad: {  	[dreg:$0x0] =	wrdreg $0x60  }
0xae: {  	[dreg:$0x2] =	wrdreg s24  }
0xaf: {  	[dreg:$0x3] =	wrdreg s2  }
0xb0: {  	[dreg:$0x4] =	wrdreg $0x9  }
0xb1: {  	_ =	task.clear_ibuf [dreg:s7], $0x5FFFF;
	_ =	strace $0x90000049  }
0xb2: {  	s29 =	simm.s32 $0x9;
	_ =	strace $0x8000004B  }
0xb3: {  	_ =	swait.ge [sflag:s29], $0x1  }
0xb4: {  	[sflag:s29] =	ssyncadd.s32 $0xFFFFFFFF  }
0xb5: {  	_ =	strace $0x9000004B  }
0xb6: {  	_ =	sfence  }
0xb7: {  	s30 =	sld [smem:$0x0];
	_ =	sdelay $0x2  }
0xb8: {  	s31 =	sshll.u32 s1, $0xD;
	s1 =	sshrl.u32 s1, $0x2  }
0xb9: {  	s3 =	sand.u32 $0x4000, s31;
	s1 =	sadd.s32 s1, s30  }
0xba: {  	s0 =	sor.u32 s3, s0;
	s1 =	sshll.u32 s1, $0x11  }
0xbb: {  	s0 =	sor.u32 s1, s0  }
0xbc: {  	s0 =	sadd.s32 $0x8F2B, s0  }
0xbd: {  	[sflag:s0] =	ssyncadd.remote.s32 $0x1  }
0xbe: {  	_ =	sfence.sel $0xFFFF  }
0xbf: {  	[dreg:$0x0] =	wrdreg $0xFFFFFFFF;
	(pc) =	sbr.abs _section_cstart, $3  }
0xc0: {  	[dreg:$0x1] =	wrdreg $0xFFFFFFFF  }
0xc1: {  	_ =	task.clear_ibuf [dreg:s7], $0x2FFFF;
	_ =	strace $0x9FFFFFFF  }
0xc2: {  	(tm) =	ssettm $0x7FFFFFFF  }
0xc3: {  	_ =	shalt  }
tec
execute0_lowered:
.L_overlay_start_1:
0x0: {  	(tag) =	ssettag $0x1  }
0x1: {  	s8 =	rddreg [dreg:$0x0]  }
0x2: {  	s7 =	rddreg [dreg:$0x1]  }
0x3: {  	s0 =	rddreg [dreg:$0x2]  }
0x4: {  	s3 =	srdreg.scid;
	s1 =	stileid.u32;
	s2 =	simm.s32 $0x0  }
0x5: {  	s13 =	simm.s32 $0x100;
	s14 =	simm.s32 $0x900;
	s15 =	simm.s32 $0x1100  }
0x6: {  	s16 =	simm.s32 $0x1900;
	s17 =	simm.s32 $0x1;
	s18 =	simm.s32 $0x1980  }
0x7: {  	s19 =	simm.s32 $0x2;
	s20 =	simm.s32 $0x9980;
	s21 =	simm.s32 $0x0  }
0x8: {  	s3 =	sand.u32 $0x1, s3;
	s4 =	sshll.u32 s1, $0x1;
	[smem:$0x7FF] =	sst s2  }
0x9: {  	s4 =	sor.u32 s3, s4;
	_ =	strace $0x8000004A;
	s3 =	ssub.s32 $0x2, s3  }
0xa: {  	s5 =	sshll.u32 s4, $0x4;
	s6 =	sshll.u32 s4, $0xC;
	s10 =	sshll.u32 s4, $0x8  }
0xb: {  	s31 =	sshrl.u32 s3, $0x1;
	s5 =	sadd.s32 s5, s8;
	s9 =	sadd.s32 s6, s8  }
0xc: {  	s11 =	sadd.s32 s10, s8;
	s12 =	ssub.s32 s3, s31;
	s7 =	sadd.s32 s7, s10  }
0xd: {  	s8 =	sadd.s32 $0x5808, s8;
	s3 =	sadd.s32 $0x5A00, s5;
	s4 =	sadd.s32 $0x5C00, s5  }
0xe: {  	s5 =	sadd.s32 $0x3800, s11;
	s6 =	sadd.s32 $0x1800, s11;
	s9 =	sadd.s32 $0x6000, s9  }
0xf: {  	v0 =	vimm.f32 $0.0e+00;
	s10 =	sadd.s32 $0x26000, s11;
	s11 =	smax.u32 s12, $0x1;
	s12 =	simm.s32 $0x80  }
.LBB2_1:
0x10: {  	[tilespmem:s2], [sflag:$0x1] =	stream.linear.gather [hbm4b:s3+s2], $0x80, $0x38;
	[tilespmem:$0xA180] =	vst v63  }
0x11: {  	_ = 	snop  }
0x12: {  	[tilespmem:s12], [sflag:$0x1] =	stream.linear.gather [hbm4b:s4+s2], $0x80, $0x38;
	[tilespmem:$0xA180] =	vst v63  }
0x13: {  	_ = 	snop  }
0x14: {  	[tilespmem:s13], [sflag:$0x1] =	stream.linear.gather [hbm4b:s5+s2], $0x800, $0x38;
	[tilespmem:$0xA180] =	vst v63  }
0x15: {  	_ = 	snop  }
0x16: {  	[tilespmem:s14], [sflag:$0x1] =	stream.linear.gather [hbm4b:s6+s2], $0x800, $0x38;
	[tilespmem:$0xA180] =	vst v63  }
0x17: {  	_ = 	snop  }
0x18: {  	[tilespmem:s15], [sflag:$0x1] =	stream.linear.gather [hbm4b:s7+s2], $0x800, $0x38;
	[tilespmem:$0xA180] =	vst v63  }
0x19: {  	s22 =	simm.s32 $0x1A80  }
0x1a: {  	[tilespmem:s16], [sflag:$0x1] =	stream.linear.gather [hbm4b:s8+s2], $0x40, $0x38;
	[tilespmem:$0xA180] =	vst v63  }
0x1b: {  	[tilespmem:s22+$0xFFFFFF00] =	vst v0  }
0x1c: {  	[tilespmem:s22+$0xF0] =	vst v0  }
0x1d: {  	[tilespmem:s22+$0xE0] =	vst v0  }
0x1e: {  	[tilespmem:s22+$0xD0] =	vst v0  }
0x1f: {  	[tilespmem:s22+$0xC0] =	vst v0  }
0x20: {  	[tilespmem:s22+$0xB0] =	vst v0  }
0x21: {  	[tilespmem:s22+$0xA0] =	vst v0  }
0x22: {  	[tilespmem:s22+$0x90] =	vst v0  }
0x23: {  	[tilespmem:s22+$0x80] =	vst v0  }
0x24: {  	[tilespmem:s22+$0x70] =	vst v0  }
0x25: {  	[tilespmem:s22+$0x60] =	vst v0  }
0x26: {  	[tilespmem:s22+$0x50] =	vst v0  }
0x27: {  	[tilespmem:s22+$0x40] =	vst v0  }
0x28: {  	[tilespmem:s22+$0x30] =	vst v0  }
0x29: {  	[tilespmem:s22+$0x20] =	vst v0  }
0x2a: {  	[tilespmem:s22+$0x10] =	vst v0  }
0x2b: {  	[tilespmem:s22+$0x0] =	vst v0  }
0x2c: {  	[tilespmem:s22+$0xFFFFFFF0] =	vst v0  }
0x2d: {  	[tilespmem:s22+$0xFFFFFFE0] =	vst v0  }
0x2e: {  	[tilespmem:s22+$0xFFFFFFD0] =	vst v0  }
0x2f: {  	[tilespmem:s22+$0xFFFFFFC0] =	vst v0  }
0x30: {  	[tilespmem:s22+$0xFFFFFFB0] =	vst v0  }
0x31: {  	[tilespmem:s22+$0xFFFFFFA0] =	vst v0  }
0x32: {  	[tilespmem:s22+$0xFFFFFF90] =	vst v0  }
0x33: {  	[tilespmem:s22+$0xFFFFFF80] =	vst v0  }
0x34: {  	[tilespmem:s22+$0xFFFFFF70] =	vst v0  }
0x35: {  	[tilespmem:s22+$0xFFFFFF60] =	vst v0  }
0x36: {  	[tilespmem:s22+$0xFFFFFF50] =	vst v0  }
0x37: {  	[tilespmem:s22+$0xFFFFFF40] =	vst v0  }
0x38: {  	[tilespmem:s22+$0xFFFFFF30] =	vst v0  }
0x39: {  	s23 =	simm.s32 $0x0;
	[tilespmem:s22+$0xFFFFFF20] =	vst v0  }
.LBB2_2:
0x3a: {  	s23 =	sadd.s32 $0x20, s23;
	[tilespmem:s22+$0xFFFFFF10] =	vst v0;
	s22 =	sadd.s32 $0x200, s22  }
0x3b: {  	[tilespmem:s22+$0xFFFFFF00] =	vst v0;
	p0 =	slt.u32 s23, $0x7E0  }
0x3c: {  	[tilespmem:s22+$0xF0] =	vst v0  }
0x3d: {  	[tilespmem:s22+$0xE0] =	vst v0  }
0x3e: {  	[tilespmem:s22+$0xD0] =	vst v0  }
0x3f: {  	[tilespmem:s22+$0xC0] =	vst v0  }
0x40: {  	[tilespmem:s22+$0xB0] =	vst v0  }
0x41: {  	[tilespmem:s22+$0xA0] =	vst v0  }
0x42: {  	[tilespmem:s22+$0x90] =	vst v0  }
0x43: {  	[tilespmem:s22+$0x80] =	vst v0  }
0x44: {  	[tilespmem:s22+$0x70] =	vst v0  }
0x45: {  	[tilespmem:s22+$0x60] =	vst v0  }
0x46: {  	[tilespmem:s22+$0x50] =	vst v0  }
0x47: {  	[tilespmem:s22+$0x40] =	vst v0  }
0x48: {  	[tilespmem:s22+$0x30] =	vst v0  }
0x49: {  	[tilespmem:s22+$0x20] =	vst v0  }
0x4a: {  	[tilespmem:s22+$0x10] =	vst v0  }
0x4b: {  	[tilespmem:s22+$0x0] =	vst v0  }
0x4c: {  	[tilespmem:s22+$0xFFFFFFF0] =	vst v0  }
0x4d: {  	[tilespmem:s22+$0xFFFFFFE0] =	vst v0  }
0x4e: {  	[tilespmem:s22+$0xFFFFFFD0] =	vst v0  }
0x4f: {  	[tilespmem:s22+$0xFFFFFFC0] =	vst v0  }
0x50: {  	[tilespmem:s22+$0xFFFFFFB0] =	vst v0  }
0x51: {  	[tilespmem:s22+$0xFFFFFFA0] =	vst v0  }
0x52: {  	[tilespmem:s22+$0xFFFFFF90] =	vst v0  }
0x53: {  	[tilespmem:s22+$0xFFFFFF80] =	vst v0  }
0x54: {  	[tilespmem:s22+$0xFFFFFF70] =	vst v0  }
.Ltmp0:
0x55: {  	[tilespmem:s22+$0xFFFFFF60] =	vst v0;
	(pc) =	sbr.rel @p0 .LBB2_2-.Ltmp0, $4  }
0x56: {  	[tilespmem:s22+$0xFFFFFF50] =	vst v0  }
0x57: {  	[tilespmem:s22+$0xFFFFFF40] =	vst v0  }
0x58: {  	[tilespmem:s22+$0xFFFFFF30] =	vst v0  }
0x59: {  	[tilespmem:s22+$0xFFFFFF20] =	vst v0  }
0x5a: {  	[tilespmem:s22+$0xFFFFFF10] =	vst v0  }
0x5b: {  	_ =	swait.ge [sflag:s17], $0x80  }
0x5c: {  	[sflag:s17] =	ssyncset.done $0x0  }
0x5d: {  	[sflag:s17] =	ssyncadd.s32 $0xFFFFFF80  }
0x5e: {  	_ =	swait.ge [sflag:s17], $0x80  }
0x5f: {  	[sflag:s17] =	ssyncset.done $0x0  }
0x60: {  	[sflag:s17] =	ssyncadd.s32 $0xFFFFFF80  }
0x61: {  	_ =	swait.ge [sflag:s17], $0x800  }
0x62: {  	[sflag:s17] =	ssyncset.done $0x0  }
0x63: {  	[sflag:s17] =	ssyncadd.s32 $0xFFFFF800  }
0x64: {  	_ =	swait.ge [sflag:s17], $0x800  }
0x65: {  	[sflag:s17] =	ssyncset.done $0x0  }
0x66: {  	[sflag:s17] =	ssyncadd.s32 $0xFFFFF800  }
0x67: {  	_ =	swait.ge [sflag:s17], $0x800  }
0x68: {  	[sflag:s17] =	ssyncset.done $0x0  }
0x69: {  	[sflag:s17] =	ssyncadd.s32 $0xFFFFF800  }
0x6a: {  	s22 =	simm.s32 $0xFFFFFFF8;
	_ =	swait.ge [sflag:s17], $0x40  }
0x6b: {  	s23 =	simm.s32 $0x140;
	s24 =	simm.s32 $0x940;
	[sflag:s17] =	ssyncset.done $0x0  }
0x6c: {  	s25 =	simm.s32 $0x1140;
	s26 =	simm.s32 $0x99C0;
	[sflag:s17] =	ssyncadd.s32 $0xFFFFFFC0  }
.LBB2_4:
0x6d: {  	v1 =	vld [tilespmem:s23+$0xFFFFFFC0]  }
0x6e: {  	v2 =	vld [tilespmem:s24+$0xFFFFFFC0];
	_ =	sdelay $0x3  }
0x6f: {  	v3 =	vand.u32 $0x7F, v1  }
0x70: {  	v2 =	vand.u32 $0x7F, v2;
	_ =	sdelay $0x3  }
0x71: {  	v3 =	vld.idx.msk [tilespmem:v3+s2+$0x0], $0xffff  }
0x72: {  	v4 =	vld.idx.msk [tilespmem:v2+s12+$0x0], $0xffff;
	_ =	sdelay $0x4  }
0x73: {  	v3 =	vadd.f32 v4, v3;
	_ =	sdelay $0x1  }
0x74: {  	v3 =	vsub.f32 $0.0e+00, v3;
	_ =	sdelay $0x1  }
0x75: {  	v3 =	vmul.f32 $1.442695020e+00, v3;
	_ =	sdelay $0x1  }
0x76: {  	(erf) = vpow2.f32 v3;
	_ =	sdelay $0x8  }
0x77: {  	v3 =	vpop (erf)  }
0x78: {  	v3 =	vadd.f32 $1.000000000e+00, v3;
	_ =	sdelay $0x1  }
0x79: {  	(erf) = vrcp.f32 v3  }
0x7a: {  	v3 =	vld [tilespmem:s25+$0xFFFFFFC0];
	_ =	sdelay $0x4  }
0x7b: {  	v3 =	vshll.u32 v3, $0x2;
	_ =	sdelay $0x2  }
0x7c: {  	v26 =	vpop (erf)  }
0x7d: {  	[tilespmem:s26+$0xFFFFFFC0] =	vst v26  }
0x7e: {  	v5 =	vld.idx.msk [tilespmem:v3+s16+$0x0], $0xffff  }
0x7f: {  	v1 =	vand.u32 $0x3F, v1;
	v2 =	vshll.u32 v2, $0x8  }
0x80: {  	v1 =	vor.u32 v1, v2  }
0x81: {  	v2 =	vor.u32 $0x1, v3;
	_ =	sdelay $0x1  }
0x82: {  	v5 =	vmul.f32 v26, v5;
	_ =	sdelay $0x1  }
0x83: {  	[tilespmem:v1+s18+$0x0] =	vst.idx.add.f32.msk $0xffff, v5  }
0x84: {  	v2 =	vld.idx.msk [tilespmem:v2+s16+$0x0], $0xffff;
	_ =	sdelay $0x1  }
0x85: {  	v27 =	vor.u32 $0x40, v1  }
0x86: {  	v6 =	vor.u32 $0x2, v3;
	_ =	sdelay $0x1  }
0x87: {  	v2 =	vmul.f32 v26, v2;
	_ =	sdelay $0x1  }
0x88: {  	[tilespmem:v27+s18+$0x0] =	vst.idx.add.f32.msk $0xffff, v2  }
0x89: {  	v2 =	vld.idx.msk [tilespmem:v6+s16+$0x0], $0xffff;
	_ =	sdelay $0x1  }
0x8a: {  	v28 =	vor.u32 $0x80, v1  }
0x8b: {  	v3 =	vor.u32 $0x3, v3;
	_ =	sdelay $0x1  }
0x8c: {  	v2 =	vmul.f32 v2, v26;
	_ =	sdelay $0x1  }
0x8d: {  	[tilespmem:v28+s18+$0x0] =	vst.idx.add.f32.msk $0xffff, v2  }
0x8e: {  	v2 =	vld.idx.msk [tilespmem:v3+s16+$0x0], $0xffff;
	_ =	sdelay $0x1  }
0x8f: {  	v1 =	vor.u32 $0xC0, v1;
	_ =	sdelay $0x2  }
0x90: {  	v2 =	vmul.f32 v2, v26;
	_ =	sdelay $0x1  }
0x91: {  	[tilespmem:v1+s18+$0x0] =	vst.idx.add.f32.msk $0xffff, v2  }
0x92: {  	v1 =	vld [tilespmem:s23+$0xFFFFFFD0]  }
0x93: {  	v2 =	vld [tilespmem:s24+$0xFFFFFFD0];
	_ =	sdelay $0x3  }
0x94: {  	v3 =	vand.u32 $0x7F, v1  }
0x95: {  	v2 =	vand.u32 $0x7F, v2;
	_ =	sdelay $0x3  }
0x96: {  	v3 =	vld.idx.msk [tilespmem:v3+s2+$0x0], $0xffff  }
0x97: {  	v29 =	vld.idx.msk [tilespmem:v2+s12+$0x0], $0xffff;
	_ =	sdelay $0x4  }
0x98: {  	v3 =	vadd.f32 v29, v3;
	_ =	sdelay $0x1  }
0x99: {  	v3 =	vsub.f32 $0.0e+00, v3;
	_ =	sdelay $0x1  }
0x9a: {  	v3 =	vmul.f32 $1.442695020e+00, v3;
	_ =	sdelay $0x1  }
0x9b: {  	(erf) = vpow2.f32 v3;
	_ =	sdelay $0x8  }
0x9c: {  	v3 =	vpop (erf)  }
0x9d: {  	v3 =	vadd.f32 $1.000000000e+00, v3;
	_ =	sdelay $0x1  }
0x9e: {  	(erf) = vrcp.f32 v3  }
0x9f: {  	v3 =	vld [tilespmem:s25+$0xFFFFFFD0];
	_ =	sdelay $0x4  }
0xa0: {  	v3 =	vshll.u32 v3, $0x2;
	_ =	sdelay $0x2  }
0xa1: {  	v30 =	vpop (erf)  }
0xa2: {  	[tilespmem:s26+$0xFFFFFFD0] =	vst v30  }
0xa3: {  	v5 =	vld.idx.msk [tilespmem:v3+s16+$0x0], $0xffff  }
0xa4: {  	v1 =	vand.u32 $0x3F, v1;
	v2 =	vshll.u32 v2, $0x8  }
0xa5: {  	v1 =	vor.u32 v1, v2  }
0xa6: {  	v2 =	vor.u32 $0x1, v3;
	_ =	sdelay $0x1  }
0xa7: {  	v5 =	vmul.f32 v30, v5;
	_ =	sdelay $0x1  }
0xa8: {  	[tilespmem:v1+s18+$0x0] =	vst.idx.add.f32.msk $0xffff, v5  }
0xa9: {  	v2 =	vld.idx.msk [tilespmem:v2+s16+$0x0], $0xffff;
	_ =	sdelay $0x1  }
0xaa: {  	v31 =	vor.u32 $0x40, v1  }
0xab: {  	v32 =	vor.u32 $0x2, v3;
	_ =	sdelay $0x1  }
0xac: {  	v2 =	vmul.f32 v30, v2;
	_ =	sdelay $0x1  }
0xad: {  	[tilespmem:v31+s18+$0x0] =	vst.idx.add.f32.msk $0xffff, v2  }
0xae: {  	v2 =	vld.idx.msk [tilespmem:v32+s16+$0x0], $0xffff;
	_ =	sdelay $0x1  }
0xaf: {  	v33 =	vor.u32 $0x80, v1  }
0xb0: {  	v3 =	vor.u32 $0x3, v3;
	_ =	sdelay $0x1  }
0xb1: {  	v2 =	vmul.f32 v2, v30;
	_ =	sdelay $0x1  }
0xb2: {  	[tilespmem:v33+s18+$0x0] =	vst.idx.add.f32.msk $0xffff, v2  }
0xb3: {  	v2 =	vld.idx.msk [tilespmem:v3+s16+$0x0], $0xffff;
	_ =	sdelay $0x1  }
0xb4: {  	v1 =	vor.u32 $0xC0, v1;
	_ =	sdelay $0x2  }
0xb5: {  	v2 =	vmul.f32 v2, v30;
	_ =	sdelay $0x1  }
0xb6: {  	[tilespmem:v1+s18+$0x0] =	vst.idx.add.f32.msk $0xffff, v2  }
0xb7: {  	v1 =	vld [tilespmem:s23+$0xFFFFFFE0]  }
0xb8: {  	v2 =	vld [tilespmem:s24+$0xFFFFFFE0];
	_ =	sdelay $0x3  }
0xb9: {  	v3 =	vand.u32 $0x7F, v1  }
0xba: {  	v2 =	vand.u32 $0x7F, v2;
	_ =	sdelay $0x3  }
0xbb: {  	v3 =	vld.idx.msk [tilespmem:v3+s2+$0x0], $0xffff  }
0xbc: {  	v34 =	vld.idx.msk [tilespmem:v2+s12+$0x0], $0xffff;
	_ =	sdelay $0x4  }
0xbd: {  	v3 =	vadd.f32 v34, v3;
	_ =	sdelay $0x1  }
0xbe: {  	v3 =	vsub.f32 $0.0e+00, v3;
	_ =	sdelay $0x1  }
0xbf: {  	v3 =	vmul.f32 $1.442695020e+00, v3;
	_ =	sdelay $0x1  }
0xc0: {  	(erf) = vpow2.f32 v3;
	_ =	sdelay $0x8  }
0xc1: {  	v3 =	vpop (erf)  }
0xc2: {  	v3 =	vadd.f32 $1.000000000e+00, v3;
	_ =	sdelay $0x1  }
0xc3: {  	(erf) = vrcp.f32 v3  }
0xc4: {  	v3 =	vld [tilespmem:s25+$0xFFFFFFE0];
	_ =	sdelay $0x4  }
0xc5: {  	v3 =	vshll.u32 v3, $0x2;
	_ =	sdelay $0x2  }
0xc6: {  	v35 =	vpop (erf)  }
0xc7: {  	[tilespmem:s26+$0xFFFFFFE0] =	vst v35  }
0xc8: {  	v5 =	vld.idx.msk [tilespmem:v3+s16+$0x0], $0xffff  }
0xc9: {  	v1 =	vand.u32 $0x3F, v1;
	v2 =	vshll.u32 v2, $0x8  }
0xca: {  	v1 =	vor.u32 v1, v2  }
0xcb: {  	v2 =	vor.u32 $0x1, v3;
	_ =	sdelay $0x1  }
0xcc: {  	v5 =	vmul.f32 v35, v5;
	_ =	sdelay $0x1  }
0xcd: {  	[tilespmem:v1+s18+$0x0] =	vst.idx.add.f32.msk $0xffff, v5  }
0xce: {  	v2 =	vld.idx.msk [tilespmem:v2+s16+$0x0], $0xffff;
	_ =	sdelay $0x1  }
0xcf: {  	v36 =	vor.u32 $0x40, v1  }
0xd0: {  	v37 =	vor.u32 $0x2, v3;
	_ =	sdelay $0x1  }
0xd1: {  	v2 =	vmul.f32 v35, v2;
	_ =	sdelay $0x1  }
0xd2: {  	[tilespmem:v36+s18+$0x0] =	vst.idx.add.f32.msk $0xffff, v2  }
0xd3: {  	v2 =	vld.idx.msk [tilespmem:v37+s16+$0x0], $0xffff;
	_ =	sdelay $0x1  }
0xd4: {  	v38 =	vor.u32 $0x80, v1  }
0xd5: {  	v3 =	vor.u32 $0x3, v3;
	_ =	sdelay $0x1  }
0xd6: {  	v2 =	vmul.f32 v2, v35;
	_ =	sdelay $0x1  }
0xd7: {  	[tilespmem:v38+s18+$0x0] =	vst.idx.add.f32.msk $0xffff, v2  }
0xd8: {  	v2 =	vld.idx.msk [tilespmem:v3+s16+$0x0], $0xffff;
	_ =	sdelay $0x1  }
0xd9: {  	v1 =	vor.u32 $0xC0, v1;
	_ =	sdelay $0x2  }
0xda: {  	v2 =	vmul.f32 v2, v35;
	_ =	sdelay $0x1  }
0xdb: {  	[tilespmem:v1+s18+$0x0] =	vst.idx.add.f32.msk $0xffff, v2  }
0xdc: {  	v1 =	vld [tilespmem:s23+$0xFFFFFFF0]  }
0xdd: {  	v2 =	vld [tilespmem:s24+$0xFFFFFFF0];
	_ =	sdelay $0x3  }
0xde: {  	v3 =	vand.u32 $0x7F, v1  }
0xdf: {  	v2 =	vand.u32 $0x7F, v2;
	_ =	sdelay $0x3  }
0xe0: {  	v3 =	vld.idx.msk [tilespmem:v3+s2+$0x0], $0xffff  }
0xe1: {  	v39 =	vld.idx.msk [tilespmem:v2+s12+$0x0], $0xffff;
	_ =	sdelay $0x4  }
0xe2: {  	v3 =	vadd.f32 v39, v3;
	_ =	sdelay $0x1  }
0xe3: {  	v3 =	vsub.f32 $0.0e+00, v3;
	_ =	sdelay $0x1  }
0xe4: {  	v3 =	vmul.f32 $1.442695020e+00, v3;
	_ =	sdelay $0x1  }
0xe5: {  	(erf) = vpow2.f32 v3;
	_ =	sdelay $0x8  }
0xe6: {  	v3 =	vpop (erf)  }
0xe7: {  	v3 =	vadd.f32 $1.000000000e+00, v3;
	_ =	sdelay $0x1  }
0xe8: {  	(erf) = vrcp.f32 v3  }
0xe9: {  	v3 =	vld [tilespmem:s25+$0xFFFFFFF0];
	_ =	sdelay $0x4  }
0xea: {  	v3 =	vshll.u32 v3, $0x2;
	_ =	sdelay $0x2  }
0xeb: {  	v40 =	vpop (erf)  }
0xec: {  	[tilespmem:s26+$0xFFFFFFF0] =	vst v40  }
0xed: {  	v5 =	vld.idx.msk [tilespmem:v3+s16+$0x0], $0xffff  }
0xee: {  	v1 =	vand.u32 $0x3F, v1;
	v2 =	vshll.u32 v2, $0x8  }
0xef: {  	v1 =	vor.u32 v1, v2  }
0xf0: {  	v2 =	vor.u32 $0x1, v3;
	_ =	sdelay $0x1  }
0xf1: {  	v5 =	vmul.f32 v40, v5;
	_ =	sdelay $0x1  }
0xf2: {  	[tilespmem:v1+s18+$0x0] =	vst.idx.add.f32.msk $0xffff, v5  }
0xf3: {  	v2 =	vld.idx.msk [tilespmem:v2+s16+$0x0], $0xffff;
	_ =	sdelay $0x1  }
0xf4: {  	v41 =	vor.u32 $0x40, v1  }
0xf5: {  	v42 =	vor.u32 $0x2, v3;
	_ =	sdelay $0x1  }
0xf6: {  	v2 =	vmul.f32 v40, v2;
	_ =	sdelay $0x1  }
0xf7: {  	[tilespmem:v41+s18+$0x0] =	vst.idx.add.f32.msk $0xffff, v2  }
0xf8: {  	v2 =	vld.idx.msk [tilespmem:v42+s16+$0x0], $0xffff;
	_ =	sdelay $0x1  }
0xf9: {  	v43 =	vor.u32 $0x80, v1  }
0xfa: {  	v3 =	vor.u32 $0x3, v3;
	_ =	sdelay $0x1  }
0xfb: {  	v2 =	vmul.f32 v2, v40;
	_ =	sdelay $0x1  }
0xfc: {  	[tilespmem:v43+s18+$0x0] =	vst.idx.add.f32.msk $0xffff, v2  }
0xfd: {  	v2 =	vld.idx.msk [tilespmem:v3+s16+$0x0], $0xffff;
	_ =	sdelay $0x1  }
0xfe: {  	v1 =	vor.u32 $0xC0, v1;
	_ =	sdelay $0x2  }
0xff: {  	v2 =	vmul.f32 v2, v40;
	_ =	sdelay $0x1  }
0x100: {  	[tilespmem:v1+s18+$0x0] =	vst.idx.add.f32.msk $0xffff, v2  }
0x101: {  	v1 =	vld [tilespmem:s23+$0x0]  }
0x102: {  	v2 =	vld [tilespmem:s24+$0x0];
	_ =	sdelay $0x3  }
0x103: {  	v3 =	vand.u32 $0x7F, v1  }
0x104: {  	v2 =	vand.u32 $0x7F, v2;
	_ =	sdelay $0x3  }
0x105: {  	v3 =	vld.idx.msk [tilespmem:v3+s2+$0x0], $0xffff  }
0x106: {  	v44 =	vld.idx.msk [tilespmem:v2+s12+$0x0], $0xffff;
	_ =	sdelay $0x4  }
0x107: {  	v3 =	vadd.f32 v44, v3;
	_ =	sdelay $0x1  }
0x108: {  	v3 =	vsub.f32 $0.0e+00, v3;
	_ =	sdelay $0x1  }
0x109: {  	v3 =	vmul.f32 $1.442695020e+00, v3;
	_ =	sdelay $0x1  }
0x10a: {  	(erf) = vpow2.f32 v3;
	_ =	sdelay $0x8  }
0x10b: {  	v3 =	vpop (erf)  }
0x10c: {  	v3 =	vadd.f32 $1.000000000e+00, v3;
	_ =	sdelay $0x1  }
0x10d: {  	(erf) = vrcp.f32 v3  }
0x10e: {  	v3 =	vld [tilespmem:s25+$0x0];
	_ =	sdelay $0x4  }
0x10f: {  	v3 =	vshll.u32 v3, $0x2;
	_ =	sdelay $0x2  }
0x110: {  	v45 =	vpop (erf)  }
0x111: {  	[tilespmem:s26+$0x0] =	vst v45  }
0x112: {  	v5 =	vld.idx.msk [tilespmem:v3+s16+$0x0], $0xffff  }
0x113: {  	v1 =	vand.u32 $0x3F, v1;
	v2 =	vshll.u32 v2, $0x8  }
0x114: {  	v1 =	vor.u32 v1, v2  }
0x115: {  	v2 =	vor.u32 $0x1, v3;
	_ =	sdelay $0x1  }
0x116: {  	v5 =	vmul.f32 v45, v5;
	_ =	sdelay $0x1  }
0x117: {  	[tilespmem:v1+s18+$0x0] =	vst.idx.add.f32.msk $0xffff, v5  }
0x118: {  	v2 =	vld.idx.msk [tilespmem:v2+s16+$0x0], $0xffff;
	_ =	sdelay $0x1  }
0x119: {  	v46 =	vor.u32 $0x40, v1  }
0x11a: {  	v47 =	vor.u32 $0x2, v3;
	_ =	sdelay $0x1  }
0x11b: {  	v2 =	vmul.f32 v45, v2;
	_ =	sdelay $0x1  }
0x11c: {  	[tilespmem:v46+s18+$0x0] =	vst.idx.add.f32.msk $0xffff, v2  }
0x11d: {  	v2 =	vld.idx.msk [tilespmem:v47+s16+$0x0], $0xffff;
	_ =	sdelay $0x1  }
0x11e: {  	v48 =	vor.u32 $0x80, v1  }
0x11f: {  	v3 =	vor.u32 $0x3, v3;
	_ =	sdelay $0x1  }
0x120: {  	v2 =	vmul.f32 v2, v45;
	_ =	sdelay $0x1  }
0x121: {  	[tilespmem:v48+s18+$0x0] =	vst.idx.add.f32.msk $0xffff, v2  }
0x122: {  	v2 =	vld.idx.msk [tilespmem:v3+s16+$0x0], $0xffff;
	_ =	sdelay $0x1  }
0x123: {  	v1 =	vor.u32 $0xC0, v1;
	_ =	sdelay $0x2  }
0x124: {  	v2 =	vmul.f32 v2, v45;
	_ =	sdelay $0x1  }
0x125: {  	[tilespmem:v1+s18+$0x0] =	vst.idx.add.f32.msk $0xffff, v2  }
0x126: {  	v1 =	vld [tilespmem:s23+$0x10]  }
0x127: {  	v2 =	vld [tilespmem:s24+$0x10];
	_ =	sdelay $0x3  }
0x128: {  	v3 =	vand.u32 $0x7F, v1  }
0x129: {  	v2 =	vand.u32 $0x7F, v2;
	_ =	sdelay $0x3  }
0x12a: {  	v3 =	vld.idx.msk [tilespmem:v3+s2+$0x0], $0xffff  }
0x12b: {  	v49 =	vld.idx.msk [tilespmem:v2+s12+$0x0], $0xffff;
	_ =	sdelay $0x4  }
0x12c: {  	v3 =	vadd.f32 v49, v3;
	_ =	sdelay $0x1  }
0x12d: {  	v3 =	vsub.f32 $0.0e+00, v3;
	_ =	sdelay $0x1  }
0x12e: {  	v3 =	vmul.f32 $1.442695020e+00, v3;
	_ =	sdelay $0x1  }
0x12f: {  	(erf) = vpow2.f32 v3;
	_ =	sdelay $0x8  }
0x130: {  	v3 =	vpop (erf)  }
0x131: {  	v3 =	vadd.f32 $1.000000000e+00, v3;
	_ =	sdelay $0x1  }
0x132: {  	(erf) = vrcp.f32 v3  }
0x133: {  	v3 =	vld [tilespmem:s25+$0x10];
	_ =	sdelay $0x4  }
0x134: {  	v3 =	vshll.u32 v3, $0x2;
	_ =	sdelay $0x2  }
0x135: {  	v50 =	vpop (erf)  }
0x136: {  	[tilespmem:s26+$0x10] =	vst v50  }
0x137: {  	v5 =	vld.idx.msk [tilespmem:v3+s16+$0x0], $0xffff  }
0x138: {  	v1 =	vand.u32 $0x3F, v1;
	v2 =	vshll.u32 v2, $0x8  }
0x139: {  	v1 =	vor.u32 v1, v2  }
0x13a: {  	v2 =	vor.u32 $0x1, v3;
	_ =	sdelay $0x1  }
0x13b: {  	v5 =	vmul.f32 v50, v5;
	_ =	sdelay $0x1  }
0x13c: {  	[tilespmem:v1+s18+$0x0] =	vst.idx.add.f32.msk $0xffff, v5  }
0x13d: {  	v2 =	vld.idx.msk [tilespmem:v2+s16+$0x0], $0xffff;
	_ =	sdelay $0x1  }
0x13e: {  	v51 =	vor.u32 $0x40, v1  }
0x13f: {  	v52 =	vor.u32 $0x2, v3;
	_ =	sdelay $0x1  }
0x140: {  	v2 =	vmul.f32 v50, v2;
	_ =	sdelay $0x1  }
0x141: {  	[tilespmem:v51+s18+$0x0] =	vst.idx.add.f32.msk $0xffff, v2  }
0x142: {  	v2 =	vld.idx.msk [tilespmem:v52+s16+$0x0], $0xffff;
	_ =	sdelay $0x1  }
0x143: {  	v53 =	vor.u32 $0x80, v1  }
0x144: {  	v3 =	vor.u32 $0x3, v3;
	_ =	sdelay $0x1  }
0x145: {  	v2 =	vmul.f32 v2, v50;
	_ =	sdelay $0x1  }
0x146: {  	[tilespmem:v53+s18+$0x0] =	vst.idx.add.f32.msk $0xffff, v2  }
0x147: {  	v2 =	vld.idx.msk [tilespmem:v3+s16+$0x0], $0xffff;
	_ =	sdelay $0x1  }
0x148: {  	v1 =	vor.u32 $0xC0, v1;
	_ =	sdelay $0x2  }
0x149: {  	v2 =	vmul.f32 v2, v50;
	_ =	sdelay $0x1  }
0x14a: {  	[tilespmem:v1+s18+$0x0] =	vst.idx.add.f32.msk $0xffff, v2  }
0x14b: {  	v1 =	vld [tilespmem:s23+$0x20]  }
0x14c: {  	v2 =	vld [tilespmem:s24+$0x20];
	_ =	sdelay $0x3  }
0x14d: {  	v3 =	vand.u32 $0x7F, v1  }
0x14e: {  	v2 =	vand.u32 $0x7F, v2;
	_ =	sdelay $0x3  }
0x14f: {  	v3 =	vld.idx.msk [tilespmem:v3+s2+$0x0], $0xffff  }
0x150: {  	v54 =	vld.idx.msk [tilespmem:v2+s12+$0x0], $0xffff;
	_ =	sdelay $0x4  }
0x151: {  	v3 =	vadd.f32 v54, v3;
	_ =	sdelay $0x1  }
0x152: {  	v3 =	vsub.f32 $0.0e+00, v3;
	_ =	sdelay $0x1  }
0x153: {  	v3 =	vmul.f32 $1.442695020e+00, v3;
	_ =	sdelay $0x1  }
0x154: {  	(erf) = vpow2.f32 v3;
	_ =	sdelay $0x8  }
0x155: {  	v3 =	vpop (erf)  }
0x156: {  	v3 =	vadd.f32 $1.000000000e+00, v3;
	_ =	sdelay $0x1  }
0x157: {  	(erf) = vrcp.f32 v3  }
0x158: {  	v3 =	vld [tilespmem:s25+$0x20];
	_ =	sdelay $0x4  }
0x159: {  	v3 =	vshll.u32 v3, $0x2;
	_ =	sdelay $0x2  }
0x15a: {  	v55 =	vpop (erf)  }
0x15b: {  	[tilespmem:s26+$0x20] =	vst v55  }
0x15c: {  	v5 =	vld.idx.msk [tilespmem:v3+s16+$0x0], $0xffff  }
0x15d: {  	v1 =	vand.u32 $0x3F, v1;
	v2 =	vshll.u32 v2, $0x8  }
0x15e: {  	v1 =	vor.u32 v1, v2  }
0x15f: {  	v2 =	vor.u32 $0x1, v3;
	_ =	sdelay $0x1  }
0x160: {  	v5 =	vmul.f32 v55, v5;
	_ =	sdelay $0x1  }
0x161: {  	[tilespmem:v1+s18+$0x0] =	vst.idx.add.f32.msk $0xffff, v5  }
0x162: {  	v2 =	vld.idx.msk [tilespmem:v2+s16+$0x0], $0xffff;
	_ =	sdelay $0x1  }
0x163: {  	v56 =	vor.u32 $0x40, v1  }
0x164: {  	v57 =	vor.u32 $0x2, v3;
	_ =	sdelay $0x1  }
0x165: {  	v2 =	vmul.f32 v55, v2;
	_ =	sdelay $0x1  }
0x166: {  	[tilespmem:v56+s18+$0x0] =	vst.idx.add.f32.msk $0xffff, v2  }
0x167: {  	v2 =	vld.idx.msk [tilespmem:v57+s16+$0x0], $0xffff;
	_ =	sdelay $0x1  }
0x168: {  	v58 =	vor.u32 $0x80, v1  }
0x169: {  	v3 =	vor.u32 $0x3, v3;
	_ =	sdelay $0x1  }
0x16a: {  	v2 =	vmul.f32 v2, v55;
	_ =	sdelay $0x1  }
0x16b: {  	[tilespmem:v58+s18+$0x0] =	vst.idx.add.f32.msk $0xffff, v2  }
0x16c: {  	v2 =	vld.idx.msk [tilespmem:v3+s16+$0x0], $0xffff;
	_ =	sdelay $0x1  }
0x16d: {  	v1 =	vor.u32 $0xC0, v1;
	_ =	sdelay $0x2  }
0x16e: {  	v2 =	vmul.f32 v2, v55;
	_ =	sdelay $0x1  }
0x16f: {  	[tilespmem:v1+s18+$0x0] =	vst.idx.add.f32.msk $0xffff, v2  }
0x170: {  	v1 =	vld [tilespmem:s23+$0x30]  }
0x171: {  	v2 =	vld [tilespmem:s24+$0x30];
	_ =	sdelay $0x3  }
0x172: {  	v3 =	vand.u32 $0x7F, v1  }
0x173: {  	v2 =	vand.u32 $0x7F, v2;
	_ =	sdelay $0x3  }
0x174: {  	v3 =	vld.idx.msk [tilespmem:v3+s2+$0x0], $0xffff  }
0x175: {  	v59 =	vld.idx.msk [tilespmem:v2+s12+$0x0], $0xffff;
	_ =	sdelay $0x4  }
0x176: {  	v3 =	vadd.f32 v59, v3;
	_ =	sdelay $0x1  }
0x177: {  	v3 =	vsub.f32 $0.0e+00, v3;
	_ =	sdelay $0x1  }
0x178: {  	v3 =	vmul.f32 $1.442695020e+00, v3;
	_ =	sdelay $0x1  }
0x179: {  	(erf) = vpow2.f32 v3;
	_ =	sdelay $0x8  }
0x17a: {  	v3 =	vpop (erf)  }
0x17b: {  	v3 =	vadd.f32 $1.000000000e+00, v3;
	_ =	sdelay $0x1  }
0x17c: {  	(erf) = vrcp.f32 v3  }
0x17d: {  	v3 =	vld [tilespmem:s25+$0x30];
	_ =	sdelay $0x4  }
0x17e: {  	v3 =	vshll.u32 v3, $0x2;
	_ =	sdelay $0x2  }
0x17f: {  	v60 =	vpop (erf)  }
0x180: {  	[tilespmem:s26+$0x30] =	vst v60  }
0x181: {  	v5 =	vld.idx.msk [tilespmem:v3+s16+$0x0], $0xffff  }
0x182: {  	v1 =	vand.u32 $0x3F, v1;
	v2 =	vshll.u32 v2, $0x8  }
0x183: {  	v1 =	vor.u32 v1, v2  }
0x184: {  	v2 =	vor.u32 $0x1, v3;
	_ =	sdelay $0x1  }
0x185: {  	v5 =	vmul.f32 v60, v5;
	_ =	sdelay $0x1  }
0x186: {  	[tilespmem:v1+s18+$0x0] =	vst.idx.add.f32.msk $0xffff, v5  }
0x187: {  	v2 =	vld.idx.msk [tilespmem:v2+s16+$0x0], $0xffff;
	_ =	sdelay $0x1  }
0x188: {  	v61 =	vor.u32 $0x40, v1  }
0x189: {  	v62 =	vor.u32 $0x2, v3;
	_ =	sdelay $0x1  }
0x18a: {  	v2 =	vmul.f32 v60, v2;
	_ =	sdelay $0x1  }
0x18b: {  	[tilespmem:v61+s18+$0x0] =	vst.idx.add.f32.msk $0xffff, v2  }
0x18c: {  	v2 =	vld.idx.msk [tilespmem:v62+s16+$0x0], $0xffff;
	_ =	sdelay $0x1  }
0x18d: {  	v63 =	vor.u32 $0x80, v1  }
0x18e: {  	v3 =	vor.u32 $0x3, v3;
	_ =	sdelay $0x1  }
0x18f: {  	v2 =	vmul.f32 v2, v60;
	_ =	sdelay $0x1  }
0x190: {  	[tilespmem:v63+s18+$0x0] =	vst.idx.add.f32.msk $0xffff, v2  }
0x191: {  	v2 =	vld.idx.msk [tilespmem:v3+s16+$0x0], $0xffff  }
0x192: {  	s22 =	sadd.s32 $0x8, s22  }
0x193: {  	p0 =	slt.u32 s22, $0x78;
	v1 =	vor.u32 $0xC0, v1  }
.Ltmp1:
0x194: {  	_ = 	snop;
	(pc) =	sbr.rel @p0 .LBB2_4-.Ltmp1, $4  }
0x195: {  	_ = 	snop  }
0x196: {  	v2 =	vmul.f32 v2, v60  }
0x197: {  	s23 =	sadd.s32 $0x80, s23  }
0x198: {  	s24 =	sadd.s32 $0x80, s24;
	s25 =	sadd.s32 $0x80, s25;
	s26 =	sadd.s32 $0x80, s26;
	[tilespmem:v1+s18+$0x0] =	vst.idx.add.f32.msk $0xffff, v2  }
0x199: {  	[hbm4b:s9+s2] =	stream.linear.scatter [tilespmem:s18], [sflag:$0x2], $0x8000, $0x38;
	[tilespmem:$0xA180] =	vst v63  }
0x19a: {  	s21 =	sadd.s32 $0x1, s21;
	_ =	swait.ge [sflag:s19], $0x8000  }
0x19b: {  	p0 =	sne.s32 s21, s11;
	[sflag:s19] =	ssyncset.done $0x0  }
.Ltmp2:
0x19c: {  	[sflag:s19] =	ssyncadd.s32 $0xFFFF8000;
	(pc) =	sbr.rel @p0 .LBB2_1-.Ltmp2, $4  }
0x19d: {  	[hbm4b:s10+s2] =	stream.linear.scatter [tilespmem:s20], [sflag:$0x2], $0x800, $0x38;
	[tilespmem:$0xA180] =	vst v63  }
0x19e: {  	_ =	swait.ge [sflag:s19], $0x800  }
0x19f: {  	[sflag:s19] =	ssyncset.done $0x0  }
0x1a0: {  	[sflag:s19] =	ssyncadd.s32 $0xFFFFF800  }
0x1a1: {  	_ =	sfence.sel $0x180000  }
0x1a2: {  	[bflag:$0x0] =	sbarrier.arrive $0xFFFF  }
0x1a3: {  	p0 =	sne.s32 s1, $0x0;
	_ =	strace $0x9000004A  }
0x1a4: {  	s0 =	sadd.s32 @!p0 $0x100000, s0;
	[bflag:$0x2] =	sbarrier.arrive $0xFFFF  }
0x1a5: {  	[sflag:s0] =	ssyncadd.tile.s32 @!p0 $0x1;
	_ =	shalt  }
.Lfunc_end2:
_tile_overlayer_lowered:
.L_overlay_start_2:
0x1a6: {  	(tag) =	ssettag $0x2  }
0x1a7: {  	s0 =	rddreg [dreg:$0x0];
	s2 =	stileid.u32  }
0x1a8: {  	s1 =	rddreg [dreg:$0x1];
	p0 =	sne.s32 s2, $0x0  }
0x1a9: {  	s3 =	rddreg [dreg:$0x2];
	[bflag:$0x3] =	sbarrier.arrive $0xFFFF;
	s2 =	simm.s32 @!p0 $0x1C02  }
0x1aa: {  	[timem:s3], [sflag:s2] =	dma.local @!p0 [hbm:s0], s1  }
0x1ab: {  	s0 =	simm.s32 @!p0 $0x2  }
0x1ac: {  	_ =	swait.ge @!p0 [sflag:s0], s1  }
0x1ad: {  	s1 =	ssub.s32 @!p0 $0x0, s1;
	[sflag:s0] =	ssyncset.done @!p0 $0x0  }
0x1ae: {  	[sflag:s0] =	ssyncadd.s32 @!p0 s1  }
0x1af: {  	[bflag:$0x3] =	sbarrier.arrive $0xFFFF  }
0x1b0: {  	_ =	shalt  }

// kernel: kernel.15.cloned.1.call-start
scs
__scs_entry_jumppad:
0x0: {  	(pc) =	sbr.rel $0x88, $3  }
0x1: {  	(tag) =	ssettag $0x0;
	lr =	simm.s32 $0x1  }
0x2: {  	[smem:$0x3F92] =	sst lr;
	_ =	strace $0xD0000000  }
0x3: {  	_ = 	snop  }
0x4: {  	_ = 	snop  }
0x5: {  	_ = 	snop  }
0x6: {  	_ = 	snop  }
0x7: {  	_ = 	snop  }
__scs_overlays_trampoline_lowered:
0x8: {  	[smem:$0x3FA1] =	sst s0  }
0x9: {  	[smem:$0x3FA2] =	sst s1  }
0xa: {  	[smem:$0x3FA3] =	sst s2  }
0xb: {  	[smem:$0x3FA4] =	sst s3  }
0xc: {  	[smem:$0x3FA5] =	sst s4  }
0xd: {  	[smem:$0x3FA6] =	sst s5  }
0xe: {  	[smem:$0x3FA7] =	sst s6  }
0xf: {  	[smem:$0x3FA8] =	sst s7  }
0x10: {  	[smem:$0x3FA9] =	sst s8  }
0x11: {  	[smem:$0x3FAA] =	sst s9;
	s0 =	simm.s32 @!p0 $0x0  }
0x12: {  	s1 =	sld [smem:$0x3F90];
	s0 =	simm.s32 @p0 $0x1  }
0x13: {  	[smem:$0x3FAB] =	sst s0;
	s0 =	simm.s32 @!p1 $0x0  }
0x14: {  	s2 =	sld [smem:$0x3F8F];
	s0 =	simm.s32 @p1 $0x1  }
0x15: {  	[smem:$0x3FAC] =	sst s0;
	s0 =	simm.s32 @!p2 $0x0  }
0x16: {  	s3 =	sld [smem:$0x3FDB];
	s0 =	simm.s32 @p2 $0x1  }
0x17: {  	s4 =	simm.s32 $0x1BF5;
	[smem:$0x3FAE] =	sst s0  }
0x18: {  	s0 =	sld [smem:$0x3F91];
	_ =	swait.ge [sflag:s4], $0x0  }
0x19: {  	s7 =	sld [smem:$0x3F92]  }
0x1a: {  	s8 =	sadd.s32 $0xFFFFE003, lr  }
0x1b: {  	s9 =	sadd.s32 $0xFFFFFEF7, lr;
	s5 =	simm.s32 $0xFFFFFFFF;
	p2 =	slt.u32 s8, $0xFFFFF086  }
0x1c: {  	p1 =	slt.u32 s9, $0xF7A;
	s5 =	simm.s32 @!p2 $0x0  }
0x1d: {  	s5 =	simm.s32 @p1 $0x1;
	p0 =	seq.s32 s7, s2  }
0x1e: {  	s7 =	smul.u32 @!p0 $0xF7A, s2;
	p2 =	seq.s32 @!p0 s5, $0x0  }
0x1f: {  	s9 =	smul.u32 $0xF7A, s1;
	s8 =	simm.s32 @!p0 $0x1BF5;
	p2 =	por !p2, p0  }
0x20: {  	[sflag:s8] =	ssyncset.s32 @!p0 $0xFFFFF086;
	s6 =	sadd.s32 @!p0 s3, s7;
	s7 =	simm.s32 @!p0 $0x108  }
0x21: {  	s3 =	sadd.s32 s3, s9;
	s6 =	sadd.s32 @!p0 $0x88, s6;
	s7 =	simm.s32 @p2 $0x1082  }
0x22: {  	[simem:s7], [sflag:s8] =	dma.local @!p0 [hbm:s6], $0xF7A  }
0x23: {  	s9 =	sor.u32 $0xD0000000, s2;
	s6 =	simm.s32 $0x108;
	_ =	swait.ge @!p0 [sflag:s8], $0x0  }
0x24: {  	s3 =	sadd.s32 $0x88, s3;
	s6 =	simm.s32 @!p1 $0x1082;
	[sflag:s4] =	ssyncset.s32 $0xFFFFF086  }
0x25: {  	[simem:s6], [sflag:s4] =	dma.local [hbm:s3], $0xF7A  }
0x26: {  	[smem:$0x3F92] =	sst s1;
	(tag) =	ssettag s2;
	_ =	strace s9  }
0x27: {  	s1 =	sld [smem:$0x3FA2]  }
0x28: {  	s2 =	sld [smem:$0x3FA3]  }
0x29: {  	s4 =	sld [smem:$0x3FA5]  }
0x2a: {  	p0 =	seq.s32 s5, $0x0;
	s5 =	sld [smem:$0x3FA6]  }
0x2b: {  	s6 =	sld [smem:$0x3FA7]  }
0x2c: {  	s7 =	sld [smem:$0x3FA8]  }
0x2d: {  	s3 =	simm.s32 $0x108;
	s8 =	sld [smem:$0x3FA9]  }
0x2e: {  	s3 =	simm.s32 @!p0 $0x1082;
	s9 =	sld [smem:$0x3FAA]  }
0x2f: {  	lr =	sadd.s32 s0, s3;
	s0 =	sld [smem:$0x3FA1]  }
0x30: {  	s3 =	sld [smem:$0x3FA4]  }
0x31: {  	[smem:$0x3FAD] =	sst s10  }
0x32: {  	s10 =	sld [smem:$0x3FAB];
	_ =	sdelay $0x3  }
0x33: {  	p0 =	seq.s32 s10, $0x1;
	s10 =	sld [smem:$0x3FAD];
	_ =	sdelay $0x3  }
0x34: {  	[smem:$0x3FAD] =	sst s10  }
0x35: {  	s10 =	sld [smem:$0x3FAC];
	_ =	sdelay $0x3  }
0x36: {  	p1 =	seq.s32 s10, $0x1;
	s10 =	sld [smem:$0x3FAD];
	_ =	sdelay $0x3  }
0x37: {  	[smem:$0x3FAD] =	sst s10  }
0x38: {  	s10 =	sld [smem:$0x3FAE]  }
0x39: {  	_ = 	snop;
	(pc) =	sbr.ind lr, $3  }
0x3a: {  	_ = 	snop  }
0x3b: {  	_ = 	snop  }
0x3c: {  	p2 =	seq.s32 s10, $0x1;
	s10 =	sld [smem:$0x3FAD]  }
0x3d: {  	_ =	shalt  }
0x3e: {  	_ =	shalt  }
0x3f: {  	_ =	shalt  }
0x40: {  	_ =	shalt  }
0x41: {  	_ =	shalt  }
0x42: {  	_ =	shalt  }
0x43: {  	_ =	shalt  }
0x44: {  	_ =	shalt  }
0x45: {  	_ =	shalt  }
0x46: {  	_ =	shalt  }
0x47: {  	_ =	shalt  }
0x48: {  	_ =	shalt  }
0x49: {  	_ =	shalt  }
0x4a: {  	_ =	shalt  }
0x4b: {  	_ =	shalt  }
0x4c: {  	_ =	shalt  }
0x4d: {  	_ =	shalt  }
0x4e: {  	_ =	shalt  }
0x4f: {  	_ =	shalt  }
0x50: {  	_ =	shalt  }
0x51: {  	_ =	shalt  }
0x52: {  	_ =	shalt  }
0x53: {  	_ =	shalt  }
0x54: {  	_ =	shalt  }
0x55: {  	_ =	shalt  }
0x56: {  	_ =	shalt  }
0x57: {  	_ =	shalt  }
0x58: {  	_ =	shalt  }
0x59: {  	_ =	shalt  }
0x5a: {  	_ =	shalt  }
0x5b: {  	_ =	shalt  }
0x5c: {  	_ =	shalt  }
0x5d: {  	_ =	shalt  }
0x5e: {  	_ =	shalt  }
0x5f: {  	_ =	shalt  }
0x60: {  	_ =	shalt  }
0x61: {  	_ =	shalt  }
0x62: {  	_ =	shalt  }
0x63: {  	_ =	shalt  }
0x64: {  	_ =	shalt  }
0x65: {  	_ =	shalt  }
0x66: {  	_ =	shalt  }
0x67: {  	_ =	shalt  }
0x68: {  	_ =	shalt  }
0x69: {  	_ =	shalt  }
0x6a: {  	_ =	shalt  }
0x6b: {  	_ =	shalt  }
0x6c: {  	_ =	shalt  }
0x6d: {  	_ =	shalt  }
0x6e: {  	_ =	shalt  }
0x6f: {  	_ =	shalt  }
0x70: {  	_ =	shalt  }
0x71: {  	_ =	shalt  }
0x72: {  	_ =	shalt  }
0x73: {  	_ =	shalt  }
0x74: {  	_ =	shalt  }
0x75: {  	_ =	shalt  }
0x76: {  	_ =	shalt  }
0x77: {  	_ =	shalt  }
0x78: {  	_ =	shalt  }
0x79: {  	_ =	shalt  }
0x7a: {  	_ =	shalt  }
0x7b: {  	_ =	shalt  }
0x7c: {  	_ =	shalt  }
0x7d: {  	_ =	shalt  }
0x7e: {  	_ =	shalt  }
0x7f: {  	_ =	shalt  }
0x80: {  	_ =	shalt  }
0x81: {  	_ =	shalt  }
0x82: {  	_ =	shalt  }
0x83: {  	_ =	shalt  }
0x84: {  	_ =	shalt  }
0x85: {  	_ =	shalt  }
0x86: {  	_ =	shalt  }
0x87: {  	_ =	shalt  }
.Lfunc_end0:
.L_simem_size_0:
called_computation.2_lowered:
.L_overlay_start_0:
0x88: {  	s2 =	sld [smem:$0x3FD9]  }
0x89: {  	s3 =	sld [smem:$0x3FFE];
	_ =	sdelay $0x1  }
0x8a: {  	s1 =	srdreg.scid  }
0x8b: {  	s0 =	sand.u32 $0x1, s1  }
0x8c: {  	s17 =	sshll.u32 s0, $0xA;
	s2 =	sadd.s32 s3, s2  }
0x8d: {  	s2 =	sadd.s32 s2, s17  }
0x8e: {  	[smem:$0x3FB9] =	sst s2  }
0x8f: {  	_ = 	snop  }
0x90: {  	s2 =	sld [smem:$0x3FC7];
	(tm) =	ssettm $0x1  }
0x91: {  	s18 =	sld [smem:$0x3FFB];
	_ =	sdelay $0x3  }
0x92: {  	_ =	strace s18  }
0x93: {  	s3 =	sld [smem:$0x3FFC];
	_ =	sdelay $0x3  }
0x94: {  	_ =	strace s3  }
0x95: {  	s3 =	sld [smem:$0x3FFD];
	_ =	sdelay $0x3  }
0x96: {  	_ =	strace s3  }
0x97: {  	_ =	strace $0x8FFFFFFF  }
0x98: {  	s19 =	sld [smem:$0x3FDB];
	_ =	sdelay $0x1  }
0x99: {  	s4 =	simm.s32 $_scs_section_size  }
0x9a: {  	s5 =	simm.s32 $_size__tile_overlayer_lowered;
	s6 =	simm.s32 $_tile_overlayer_lowered  }
0x9b: {  	s22 =	simm.s32 $0x1BFF;
	s21 =	sshll.u32 s6, $0x1;
	s3 =	sadd.s32 s4, s19  }
0x9c: {  	s7 =	simm.s32 $0x0;
	s20 =	sshll.u32 s5, $0x1;
	s5 =	sadd.s32 s21, s3  }
0x9d: {  	[timem:s7], [sflag:s22] =	dma.local [hbm:s5], s20  }
0x9e: {  	_ =	swait.ge [sflag:s22], s20  }
0x9f: {  	s4 =	ssub.s32 $0x0, s20;
	[sflag:s22] =	ssyncset.done $0x0  }
0xa0: {  	[sflag:s22] =	ssyncadd.s32 s4;
	_ =	sdelay $0x1  }
0xa1: {  	s23 =	simm.s32 $0x1B8B  }
0xa2: {  	_ =	swait.ge [sflag:s23], $0x1  }
0xa3: {  	[sflag:s23] =	ssyncset.done $0x0  }
0xa4: {  	s25 =	simm.s32 $0x1B8E;
	s24 =	sld [smem:$0x3FFE];
	[sflag:s23] =	ssyncadd.s32 $0xFFFFFFFF  }
0xa5: {  	s26 =	simm.s32 $execute0_lowered;
	[smem:$0x3FD2] =	sst s25  }
0xa6: {  	s5 =	sshll.u32 s26, $0x1;
	_ =	strace $0x8000004C;
	[dreg:$0x1] =	wrdreg $0xFFFFFFFF  }
0xa7: {  	s28 =	simm.s32 $_size_execute0_lowered;
	s3 =	sadd.s32 s3, s5;
	[dreg:$0x0] =	wrdreg $0x0  }
0xa8: {  	s5 =	sshll.u32 s28, $0x1;
	[dreg:$0x2] =	wrdreg s3  }
0xa9: {  	[dreg:$0x3] =	wrdreg s5  }
0xaa: {  	[dreg:$0x4] =	wrdreg $0xC0  }
0xab: {  	_ =	task [dreg:s7], $0x5FFFF  }
0xac: {  	[dreg:$0x1] =	wrdreg $0xFFFFFFFF  }
0xad: {  	[dreg:$0x0] =	wrdreg $0x60  }
0xae: {  	[dreg:$0x2] =	wrdreg s24  }
0xaf: {  	[dreg:$0x3] =	wrdreg s2  }
0xb0: {  	[dreg:$0x4] =	wrdreg $0x9  }
0xb1: {  	_ =	task.clear_ibuf [dreg:s7], $0x5FFFF;
	_ =	strace $0x9000004C  }
0xb2: {  	s29 =	simm.s32 $0x9;
	_ =	strace $0x8000004E  }
0xb3: {  	_ =	swait.ge [sflag:s29], $0x1  }
0xb4: {  	[sflag:s29] =	ssyncadd.s32 $0xFFFFFFFF  }
0xb5: {  	_ =	strace $0x9000004E  }
0xb6: {  	_ =	sfence  }
0xb7: {  	s30 =	sld [smem:$0x0];
	_ =	sdelay $0x2  }
0xb8: {  	s31 =	sshll.u32 s1, $0xD;
	s1 =	sshrl.u32 s1, $0x2  }
0xb9: {  	s3 =	sand.u32 $0x4000, s31;
	s1 =	sadd.s32 s1, s30  }
0xba: {  	s0 =	sor.u32 s3, s0;
	s1 =	sshll.u32 s1, $0x11  }
0xbb: {  	s0 =	sor.u32 s1, s0  }
0xbc: {  	s0 =	sadd.s32 $0x8F2B, s0  }
0xbd: {  	[sflag:s0] =	ssyncadd.remote.s32 $0x1  }
0xbe: {  	_ =	sfence.sel $0xFFFF  }
0xbf: {  	[dreg:$0x0] =	wrdreg $0xFFFFFFFF;
	(pc) =	sbr.abs _section_cstart, $3  }
0xc0: {  	[dreg:$0x1] =	wrdreg $0xFFFFFFFF  }
0xc1: {  	_ =	task.clear_ibuf [dreg:s7], $0x2FFFF;
	_ =	strace $0x9FFFFFFF  }
0xc2: {  	(tm) =	ssettm $0x7FFFFFFF  }
0xc3: {  	_ =	shalt  }
tec
execute0_lowered:
.L_overlay_start_1:
0x0: {  	(tag) =	ssettag $0x1  }
0x1: {  	s8 =	rddreg [dreg:$0x0]  }
0x2: {  	s7 =	rddreg [dreg:$0x1]  }
0x3: {  	s0 =	rddreg [dreg:$0x2]  }
0x4: {  	s3 =	srdreg.scid;
	s1 =	stileid.u32;
	s2 =	simm.s32 $0x0  }
0x5: {  	s13 =	simm.s32 $0x100;
	s14 =	simm.s32 $0x900;
	s15 =	simm.s32 $0x1100  }
0x6: {  	s16 =	simm.s32 $0x1900;
	s17 =	simm.s32 $0x1;
	s18 =	simm.s32 $0x1980  }
0x7: {  	s19 =	simm.s32 $0x2;
	s20 =	simm.s32 $0x9980;
	s21 =	simm.s32 $0x0  }
0x8: {  	s3 =	sand.u32 $0x1, s3;
	s4 =	sshll.u32 s1, $0x1;
	[smem:$0x7FF] =	sst s2  }
0x9: {  	s4 =	sor.u32 s3, s4;
	_ =	strace $0x8000004D;
	s3 =	ssub.s32 $0x2, s3  }
0xa: {  	s5 =	sshll.u32 s4, $0x4;
	s6 =	sshll.u32 s4, $0xC;
	s10 =	sshll.u32 s4, $0x8  }
0xb: {  	s31 =	sshrl.u32 s3, $0x1;
	s5 =	sadd.s32 s5, s8;
	s9 =	sadd.s32 s6, s8  }
0xc: {  	s11 =	sadd.s32 s10, s8;
	s12 =	ssub.s32 s3, s31;
	s7 =	sadd.s32 s7, s10  }
0xd: {  	s8 =	sadd.s32 $0x5810, s8;
	s3 =	sadd.s32 $0x5A00, s5;
	s4 =	sadd.s32 $0x5C00, s5  }
0xe: {  	s5 =	sadd.s32 $0x3800, s11;
	s6 =	sadd.s32 $0x1800, s11;
	s9 =	sadd.s32 $0x6000, s9  }
0xf: {  	v0 =	vimm.f32 $0.0e+00;
	s10 =	sadd.s32 $0x26000, s11;
	s11 =	smax.u32 s12, $0x1;
	s12 =	simm.s32 $0x80  }
.LBB2_1:
0x10: {  	[tilespmem:s2], [sflag:$0x1] =	stream.linear.gather [hbm4b:s3+s2], $0x80, $0x38;
	[tilespmem:$0xA180] =	vst v63  }
0x11: {  	_ = 	snop  }
0x12: {  	[tilespmem:s12], [sflag:$0x1] =	stream.linear.gather [hbm4b:s4+s2], $0x80, $0x38;
	[tilespmem:$0xA180] =	vst v63  }
0x13: {  	_ = 	snop  }
0x14: {  	[tilespmem:s13], [sflag:$0x1] =	stream.linear.gather [hbm4b:s5+s2], $0x800, $0x38;
	[tilespmem:$0xA180] =	vst v63  }
0x15: {  	_ = 	snop  }
0x16: {  	[tilespmem:s14], [sflag:$0x1] =	stream.linear.gather [hbm4b:s6+s2], $0x800, $0x38;
	[tilespmem:$0xA180] =	vst v63  }
0x17: {  	_ = 	snop  }
0x18: {  	[tilespmem:s15], [sflag:$0x1] =	stream.linear.gather [hbm4b:s7+s2], $0x800, $0x38;
	[tilespmem:$0xA180] =	vst v63  }
0x19: {  	s22 =	simm.s32 $0x1A80  }
0x1a: {  	[tilespmem:s16], [sflag:$0x1] =	stream.linear.gather [hbm4b:s8+s2], $0x40, $0x38;
	[tilespmem:$0xA180] =	vst v63  }
0x1b: {  	[tilespmem:s22+$0xFFFFFF00] =	vst v0  }
0x1c: {  	[tilespmem:s22+$0xF0] =	vst v0  }
0x1d: {  	[tilespmem:s22+$0xE0] =	vst v0  }
0x1e: {  	[tilespmem:s22+$0xD0] =	vst v0  }
0x1f: {  	[tilespmem:s22+$0xC0] =	vst v0  }
0x20: {  	[tilespmem:s22+$0xB0] =	vst v0  }
0x21: {  	[tilespmem:s22+$0xA0] =	vst v0  }
0x22: {  	[tilespmem:s22+$0x90] =	vst v0  }
0x23: {  	[tilespmem:s22+$0x80] =	vst v0  }
0x24: {  	[tilespmem:s22+$0x70] =	vst v0  }
0x25: {  	[tilespmem:s22+$0x60] =	vst v0  }
0x26: {  	[tilespmem:s22+$0x50] =	vst v0  }
0x27: {  	[tilespmem:s22+$0x40] =	vst v0  }
0x28: {  	[tilespmem:s22+$0x30] =	vst v0  }
0x29: {  	[tilespmem:s22+$0x20] =	vst v0  }
0x2a: {  	[tilespmem:s22+$0x10] =	vst v0  }
0x2b: {  	[tilespmem:s22+$0x0] =	vst v0  }
0x2c: {  	[tilespmem:s22+$0xFFFFFFF0] =	vst v0  }
0x2d: {  	[tilespmem:s22+$0xFFFFFFE0] =	vst v0  }
0x2e: {  	[tilespmem:s22+$0xFFFFFFD0] =	vst v0  }
0x2f: {  	[tilespmem:s22+$0xFFFFFFC0] =	vst v0  }
0x30: {  	[tilespmem:s22+$0xFFFFFFB0] =	vst v0  }
0x31: {  	[tilespmem:s22+$0xFFFFFFA0] =	vst v0  }
0x32: {  	[tilespmem:s22+$0xFFFFFF90] =	vst v0  }
0x33: {  	[tilespmem:s22+$0xFFFFFF80] =	vst v0  }
0x34: {  	[tilespmem:s22+$0xFFFFFF70] =	vst v0  }
0x35: {  	[tilespmem:s22+$0xFFFFFF60] =	vst v0  }
0x36: {  	[tilespmem:s22+$0xFFFFFF50] =	vst v0  }
0x37: {  	[tilespmem:s22+$0xFFFFFF40] =	vst v0  }
0x38: {  	[tilespmem:s22+$0xFFFFFF30] =	vst v0  }
0x39: {  	s23 =	simm.s32 $0x0;
	[tilespmem:s22+$0xFFFFFF20] =	vst v0  }
.LBB2_2:
0x3a: {  	s23 =	sadd.s32 $0x20, s23;
	[tilespmem:s22+$0xFFFFFF10] =	vst v0;
	s22 =	sadd.s32 $0x200, s22  }
0x3b: {  	[tilespmem:s22+$0xFFFFFF00] =	vst v0;
	p0 =	slt.u32 s23, $0x7E0  }
0x3c: {  	[tilespmem:s22+$0xF0] =	vst v0  }
0x3d: {  	[tilespmem:s22+$0xE0] =	vst v0  }
0x3e: {  	[tilespmem:s22+$0xD0] =	vst v0  }
0x3f: {  	[tilespmem:s22+$0xC0] =	vst v0  }
0x40: {  	[tilespmem:s22+$0xB0] =	vst v0  }
0x41: {  	[tilespmem:s22+$0xA0] =	vst v0  }
0x42: {  	[tilespmem:s22+$0x90] =	vst v0  }
0x43: {  	[tilespmem:s22+$0x80] =	vst v0  }
0x44: {  	[tilespmem:s22+$0x70] =	vst v0  }
0x45: {  	[tilespmem:s22+$0x60] =	vst v0  }
0x46: {  	[tilespmem:s22+$0x50] =	vst v0  }
0x47: {  	[tilespmem:s22+$0x40] =	vst v0  }
0x48: {  	[tilespmem:s22+$0x30] =	vst v0  }
0x49: {  	[tilespmem:s22+$0x20] =	vst v0  }
0x4a: {  	[tilespmem:s22+$0x10] =	vst v0  }
0x4b: {  	[tilespmem:s22+$0x0] =	vst v0  }
0x4c: {  	[tilespmem:s22+$0xFFFFFFF0] =	vst v0  }
0x4d: {  	[tilespmem:s22+$0xFFFFFFE0] =	vst v0  }
0x4e: {  	[tilespmem:s22+$0xFFFFFFD0] =	vst v0  }
0x4f: {  	[tilespmem:s22+$0xFFFFFFC0] =	vst v0  }
0x50: {  	[tilespmem:s22+$0xFFFFFFB0] =	vst v0  }
0x51: {  	[tilespmem:s22+$0xFFFFFFA0] =	vst v0  }
0x52: {  	[tilespmem:s22+$0xFFFFFF90] =	vst v0  }
0x53: {  	[tilespmem:s22+$0xFFFFFF80] =	vst v0  }
0x54: {  	[tilespmem:s22+$0xFFFFFF70] =	vst v0  }
.Ltmp0:
0x55: {  	[tilespmem:s22+$0xFFFFFF60] =	vst v0;
	(pc) =	sbr.rel @p0 .LBB2_2-.Ltmp0, $4  }
0x56: {  	[tilespmem:s22+$0xFFFFFF50] =	vst v0  }
0x57: {  	[tilespmem:s22+$0xFFFFFF40] =	vst v0  }
0x58: {  	[tilespmem:s22+$0xFFFFFF30] =	vst v0  }
0x59: {  	[tilespmem:s22+$0xFFFFFF20] =	vst v0  }
0x5a: {  	[tilespmem:s22+$0xFFFFFF10] =	vst v0  }
0x5b: {  	_ =	swait.ge [sflag:s17], $0x80  }
0x5c: {  	[sflag:s17] =	ssyncset.done $0x0  }
0x5d: {  	[sflag:s17] =	ssyncadd.s32 $0xFFFFFF80  }
0x5e: {  	_ =	swait.ge [sflag:s17], $0x80  }
0x5f: {  	[sflag:s17] =	ssyncset.done $0x0  }
0x60: {  	[sflag:s17] =	ssyncadd.s32 $0xFFFFFF80  }
0x61: {  	_ =	swait.ge [sflag:s17], $0x800  }
0x62: {  	[sflag:s17] =	ssyncset.done $0x0  }
0x63: {  	[sflag:s17] =	ssyncadd.s32 $0xFFFFF800  }
0x64: {  	_ =	swait.ge [sflag:s17], $0x800  }
0x65: {  	[sflag:s17] =	ssyncset.done $0x0  }
0x66: {  	[sflag:s17] =	ssyncadd.s32 $0xFFFFF800  }
0x67: {  	_ =	swait.ge [sflag:s17], $0x800  }
0x68: {  	[sflag:s17] =	ssyncset.done $0x0  }
0x69: {  	[sflag:s17] =	ssyncadd.s32 $0xFFFFF800  }
0x6a: {  	s22 =	simm.s32 $0xFFFFFFF8;
	_ =	swait.ge [sflag:s17], $0x40  }
0x6b: {  	s23 =	simm.s32 $0x140;
	s24 =	simm.s32 $0x940;
	[sflag:s17] =	ssyncset.done $0x0  }
0x6c: {  	s25 =	simm.s32 $0x1140;
	s26 =	simm.s32 $0x99C0;
	[sflag:s17] =	ssyncadd.s32 $0xFFFFFFC0  }
.LBB2_4:
0x6d: {  	v1 =	vld [tilespmem:s23+$0xFFFFFFC0]  }
0x6e: {  	v2 =	vld [tilespmem:s24+$0xFFFFFFC0];
	_ =	sdelay $0x3  }
0x6f: {  	v3 =	vand.u32 $0x7F, v1  }
0x70: {  	v2 =	vand.u32 $0x7F, v2;
	_ =	sdelay $0x3  }
0x71: {  	v3 =	vld.idx.msk [tilespmem:v3+s2+$0x0], $0xffff  }
0x72: {  	v4 =	vld.idx.msk [tilespmem:v2+s12+$0x0], $0xffff;
	_ =	sdelay $0x4  }
0x73: {  	v3 =	vadd.f32 v4, v3;
	_ =	sdelay $0x1  }
0x74: {  	v3 =	vsub.f32 $0.0e+00, v3;
	_ =	sdelay $0x1  }
0x75: {  	v3 =	vmul.f32 $1.442695020e+00, v3;
	_ =	sdelay $0x1  }
0x76: {  	(erf) = vpow2.f32 v3;
	_ =	sdelay $0x8  }
0x77: {  	v3 =	vpop (erf)  }
0x78: {  	v3 =	vadd.f32 $1.000000000e+00, v3;
	_ =	sdelay $0x1  }
0x79: {  	(erf) = vrcp.f32 v3  }
0x7a: {  	v3 =	vld [tilespmem:s25+$0xFFFFFFC0];
	_ =	sdelay $0x4  }
0x7b: {  	v3 =	vshll.u32 v3, $0x2;
	_ =	sdelay $0x2  }
0x7c: {  	v26 =	vpop (erf)  }
0x7d: {  	[tilespmem:s26+$0xFFFFFFC0] =	vst v26  }
0x7e: {  	v5 =	vld.idx.msk [tilespmem:v3+s16+$0x0], $0xffff  }
0x7f: {  	v1 =	vand.u32 $0x3F, v1;
	v2 =	vshll.u32 v2, $0x8  }
0x80: {  	v1 =	vor.u32 v1, v2  }
0x81: {  	v2 =	vor.u32 $0x1, v3;
	_ =	sdelay $0x1  }
0x82: {  	v5 =	vmul.f32 v26, v5;
	_ =	sdelay $0x1  }
0x83: {  	[tilespmem:v1+s18+$0x0] =	vst.idx.add.f32.msk $0xffff, v5  }
0x84: {  	v2 =	vld.idx.msk [tilespmem:v2+s16+$0x0], $0xffff;
	_ =	sdelay $0x1  }
0x85: {  	v27 =	vor.u32 $0x40, v1  }
0x86: {  	v6 =	vor.u32 $0x2, v3;
	_ =	sdelay $0x1  }
0x87: {  	v2 =	vmul.f32 v26, v2;
	_ =	sdelay $0x1  }
0x88: {  	[tilespmem:v27+s18+$0x0] =	vst.idx.add.f32.msk $0xffff, v2  }
0x89: {  	v2 =	vld.idx.msk [tilespmem:v6+s16+$0x0], $0xffff;
	_ =	sdelay $0x1  }
0x8a: {  	v28 =	vor.u32 $0x80, v1  }
0x8b: {  	v3 =	vor.u32 $0x3, v3;
	_ =	sdelay $0x1  }
0x8c: {  	v2 =	vmul.f32 v2, v26;
	_ =	sdelay $0x1  }
0x8d: {  	[tilespmem:v28+s18+$0x0] =	vst.idx.add.f32.msk $0xffff, v2  }
0x8e: {  	v2 =	vld.idx.msk [tilespmem:v3+s16+$0x0], $0xffff;
	_ =	sdelay $0x1  }
0x8f: {  	v1 =	vor.u32 $0xC0, v1;
	_ =	sdelay $0x2  }
0x90: {  	v2 =	vmul.f32 v2, v26;
	_ =	sdelay $0x1  }
0x91: {  	[tilespmem:v1+s18+$0x0] =	vst.idx.add.f32.msk $0xffff, v2  }
0x92: {  	v1 =	vld [tilespmem:s23+$0xFFFFFFD0]  }
0x93: {  	v2 =	vld [tilespmem:s24+$0xFFFFFFD0];
	_ =	sdelay $0x3  }
0x94: {  	v3 =	vand.u32 $0x7F, v1  }
0x95: {  	v2 =	vand.u32 $0x7F, v2;
	_ =	sdelay $0x3  }
0x96: {  	v3 =	vld.idx.msk [tilespmem:v3+s2+$0x0], $0xffff  }
0x97: {  	v29 =	vld.idx.msk [tilespmem:v2+s12+$0x0], $0xffff;
	_ =	sdelay $0x4  }
0x98: {  	v3 =	vadd.f32 v29, v3;
	_ =	sdelay $0x1  }
0x99: {  	v3 =	vsub.f32 $0.0e+00, v3;
	_ =	sdelay $0x1  }
0x9a: {  	v3 =	vmul.f32 $1.442695020e+00, v3;
	_ =	sdelay $0x1  }
0x9b: {  	(erf) = vpow2.f32 v3;
	_ =	sdelay $0x8  }
0x9c: {  	v3 =	vpop (erf)  }
0x9d: {  	v3 =	vadd.f32 $1.000000000e+00, v3;
	_ =	sdelay $0x1  }
0x9e: {  	(erf) = vrcp.f32 v3  }
0x9f: {  	v3 =	vld [tilespmem:s25+$0xFFFFFFD0];
	_ =	sdelay $0x4  }
0xa0: {  	v3 =	vshll.u32 v3, $0x2;
	_ =	sdelay $0x2  }
0xa1: {  	v30 =	vpop (erf)  }
0xa2: {  	[tilespmem:s26+$0xFFFFFFD0] =	vst v30  }
0xa3: {  	v5 =	vld.idx.msk [tilespmem:v3+s16+$0x0], $0xffff  }
0xa4: {  	v1 =	vand.u32 $0x3F, v1;
	v2 =	vshll.u32 v2, $0x8  }
0xa5: {  	v1 =	vor.u32 v1, v2  }
0xa6: {  	v2 =	vor.u32 $0x1, v3;
	_ =	sdelay $0x1  }
0xa7: {  	v5 =	vmul.f32 v30, v5;
	_ =	sdelay $0x1  }
0xa8: {  	[tilespmem:v1+s18+$0x0] =	vst.idx.add.f32.msk $0xffff, v5  }
0xa9: {  	v2 =	vld.idx.msk [tilespmem:v2+s16+$0x0], $0xffff;
	_ =	sdelay $0x1  }
0xaa: {  	v31 =	vor.u32 $0x40, v1  }
0xab: {  	v32 =	vor.u32 $0x2, v3;
	_ =	sdelay $0x1  }
0xac: {  	v2 =	vmul.f32 v30, v2;
	_ =	sdelay $0x1  }
0xad: {  	[tilespmem:v31+s18+$0x0] =	vst.idx.add.f32.msk $0xffff, v2  }
0xae: {  	v2 =	vld.idx.msk [tilespmem:v32+s16+$0x0], $0xffff;
	_ =	sdelay $0x1  }
0xaf: {  	v33 =	vor.u32 $0x80, v1  }
0xb0: {  	v3 =	vor.u32 $0x3, v3;
	_ =	sdelay $0x1  }
0xb1: {  	v2 =	vmul.f32 v2, v30;
	_ =	sdelay $0x1  }
0xb2: {  	[tilespmem:v33+s18+$0x0] =	vst.idx.add.f32.msk $0xffff, v2  }
0xb3: {  	v2 =	vld.idx.msk [tilespmem:v3+s16+$0x0], $0xffff;
	_ =	sdelay $0x1  }
0xb4: {  	v1 =	vor.u32 $0xC0, v1;
	_ =	sdelay $0x2  }
0xb5: {  	v2 =	vmul.f32 v2, v30;
	_ =	sdelay $0x1  }
0xb6: {  	[tilespmem:v1+s18+$0x0] =	vst.idx.add.f32.msk $0xffff, v2  }
0xb7: {  	v1 =	vld [tilespmem:s23+$0xFFFFFFE0]  }
0xb8: {  	v2 =	vld [tilespmem:s24+$0xFFFFFFE0];
	_ =	sdelay $0x3  }
0xb9: {  	v3 =	vand.u32 $0x7F, v1  }
0xba: {  	v2 =	vand.u32 $0x7F, v2;
	_ =	sdelay $0x3  }
0xbb: {  	v3 =	vld.idx.msk [tilespmem:v3+s2+$0x0], $0xffff  }
0xbc: {  	v34 =	vld.idx.msk [tilespmem:v2+s12+$0x0], $0xffff;
	_ =	sdelay $0x4  }
0xbd: {  	v3 =	vadd.f32 v34, v3;
	_ =	sdelay $0x1  }
0xbe: {  	v3 =	vsub.f32 $0.0e+00, v3;
	_ =	sdelay $0x1  }
0xbf: {  	v3 =	vmul.f32 $1.442695020e+00, v3;
	_ =	sdelay $0x1  }
0xc0: {  	(erf) = vpow2.f32 v3;
	_ =	sdelay $0x8  }
0xc1: {  	v3 =	vpop (erf)  }
0xc2: {  	v3 =	vadd.f32 $1.000000000e+00, v3;
	_ =	sdelay $0x1  }
0xc3: {  	(erf) = vrcp.f32 v3  }
0xc4: {  	v3 =	vld [tilespmem:s25+$0xFFFFFFE0];
	_ =	sdelay $0x4  }
0xc5: {  	v3 =	vshll.u32 v3, $0x2;
	_ =	sdelay $0x2  }
0xc6: {  	v35 =	vpop (erf)  }
0xc7: {  	[tilespmem:s26+$0xFFFFFFE0] =	vst v35  }
0xc8: {  	v5 =	vld.idx.msk [tilespmem:v3+s16+$0x0], $0xffff  }
0xc9: {  	v1 =	vand.u32 $0x3F, v1;
	v2 =	vshll.u32 v2, $0x8  }
0xca: {  	v1 =	vor.u32 v1, v2  }
0xcb: {  	v2 =	vor.u32 $0x1, v3;
	_ =	sdelay $0x1  }
0xcc: {  	v5 =	vmul.f32 v35, v5;
	_ =	sdelay $0x1  }
0xcd: {  	[tilespmem:v1+s18+$0x0] =	vst.idx.add.f32.msk $0xffff, v5  }
0xce: {  	v2 =	vld.idx.msk [tilespmem:v2+s16+$0x0], $0xffff;
	_ =	sdelay $0x1  }
0xcf: {  	v36 =	vor.u32 $0x40, v1  }
0xd0: {  	v37 =	vor.u32 $0x2, v3;
	_ =	sdelay $0x1  }
0xd1: {  	v2 =	vmul.f32 v35, v2;
	_ =	sdelay $0x1  }
0xd2: {  	[tilespmem:v36+s18+$0x0] =	vst.idx.add.f32.msk $0xffff, v2  }
0xd3: {  	v2 =	vld.idx.msk [tilespmem:v37+s16+$0x0], $0xffff;
	_ =	sdelay $0x1  }
0xd4: {  	v38 =	vor.u32 $0x80, v1  }
0xd5: {  	v3 =	vor.u32 $0x3, v3;
	_ =	sdelay $0x1  }
0xd6: {  	v2 =	vmul.f32 v2, v35;
	_ =	sdelay $0x1  }
0xd7: {  	[tilespmem:v38+s18+$0x0] =	vst.idx.add.f32.msk $0xffff, v2  }
0xd8: {  	v2 =	vld.idx.msk [tilespmem:v3+s16+$0x0], $0xffff;
	_ =	sdelay $0x1  }
0xd9: {  	v1 =	vor.u32 $0xC0, v1;
	_ =	sdelay $0x2  }
0xda: {  	v2 =	vmul.f32 v2, v35;
	_ =	sdelay $0x1  }
0xdb: {  	[tilespmem:v1+s18+$0x0] =	vst.idx.add.f32.msk $0xffff, v2  }
0xdc: {  	v1 =	vld [tilespmem:s23+$0xFFFFFFF0]  }
0xdd: {  	v2 =	vld [tilespmem:s24+$0xFFFFFFF0];
	_ =	sdelay $0x3  }
0xde: {  	v3 =	vand.u32 $0x7F, v1  }
0xdf: {  	v2 =	vand.u32 $0x7F, v2;
	_ =	sdelay $0x3  }
0xe0: {  	v3 =	vld.idx.msk [tilespmem:v3+s2+$0x0], $0xffff  }
0xe1: {  	v39 =	vld.idx.msk [tilespmem:v2+s12+$0x0], $0xffff;
	_ =	sdelay $0x4  }
0xe2: {  	v3 =	vadd.f32 v39, v3;
	_ =	sdelay $0x1  }
0xe3: {  	v3 =	vsub.f32 $0.0e+00, v3;
	_ =	sdelay $0x1  }
0xe4: {  	v3 =	vmul.f32 $1.442695020e+00, v3;
	_ =	sdelay $0x1  }
0xe5: {  	(erf) = vpow2.f32 v3;
	_ =	sdelay $0x8  }
0xe6: {  	v3 =	vpop (erf)  }
0xe7: {  	v3 =	vadd.f32 $1.000000000e+00, v3;
	_ =	sdelay $0x1  }
0xe8: {  	(erf) = vrcp.f32 v3  }
0xe9: {  	v3 =	vld [tilespmem:s25+$0xFFFFFFF0];
	_ =	sdelay $0x4  }
0xea: {  	v3 =	vshll.u32 v3, $0x2;
	_ =	sdelay $0x2  }
0xeb: {  	v40 =	vpop (erf)  }
0xec: {  	[tilespmem:s26+$0xFFFFFFF0] =	vst v40  }
0xed: {  	v5 =	vld.idx.msk [tilespmem:v3+s16+$0x0], $0xffff  }
0xee: {  	v1 =	vand.u32 $0x3F, v1;
	v2 =	vshll.u32 v2, $0x8  }
0xef: {  	v1 =	vor.u32 v1, v2  }
0xf0: {  	v2 =	vor.u32 $0x1, v3;
	_ =	sdelay $0x1  }
0xf1: {  	v5 =	vmul.f32 v40, v5;
	_ =	sdelay $0x1  }
0xf2: {  	[tilespmem:v1+s18+$0x0] =	vst.idx.add.f32.msk $0xffff, v5  }
0xf3: {  	v2 =	vld.idx.msk [tilespmem:v2+s16+$0x0], $0xffff;
	_ =	sdelay $0x1  }
0xf4: {  	v41 =	vor.u32 $0x40, v1  }
0xf5: {  	v42 =	vor.u32 $0x2, v3;
	_ =	sdelay $0x1  }
0xf6: {  	v2 =	vmul.f32 v40, v2;
	_ =	sdelay $0x1  }
0xf7: {  	[tilespmem:v41+s18+$0x0] =	vst.idx.add.f32.msk $0xffff, v2  }
0xf8: {  	v2 =	vld.idx.msk [tilespmem:v42+s16+$0x0], $0xffff;
	_ =	sdelay $0x1  }
0xf9: {  	v43 =	vor.u32 $0x80, v1  }
0xfa: {  	v3 =	vor.u32 $0x3, v3;
	_ =	sdelay $0x1  }
0xfb: {  	v2 =	vmul.f32 v2, v40;
	_ =	sdelay $0x1  }
0xfc: {  	[tilespmem:v43+s18+$0x0] =	vst.idx.add.f32.msk $0xffff, v2  }
0xfd: {  	v2 =	vld.idx.msk [tilespmem:v3+s16+$0x0], $0xffff;
	_ =	sdelay $0x1  }
0xfe: {  	v1 =	vor.u32 $0xC0, v1;
	_ =	sdelay $0x2  }
0xff: {  	v2 =	vmul.f32 v2, v40;
	_ =	sdelay $0x1  }
0x100: {  	[tilespmem:v1+s18+$0x0] =	vst.idx.add.f32.msk $0xffff, v2  }
0x101: {  	v1 =	vld [tilespmem:s23+$0x0]  }
0x102: {  	v2 =	vld [tilespmem:s24+$0x0];
	_ =	sdelay $0x3  }
0x103: {  	v3 =	vand.u32 $0x7F, v1  }
0x104: {  	v2 =	vand.u32 $0x7F, v2;
	_ =	sdelay $0x3  }
0x105: {  	v3 =	vld.idx.msk [tilespmem:v3+s2+$0x0], $0xffff  }
0x106: {  	v44 =	vld.idx.msk [tilespmem:v2+s12+$0x0], $0xffff;
	_ =	sdelay $0x4  }
0x107: {  	v3 =	vadd.f32 v44, v3;
	_ =	sdelay $0x1  }
0x108: {  	v3 =	vsub.f32 $0.0e+00, v3;
	_ =	sdelay $0x1  }
0x109: {  	v3 =	vmul.f32 $1.442695020e+00, v3;
	_ =	sdelay $0x1  }
0x10a: {  	(erf) = vpow2.f32 v3;
	_ =	sdelay $0x8  }
0x10b: {  	v3 =	vpop (erf)  }
0x10c: {  	v3 =	vadd.f32 $1.000000000e+00, v3;
	_ =	sdelay $0x1  }
0x10d: {  	(erf) = vrcp.f32 v3  }
0x10e: {  	v3 =	vld [tilespmem:s25+$0x0];
	_ =	sdelay $0x4  }
0x10f: {  	v3 =	vshll.u32 v3, $0x2;
	_ =	sdelay $0x2  }
0x110: {  	v45 =	vpop (erf)  }
0x111: {  	[tilespmem:s26+$0x0] =	vst v45  }
0x112: {  	v5 =	vld.idx.msk [tilespmem:v3+s16+$0x0], $0xffff  }
0x113: {  	v1 =	vand.u32 $0x3F, v1;
	v2 =	vshll.u32 v2, $0x8  }
0x114: {  	v1 =	vor.u32 v1, v2  }
0x115: {  	v2 =	vor.u32 $0x1, v3;
	_ =	sdelay $0x1  }
0x116: {  	v5 =	vmul.f32 v45, v5;
	_ =	sdelay $0x1  }
0x117: {  	[tilespmem:v1+s18+$0x0] =	vst.idx.add.f32.msk $0xffff, v5  }
0x118: {  	v2 =	vld.idx.msk [tilespmem:v2+s16+$0x0], $0xffff;
	_ =	sdelay $0x1  }
0x119: {  	v46 =	vor.u32 $0x40, v1  }
0x11a: {  	v47 =	vor.u32 $0x2, v3;
	_ =	sdelay $0x1  }
0x11b: {  	v2 =	vmul.f32 v45, v2;
	_ =	sdelay $0x1  }
0x11c: {  	[tilespmem:v46+s18+$0x0] =	vst.idx.add.f32.msk $0xffff, v2  }
0x11d: {  	v2 =	vld.idx.msk [tilespmem:v47+s16+$0x0], $0xffff;
	_ =	sdelay $0x1  }
0x11e: {  	v48 =	vor.u32 $0x80, v1  }
0x11f: {  	v3 =	vor.u32 $0x3, v3;
	_ =	sdelay $0x1  }
0x120: {  	v2 =	vmul.f32 v2, v45;
	_ =	sdelay $0x1  }
0x121: {  	[tilespmem:v48+s18+$0x0] =	vst.idx.add.f32.msk $0xffff, v2  }
0x122: {  	v2 =	vld.idx.msk [tilespmem:v3+s16+$0x0], $0xffff;
	_ =	sdelay $0x1  }
0x123: {  	v1 =	vor.u32 $0xC0, v1;
	_ =	sdelay $0x2  }
0x124: {  	v2 =	vmul.f32 v2, v45;
	_ =	sdelay $0x1  }
0x125: {  	[tilespmem:v1+s18+$0x0] =	vst.idx.add.f32.msk $0xffff, v2  }
0x126: {  	v1 =	vld [tilespmem:s23+$0x10]  }
0x127: {  	v2 =	vld [tilespmem:s24+$0x10];
	_ =	sdelay $0x3  }
0x128: {  	v3 =	vand.u32 $0x7F, v1  }
0x129: {  	v2 =	vand.u32 $0x7F, v2;
	_ =	sdelay $0x3  }
0x12a: {  	v3 =	vld.idx.msk [tilespmem:v3+s2+$0x0], $0xffff  }
0x12b: {  	v49 =	vld.idx.msk [tilespmem:v2+s12+$0x0], $0xffff;
	_ =	sdelay $0x4  }
0x12c: {  	v3 =	vadd.f32 v49, v3;
	_ =	sdelay $0x1  }
0x12d: {  	v3 =	vsub.f32 $0.0e+00, v3;
	_ =	sdelay $0x1  }
0x12e: {  	v3 =	vmul.f32 $1.442695020e+00, v3;
	_ =	sdelay $0x1  }
0x12f: {  	(erf) = vpow2.f32 v3;
	_ =	sdelay $0x8  }
0x130: {  	v3 =	vpop (erf)  }
0x131: {  	v3 =	vadd.f32 $1.000000000e+00, v3;
	_ =	sdelay $0x1  }
0x132: {  	(erf) = vrcp.f32 v3  }
0x133: {  	v3 =	vld [tilespmem:s25+$0x10];
	_ =	sdelay $0x4  }
0x134: {  	v3 =	vshll.u32 v3, $0x2;
	_ =	sdelay $0x2  }
0x135: {  	v50 =	vpop (erf)  }
0x136: {  	[tilespmem:s26+$0x10] =	vst v50  }
0x137: {  	v5 =	vld.idx.msk [tilespmem:v3+s16+$0x0], $0xffff  }
0x138: {  	v1 =	vand.u32 $0x3F, v1;
	v2 =	vshll.u32 v2, $0x8  }
0x139: {  	v1 =	vor.u32 v1, v2  }
0x13a: {  	v2 =	vor.u32 $0x1, v3;
	_ =	sdelay $0x1  }
0x13b: {  	v5 =	vmul.f32 v50, v5;
	_ =	sdelay $0x1  }
0x13c: {  	[tilespmem:v1+s18+$0x0] =	vst.idx.add.f32.msk $0xffff, v5  }
0x13d: {  	v2 =	vld.idx.msk [tilespmem:v2+s16+$0x0], $0xffff;
	_ =	sdelay $0x1  }
0x13e: {  	v51 =	vor.u32 $0x40, v1  }
0x13f: {  	v52 =	vor.u32 $0x2, v3;
	_ =	sdelay $0x1  }
0x140: {  	v2 =	vmul.f32 v50, v2;
	_ =	sdelay $0x1  }
0x141: {  	[tilespmem:v51+s18+$0x0] =	vst.idx.add.f32.msk $0xffff, v2  }
0x142: {  	v2 =	vld.idx.msk [tilespmem:v52+s16+$0x0], $0xffff;
	_ =	sdelay $0x1  }
0x143: {  	v53 =	vor.u32 $0x80, v1  }
0x144: {  	v3 =	vor.u32 $0x3, v3;
	_ =	sdelay $0x1  }
0x145: {  	v2 =	vmul.f32 v2, v50;
	_ =	sdelay $0x1  }
0x146: {  	[tilespmem:v53+s18+$0x0] =	vst.idx.add.f32.msk $0xffff, v2  }
0x147: {  	v2 =	vld.idx.msk [tilespmem:v3+s16+$0x0], $0xffff;
	_ =	sdelay $0x1  }
0x148: {  	v1 =	vor.u32 $0xC0, v1;
	_ =	sdelay $0x2  }
0x149: {  	v2 =	vmul.f32 v2, v50;
	_ =	sdelay $0x1  }
0x14a: {  	[tilespmem:v1+s18+$0x0] =	vst.idx.add.f32.msk $0xffff, v2  }
0x14b: {  	v1 =	vld [tilespmem:s23+$0x20]  }
0x14c: {  	v2 =	vld [tilespmem:s24+$0x20];
	_ =	sdelay $0x3  }
0x14d: {  	v3 =	vand.u32 $0x7F, v1  }
0x14e: {  	v2 =	vand.u32 $0x7F, v2;
	_ =	sdelay $0x3  }
0x14f: {  	v3 =	vld.idx.msk [tilespmem:v3+s2+$0x0], $0xffff  }
0x150: {  	v54 =	vld.idx.msk [tilespmem:v2+s12+$0x0], $0xffff;
	_ =	sdelay $0x4  }
0x151: {  	v3 =	vadd.f32 v54, v3;
	_ =	sdelay $0x1  }
0x152: {  	v3 =	vsub.f32 $0.0e+00, v3;
	_ =	sdelay $0x1  }
0x153: {  	v3 =	vmul.f32 $1.442695020e+00, v3;
	_ =	sdelay $0x1  }
0x154: {  	(erf) = vpow2.f32 v3;
	_ =	sdelay $0x8  }
0x155: {  	v3 =	vpop (erf)  }
0x156: {  	v3 =	vadd.f32 $1.000000000e+00, v3;
	_ =	sdelay $0x1  }
0x157: {  	(erf) = vrcp.f32 v3  }
0x158: {  	v3 =	vld [tilespmem:s25+$0x20];
	_ =	sdelay $0x4  }
0x159: {  	v3 =	vshll.u32 v3, $0x2;
	_ =	sdelay $0x2  }
0x15a: {  	v55 =	vpop (erf)  }
0x15b: {  	[tilespmem:s26+$0x20] =	vst v55  }
0x15c: {  	v5 =	vld.idx.msk [tilespmem:v3+s16+$0x0], $0xffff  }
0x15d: {  	v1 =	vand.u32 $0x3F, v1;
	v2 =	vshll.u32 v2, $0x8  }
0x15e: {  	v1 =	vor.u32 v1, v2  }
0x15f: {  	v2 =	vor.u32 $0x1, v3;
	_ =	sdelay $0x1  }
0x160: {  	v5 =	vmul.f32 v55, v5;
	_ =	sdelay $0x1  }
0x161: {  	[tilespmem:v1+s18+$0x0] =	vst.idx.add.f32.msk $0xffff, v5  }
0x162: {  	v2 =	vld.idx.msk [tilespmem:v2+s16+$0x0], $0xffff;
	_ =	sdelay $0x1  }
0x163: {  	v56 =	vor.u32 $0x40, v1  }
0x164: {  	v57 =	vor.u32 $0x2, v3;
	_ =	sdelay $0x1  }
0x165: {  	v2 =	vmul.f32 v55, v2;
	_ =	sdelay $0x1  }
0x166: {  	[tilespmem:v56+s18+$0x0] =	vst.idx.add.f32.msk $0xffff, v2  }
0x167: {  	v2 =	vld.idx.msk [tilespmem:v57+s16+$0x0], $0xffff;
	_ =	sdelay $0x1  }
0x168: {  	v58 =	vor.u32 $0x80, v1  }
0x169: {  	v3 =	vor.u32 $0x3, v3;
	_ =	sdelay $0x1  }
0x16a: {  	v2 =	vmul.f32 v2, v55;
	_ =	sdelay $0x1  }
0x16b: {  	[tilespmem:v58+s18+$0x0] =	vst.idx.add.f32.msk $0xffff, v2  }
0x16c: {  	v2 =	vld.idx.msk [tilespmem:v3+s16+$0x0], $0xffff;
	_ =	sdelay $0x1  }
0x16d: {  	v1 =	vor.u32 $0xC0, v1;
	_ =	sdelay $0x2  }
0x16e: {  	v2 =	vmul.f32 v2, v55;
	_ =	sdelay $0x1  }
0x16f: {  	[tilespmem:v1+s18+$0x0] =	vst.idx.add.f32.msk $0xffff, v2  }
0x170: {  	v1 =	vld [tilespmem:s23+$0x30]  }
0x171: {  	v2 =	vld [tilespmem:s24+$0x30];
	_ =	sdelay $0x3  }
0x172: {  	v3 =	vand.u32 $0x7F, v1  }
0x173: {  	v2 =	vand.u32 $0x7F, v2;
	_ =	sdelay $0x3  }
0x174: {  	v3 =	vld.idx.msk [tilespmem:v3+s2+$0x0], $0xffff  }
0x175: {  	v59 =	vld.idx.msk [tilespmem:v2+s12+$0x0], $0xffff;
	_ =	sdelay $0x4  }
0x176: {  	v3 =	vadd.f32 v59, v3;
	_ =	sdelay $0x1  }
0x177: {  	v3 =	vsub.f32 $0.0e+00, v3;
	_ =	sdelay $0x1  }
0x178: {  	v3 =	vmul.f32 $1.442695020e+00, v3;
	_ =	sdelay $0x1  }
0x179: {  	(erf) = vpow2.f32 v3;
	_ =	sdelay $0x8  }
0x17a: {  	v3 =	vpop (erf)  }
0x17b: {  	v3 =	vadd.f32 $1.000000000e+00, v3;
	_ =	sdelay $0x1  }
0x17c: {  	(erf) = vrcp.f32 v3  }
0x17d: {  	v3 =	vld [tilespmem:s25+$0x30];
	_ =	sdelay $0x4  }
0x17e: {  	v3 =	vshll.u32 v3, $0x2;
	_ =	sdelay $0x2  }
0x17f: {  	v60 =	vpop (erf)  }
0x180: {  	[tilespmem:s26+$0x30] =	vst v60  }
0x181: {  	v5 =	vld.idx.msk [tilespmem:v3+s16+$0x0], $0xffff  }
0x182: {  	v1 =	vand.u32 $0x3F, v1;
	v2 =	vshll.u32 v2, $0x8  }
0x183: {  	v1 =	vor.u32 v1, v2  }
0x184: {  	v2 =	vor.u32 $0x1, v3;
	_ =	sdelay $0x1  }
0x185: {  	v5 =	vmul.f32 v60, v5;
	_ =	sdelay $0x1  }
0x186: {  	[tilespmem:v1+s18+$0x0] =	vst.idx.add.f32.msk $0xffff, v5  }
0x187: {  	v2 =	vld.idx.msk [tilespmem:v2+s16+$0x0], $0xffff;
	_ =	sdelay $0x1  }
0x188: {  	v61 =	vor.u32 $0x40, v1  }
0x189: {  	v62 =	vor.u32 $0x2, v3;
	_ =	sdelay $0x1  }
0x18a: {  	v2 =	vmul.f32 v60, v2;
	_ =	sdelay $0x1  }
0x18b: {  	[tilespmem:v61+s18+$0x0] =	vst.idx.add.f32.msk $0xffff, v2  }
0x18c: {  	v2 =	vld.idx.msk [tilespmem:v62+s16+$0x0], $0xffff;
	_ =	sdelay $0x1  }
0x18d: {  	v63 =	vor.u32 $0x80, v1  }
0x18e: {  	v3 =	vor.u32 $0x3, v3;
	_ =	sdelay $0x1  }
0x18f: {  	v2 =	vmul.f32 v2, v60;
	_ =	sdelay $0x1  }
0x190: {  	[tilespmem:v63+s18+$0x0] =	vst.idx.add.f32.msk $0xffff, v2  }
0x191: {  	v2 =	vld.idx.msk [tilespmem:v3+s16+$0x0], $0xffff  }
0x192: {  	s22 =	sadd.s32 $0x8, s22  }
0x193: {  	p0 =	slt.u32 s22, $0x78;
	v1 =	vor.u32 $0xC0, v1  }
.Ltmp1:
0x194: {  	_ = 	snop;
	(pc) =	sbr.rel @p0 .LBB2_4-.Ltmp1, $4  }
0x195: {  	_ = 	snop  }
0x196: {  	v2 =	vmul.f32 v2, v60  }
0x197: {  	s23 =	sadd.s32 $0x80, s23  }
0x198: {  	s24 =	sadd.s32 $0x80, s24;
	s25 =	sadd.s32 $0x80, s25;
	s26 =	sadd.s32 $0x80, s26;
	[tilespmem:v1+s18+$0x0] =	vst.idx.add.f32.msk $0xffff, v2  }
0x199: {  	[hbm4b:s9+s2] =	stream.linear.scatter [tilespmem:s18], [sflag:$0x2], $0x8000, $0x38;
	[tilespmem:$0xA180] =	vst v63  }
0x19a: {  	s21 =	sadd.s32 $0x1, s21;
	_ =	swait.ge [sflag:s19], $0x8000  }
0x19b: {  	p0 =	sne.s32 s21, s11;
	[sflag:s19] =	ssyncset.done $0x0  }
.Ltmp2:
0x19c: {  	[sflag:s19] =	ssyncadd.s32 $0xFFFF8000;
	(pc) =	sbr.rel @p0 .LBB2_1-.Ltmp2, $4  }
0x19d: {  	[hbm4b:s10+s2] =	stream.linear.scatter [tilespmem:s20], [sflag:$0x2], $0x800, $0x38;
	[tilespmem:$0xA180] =	vst v63  }
0x19e: {  	_ =	swait.ge [sflag:s19], $0x800  }
0x19f: {  	[sflag:s19] =	ssyncset.done $0x0  }
0x1a0: {  	[sflag:s19] =	ssyncadd.s32 $0xFFFFF800  }
0x1a1: {  	_ =	sfence.sel $0x180000  }
0x1a2: {  	[bflag:$0x0] =	sbarrier.arrive $0xFFFF  }
0x1a3: {  	p0 =	sne.s32 s1, $0x0;
	_ =	strace $0x9000004D  }
0x1a4: {  	s0 =	sadd.s32 @!p0 $0x100000, s0;
	[bflag:$0x2] =	sbarrier.arrive $0xFFFF  }
0x1a5: {  	[sflag:s0] =	ssyncadd.tile.s32 @!p0 $0x1;
	_ =	shalt  }
.Lfunc_end2:
_tile_overlayer_lowered:
.L_overlay_start_2:
0x1a6: {  	(tag) =	ssettag $0x2  }
0x1a7: {  	s0 =	rddreg [dreg:$0x0];
	s2 =	stileid.u32  }
0x1a8: {  	s1 =	rddreg [dreg:$0x1];
	p0 =	sne.s32 s2, $0x0  }
0x1a9: {  	s3 =	rddreg [dreg:$0x2];
	[bflag:$0x3] =	sbarrier.arrive $0xFFFF;
	s2 =	simm.s32 @!p0 $0x1C02  }
0x1aa: {  	[timem:s3], [sflag:s2] =	dma.local @!p0 [hbm:s0], s1  }
0x1ab: {  	s0 =	simm.s32 @!p0 $0x2  }
0x1ac: {  	_ =	swait.ge @!p0 [sflag:s0], s1  }
0x1ad: {  	s1 =	ssub.s32 @!p0 $0x0, s1;
	[sflag:s0] =	ssyncset.done @!p0 $0x0  }
0x1ae: {  	[sflag:s0] =	ssyncadd.s32 @!p0 s1  }
0x1af: {  	[bflag:$0x3] =	sbarrier.arrive $0xFFFF  }
0x1b0: {  	_ =	shalt  }

// kernel: kernel.9.cloned.1.call-start
scs
__scs_entry_jumppad:
0x0: {  	(pc) =	sbr.rel $0x88, $3  }
0x1: {  	(tag) =	ssettag $0x0;
	lr =	simm.s32 $0x1  }
0x2: {  	[smem:$0x3F92] =	sst lr;
	_ =	strace $0xD0000000  }
0x3: {  	_ = 	snop  }
0x4: {  	_ = 	snop  }
0x5: {  	_ = 	snop  }
0x6: {  	_ = 	snop  }
0x7: {  	_ = 	snop  }
__scs_overlays_trampoline_lowered:
0x8: {  	[smem:$0x3FA1] =	sst s0  }
0x9: {  	[smem:$0x3FA2] =	sst s1  }
0xa: {  	[smem:$0x3FA3] =	sst s2  }
0xb: {  	[smem:$0x3FA4] =	sst s3  }
0xc: {  	[smem:$0x3FA5] =	sst s4  }
0xd: {  	[smem:$0x3FA6] =	sst s5  }
0xe: {  	[smem:$0x3FA7] =	sst s6  }
0xf: {  	[smem:$0x3FA8] =	sst s7  }
0x10: {  	[smem:$0x3FA9] =	sst s8  }
0x11: {  	[smem:$0x3FAA] =	sst s9;
	s0 =	simm.s32 @!p0 $0x0  }
0x12: {  	s1 =	sld [smem:$0x3F90];
	s0 =	simm.s32 @p0 $0x1  }
0x13: {  	[smem:$0x3FAB] =	sst s0;
	s0 =	simm.s32 @!p1 $0x0  }
0x14: {  	s2 =	sld [smem:$0x3F8F];
	s0 =	simm.s32 @p1 $0x1  }
0x15: {  	[smem:$0x3FAC] =	sst s0;
	s0 =	simm.s32 @!p2 $0x0  }
0x16: {  	s3 =	sld [smem:$0x3FDB];
	s0 =	simm.s32 @p2 $0x1  }
0x17: {  	s4 =	simm.s32 $0x1BF5;
	[smem:$0x3FAE] =	sst s0  }
0x18: {  	s0 =	sld [smem:$0x3F91];
	_ =	swait.ge [sflag:s4], $0x0  }
0x19: {  	s7 =	sld [smem:$0x3F92]  }
0x1a: {  	s8 =	sadd.s32 $0xFFFFE003, lr  }
0x1b: {  	s9 =	sadd.s32 $0xFFFFFEF7, lr;
	s5 =	simm.s32 $0xFFFFFFFF;
	p2 =	slt.u32 s8, $0xFFFFF086  }
0x1c: {  	p1 =	slt.u32 s9, $0xF7A;
	s5 =	simm.s32 @!p2 $0x0  }
0x1d: {  	s5 =	simm.s32 @p1 $0x1;
	p0 =	seq.s32 s7, s2  }
0x1e: {  	s7 =	smul.u32 @!p0 $0xF7A, s2;
	p2 =	seq.s32 @!p0 s5, $0x0  }
0x1f: {  	s9 =	smul.u32 $0xF7A, s1;
	s8 =	simm.s32 @!p0 $0x1BF5;
	p2 =	por !p2, p0  }
0x20: {  	[sflag:s8] =	ssyncset.s32 @!p0 $0xFFFFF086;
	s6 =	sadd.s32 @!p0 s3, s7;
	s7 =	simm.s32 @!p0 $0x108  }
0x21: {  	s3 =	sadd.s32 s3, s9;
	s6 =	sadd.s32 @!p0 $0x88, s6;
	s7 =	simm.s32 @p2 $0x1082  }
0x22: {  	[simem:s7], [sflag:s8] =	dma.local @!p0 [hbm:s6], $0xF7A  }
0x23: {  	s9 =	sor.u32 $0xD0000000, s2;
	s6 =	simm.s32 $0x108;
	_ =	swait.ge @!p0 [sflag:s8], $0x0  }
0x24: {  	s3 =	sadd.s32 $0x88, s3;
	s6 =	simm.s32 @!p1 $0x1082;
	[sflag:s4] =	ssyncset.s32 $0xFFFFF086  }
0x25: {  	[simem:s6], [sflag:s4] =	dma.local [hbm:s3], $0xF7A  }
0x26: {  	[smem:$0x3F92] =	sst s1;
	(tag) =	ssettag s2;
	_ =	strace s9  }
0x27: {  	s1 =	sld [smem:$0x3FA2]  }
0x28: {  	s2 =	sld [smem:$0x3FA3]  }
0x29: {  	s4 =	sld [smem:$0x3FA5]  }
0x2a: {  	p0 =	seq.s32 s5, $0x0;
	s5 =	sld [smem:$0x3FA6]  }
0x2b: {  	s6 =	sld [smem:$0x3FA7]  }
0x2c: {  	s7 =	sld [smem:$0x3FA8]  }
0x2d: {  	s3 =	simm.s32 $0x108;
	s8 =	sld [smem:$0x3FA9]  }
0x2e: {  	s3 =	simm.s32 @!p0 $0x1082;
	s9 =	sld [smem:$0x3FAA]  }
0x2f: {  	lr =	sadd.s32 s0, s3;
	s0 =	sld [smem:$0x3FA1]  }
0x30: {  	s3 =	sld [smem:$0x3FA4]  }
0x31: {  	[smem:$0x3FAD] =	sst s10  }
0x32: {  	s10 =	sld [smem:$0x3FAB];
	_ =	sdelay $0x3  }
0x33: {  	p0 =	seq.s32 s10, $0x1;
	s10 =	sld [smem:$0x3FAD];
	_ =	sdelay $0x3  }
0x34: {  	[smem:$0x3FAD] =	sst s10  }
0x35: {  	s10 =	sld [smem:$0x3FAC];
	_ =	sdelay $0x3  }
0x36: {  	p1 =	seq.s32 s10, $0x1;
	s10 =	sld [smem:$0x3FAD];
	_ =	sdelay $0x3  }
0x37: {  	[smem:$0x3FAD] =	sst s10  }
0x38: {  	s10 =	sld [smem:$0x3FAE]  }
0x39: {  	_ = 	snop;
	(pc) =	sbr.ind lr, $3  }
0x3a: {  	_ = 	snop  }
0x3b: {  	_ = 	snop  }
0x3c: {  	p2 =	seq.s32 s10, $0x1;
	s10 =	sld [smem:$0x3FAD]  }
0x3d: {  	_ =	shalt  }
0x3e: {  	_ =	shalt  }
0x3f: {  	_ =	shalt  }
0x40: {  	_ =	shalt  }
0x41: {  	_ =	shalt  }
0x42: {  	_ =	shalt  }
0x43: {  	_ =	shalt  }
0x44: {  	_ =	shalt  }
0x45: {  	_ =	shalt  }
0x46: {  	_ =	shalt  }
0x47: {  	_ =	shalt  }
0x48: {  	_ =	shalt  }
0x49: {  	_ =	shalt  }
0x4a: {  	_ =	shalt  }
0x4b: {  	_ =	shalt  }
0x4c: {  	_ =	shalt  }
0x4d: {  	_ =	shalt  }
0x4e: {  	_ =	shalt  }
0x4f: {  	_ =	shalt  }
0x50: {  	_ =	shalt  }
0x51: {  	_ =	shalt  }
0x52: {  	_ =	shalt  }
0x53: {  	_ =	shalt  }
0x54: {  	_ =	shalt  }
0x55: {  	_ =	shalt  }
0x56: {  	_ =	shalt  }
0x57: {  	_ =	shalt  }
0x58: {  	_ =	shalt  }
0x59: {  	_ =	shalt  }
0x5a: {  	_ =	shalt  }
0x5b: {  	_ =	shalt  }
0x5c: {  	_ =	shalt  }
0x5d: {  	_ =	shalt  }
0x5e: {  	_ =	shalt  }
0x5f: {  	_ =	shalt  }
0x60: {  	_ =	shalt  }
0x61: {  	_ =	shalt  }
0x62: {  	_ =	shalt  }
0x63: {  	_ =	shalt  }
0x64: {  	_ =	shalt  }
0x65: {  	_ =	shalt  }
0x66: {  	_ =	shalt  }
0x67: {  	_ =	shalt  }
0x68: {  	_ =	shalt  }
0x69: {  	_ =	shalt  }
0x6a: {  	_ =	shalt  }
0x6b: {  	_ =	shalt  }
0x6c: {  	_ =	shalt  }
0x6d: {  	_ =	shalt  }
0x6e: {  	_ =	shalt  }
0x6f: {  	_ =	shalt  }
0x70: {  	_ =	shalt  }
0x71: {  	_ =	shalt  }
0x72: {  	_ =	shalt  }
0x73: {  	_ =	shalt  }
0x74: {  	_ =	shalt  }
0x75: {  	_ =	shalt  }
0x76: {  	_ =	shalt  }
0x77: {  	_ =	shalt  }
0x78: {  	_ =	shalt  }
0x79: {  	_ =	shalt  }
0x7a: {  	_ =	shalt  }
0x7b: {  	_ =	shalt  }
0x7c: {  	_ =	shalt  }
0x7d: {  	_ =	shalt  }
0x7e: {  	_ =	shalt  }
0x7f: {  	_ =	shalt  }
0x80: {  	_ =	shalt  }
0x81: {  	_ =	shalt  }
0x82: {  	_ =	shalt  }
0x83: {  	_ =	shalt  }
0x84: {  	_ =	shalt  }
0x85: {  	_ =	shalt  }
0x86: {  	_ =	shalt  }
0x87: {  	_ =	shalt  }
.Lfunc_end0:
.L_simem_size_0:
called_computation_lowered:
.L_overlay_start_0:
0x88: {  	s2 =	sld [smem:$0x3FD9]  }
0x89: {  	s3 =	sld [smem:$0x3FFE];
	_ =	sdelay $0x1  }
0x8a: {  	s1 =	srdreg.scid  }
0x8b: {  	s0 =	sand.u32 $0x1, s1  }
0x8c: {  	s17 =	sshll.u32 s0, $0xA;
	s2 =	sadd.s32 s3, s2  }
0x8d: {  	s2 =	sadd.s32 s2, s17  }
0x8e: {  	[smem:$0x3FB9] =	sst s2  }
0x8f: {  	_ = 	snop  }
0x90: {  	s2 =	sld [smem:$0x3FC7];
	(tm) =	ssettm $0x1  }
0x91: {  	s18 =	sld [smem:$0x3FFB];
	_ =	sdelay $0x3  }
0x92: {  	_ =	strace s18  }
0x93: {  	s3 =	sld [smem:$0x3FFC];
	_ =	sdelay $0x3  }
0x94: {  	_ =	strace s3  }
0x95: {  	s3 =	sld [smem:$0x3FFD];
	_ =	sdelay $0x3  }
0x96: {  	_ =	strace s3  }
0x97: {  	_ =	strace $0x8FFFFFFF  }
0x98: {  	s19 =	sld [smem:$0x3FDB];
	_ =	sdelay $0x1  }
0x99: {  	s4 =	simm.s32 $_scs_section_size  }
0x9a: {  	s5 =	simm.s32 $_size__tile_overlayer_lowered;
	s6 =	simm.s32 $_tile_overlayer_lowered  }
0x9b: {  	s22 =	simm.s32 $0x1BFF;
	s21 =	sshll.u32 s6, $0x1;
	s3 =	sadd.s32 s4, s19  }
0x9c: {  	s7 =	simm.s32 $0x0;
	s20 =	sshll.u32 s5, $0x1;
	s5 =	sadd.s32 s21, s3  }
0x9d: {  	[timem:s7], [sflag:s22] =	dma.local [hbm:s5], s20  }
0x9e: {  	_ =	swait.ge [sflag:s22], s20  }
0x9f: {  	s4 =	ssub.s32 $0x0, s20;
	[sflag:s22] =	ssyncset.done $0x0  }
0xa0: {  	[sflag:s22] =	ssyncadd.s32 s4;
	_ =	sdelay $0x1  }
0xa1: {  	s23 =	simm.s32 $0x1B8B  }
0xa2: {  	_ =	swait.ge [sflag:s23], $0x1  }
0xa3: {  	[sflag:s23] =	ssyncset.done $0x0  }
0xa4: {  	s25 =	simm.s32 $0x1B8E;
	s24 =	sld [smem:$0x3FFE];
	[sflag:s23] =	ssyncadd.s32 $0xFFFFFFFF  }
0xa5: {  	s26 =	simm.s32 $execute0_lowered;
	[smem:$0x3FD2] =	sst s25  }
0xa6: {  	s5 =	sshll.u32 s26, $0x1;
	_ =	strace $0x80000046;
	[dreg:$0x1] =	wrdreg $0xFFFFFFFF  }
0xa7: {  	s28 =	simm.s32 $_size_execute0_lowered;
	s3 =	sadd.s32 s3, s5;
	[dreg:$0x0] =	wrdreg $0x0  }
0xa8: {  	s5 =	sshll.u32 s28, $0x1;
	[dreg:$0x2] =	wrdreg s3  }
0xa9: {  	[dreg:$0x3] =	wrdreg s5  }
0xaa: {  	[dreg:$0x4] =	wrdreg $0xC0  }
0xab: {  	_ =	task [dreg:s7], $0x5FFFF  }
0xac: {  	[dreg:$0x1] =	wrdreg $0xFFFFFFFF  }
0xad: {  	[dreg:$0x0] =	wrdreg $0x60  }
0xae: {  	[dreg:$0x2] =	wrdreg s24  }
0xaf: {  	[dreg:$0x3] =	wrdreg s2  }
0xb0: {  	[dreg:$0x4] =	wrdreg $0x9  }
0xb1: {  	_ =	task.clear_ibuf [dreg:s7], $0x5FFFF;
	_ =	strace $0x90000046  }
0xb2: {  	s29 =	simm.s32 $0x9;
	_ =	strace $0x80000048  }
0xb3: {  	_ =	swait.ge [sflag:s29], $0x1  }
0xb4: {  	[sflag:s29] =	ssyncadd.s32 $0xFFFFFFFF  }
0xb5: {  	_ =	strace $0x90000048  }
0xb6: {  	_ =	sfence  }
0xb7: {  	s30 =	sld [smem:$0x0];
	_ =	sdelay $0x2  }
0xb8: {  	s31 =	sshll.u32 s1, $0xD;
	s1 =	sshrl.u32 s1, $0x2  }
0xb9: {  	s3 =	sand.u32 $0x4000, s31;
	s1 =	sadd.s32 s1, s30  }
0xba: {  	s0 =	sor.u32 s3, s0;
	s1 =	sshll.u32 s1, $0x11  }
0xbb: {  	s0 =	sor.u32 s1, s0  }
0xbc: {  	s0 =	sadd.s32 $0x8F2B, s0  }
0xbd: {  	[sflag:s0] =	ssyncadd.remote.s32 $0x1  }
0xbe: {  	_ =	sfence.sel $0xFFFF  }
0xbf: {  	[dreg:$0x0] =	wrdreg $0xFFFFFFFF;
	(pc) =	sbr.abs _section_cstart, $3  }
0xc0: {  	[dreg:$0x1] =	wrdreg $0xFFFFFFFF  }
0xc1: {  	_ =	task.clear_ibuf [dreg:s7], $0x2FFFF;
	_ =	strace $0x9FFFFFFF  }
0xc2: {  	(tm) =	ssettm $0x7FFFFFFF  }
0xc3: {  	_ =	shalt  }
tec
execute0_lowered:
.L_overlay_start_1:
0x0: {  	(tag) =	ssettag $0x1  }
0x1: {  	s4 =	rddreg [dreg:$0x0];
	s1 =	srdreg.scid  }
0x2: {  	s0 =	stileid.u32;
	s8 =	rddreg [dreg:$0x1];
	s2 =	simm.s32 $0x0  }
0x3: {  	s14 =	simm.s32 $0x100;
	s15 =	simm.s32 $0x900;
	s16 =	simm.s32 $0x1100  }
0x4: {  	s17 =	simm.s32 $0x1900;
	s18 =	simm.s32 $0x1;
	s19 =	simm.s32 $0xA180  }
0x5: {  	s20 =	simm.s32 $0x1980;
	s21 =	simm.s32 $0x2;
	s22 =	simm.s32 $0x9980  }
0x6: {  	s5 =	sand.u32 $0x1, s1;
	s3 =	sshll.u32 s0, $0x1;
	s1 =	rddreg [dreg:$0x2]  }
0x7: {  	s23 =	simm.s32 $0x0;
	[smem:$0x7FF] =	sst s2;
	s6 =	sor.u32 s5, s3  }
0x8: {  	_ =	strace $0x80000047;
	s3 =	sadd.s32 $0x5800, s4;
	s5 =	ssub.s32 $0x2, s5  }
0x9: {  	s7 =	sshll.u32 s6, $0xC;
	s10 =	sshll.u32 s6, $0x8;
	s6 =	sshll.u32 s6, $0x4  }
0xa: {  	s31 =	sshrl.u32 s5, $0x1;
	s9 =	sadd.s32 s7, s4;
	s11 =	sadd.s32 s10, s4  }
0xb: {  	s12 =	sadd.s32 s6, s4;
	s13 =	ssub.s32 s5, s31;
	s8 =	sadd.s32 s8, s10  }
0xc: {  	s4 =	sadd.s32 $0x5A00, s12;
	s5 =	sadd.s32 $0x5C00, s12;
	s6 =	sadd.s32 $0x3800, s11  }
0xd: {  	s7 =	sadd.s32 $0x1800, s11;
	s9 =	sadd.s32 $0x6000, s9;
	s10 =	sadd.s32 $0x26000, s11  }
0xe: {  	v0 =	vimm.f32 $0.0e+00;
	v1 =	vimm.f32 $1.000000000e+00;
	s11 =	sadd.s32 $0x5E00, s12;
	s12 =	smax.u32 s13, $0x1;
	s13 =	simm.s32 $0x80  }
.LBB2_1:
0xf: {  	[tilespmem:s2], [sflag:$0x1] =	stream.linear.gather [hbm4b:s4+s2], $0x80, $0x38;
	[tilespmem:$0xA200] =	vst v63  }
0x10: {  	_ = 	snop  }
0x11: {  	[tilespmem:s13], [sflag:$0x1] =	stream.linear.gather [hbm4b:s5+s2], $0x80, $0x38;
	[tilespmem:$0xA200] =	vst v63  }
0x12: {  	_ = 	snop  }
0x13: {  	[tilespmem:s14], [sflag:$0x1] =	stream.linear.gather [hbm4b:s6+s2], $0x800, $0x38;
	[tilespmem:$0xA200] =	vst v63  }
0x14: {  	_ = 	snop  }
0x15: {  	[tilespmem:s15], [sflag:$0x1] =	stream.linear.gather [hbm4b:s7+s2], $0x800, $0x38;
	[tilespmem:$0xA200] =	vst v63  }
0x16: {  	_ = 	snop  }
0x17: {  	[tilespmem:s16], [sflag:$0x1] =	stream.linear.gather [hbm4b:s8+s2], $0x800, $0x38;
	[tilespmem:$0xA200] =	vst v63  }
0x18: {  	s24 =	simm.s32 $0x1A80  }
0x19: {  	[tilespmem:s17], [sflag:$0x1] =	stream.linear.gather [hbm4b:s3+s2], $0x40, $0x38;
	[tilespmem:$0xA200] =	vst v63  }
0x1a: {  	[tilespmem:s24+$0xFFFFFF00] =	vst v0  }
0x1b: {  	[tilespmem:s24+$0xF0] =	vst v0  }
0x1c: {  	[tilespmem:s24+$0xE0] =	vst v0  }
0x1d: {  	[tilespmem:s24+$0xD0] =	vst v0  }
0x1e: {  	[tilespmem:s24+$0xC0] =	vst v0  }
0x1f: {  	[tilespmem:s24+$0xB0] =	vst v0  }
0x20: {  	[tilespmem:s24+$0xA0] =	vst v0  }
0x21: {  	[tilespmem:s24+$0x90] =	vst v0  }
0x22: {  	[tilespmem:s24+$0x80] =	vst v0  }
0x23: {  	[tilespmem:s24+$0x70] =	vst v0  }
0x24: {  	[tilespmem:s24+$0x60] =	vst v0  }
0x25: {  	[tilespmem:s24+$0x50] =	vst v0  }
0x26: {  	[tilespmem:s24+$0x40] =	vst v0  }
0x27: {  	[tilespmem:s24+$0x30] =	vst v0  }
0x28: {  	[tilespmem:s24+$0x20] =	vst v0  }
0x29: {  	[tilespmem:s24+$0x10] =	vst v0  }
0x2a: {  	[tilespmem:s24+$0x0] =	vst v0  }
0x2b: {  	[tilespmem:s24+$0xFFFFFFF0] =	vst v0  }
0x2c: {  	[tilespmem:s24+$0xFFFFFFE0] =	vst v0  }
0x2d: {  	[tilespmem:s24+$0xFFFFFFD0] =	vst v0  }
0x2e: {  	[tilespmem:s24+$0xFFFFFFC0] =	vst v0  }
0x2f: {  	[tilespmem:s24+$0xFFFFFFB0] =	vst v0  }
0x30: {  	[tilespmem:s24+$0xFFFFFFA0] =	vst v0  }
0x31: {  	[tilespmem:s24+$0xFFFFFF90] =	vst v0  }
0x32: {  	[tilespmem:s24+$0xFFFFFF80] =	vst v0  }
0x33: {  	[tilespmem:s24+$0xFFFFFF70] =	vst v0  }
0x34: {  	[tilespmem:s24+$0xFFFFFF60] =	vst v0  }
0x35: {  	[tilespmem:s24+$0xFFFFFF50] =	vst v0  }
0x36: {  	[tilespmem:s24+$0xFFFFFF40] =	vst v0  }
0x37: {  	[tilespmem:s24+$0xFFFFFF30] =	vst v0  }
0x38: {  	s25 =	simm.s32 $0x0;
	[tilespmem:s24+$0xFFFFFF20] =	vst v0  }
.LBB2_2:
0x39: {  	s25 =	sadd.s32 $0x20, s25;
	[tilespmem:s24+$0xFFFFFF10] =	vst v0;
	s24 =	sadd.s32 $0x200, s24  }
0x3a: {  	[tilespmem:s24+$0xFFFFFF00] =	vst v0;
	p0 =	slt.u32 s25, $0x7E0  }
0x3b: {  	[tilespmem:s24+$0xF0] =	vst v0  }
0x3c: {  	[tilespmem:s24+$0xE0] =	vst v0  }
0x3d: {  	[tilespmem:s24+$0xD0] =	vst v0  }
0x3e: {  	[tilespmem:s24+$0xC0] =	vst v0  }
0x3f: {  	[tilespmem:s24+$0xB0] =	vst v0  }
0x40: {  	[tilespmem:s24+$0xA0] =	vst v0  }
0x41: {  	[tilespmem:s24+$0x90] =	vst v0  }
0x42: {  	[tilespmem:s24+$0x80] =	vst v0  }
0x43: {  	[tilespmem:s24+$0x70] =	vst v0  }
0x44: {  	[tilespmem:s24+$0x60] =	vst v0  }
0x45: {  	[tilespmem:s24+$0x50] =	vst v0  }
0x46: {  	[tilespmem:s24+$0x40] =	vst v0  }
0x47: {  	[tilespmem:s24+$0x30] =	vst v0  }
0x48: {  	[tilespmem:s24+$0x20] =	vst v0  }
0x49: {  	[tilespmem:s24+$0x10] =	vst v0  }
0x4a: {  	[tilespmem:s24+$0x0] =	vst v0  }
0x4b: {  	[tilespmem:s24+$0xFFFFFFF0] =	vst v0  }
0x4c: {  	[tilespmem:s24+$0xFFFFFFE0] =	vst v0  }
0x4d: {  	[tilespmem:s24+$0xFFFFFFD0] =	vst v0  }
0x4e: {  	[tilespmem:s24+$0xFFFFFFC0] =	vst v0  }
0x4f: {  	[tilespmem:s24+$0xFFFFFFB0] =	vst v0  }
0x50: {  	[tilespmem:s24+$0xFFFFFFA0] =	vst v0  }
0x51: {  	[tilespmem:s24+$0xFFFFFF90] =	vst v0  }
0x52: {  	[tilespmem:s24+$0xFFFFFF80] =	vst v0  }
0x53: {  	[tilespmem:s24+$0xFFFFFF70] =	vst v0  }
.Ltmp0:
0x54: {  	[tilespmem:s24+$0xFFFFFF60] =	vst v0;
	(pc) =	sbr.rel @p0 .LBB2_2-.Ltmp0, $4  }
0x55: {  	[tilespmem:s24+$0xFFFFFF50] =	vst v0  }
0x56: {  	[tilespmem:s24+$0xFFFFFF40] =	vst v0  }
0x57: {  	[tilespmem:s24+$0xFFFFFF30] =	vst v0  }
0x58: {  	[tilespmem:s24+$0xFFFFFF20] =	vst v0  }
0x59: {  	[tilespmem:s24+$0xFFFFFF10] =	vst v0  }
0x5a: {  	[tilespmem:$0xA180] =	vst v0  }
0x5b: {  	[tilespmem:$0xA190] =	vst v0  }
0x5c: {  	[tilespmem:$0xA1A0] =	vst v0  }
0x5d: {  	[tilespmem:$0xA1B0] =	vst v0  }
0x5e: {  	[tilespmem:$0xA1C0] =	vst v0  }
0x5f: {  	[tilespmem:$0xA1D0] =	vst v0  }
0x60: {  	[tilespmem:$0xA1E0] =	vst v0  }
0x61: {  	[tilespmem:$0xA1F0] =	vst v0  }
0x62: {  	_ =	swait.ge [sflag:s18], $0x80  }
0x63: {  	[sflag:s18] =	ssyncset.done $0x0  }
0x64: {  	[sflag:s18] =	ssyncadd.s32 $0xFFFFFF80  }
0x65: {  	_ =	swait.ge [sflag:s18], $0x80  }
0x66: {  	[sflag:s18] =	ssyncset.done $0x0  }
0x67: {  	[sflag:s18] =	ssyncadd.s32 $0xFFFFFF80  }
0x68: {  	_ =	swait.ge [sflag:s18], $0x800  }
0x69: {  	[sflag:s18] =	ssyncset.done $0x0  }
0x6a: {  	[sflag:s18] =	ssyncadd.s32 $0xFFFFF800  }
0x6b: {  	_ =	swait.ge [sflag:s18], $0x800  }
0x6c: {  	[sflag:s18] =	ssyncset.done $0x0  }
0x6d: {  	[sflag:s18] =	ssyncadd.s32 $0xFFFFF800  }
0x6e: {  	_ =	swait.ge [sflag:s18], $0x800  }
0x6f: {  	[sflag:s18] =	ssyncset.done $0x0  }
0x70: {  	[sflag:s18] =	ssyncadd.s32 $0xFFFFF800  }
0x71: {  	s24 =	simm.s32 $0xFFFFFFF8;
	_ =	swait.ge [sflag:s18], $0x40  }
0x72: {  	s25 =	simm.s32 $0x140;
	s26 =	simm.s32 $0x940;
	[sflag:s18] =	ssyncset.done $0x0  }
0x73: {  	s28 =	simm.s32 $0x1140;
	s29 =	simm.s32 $0x99C0;
	[sflag:s18] =	ssyncadd.s32 $0xFFFFFFC0  }
.LBB2_4:
0x74: {  	v2 =	vld [tilespmem:s25+$0xFFFFFFC0]  }
0x75: {  	v3 =	vld [tilespmem:s26+$0xFFFFFFC0];
	_ =	sdelay $0x3  }
0x76: {  	v4 =	vand.u32 $0x7F, v2  }
0x77: {  	v3 =	vand.u32 $0x7F, v3;
	_ =	sdelay $0x3  }
0x78: {  	v4 =	vld.idx.msk [tilespmem:v4+s2+$0x0], $0xffff  }
0x79: {  	v5 =	vld.idx.msk [tilespmem:v3+s13+$0x0], $0xffff;
	_ =	sdelay $0x4  }
0x7a: {  	v4 =	vadd.f32 v5, v4;
	_ =	sdelay $0x1  }
0x7b: {  	v4 =	vsub.f32 $0.0e+00, v4;
	_ =	sdelay $0x1  }
0x7c: {  	v4 =	vmul.f32 $1.442695020e+00, v4;
	_ =	sdelay $0x1  }
0x7d: {  	(erf) = vpow2.f32 v4;
	_ =	sdelay $0x8  }
0x7e: {  	v4 =	vpop (erf)  }
0x7f: {  	v4 =	vadd.f32 $1.000000000e+00, v4;
	_ =	sdelay $0x1  }
0x80: {  	(erf) = vrcp.f32 v4;
	_ =	sdelay $0x1  }
0x81: {  	v11 =	vld [tilespmem:s28+$0xFFFFFFC0];
	_ =	sdelay $0x4  }
0x82: {  	v4 =	vshll.u32 v11, $0x2;
	_ =	sdelay $0x1  }
0x83: {  	v12 =	vpop (erf)  }
0x84: {  	[tilespmem:s29+$0xFFFFFFC0] =	vst v12  }
0x85: {  	[tilespmem:v3+s19+$0x0] =	vst.idx.add.f32.msk $0xffff, v1  }
0x86: {  	v6 =	vld.idx.msk [tilespmem:v4+s17+$0x0], $0xffff  }
0x87: {  	v2 =	vand.u32 $0x3F, v2;
	v3 =	vshll.u32 v3, $0x8  }
0x88: {  	v2 =	vor.u32 v2, v3  }
0x89: {  	v3 =	vor.u32 $0x1, v4;
	_ =	sdelay $0x1  }
0x8a: {  	v6 =	vmul.f32 v12, v6;
	_ =	sdelay $0x1  }
0x8b: {  	[tilespmem:v2+s20+$0x0] =	vst.idx.add.f32.msk $0xffff, v6  }
0x8c: {  	v3 =	vld.idx.msk [tilespmem:v3+s17+$0x0], $0xffff;
	_ =	sdelay $0x1  }
0x8d: {  	v13 =	vor.u32 $0x40, v2  }
0x8e: {  	v7 =	vor.u32 $0x2, v4;
	_ =	sdelay $0x1  }
0x8f: {  	v3 =	vmul.f32 v12, v3;
	_ =	sdelay $0x1  }
0x90: {  	[tilespmem:v13+s20+$0x0] =	vst.idx.add.f32.msk $0xffff, v3  }
0x91: {  	v3 =	vld.idx.msk [tilespmem:v7+s17+$0x0], $0xffff;
	_ =	sdelay $0x1  }
0x92: {  	v14 =	vor.u32 $0x80, v2  }
0x93: {  	v4 =	vor.u32 $0x3, v4;
	_ =	sdelay $0x1  }
0x94: {  	v3 =	vmul.f32 v3, v12;
	_ =	sdelay $0x1  }
0x95: {  	[tilespmem:v14+s20+$0x0] =	vst.idx.add.f32.msk $0xffff, v3  }
0x96: {  	v3 =	vld.idx.msk [tilespmem:v4+s17+$0x0], $0xffff;
	_ =	sdelay $0x1  }
0x97: {  	v2 =	vor.u32 $0xC0, v2;
	_ =	sdelay $0x2  }
0x98: {  	v3 =	vmul.f32 v3, v12;
	_ =	sdelay $0x1  }
0x99: {  	[tilespmem:v2+s20+$0x0] =	vst.idx.add.f32.msk $0xffff, v3  }
0x9a: {  	v2 =	vld [tilespmem:s25+$0xFFFFFFD0]  }
0x9b: {  	v3 =	vld [tilespmem:s26+$0xFFFFFFD0];
	_ =	sdelay $0x3  }
0x9c: {  	v15 =	vand.u32 $0x7F, v2  }
0x9d: {  	v3 =	vand.u32 $0x7F, v3;
	_ =	sdelay $0x3  }
0x9e: {  	v4 =	vld.idx.msk [tilespmem:v15+s2+$0x0], $0xffff  }
0x9f: {  	v16 =	vld.idx.msk [tilespmem:v3+s13+$0x0], $0xffff;
	_ =	sdelay $0x4  }
0xa0: {  	v4 =	vadd.f32 v16, v4;
	_ =	sdelay $0x1  }
0xa1: {  	v4 =	vsub.f32 $0.0e+00, v4;
	_ =	sdelay $0x1  }
0xa2: {  	v4 =	vmul.f32 $1.442695020e+00, v4;
	_ =	sdelay $0x1  }
0xa3: {  	(erf) = vpow2.f32 v4;
	_ =	sdelay $0x8  }
0xa4: {  	v4 =	vpop (erf)  }
0xa5: {  	v4 =	vadd.f32 $1.000000000e+00, v4;
	_ =	sdelay $0x1  }
0xa6: {  	(erf) = vrcp.f32 v4;
	_ =	sdelay $0x1  }
0xa7: {  	v17 =	vld [tilespmem:s28+$0xFFFFFFD0];
	_ =	sdelay $0x4  }
0xa8: {  	v4 =	vshll.u32 v17, $0x2;
	_ =	sdelay $0x1  }
0xa9: {  	v18 =	vpop (erf)  }
0xaa: {  	[tilespmem:s29+$0xFFFFFFD0] =	vst v18  }
0xab: {  	[tilespmem:v3+s19+$0x0] =	vst.idx.add.f32.msk $0xffff, v1  }
0xac: {  	v6 =	vld.idx.msk [tilespmem:v4+s17+$0x0], $0xffff  }
0xad: {  	v2 =	vand.u32 $0x3F, v2;
	v3 =	vshll.u32 v3, $0x8  }
0xae: {  	v2 =	vor.u32 v2, v3  }
0xaf: {  	v3 =	vor.u32 $0x1, v4;
	_ =	sdelay $0x1  }
0xb0: {  	v6 =	vmul.f32 v18, v6;
	_ =	sdelay $0x1  }
0xb1: {  	[tilespmem:v2+s20+$0x0] =	vst.idx.add.f32.msk $0xffff, v6  }
0xb2: {  	v3 =	vld.idx.msk [tilespmem:v3+s17+$0x0], $0xffff;
	_ =	sdelay $0x1  }
0xb3: {  	v19 =	vor.u32 $0x40, v2  }
0xb4: {  	v20 =	vor.u32 $0x2, v4;
	_ =	sdelay $0x1  }
0xb5: {  	v3 =	vmul.f32 v18, v3;
	_ =	sdelay $0x1  }
0xb6: {  	[tilespmem:v19+s20+$0x0] =	vst.idx.add.f32.msk $0xffff, v3  }
0xb7: {  	v3 =	vld.idx.msk [tilespmem:v20+s17+$0x0], $0xffff;
	_ =	sdelay $0x1  }
0xb8: {  	v21 =	vor.u32 $0x80, v2  }
0xb9: {  	v4 =	vor.u32 $0x3, v4;
	_ =	sdelay $0x1  }
0xba: {  	v3 =	vmul.f32 v3, v18;
	_ =	sdelay $0x1  }
0xbb: {  	[tilespmem:v21+s20+$0x0] =	vst.idx.add.f32.msk $0xffff, v3  }
0xbc: {  	v3 =	vld.idx.msk [tilespmem:v4+s17+$0x0], $0xffff;
	_ =	sdelay $0x1  }
0xbd: {  	v2 =	vor.u32 $0xC0, v2;
	_ =	sdelay $0x2  }
0xbe: {  	v3 =	vmul.f32 v3, v18;
	_ =	sdelay $0x1  }
0xbf: {  	[tilespmem:v2+s20+$0x0] =	vst.idx.add.f32.msk $0xffff, v3  }
0xc0: {  	v2 =	vld [tilespmem:s25+$0xFFFFFFE0]  }
0xc1: {  	v3 =	vld [tilespmem:s26+$0xFFFFFFE0];
	_ =	sdelay $0x3  }
0xc2: {  	v22 =	vand.u32 $0x7F, v2  }
0xc3: {  	v3 =	vand.u32 $0x7F, v3;
	_ =	sdelay $0x3  }
0xc4: {  	v4 =	vld.idx.msk [tilespmem:v22+s2+$0x0], $0xffff  }
0xc5: {  	v23 =	vld.idx.msk [tilespmem:v3+s13+$0x0], $0xffff;
	_ =	sdelay $0x4  }
0xc6: {  	v4 =	vadd.f32 v23, v4;
	_ =	sdelay $0x1  }
0xc7: {  	v4 =	vsub.f32 $0.0e+00, v4;
	_ =	sdelay $0x1  }
0xc8: {  	v4 =	vmul.f32 $1.442695020e+00, v4;
	_ =	sdelay $0x1  }
0xc9: {  	(erf) = vpow2.f32 v4;
	_ =	sdelay $0x8  }
0xca: {  	v4 =	vpop (erf)  }
0xcb: {  	v4 =	vadd.f32 $1.000000000e+00, v4;
	_ =	sdelay $0x1  }
0xcc: {  	(erf) = vrcp.f32 v4;
	_ =	sdelay $0x1  }
0xcd: {  	v24 =	vld [tilespmem:s28+$0xFFFFFFE0];
	_ =	sdelay $0x4  }
0xce: {  	v4 =	vshll.u32 v24, $0x2;
	_ =	sdelay $0x1  }
0xcf: {  	v25 =	vpop (erf)  }
0xd0: {  	[tilespmem:s29+$0xFFFFFFE0] =	vst v25  }
0xd1: {  	[tilespmem:v3+s19+$0x0] =	vst.idx.add.f32.msk $0xffff, v1  }
0xd2: {  	v6 =	vld.idx.msk [tilespmem:v4+s17+$0x0], $0xffff  }
0xd3: {  	v2 =	vand.u32 $0x3F, v2;
	v3 =	vshll.u32 v3, $0x8  }
0xd4: {  	v2 =	vor.u32 v2, v3  }
0xd5: {  	v3 =	vor.u32 $0x1, v4;
	_ =	sdelay $0x1  }
0xd6: {  	v6 =	vmul.f32 v25, v6;
	_ =	sdelay $0x1  }
0xd7: {  	[tilespmem:v2+s20+$0x0] =	vst.idx.add.f32.msk $0xffff, v6  }
0xd8: {  	v3 =	vld.idx.msk [tilespmem:v3+s17+$0x0], $0xffff;
	_ =	sdelay $0x1  }
0xd9: {  	v26 =	vor.u32 $0x40, v2  }
0xda: {  	v27 =	vor.u32 $0x2, v4;
	_ =	sdelay $0x1  }
0xdb: {  	v3 =	vmul.f32 v25, v3;
	_ =	sdelay $0x1  }
0xdc: {  	[tilespmem:v26+s20+$0x0] =	vst.idx.add.f32.msk $0xffff, v3  }
0xdd: {  	v3 =	vld.idx.msk [tilespmem:v27+s17+$0x0], $0xffff;
	_ =	sdelay $0x1  }
0xde: {  	v28 =	vor.u32 $0x80, v2  }
0xdf: {  	v4 =	vor.u32 $0x3, v4;
	_ =	sdelay $0x1  }
0xe0: {  	v3 =	vmul.f32 v3, v25;
	_ =	sdelay $0x1  }
0xe1: {  	[tilespmem:v28+s20+$0x0] =	vst.idx.add.f32.msk $0xffff, v3  }
0xe2: {  	v3 =	vld.idx.msk [tilespmem:v4+s17+$0x0], $0xffff;
	_ =	sdelay $0x1  }
0xe3: {  	v2 =	vor.u32 $0xC0, v2;
	_ =	sdelay $0x2  }
0xe4: {  	v3 =	vmul.f32 v3, v25;
	_ =	sdelay $0x1  }
0xe5: {  	[tilespmem:v2+s20+$0x0] =	vst.idx.add.f32.msk $0xffff, v3  }
0xe6: {  	v2 =	vld [tilespmem:s25+$0xFFFFFFF0]  }
0xe7: {  	v3 =	vld [tilespmem:s26+$0xFFFFFFF0];
	_ =	sdelay $0x3  }
0xe8: {  	v29 =	vand.u32 $0x7F, v2  }
0xe9: {  	v3 =	vand.u32 $0x7F, v3;
	_ =	sdelay $0x3  }
0xea: {  	v4 =	vld.idx.msk [tilespmem:v29+s2+$0x0], $0xffff  }
0xeb: {  	v30 =	vld.idx.msk [tilespmem:v3+s13+$0x0], $0xffff;
	_ =	sdelay $0x4  }
0xec: {  	v4 =	vadd.f32 v30, v4;
	_ =	sdelay $0x1  }
0xed: {  	v4 =	vsub.f32 $0.0e+00, v4;
	_ =	sdelay $0x1  }
0xee: {  	v4 =	vmul.f32 $1.442695020e+00, v4;
	_ =	sdelay $0x1  }
0xef: {  	(erf) = vpow2.f32 v4;
	_ =	sdelay $0x8  }
0xf0: {  	v4 =	vpop (erf)  }
0xf1: {  	v4 =	vadd.f32 $1.000000000e+00, v4;
	_ =	sdelay $0x1  }
0xf2: {  	(erf) = vrcp.f32 v4;
	_ =	sdelay $0x1  }
0xf3: {  	v31 =	vld [tilespmem:s28+$0xFFFFFFF0];
	_ =	sdelay $0x4  }
0xf4: {  	v4 =	vshll.u32 v31, $0x2;
	_ =	sdelay $0x1  }
0xf5: {  	v32 =	vpop (erf)  }
0xf6: {  	[tilespmem:s29+$0xFFFFFFF0] =	vst v32  }
0xf7: {  	[tilespmem:v3+s19+$0x0] =	vst.idx.add.f32.msk $0xffff, v1  }
0xf8: {  	v6 =	vld.idx.msk [tilespmem:v4+s17+$0x0], $0xffff  }
0xf9: {  	v2 =	vand.u32 $0x3F, v2;
	v3 =	vshll.u32 v3, $0x8  }
0xfa: {  	v2 =	vor.u32 v2, v3  }
0xfb: {  	v3 =	vor.u32 $0x1, v4;
	_ =	sdelay $0x1  }
0xfc: {  	v6 =	vmul.f32 v32, v6;
	_ =	sdelay $0x1  }
0xfd: {  	[tilespmem:v2+s20+$0x0] =	vst.idx.add.f32.msk $0xffff, v6  }
0xfe: {  	v3 =	vld.idx.msk [tilespmem:v3+s17+$0x0], $0xffff;
	_ =	sdelay $0x1  }
0xff: {  	v33 =	vor.u32 $0x40, v2  }
0x100: {  	v34 =	vor.u32 $0x2, v4;
	_ =	sdelay $0x1  }
0x101: {  	v3 =	vmul.f32 v32, v3;
	_ =	sdelay $0x1  }
0x102: {  	[tilespmem:v33+s20+$0x0] =	vst.idx.add.f32.msk $0xffff, v3  }
0x103: {  	v3 =	vld.idx.msk [tilespmem:v34+s17+$0x0], $0xffff;
	_ =	sdelay $0x1  }
0x104: {  	v35 =	vor.u32 $0x80, v2  }
0x105: {  	v4 =	vor.u32 $0x3, v4;
	_ =	sdelay $0x1  }
0x106: {  	v3 =	vmul.f32 v3, v32;
	_ =	sdelay $0x1  }
0x107: {  	[tilespmem:v35+s20+$0x0] =	vst.idx.add.f32.msk $0xffff, v3  }
0x108: {  	v3 =	vld.idx.msk [tilespmem:v4+s17+$0x0], $0xffff;
	_ =	sdelay $0x1  }
0x109: {  	v2 =	vor.u32 $0xC0, v2;
	_ =	sdelay $0x2  }
0x10a: {  	v3 =	vmul.f32 v3, v32;
	_ =	sdelay $0x1  }
0x10b: {  	[tilespmem:v2+s20+$0x0] =	vst.idx.add.f32.msk $0xffff, v3  }
0x10c: {  	v2 =	vld [tilespmem:s25+$0x0]  }
0x10d: {  	v3 =	vld [tilespmem:s26+$0x0];
	_ =	sdelay $0x3  }
0x10e: {  	v36 =	vand.u32 $0x7F, v2  }
0x10f: {  	v3 =	vand.u32 $0x7F, v3;
	_ =	sdelay $0x3  }
0x110: {  	v4 =	vld.idx.msk [tilespmem:v36+s2+$0x0], $0xffff  }
0x111: {  	v37 =	vld.idx.msk [tilespmem:v3+s13+$0x0], $0xffff;
	_ =	sdelay $0x4  }
0x112: {  	v4 =	vadd.f32 v37, v4;
	_ =	sdelay $0x1  }
0x113: {  	v4 =	vsub.f32 $0.0e+00, v4;
	_ =	sdelay $0x1  }
0x114: {  	v4 =	vmul.f32 $1.442695020e+00, v4;
	_ =	sdelay $0x1  }
0x115: {  	(erf) = vpow2.f32 v4;
	_ =	sdelay $0x8  }
0x116: {  	v4 =	vpop (erf)  }
0x117: {  	v4 =	vadd.f32 $1.000000000e+00, v4;
	_ =	sdelay $0x1  }
0x118: {  	(erf) = vrcp.f32 v4;
	_ =	sdelay $0x1  }
0x119: {  	v38 =	vld [tilespmem:s28+$0x0];
	_ =	sdelay $0x4  }
0x11a: {  	v4 =	vshll.u32 v38, $0x2;
	_ =	sdelay $0x1  }
0x11b: {  	v39 =	vpop (erf)  }
0x11c: {  	[tilespmem:s29+$0x0] =	vst v39  }
0x11d: {  	[tilespmem:v3+s19+$0x0] =	vst.idx.add.f32.msk $0xffff, v1  }
0x11e: {  	v6 =	vld.idx.msk [tilespmem:v4+s17+$0x0], $0xffff  }
0x11f: {  	v2 =	vand.u32 $0x3F, v2;
	v3 =	vshll.u32 v3, $0x8  }
0x120: {  	v2 =	vor.u32 v2, v3  }
0x121: {  	v3 =	vor.u32 $0x1, v4;
	_ =	sdelay $0x1  }
0x122: {  	v6 =	vmul.f32 v39, v6;
	_ =	sdelay $0x1  }
0x123: {  	[tilespmem:v2+s20+$0x0] =	vst.idx.add.f32.msk $0xffff, v6  }
0x124: {  	v3 =	vld.idx.msk [tilespmem:v3+s17+$0x0], $0xffff;
	_ =	sdelay $0x1  }
0x125: {  	v40 =	vor.u32 $0x40, v2  }
0x126: {  	v41 =	vor.u32 $0x2, v4;
	_ =	sdelay $0x1  }
0x127: {  	v3 =	vmul.f32 v39, v3;
	_ =	sdelay $0x1  }
0x128: {  	[tilespmem:v40+s20+$0x0] =	vst.idx.add.f32.msk $0xffff, v3  }
0x129: {  	v3 =	vld.idx.msk [tilespmem:v41+s17+$0x0], $0xffff;
	_ =	sdelay $0x1  }
0x12a: {  	v42 =	vor.u32 $0x80, v2  }
0x12b: {  	v4 =	vor.u32 $0x3, v4;
	_ =	sdelay $0x1  }
0x12c: {  	v3 =	vmul.f32 v3, v39;
	_ =	sdelay $0x1  }
0x12d: {  	[tilespmem:v42+s20+$0x0] =	vst.idx.add.f32.msk $0xffff, v3  }
0x12e: {  	v3 =	vld.idx.msk [tilespmem:v4+s17+$0x0], $0xffff;
	_ =	sdelay $0x1  }
0x12f: {  	v2 =	vor.u32 $0xC0, v2;
	_ =	sdelay $0x2  }
0x130: {  	v3 =	vmul.f32 v3, v39;
	_ =	sdelay $0x1  }
0x131: {  	[tilespmem:v2+s20+$0x0] =	vst.idx.add.f32.msk $0xffff, v3  }
0x132: {  	v2 =	vld [tilespmem:s25+$0x10]  }
0x133: {  	v3 =	vld [tilespmem:s26+$0x10];
	_ =	sdelay $0x3  }
0x134: {  	v43 =	vand.u32 $0x7F, v2  }
0x135: {  	v3 =	vand.u32 $0x7F, v3;
	_ =	sdelay $0x3  }
0x136: {  	v4 =	vld.idx.msk [tilespmem:v43+s2+$0x0], $0xffff  }
0x137: {  	v44 =	vld.idx.msk [tilespmem:v3+s13+$0x0], $0xffff;
	_ =	sdelay $0x4  }
0x138: {  	v4 =	vadd.f32 v44, v4;
	_ =	sdelay $0x1  }
0x139: {  	v4 =	vsub.f32 $0.0e+00, v4;
	_ =	sdelay $0x1  }
0x13a: {  	v4 =	vmul.f32 $1.442695020e+00, v4;
	_ =	sdelay $0x1  }
0x13b: {  	(erf) = vpow2.f32 v4;
	_ =	sdelay $0x8  }
0x13c: {  	v4 =	vpop (erf)  }
0x13d: {  	v4 =	vadd.f32 $1.000000000e+00, v4;
	_ =	sdelay $0x1  }
0x13e: {  	(erf) = vrcp.f32 v4;
	_ =	sdelay $0x1  }
0x13f: {  	v45 =	vld [tilespmem:s28+$0x10];
	_ =	sdelay $0x4  }
0x140: {  	v4 =	vshll.u32 v45, $0x2;
	_ =	sdelay $0x1  }
0x141: {  	v46 =	vpop (erf)  }
0x142: {  	[tilespmem:s29+$0x10] =	vst v46  }
0x143: {  	[tilespmem:v3+s19+$0x0] =	vst.idx.add.f32.msk $0xffff, v1  }
0x144: {  	v6 =	vld.idx.msk [tilespmem:v4+s17+$0x0], $0xffff  }
0x145: {  	v2 =	vand.u32 $0x3F, v2;
	v3 =	vshll.u32 v3, $0x8  }
0x146: {  	v2 =	vor.u32 v2, v3  }
0x147: {  	v3 =	vor.u32 $0x1, v4;
	_ =	sdelay $0x1  }
0x148: {  	v6 =	vmul.f32 v46, v6;
	_ =	sdelay $0x1  }
0x149: {  	[tilespmem:v2+s20+$0x0] =	vst.idx.add.f32.msk $0xffff, v6  }
0x14a: {  	v3 =	vld.idx.msk [tilespmem:v3+s17+$0x0], $0xffff;
	_ =	sdelay $0x1  }
0x14b: {  	v47 =	vor.u32 $0x40, v2  }
0x14c: {  	v48 =	vor.u32 $0x2, v4;
	_ =	sdelay $0x1  }
0x14d: {  	v3 =	vmul.f32 v46, v3;
	_ =	sdelay $0x1  }
0x14e: {  	[tilespmem:v47+s20+$0x0] =	vst.idx.add.f32.msk $0xffff, v3  }
0x14f: {  	v3 =	vld.idx.msk [tilespmem:v48+s17+$0x0], $0xffff;
	_ =	sdelay $0x1  }
0x150: {  	v49 =	vor.u32 $0x80, v2  }
0x151: {  	v4 =	vor.u32 $0x3, v4;
	_ =	sdelay $0x1  }
0x152: {  	v3 =	vmul.f32 v3, v46;
	_ =	sdelay $0x1  }
0x153: {  	[tilespmem:v49+s20+$0x0] =	vst.idx.add.f32.msk $0xffff, v3  }
0x154: {  	v3 =	vld.idx.msk [tilespmem:v4+s17+$0x0], $0xffff;
	_ =	sdelay $0x1  }
0x155: {  	v2 =	vor.u32 $0xC0, v2;
	_ =	sdelay $0x2  }
0x156: {  	v3 =	vmul.f32 v3, v46;
	_ =	sdelay $0x1  }
0x157: {  	[tilespmem:v2+s20+$0x0] =	vst.idx.add.f32.msk $0xffff, v3  }
0x158: {  	v2 =	vld [tilespmem:s25+$0x20]  }
0x159: {  	v3 =	vld [tilespmem:s26+$0x20];
	_ =	sdelay $0x3  }
0x15a: {  	v50 =	vand.u32 $0x7F, v2  }
0x15b: {  	v3 =	vand.u32 $0x7F, v3;
	_ =	sdelay $0x3  }
0x15c: {  	v4 =	vld.idx.msk [tilespmem:v50+s2+$0x0], $0xffff  }
0x15d: {  	v51 =	vld.idx.msk [tilespmem:v3+s13+$0x0], $0xffff;
	_ =	sdelay $0x4  }
0x15e: {  	v4 =	vadd.f32 v51, v4;
	_ =	sdelay $0x1  }
0x15f: {  	v4 =	vsub.f32 $0.0e+00, v4;
	_ =	sdelay $0x1  }
0x160: {  	v4 =	vmul.f32 $1.442695020e+00, v4;
	_ =	sdelay $0x1  }
0x161: {  	(erf) = vpow2.f32 v4;
	_ =	sdelay $0x8  }
0x162: {  	v4 =	vpop (erf)  }
0x163: {  	v4 =	vadd.f32 $1.000000000e+00, v4;
	_ =	sdelay $0x1  }
0x164: {  	(erf) = vrcp.f32 v4;
	_ =	sdelay $0x1  }
0x165: {  	v52 =	vld [tilespmem:s28+$0x20];
	_ =	sdelay $0x4  }
0x166: {  	v4 =	vshll.u32 v52, $0x2;
	_ =	sdelay $0x1  }
0x167: {  	v53 =	vpop (erf)  }
0x168: {  	[tilespmem:s29+$0x20] =	vst v53  }
0x169: {  	[tilespmem:v3+s19+$0x0] =	vst.idx.add.f32.msk $0xffff, v1  }
0x16a: {  	v6 =	vld.idx.msk [tilespmem:v4+s17+$0x0], $0xffff  }
0x16b: {  	v2 =	vand.u32 $0x3F, v2;
	v3 =	vshll.u32 v3, $0x8  }
0x16c: {  	v2 =	vor.u32 v2, v3  }
0x16d: {  	v3 =	vor.u32 $0x1, v4;
	_ =	sdelay $0x1  }
0x16e: {  	v6 =	vmul.f32 v53, v6;
	_ =	sdelay $0x1  }
0x16f: {  	[tilespmem:v2+s20+$0x0] =	vst.idx.add.f32.msk $0xffff, v6  }
0x170: {  	v3 =	vld.idx.msk [tilespmem:v3+s17+$0x0], $0xffff;
	_ =	sdelay $0x1  }
0x171: {  	v54 =	vor.u32 $0x40, v2  }
0x172: {  	v55 =	vor.u32 $0x2, v4;
	_ =	sdelay $0x1  }
0x173: {  	v3 =	vmul.f32 v53, v3;
	_ =	sdelay $0x1  }
0x174: {  	[tilespmem:v54+s20+$0x0] =	vst.idx.add.f32.msk $0xffff, v3  }
0x175: {  	v3 =	vld.idx.msk [tilespmem:v55+s17+$0x0], $0xffff;
	_ =	sdelay $0x1  }
0x176: {  	v56 =	vor.u32 $0x80, v2  }
0x177: {  	v4 =	vor.u32 $0x3, v4;
	_ =	sdelay $0x1  }
0x178: {  	v3 =	vmul.f32 v3, v53;
	_ =	sdelay $0x1  }
0x179: {  	[tilespmem:v56+s20+$0x0] =	vst.idx.add.f32.msk $0xffff, v3  }
0x17a: {  	v3 =	vld.idx.msk [tilespmem:v4+s17+$0x0], $0xffff;
	_ =	sdelay $0x1  }
0x17b: {  	v2 =	vor.u32 $0xC0, v2;
	_ =	sdelay $0x2  }
0x17c: {  	v3 =	vmul.f32 v3, v53;
	_ =	sdelay $0x1  }
0x17d: {  	[tilespmem:v2+s20+$0x0] =	vst.idx.add.f32.msk $0xffff, v3  }
0x17e: {  	v2 =	vld [tilespmem:s25+$0x30]  }
0x17f: {  	v3 =	vld [tilespmem:s26+$0x30];
	_ =	sdelay $0x3  }
0x180: {  	v57 =	vand.u32 $0x7F, v2  }
0x181: {  	v3 =	vand.u32 $0x7F, v3;
	_ =	sdelay $0x3  }
0x182: {  	v4 =	vld.idx.msk [tilespmem:v57+s2+$0x0], $0xffff  }
0x183: {  	v58 =	vld.idx.msk [tilespmem:v3+s13+$0x0], $0xffff;
	_ =	sdelay $0x4  }
0x184: {  	v4 =	vadd.f32 v58, v4;
	_ =	sdelay $0x1  }
0x185: {  	v4 =	vsub.f32 $0.0e+00, v4;
	_ =	sdelay $0x1  }
0x186: {  	v4 =	vmul.f32 $1.442695020e+00, v4;
	_ =	sdelay $0x1  }
0x187: {  	(erf) = vpow2.f32 v4;
	_ =	sdelay $0x8  }
0x188: {  	v4 =	vpop (erf)  }
0x189: {  	v4 =	vadd.f32 $1.000000000e+00, v4;
	_ =	sdelay $0x1  }
0x18a: {  	(erf) = vrcp.f32 v4;
	_ =	sdelay $0x1  }
0x18b: {  	v59 =	vld [tilespmem:s28+$0x30];
	_ =	sdelay $0x4  }
0x18c: {  	v4 =	vshll.u32 v59, $0x2;
	_ =	sdelay $0x1  }
0x18d: {  	v60 =	vpop (erf)  }
0x18e: {  	[tilespmem:s29+$0x30] =	vst v60  }
0x18f: {  	[tilespmem:v3+s19+$0x0] =	vst.idx.add.f32.msk $0xffff, v1  }
0x190: {  	v6 =	vld.idx.msk [tilespmem:v4+s17+$0x0], $0xffff  }
0x191: {  	v2 =	vand.u32 $0x3F, v2;
	v3 =	vshll.u32 v3, $0x8  }
0x192: {  	v2 =	vor.u32 v2, v3  }
0x193: {  	v3 =	vor.u32 $0x1, v4;
	_ =	sdelay $0x1  }
0x194: {  	v6 =	vmul.f32 v60, v6;
	_ =	sdelay $0x1  }
0x195: {  	[tilespmem:v2+s20+$0x0] =	vst.idx.add.f32.msk $0xffff, v6  }
0x196: {  	v3 =	vld.idx.msk [tilespmem:v3+s17+$0x0], $0xffff;
	_ =	sdelay $0x1  }
0x197: {  	v61 =	vor.u32 $0x40, v2  }
0x198: {  	v62 =	vor.u32 $0x2, v4;
	_ =	sdelay $0x1  }
0x199: {  	v3 =	vmul.f32 v60, v3;
	_ =	sdelay $0x1  }
0x19a: {  	[tilespmem:v61+s20+$0x0] =	vst.idx.add.f32.msk $0xffff, v3  }
0x19b: {  	v3 =	vld.idx.msk [tilespmem:v62+s17+$0x0], $0xffff;
	_ =	sdelay $0x1  }
0x19c: {  	v63 =	vor.u32 $0x80, v2  }
0x19d: {  	v4 =	vor.u32 $0x3, v4;
	_ =	sdelay $0x1  }
0x19e: {  	v3 =	vmul.f32 v3, v60;
	_ =	sdelay $0x1  }
0x19f: {  	[tilespmem:v63+s20+$0x0] =	vst.idx.add.f32.msk $0xffff, v3  }
0x1a0: {  	v3 =	vld.idx.msk [tilespmem:v4+s17+$0x0], $0xffff  }
0x1a1: {  	s24 =	sadd.s32 $0x8, s24  }
0x1a2: {  	p0 =	slt.u32 s24, $0x78;
	v2 =	vor.u32 $0xC0, v2  }
.Ltmp1:
0x1a3: {  	_ = 	snop;
	(pc) =	sbr.rel @p0 .LBB2_4-.Ltmp1, $4  }
0x1a4: {  	_ = 	snop  }
0x1a5: {  	v3 =	vmul.f32 v3, v60  }
0x1a6: {  	s25 =	sadd.s32 $0x80, s25  }
0x1a7: {  	s26 =	sadd.s32 $0x80, s26;
	s28 =	sadd.s32 $0x80, s28;
	s29 =	sadd.s32 $0x80, s29;
	[tilespmem:v2+s20+$0x0] =	vst.idx.add.f32.msk $0xffff, v3  }
0x1a8: {  	[hbm4b:s9+s2] =	stream.linear.scatter [tilespmem:s20], [sflag:$0x2], $0x8000, $0x38;
	[tilespmem:$0xA200] =	vst v63  }
0x1a9: {  	_ =	swait.ge [sflag:s21], $0x8000  }
0x1aa: {  	[sflag:s21] =	ssyncset.done $0x0  }
0x1ab: {  	[sflag:s21] =	ssyncadd.s32 $0xFFFF8000  }
0x1ac: {  	[hbm4b:s10+s2] =	stream.linear.scatter [tilespmem:s22], [sflag:$0x2], $0x800, $0x38;
	[tilespmem:$0xA200] =	vst v63  }
0x1ad: {  	s23 =	sadd.s32 $0x1, s23;
	_ =	swait.ge [sflag:s21], $0x800  }
0x1ae: {  	p0 =	sne.s32 s23, s12;
	[sflag:s21] =	ssyncset.done $0x0  }
.Ltmp2:
0x1af: {  	[sflag:s21] =	ssyncadd.s32 $0xFFFFF800;
	(pc) =	sbr.rel @p0 .LBB2_1-.Ltmp2, $4  }
0x1b0: {  	[hbm4b:s11+s2] =	stream.linear.scatter [tilespmem:s19], [sflag:$0x2], $0x80, $0x38;
	[tilespmem:$0xA200] =	vst v63  }
0x1b1: {  	_ =	swait.ge [sflag:s21], $0x80  }
0x1b2: {  	[sflag:s21] =	ssyncset.done $0x0  }
0x1b3: {  	[sflag:s21] =	ssyncadd.s32 $0xFFFFFF80  }
0x1b4: {  	_ =	sfence.sel $0x180000  }
0x1b5: {  	[bflag:$0x0] =	sbarrier.arrive $0xFFFF  }
0x1b6: {  	p0 =	sne.s32 s0, $0x0;
	_ =	strace $0x90000047  }
0x1b7: {  	s0 =	sadd.s32 @!p0 $0x100000, s1;
	[bflag:$0x2] =	sbarrier.arrive $0xFFFF  }
0x1b8: {  	[sflag:s0] =	ssyncadd.tile.s32 @!p0 $0x1;
	_ =	shalt  }
.Lfunc_end2:
_tile_overlayer_lowered:
.L_overlay_start_2:
0x1b9: {  	(tag) =	ssettag $0x2  }
0x1ba: {  	s0 =	rddreg [dreg:$0x0];
	s2 =	stileid.u32  }
0x1bb: {  	s1 =	rddreg [dreg:$0x1];
	p0 =	sne.s32 s2, $0x0  }
0x1bc: {  	s3 =	rddreg [dreg:$0x2];
	[bflag:$0x3] =	sbarrier.arrive $0xFFFF;
	s2 =	simm.s32 @!p0 $0x1C02  }
0x1bd: {  	[timem:s3], [sflag:s2] =	dma.local @!p0 [hbm:s0], s1  }
0x1be: {  	s0 =	simm.s32 @!p0 $0x2  }
0x1bf: {  	_ =	swait.ge @!p0 [sflag:s0], s1  }
0x1c0: {  	s1 =	ssub.s32 @!p0 $0x0, s1;
	[sflag:s0] =	ssyncset.done @!p0 $0x0  }
0x1c1: {  	[sflag:s0] =	ssyncadd.s32 @!p0 s1  }
0x1c2: {  	[bflag:$0x3] =	sbarrier.arrive $0xFFFF  }
0x1c3: {  	_ =	shalt  }

</sc_bundles>
